<compile_context>
chip_gen: v7x
topology: tpu7x:2x2x1
jax: 0.10.2.dev20260603
libtpu: 0.0.44.dev20260713+nightly
codegen_flags: <defaults>
</compile_context>

<pallas_src>
import functools

import jax
import jax.numpy as jnp
from jax import lax
from jax.experimental import pallas as pl
from jax.experimental.pallas import tpu as pltpu
from jax.experimental.pallas import tpu_sc as plsc

N = 10000
E = 320000
IN_F = 128
OUT_F = 16

NC = 2
NS = 16
NW = NC * NS
L = 16

N_PAD = 10240
ROWS_SC_TILE = N_PAD // NS
ROWS_W_TILE = N_PAD // NW
FLAT = N_PAD * OUT_F
FLAT_TILE = FLAT // NW

CPT = 80
N_CHUNKS = NW * CPT
E_PAD = N_CHUNKS * 128

_mesh = plsc.VectorSubcoreMesh(core_axis_name="c", subcore_axis_name="s")
_sc_params = pltpu.CompilerParams(use_tc_tiling_on_sc=False)
f32 = jnp.float32
i32 = jnp.int32


def _wid():
    return lax.axis_index("s") * NC + lax.axis_index("c")




NBUF = 8
DLAG = 2


def _gather_ring(y_hbm, srcv, rowsv, gsems, ssems, fire, drain):

    def _buf(b):
        return rowsv.at[pl.ds(b * 128, 128)]

    def _gstart(j, b):
        return pltpu.async_copy(y_hbm.at[srcv.at[j]], _buf(b), gsems.at[b])

    for b in range(NBUF):
        _gstart(b, b)

    def outer(q, c):
        for b in range(NBUF):
            j = q * NBUF + b
            pltpu.make_async_copy(y_hbm.at[srcv.at[j]], _buf(b), gsems.at[b]).wait()
            fire(j, _buf(b), ssems.at[b])
            jd = j - DLAG
            bd = (b - DLAG) % NBUF

            @pl.when(jnp.logical_and(jd >= 0, jd + NBUF < CPT))
            def _():
                drain(jd, _buf(bd), ssems.at[bd])
                _gstart(jd + NBUF, bd)
        return c

    lax.fori_loop(0, CPT // NBUF, outer, 0)
    for b in range(NBUF):
        drain(CPT - NBUF + b, _buf(b), ssems.at[b])


def _round_body_deg(y_hbm, ed_hbm, ones_hbm, zeros_hbm,
                    p_hbm, da_hbm, db_hbm,
                    srcv, dstv, onesv, rowsv, stagev, accum, dega, degb,
                    gsems, ssems):
    cid = lax.axis_index("c")
    sid = lax.axis_index("s")
    wid = sid * NC + cid
    r0 = sid * ROWS_SC_TILE
    pltpu.sync_copy(zeros_hbm, stagev)
    pltpu.sync_copy(stagev, accum.at[pl.ds(r0, ROWS_SC_TILE)])
    pltpu.sync_copy(stagev, dega.at[pl.ds(r0, ROWS_SC_TILE)])
    pltpu.sync_copy(stagev, degb.at[pl.ds(r0, ROWS_SC_TILE)])
    pltpu.sync_copy(ones_hbm, onesv)
    c0 = wid * CPT
    pltpu.sync_copy(ed_hbm.at[0].at[pl.ds(c0, CPT)], srcv)
    pltpu.sync_copy(ed_hbm.at[1].at[pl.ds(c0, CPT)], dstv)
    plsc.subcore_barrier()

    def fire(j, rows, ssem):
        pltpu.async_copy(rows, accum.at[dstv.at[j]], ssem, add=True)
        pltpu.async_copy(onesv, dega.at[srcv.at[j]], ssem, add=True)
        pltpu.async_copy(onesv, degb.at[dstv.at[j]], ssem, add=True)

    def drain(j, rows, ssem):
        pltpu.make_async_copy(rows, accum.at[dstv.at[j]], ssem).wait()
        pltpu.make_async_copy(onesv, dega.at[srcv.at[j]], ssem).wait()
        pltpu.make_async_copy(onesv, degb.at[dstv.at[j]], ssem).wait()

    _gather_ring(y_hbm, srcv, rowsv, gsems, ssems, fire, drain)
    plsc.subcore_barrier()
    pltpu.sync_copy(accum.at[pl.ds(r0, ROWS_SC_TILE)], stagev)
    pltpu.sync_copy(stagev, p_hbm.at[cid].at[pl.ds(r0, ROWS_SC_TILE)])
    pltpu.sync_copy(dega.at[pl.ds(r0, ROWS_SC_TILE)], stagev)
    pltpu.sync_copy(stagev, da_hbm.at[cid].at[pl.ds(r0, ROWS_SC_TILE)])
    pltpu.sync_copy(degb.at[pl.ds(r0, ROWS_SC_TILE)], stagev)
    pltpu.sync_copy(stagev, db_hbm.at[cid].at[pl.ds(r0, ROWS_SC_TILE)])


def _round_body(y_hbm, ed_hbm, zeros_hbm, p_hbm,
                srcv, dstv, rowsv, stagev, accum, gsems, ssems):
    cid = lax.axis_index("c")
    sid = lax.axis_index("s")
    wid = sid * NC + cid
    r0 = sid * ROWS_SC_TILE
    pltpu.sync_copy(zeros_hbm, stagev)
    pltpu.sync_copy(stagev, accum.at[pl.ds(r0, ROWS_SC_TILE)])
    c0 = wid * CPT
    pltpu.sync_copy(ed_hbm.at[0].at[pl.ds(c0, CPT)], srcv)
    pltpu.sync_copy(ed_hbm.at[1].at[pl.ds(c0, CPT)], dstv)
    plsc.subcore_barrier()

    def fire(j, rows, ssem):
        pltpu.async_copy(rows, accum.at[dstv.at[j]], ssem, add=True)

    def drain(j, rows, ssem):
        pltpu.make_async_copy(rows, accum.at[dstv.at[j]], ssem).wait()

    _gather_ring(y_hbm, srcv, rowsv, gsems, ssems, fire, drain)
    plsc.subcore_barrier()
    pltpu.sync_copy(accum.at[pl.ds(r0, ROWS_SC_TILE)], stagev)
    pltpu.sync_copy(stagev, p_hbm.at[cid].at[pl.ds(r0, ROWS_SC_TILE)])


def _round_deg(y_p, ed, ones_in, zeros_in):
    kern = pl.kernel(
        _round_body_deg,
        out_type=[jax.ShapeDtypeStruct((NC, N_PAD, OUT_F), f32)] * 3,
        mesh=_mesh,
        compiler_params=_sc_params,
        scratch_types=[
            pltpu.VMEM((CPT, 128), i32),
            pltpu.VMEM((CPT, 128), i32),
            pltpu.VMEM((128, OUT_F), f32),
            pltpu.VMEM((NBUF * 128, OUT_F), f32),
            pltpu.VMEM((ROWS_SC_TILE, OUT_F), f32),
            pltpu.VMEM_SHARED((N_PAD, OUT_F), f32),
            pltpu.VMEM_SHARED((N_PAD, OUT_F), f32),
            pltpu.VMEM_SHARED((N_PAD, OUT_F), f32),
            pltpu.SemaphoreType.DMA((NBUF,)),
            pltpu.SemaphoreType.DMA((NBUF,)),
        ],
    )
    return kern(y_p, ed, ones_in, zeros_in)


def _round(t_in, ed, zeros_in):
    kern = pl.kernel(
        _round_body,
        out_type=jax.ShapeDtypeStruct((NC, N_PAD, OUT_F), f32),
        mesh=_mesh,
        compiler_params=_sc_params,
        scratch_types=[
            pltpu.VMEM((CPT, 128), i32),
            pltpu.VMEM((CPT, 128), i32),
            pltpu.VMEM((NBUF * 128, OUT_F), f32),
            pltpu.VMEM((ROWS_SC_TILE, OUT_F), f32),
            pltpu.VMEM_SHARED((N_PAD, OUT_F), f32),
            pltpu.SemaphoreType.DMA((NBUF,)),
            pltpu.SemaphoreType.DMA((NBUF,)),
        ],
    )
    return kern(t_in, ed, zeros_in)



TCR = FLAT // 128


def _tc_combine_norm_body(p_ref, da_ref, db_ref, t1_ref, on_ref, in_ref):
    t1_ref[...] = p_ref[0] + p_ref[1]
    on_ref[...] = lax.rsqrt(jnp.maximum(da_ref[0] + da_ref[1], 1.0))
    in_ref[...] = lax.rsqrt(jnp.maximum(db_ref[0] + db_ref[1], 1.0))


def _combine_norm(p1, dA, dB):
    return pl.pallas_call(
        _tc_combine_norm_body,
        out_shape=[jax.ShapeDtypeStruct((TCR, 128), f32)] * 3,
    )(p1, dA, dB)


def _tc_combine_scale_body(p_ref, n_ref, o_ref):
    o_ref[...] = (p_ref[0] + p_ref[1]) * n_ref[...]


def _combine_scale(p2, onorm):
    return pl.pallas_call(
        _tc_combine_scale_body,
        out_shape=jax.ShapeDtypeStruct((TCR, 128), f32),
    )(p2, onorm)


def _tc_combine_scale_bias_body(p_ref, n_ref, b_ref, o_ref):
    o_ref[...] = (p_ref[0] + p_ref[1]) * n_ref[...] + b_ref[...]


def _combine_scale_bias(p3, inorm, b_tile):
    return pl.pallas_call(
        _tc_combine_scale_bias_body,
        out_shape=jax.ShapeDtypeStruct((TCR, 128), f32),
    )(p3, inorm, b_tile)




def _mm_body(x_ref, w_ref, o_ref):
    o_ref[...] = jnp.dot(x_ref[...], w_ref[...], preferred_element_type=f32)


def _matmul(x, W):
    return pl.pallas_call(
        _mm_body,
        grid=(N_PAD // 1280,),
        in_specs=[
            pl.BlockSpec((1280, IN_F), lambda i: (i, 0)),
            pl.BlockSpec((IN_F, OUT_F), lambda i: (0, 0)),
        ],
        out_specs=pl.BlockSpec((1280, OUT_F), lambda i: (i, 0)),
        out_shape=jax.ShapeDtypeStruct((N_PAD, OUT_F), f32),
    )(x, W)




def kernel(x, edge_index, W, b):
    pad = N + (jnp.arange(E_PAD - E, dtype=i32) % (N_PAD - N))
    ed = jnp.concatenate(
        [edge_index.astype(i32), jnp.broadcast_to(pad, (2, E_PAD - E))], axis=1
    ).reshape(2, N_CHUNKS, 128)

    y_p = _matmul(x, W)

    ones_in = jnp.ones((128, OUT_F), f32)
    zeros_in = jnp.zeros((ROWS_SC_TILE, OUT_F), f32)
    b_tile = jnp.tile(b, 128 // OUT_F)

    p1, dA, dB = _round_deg(y_p, ed, ones_in, zeros_in)
    t1, onorm, inorm = _combine_norm(
        p1.reshape(NC, TCR, 128), dA.reshape(NC, TCR, 128), dB.reshape(NC, TCR, 128))

    p2 = _round(t1.reshape(N_PAD, OUT_F), ed, zeros_in)
    t2 = _combine_scale(p2.reshape(NC, TCR, 128), onorm)

    p3 = _round(t2.reshape(N_PAD, OUT_F), ed, zeros_in)
    rst = _combine_scale_bias(p3.reshape(NC, TCR, 128), inorm, b_tile)

    return rst.reshape(N_PAD, OUT_F)[:N]

# --- scband reference (transcript-rebuilt; emitter-appended) ---
"""Pipeline reference for scband-sgc-24919400252015 (READ-ONLY COPY).

The authoritative reference and input builder live on the scoring server;
editing this copy changes nothing except your own understanding.
"""

import jax, jax.numpy as jnp
import numpy as np

N_NODES = 10000
N_EDGES = 320000
IN_FEATS = 128
OUT_FEATS = 16
K = 2

def setup_inputs(seed: int = 0) -> dict:
    key = jax.random.key(seed)
    k1, k2, k3, k4 = jax.random.split(key, 4)
    x = jax.random.normal(k1, (N_NODES, IN_FEATS), dtype=jnp.float32)
    edge_index = jax.random.randint(k2, (2, N_EDGES), 0, N_NODES, dtype=jnp.int64)
    # GraphConv parameters (glorot-style init)
    scale = 1.0 / np.sqrt(IN_FEATS)
    W = jax.random.uniform(k3, (IN_FEATS, OUT_FEATS), dtype=jnp.float32, minval=-scale, maxval=scale)
    b = jnp.zeros((OUT_FEATS,), dtype=jnp.float32)
    return {"x": x, "edge_index": edge_index, "W": W, "b": b}

def reference(x, edge_index, W, b):
    src = edge_index[0]
    dst = edge_index[1]
    n = x.shape[0]
    # k rounds of copy_u + sum aggregation (SGC propagation)
    h = x
    for _ in range(K):
        h = jax.ops.segment_sum(h[src], dst, num_segments=n)
    # GraphConv with norm='both', allow_zero_in_degree=True
    ones = jnp.ones((src.shape[0],), dtype=jnp.float32)
    out_deg = jnp.zeros((n,), dtype=jnp.float32).at[src].add(ones)
    in_deg = jnp.zeros((n,), dtype=jnp.float32).at[dst].add(ones)
    out_norm = jnp.power(jnp.maximum(out_deg, 1.0), -0.5)
    in_norm = jnp.power(jnp.maximum(in_deg, 1.0), -0.5)
    h = h * out_norm[:, None]
    # in_feats > out_feats: apply weight before aggregation (DGL optimization; same math)
    h = h @ W
    rst = jax.ops.segment_sum(h[src], dst, num_segments=n)
    rst = rst * in_norm[:, None]
    rst = rst + b
    return rst

if __name__ == "__main__":
    import jax
    _d = setup_inputs()
    print(jax.jit(kernel)(*tuple(_d.values())))

</pallas_src>

<mosaic_0001>
#map = affine_map<(d0, d1) -> (0, 0)>
#map1 = affine_map<(d0, d1) -> (0, 0, 0)>
module attributes {stable_mosaic.version = 14 : i64} {
  func.func @_round_body_deg(%arg0: i32, %arg1: i32, %arg2: memref<10240x16xf32, #tpu.memory_space<hbm>>, %arg3: memref<2x2560x128xi32, #tpu.memory_space<hbm>>, %arg4: memref<128x16xf32, #tpu.memory_space<hbm>>, %arg5: memref<640x16xf32, #tpu.memory_space<hbm>>, %arg6: memref<2x10240x16xf32, #tpu.memory_space<hbm>>, %arg7: memref<2x10240x16xf32, #tpu.memory_space<hbm>>, %arg8: memref<2x10240x16xf32, #tpu.memory_space<hbm>>, %arg9: memref<80x128xi32, #tpu.memory_space<vmem>>, %arg10: memref<80x128xi32, #tpu.memory_space<vmem>>, %arg11: memref<128x16xf32, #tpu.memory_space<vmem>>, %arg12: memref<1024x16xf32, #tpu.memory_space<vmem>>, %arg13: memref<640x16xf32, #tpu.memory_space<vmem>>, %arg14: memref<10240x16xf32, #tpu.memory_space<vmem_shared>>, %arg15: memref<10240x16xf32, #tpu.memory_space<vmem_shared>>, %arg16: memref<10240x16xf32, #tpu.memory_space<vmem_shared>>, %arg17: memref<8x!tpu.dma_semaphore, #tpu.memory_space<semaphore_mem>>, %arg18: memref<8x!tpu.dma_semaphore, #tpu.memory_space<semaphore_mem>>) attributes {dimension_semantics = [#tpu.dimension_semantics<core_parallel>, #tpu.dimension_semantics<subcore_parallel>], iteration_bounds = array<i64: 2, 16>, scalar_prefetch = 0 : i64, scratch_operands = 10 : i64, tpu.core_type = #tpu.core_type<sc_vector_subcore>, window_params = [{transform_indices = #map}, {transform_indices = #map1}, {transform_indices = #map}, {transform_indices = #map}, {transform_indices = #map1}, {transform_indices = #map1}, {transform_indices = #map1}]} {
    %mul3A = arith.constant 2 : i32
    %mul3A_0 = arith.muli %arg1, %mul3A : i32
    %add3A = arith.addi %mul3A_0, %arg0 : i32
    %mul3A_1 = arith.constant 640 : i32
    %mul3A_2 = arith.muli %arg1, %mul3A_1 : i32
    "tpu.region"() ({
      %run_scoped3A_378 = tpu.sem_alloc : memref<!tpu.dma_semaphore, #tpu.memory_space<semaphore_mem>>
      tpu.enqueue_dma source(%arg5 : memref<640x16xf32, #tpu.memory_space<hbm>>) target(%arg13 : memref<640x16xf32, #tpu.memory_space<vmem>>) target_semaphore(%run_scoped3A_378 : memref<!tpu.dma_semaphore, #tpu.memory_space<semaphore_mem>>)
      tpu.wait_dma2 semaphore(%run_scoped3A_378 : memref<!tpu.dma_semaphore, #tpu.memory_space<semaphore_mem>>) src(%arg5 : memref<640x16xf32, #tpu.memory_space<hbm>>) dst(%arg13 : memref<640x16xf32, #tpu.memory_space<vmem>>)
      tpu.yield
    }) : () -> ()
    "tpu.region"() ({
      %run_scoped3A_378 = tpu.sem_alloc : memref<!tpu.dma_semaphore, #tpu.memory_space<semaphore_mem>>
      %dma_start3A_379 = arith.constant 0 : i32
      %dma_start3A_380 = tpu.memref_slice %arg14[%mul3A_2, %dma_start3A_379] : memref<10240x16xf32, #tpu.memory_space<vmem_shared>> -> memref<640x16xf32, #tpu.memory_space<vmem_shared>>
      %dma_start3A_381 = arith.constant 0 : i32
      %dma_start3A_382 = tpu.memref_slice %arg14[%mul3A_2, %dma_start3A_381] : memref<10240x16xf32, #tpu.memory_space<vmem_shared>> -> memref<640x16xf32, #tpu.memory_space<vmem_shared>>
      tpu.enqueue_dma source(%arg13 : memref<640x16xf32, #tpu.memory_space<vmem>>) target(%dma_start3A_382 : memref<640x16xf32, #tpu.memory_space<vmem_shared>>) target_semaphore(%run_scoped3A_378 : memref<!tpu.dma_semaphore, #tpu.memory_space<semaphore_mem>>)
      %dma_wait3A_383 = arith.constant 0 : i32
      %dma_wait3A_384 = tpu.memref_slice %arg14[%mul3A_2, %dma_wait3A_383] : memref<10240x16xf32, #tpu.memory_space<vmem_shared>> -> memref<640x16xf32, #tpu.memory_space<vmem_shared>>
      %dma_wait3A_385 = arith.constant 0 : i32
      %dma_wait3A_386 = tpu.memref_slice %arg14[%mul3A_2, %dma_wait3A_385] : memref<10240x16xf32, #tpu.memory_space<vmem_shared>> -> memref<640x16xf32, #tpu.memory_space<vmem_shared>>
      tpu.wait_dma2 semaphore(%run_scoped3A_378 : memref<!tpu.dma_semaphore, #tpu.memory_space<semaphore_mem>>) src(%arg13 : memref<640x16xf32, #tpu.memory_space<vmem>>) dst(%dma_wait3A_386 : memref<640x16xf32, #tpu.memory_space<vmem_shared>>)
      tpu.yield
    }) : () -> ()
    "tpu.region"() ({
      %run_scoped3A_378 = tpu.sem_alloc : memref<!tpu.dma_semaphore, #tpu.memory_space<semaphore_mem>>
      %dma_start3A_379 = arith.constant 0 : i32
      %dma_start3A_380 = tpu.memref_slice %arg15[%mul3A_2, %dma_start3A_379] : memref<10240x16xf32, #tpu.memory_space<vmem_shared>> -> memref<640x16xf32, #tpu.memory_space<vmem_shared>>
      %dma_start3A_381 = arith.constant 0 : i32
      %dma_start3A_382 = tpu.memref_slice %arg15[%mul3A_2, %dma_start3A_381] : memref<10240x16xf32, #tpu.memory_space<vmem_shared>> -> memref<640x16xf32, #tpu.memory_space<vmem_shared>>
      tpu.enqueue_dma source(%arg13 : memref<640x16xf32, #tpu.memory_space<vmem>>) target(%dma_start3A_382 : memref<640x16xf32, #tpu.memory_space<vmem_shared>>) target_semaphore(%run_scoped3A_378 : memref<!tpu.dma_semaphore, #tpu.memory_space<semaphore_mem>>)
      %dma_wait3A_383 = arith.constant 0 : i32
      %dma_wait3A_384 = tpu.memref_slice %arg15[%mul3A_2, %dma_wait3A_383] : memref<10240x16xf32, #tpu.memory_space<vmem_shared>> -> memref<640x16xf32, #tpu.memory_space<vmem_shared>>
      %dma_wait3A_385 = arith.constant 0 : i32
      %dma_wait3A_386 = tpu.memref_slice %arg15[%mul3A_2, %dma_wait3A_385] : memref<10240x16xf32, #tpu.memory_space<vmem_shared>> -> memref<640x16xf32, #tpu.memory_space<vmem_shared>>
      tpu.wait_dma2 semaphore(%run_scoped3A_378 : memref<!tpu.dma_semaphore, #tpu.memory_space<semaphore_mem>>) src(%arg13 : memref<640x16xf32, #tpu.memory_space<vmem>>) dst(%dma_wait3A_386 : memref<640x16xf32, #tpu.memory_space<vmem_shared>>)
      tpu.yield
    }) : () -> ()
    "tpu.region"() ({
      %run_scoped3A_378 = tpu.sem_alloc : memref<!tpu.dma_semaphore, #tpu.memory_space<semaphore_mem>>
      %dma_start3A_379 = arith.constant 0 : i32
      %dma_start3A_380 = tpu.memref_slice %arg16[%mul3A_2, %dma_start3A_379] : memref<10240x16xf32, #tpu.memory_space<vmem_shared>> -> memref<640x16xf32, #tpu.memory_space<vmem_shared>>
      %dma_start3A_381 = arith.constant 0 : i32
      %dma_start3A_382 = tpu.memref_slice %arg16[%mul3A_2, %dma_start3A_381] : memref<10240x16xf32, #tpu.memory_space<vmem_shared>> -> memref<640x16xf32, #tpu.memory_space<vmem_shared>>
      tpu.enqueue_dma source(%arg13 : memref<640x16xf32, #tpu.memory_space<vmem>>) target(%dma_start3A_382 : memref<640x16xf32, #tpu.memory_space<vmem_shared>>) target_semaphore(%run_scoped3A_378 : memref<!tpu.dma_semaphore, #tpu.memory_space<semaphore_mem>>)
      %dma_wait3A_383 = arith.constant 0 : i32
      %dma_wait3A_384 = tpu.memref_slice %arg16[%mul3A_2, %dma_wait3A_383] : memref<10240x16xf32, #tpu.memory_space<vmem_shared>> -> memref<640x16xf32, #tpu.memory_space<vmem_shared>>
      %dma_wait3A_385 = arith.constant 0 : i32
      %dma_wait3A_386 = tpu.memref_slice %arg16[%mul3A_2, %dma_wait3A_385] : memref<10240x16xf32, #tpu.memory_space<vmem_shared>> -> memref<640x16xf32, #tpu.memory_space<vmem_shared>>
      tpu.wait_dma2 semaphore(%run_scoped3A_378 : memref<!tpu.dma_semaphore, #tpu.memory_space<semaphore_mem>>) src(%arg13 : memref<640x16xf32, #tpu.memory_space<vmem>>) dst(%dma_wait3A_386 : memref<640x16xf32, #tpu.memory_space<vmem_shared>>)
      tpu.yield
    }) : () -> ()
    "tpu.region"() ({
      %run_scoped3A_378 = tpu.sem_alloc : memref<!tpu.dma_semaphore, #tpu.memory_space<semaphore_mem>>
      tpu.enqueue_dma source(%arg4 : memref<128x16xf32, #tpu.memory_space<hbm>>) target(%arg11 : memref<128x16xf32, #tpu.memory_space<vmem>>) target_semaphore(%run_scoped3A_378 : memref<!tpu.dma_semaphore, #tpu.memory_space<semaphore_mem>>)
      tpu.wait_dma2 semaphore(%run_scoped3A_378 : memref<!tpu.dma_semaphore, #tpu.memory_space<semaphore_mem>>) src(%arg4 : memref<128x16xf32, #tpu.memory_space<hbm>>) dst(%arg11 : memref<128x16xf32, #tpu.memory_space<vmem>>)
      tpu.yield
    }) : () -> ()
    %mul3A_3 = arith.constant 80 : i32
    %mul3A_4 = arith.muli %add3A, %mul3A_3 : i32
    %run_scoped3A = arith.constant 0 : i32
    "tpu.region"() ({
      %run_scoped3A_378 = tpu.sem_alloc : memref<!tpu.dma_semaphore, #tpu.memory_space<semaphore_mem>>
      %dma_start3A_379 = arith.constant 0 : i32
      %dma_start3A_380 = arith.constant 0 : i32
      %dma_start3A_381 = tpu.memref_slice %arg3[%run_scoped3A, %dma_start3A_379, %dma_start3A_380] : memref<2x2560x128xi32, #tpu.memory_space<hbm>> -> memref<1x2560x128xi32, #tpu.memory_space<hbm>>
      %dma_start3A_382 = tpu.memref_squeeze %dma_start3A_381 : memref<1x2560x128xi32, #tpu.memory_space<hbm>> -> memref<2560x128xi32, #tpu.memory_space<hbm>>
      %dma_start3A_383 = arith.constant 0 : i32
      %dma_start3A_384 = tpu.memref_slice %dma_start3A_382[%mul3A_4, %dma_start3A_383] : memref<2560x128xi32, #tpu.memory_space<hbm>> -> memref<80x128xi32, #tpu.memory_space<hbm>>
      %dma_start3A_385 = arith.constant 0 : i32
      %dma_start3A_386 = arith.constant 0 : i32
      %dma_start3A_387 = tpu.memref_slice %arg3[%run_scoped3A, %dma_start3A_385, %dma_start3A_386] : memref<2x2560x128xi32, #tpu.memory_space<hbm>> -> memref<1x2560x128xi32, #tpu.memory_space<hbm>>
      %dma_start3A_388 = tpu.memref_squeeze %dma_start3A_387 : memref<1x2560x128xi32, #tpu.memory_space<hbm>> -> memref<2560x128xi32, #tpu.memory_space<hbm>>
      %dma_start3A_389 = arith.constant 0 : i32
      %dma_start3A_390 = tpu.memref_slice %dma_start3A_388[%mul3A_4, %dma_start3A_389] : memref<2560x128xi32, #tpu.memory_space<hbm>> -> memref<80x128xi32, #tpu.memory_space<hbm>>
      tpu.enqueue_dma source(%dma_start3A_390 : memref<80x128xi32, #tpu.memory_space<hbm>>) target(%arg9 : memref<80x128xi32, #tpu.memory_space<vmem>>) target_semaphore(%run_scoped3A_378 : memref<!tpu.dma_semaphore, #tpu.memory_space<semaphore_mem>>)
      %dma_wait3A_391 = arith.constant 0 : i32
      %dma_wait3A_392 = arith.constant 0 : i32
      %dma_wait3A_393 = tpu.memref_slice %arg3[%run_scoped3A, %dma_wait3A_391, %dma_wait3A_392] : memref<2x2560x128xi32, #tpu.memory_space<hbm>> -> memref<1x2560x128xi32, #tpu.memory_space<hbm>>
      %dma_wait3A_394 = tpu.memref_squeeze %dma_wait3A_393 : memref<1x2560x128xi32, #tpu.memory_space<hbm>> -> memref<2560x128xi32, #tpu.memory_space<hbm>>
      %dma_wait3A_395 = arith.constant 0 : i32
      %dma_wait3A_396 = tpu.memref_slice %dma_wait3A_394[%mul3A_4, %dma_wait3A_395] : memref<2560x128xi32, #tpu.memory_space<hbm>> -> memref<80x128xi32, #tpu.memory_space<hbm>>
      %dma_wait3A_397 = arith.constant 0 : i32
      %dma_wait3A_398 = arith.constant 0 : i32
      %dma_wait3A_399 = tpu.memref_slice %arg3[%run_scoped3A, %dma_wait3A_397, %dma_wait3A_398] : memref<2x2560x128xi32, #tpu.memory_space<hbm>> -> memref<1x2560x128xi32, #tpu.memory_space<hbm>>
      %dma_wait3A_400 = tpu.memref_squeeze %dma_wait3A_399 : memref<1x2560x128xi32, #tpu.memory_space<hbm>> -> memref<2560x128xi32, #tpu.memory_space<hbm>>
      %dma_wait3A_401 = arith.constant 0 : i32
      %dma_wait3A_402 = tpu.memref_slice %dma_wait3A_400[%mul3A_4, %dma_wait3A_401] : memref<2560x128xi32, #tpu.memory_space<hbm>> -> memref<80x128xi32, #tpu.memory_space<hbm>>
      tpu.wait_dma2 semaphore(%run_scoped3A_378 : memref<!tpu.dma_semaphore, #tpu.memory_space<semaphore_mem>>) src(%dma_wait3A_402 : memref<80x128xi32, #tpu.memory_space<hbm>>) dst(%arg9 : memref<80x128xi32, #tpu.memory_space<vmem>>)
      tpu.yield
    }) : () -> ()
    %run_scoped3A_5 = arith.constant 1 : i32
    "tpu.region"() ({
      %run_scoped3A_378 = tpu.sem_alloc : memref<!tpu.dma_semaphore, #tpu.memory_space<semaphore_mem>>
      %dma_start3A_379 = arith.constant 0 : i32
      %dma_start3A_380 = arith.constant 0 : i32
      %dma_start3A_381 = tpu.memref_slice %arg3[%run_scoped3A_5, %dma_start3A_379, %dma_start3A_380] : memref<2x2560x128xi32, #tpu.memory_space<hbm>> -> memref<1x2560x128xi32, #tpu.memory_space<hbm>>
      %dma_start3A_382 = tpu.memref_squeeze %dma_start3A_381 : memref<1x2560x128xi32, #tpu.memory_space<hbm>> -> memref<2560x128xi32, #tpu.memory_space<hbm>>
      %dma_start3A_383 = arith.constant 0 : i32
      %dma_start3A_384 = tpu.memref_slice %dma_start3A_382[%mul3A_4, %dma_start3A_383] : memref<2560x128xi32, #tpu.memory_space<hbm>> -> memref<80x128xi32, #tpu.memory_space<hbm>>
      %dma_start3A_385 = arith.constant 0 : i32
      %dma_start3A_386 = arith.constant 0 : i32
      %dma_start3A_387 = tpu.memref_slice %arg3[%run_scoped3A_5, %dma_start3A_385, %dma_start3A_386] : memref<2x2560x128xi32, #tpu.memory_space<hbm>> -> memref<1x2560x128xi32, #tpu.memory_space<hbm>>
      %dma_start3A_388 = tpu.memref_squeeze %dma_start3A_387 : memref<1x2560x128xi32, #tpu.memory_space<hbm>> -> memref<2560x128xi32, #tpu.memory_space<hbm>>
      %dma_start3A_389 = arith.constant 0 : i32
      %dma_start3A_390 = tpu.memref_slice %dma_start3A_388[%mul3A_4, %dma_start3A_389] : memref<2560x128xi32, #tpu.memory_space<hbm>> -> memref<80x128xi32, #tpu.memory_space<hbm>>
      tpu.enqueue_dma source(%dma_start3A_390 : memref<80x128xi32, #tpu.memory_space<hbm>>) target(%arg10 : memref<80x128xi32, #tpu.memory_space<vmem>>) target_semaphore(%run_scoped3A_378 : memref<!tpu.dma_semaphore, #tpu.memory_space<semaphore_mem>>)
      %dma_wait3A_391 = arith.constant 0 : i32
      %dma_wait3A_392 = arith.constant 0 : i32
      %dma_wait3A_393 = tpu.memref_slice %arg3[%run_scoped3A_5, %dma_wait3A_391, %dma_wait3A_392] : memref<2x2560x128xi32, #tpu.memory_space<hbm>> -> memref<1x2560x128xi32, #tpu.memory_space<hbm>>
      %dma_wait3A_394 = tpu.memref_squeeze %dma_wait3A_393 : memref<1x2560x128xi32, #tpu.memory_space<hbm>> -> memref<2560x128xi32, #tpu.memory_space<hbm>>
      %dma_wait3A_395 = arith.constant 0 : i32
      %dma_wait3A_396 = tpu.memref_slice %dma_wait3A_394[%mul3A_4, %dma_wait3A_395] : memref<2560x128xi32, #tpu.memory_space<hbm>> -> memref<80x128xi32, #tpu.memory_space<hbm>>
      %dma_wait3A_397 = arith.constant 0 : i32
      %dma_wait3A_398 = arith.constant 0 : i32
      %dma_wait3A_399 = tpu.memref_slice %arg3[%run_scoped3A_5, %dma_wait3A_397, %dma_wait3A_398] : memref<2x2560x128xi32, #tpu.memory_space<hbm>> -> memref<1x2560x128xi32, #tpu.memory_space<hbm>>
      %dma_wait3A_400 = tpu.memref_squeeze %dma_wait3A_399 : memref<1x2560x128xi32, #tpu.memory_space<hbm>> -> memref<2560x128xi32, #tpu.memory_space<hbm>>
      %dma_wait3A_401 = arith.constant 0 : i32
      %dma_wait3A_402 = tpu.memref_slice %dma_wait3A_400[%mul3A_4, %dma_wait3A_401] : memref<2560x128xi32, #tpu.memory_space<hbm>> -> memref<80x128xi32, #tpu.memory_space<hbm>>
      tpu.wait_dma2 semaphore(%run_scoped3A_378 : memref<!tpu.dma_semaphore, #tpu.memory_space<semaphore_mem>>) src(%dma_wait3A_402 : memref<80x128xi32, #tpu.memory_space<hbm>>) dst(%arg10 : memref<80x128xi32, #tpu.memory_space<vmem>>)
      tpu.yield
    }) : () -> ()
    %barrier3A = arith.constant 0 : index
    tpu.barrier barrier_id(%barrier3A)
    %dma_start3A = arith.constant 0 : i32
    %dma_start3A_6 = arith.constant 0 : i32
    %dma_start3A_7 = arith.constant 0 : i32
    %dma_start3A_8 = arith.constant 0 : i32
    %dma_start3A_9 = tpu.memref_slice %arg12[%dma_start3A_7, %dma_start3A_8] : memref<1024x16xf32, #tpu.memory_space<vmem>> -> memref<128x16xf32, #tpu.memory_space<vmem>>
    %dma_start3A_10 = arith.constant 0 : i32
    %dma_start3A_11 = tpu.memref_slice %arg9[%dma_start3A, %dma_start3A_10] : memref<80x128xi32, #tpu.memory_space<vmem>> -> memref<1x128xi32, #tpu.memory_space<vmem>>
    %dma_start3A_12 = tpu.memref_squeeze %dma_start3A_11 : memref<1x128xi32, #tpu.memory_space<vmem>> -> memref<128xi32, #tpu.memory_space<vmem>>
    %dma_start3A_13 = arith.constant 0 : i32
    %dma_start3A_14 = arith.constant 0 : i32
    %dma_start3A_15 = tpu.memref_slice %arg2[%dma_start3A_13, %dma_start3A_14] : memref<10240x16xf32, #tpu.memory_space<hbm>> -> memref<10240x16xf32, #tpu.memory_space<hbm>>
    %dma_start3A_16 = tpu.memref_slice %arg17[%dma_start3A_6] : memref<8x!tpu.dma_semaphore, #tpu.memory_space<semaphore_mem>> -> memref<1x!tpu.dma_semaphore, #tpu.memory_space<semaphore_mem>>
    %dma_start3A_17 = tpu.memref_squeeze %dma_start3A_16 : memref<1x!tpu.dma_semaphore, #tpu.memory_space<semaphore_mem>> -> memref<!tpu.dma_semaphore, #tpu.memory_space<semaphore_mem>>
    tpu.enqueue_indirect_dma source(%dma_start3A_15 : memref<10240x16xf32, #tpu.memory_space<hbm>>) target(%dma_start3A_9 : memref<128x16xf32, #tpu.memory_space<vmem>>) offsets(%dma_start3A_12 : memref<128xi32, #tpu.memory_space<vmem>>) semaphore(%dma_start3A_17 : memref<!tpu.dma_semaphore, #tpu.memory_space<semaphore_mem>>)
    %dma_start3A_18 = arith.constant 1 : i32
    %dma_start3A_19 = arith.constant 1 : i32
    %dma_start3A_20 = arith.constant 128 : i32
    %dma_start3A_21 = arith.constant 0 : i32
    %dma_start3A_22 = tpu.memref_slice %arg12[%dma_start3A_20, %dma_start3A_21] : memref<1024x16xf32, #tpu.memory_space<vmem>> -> memref<128x16xf32, #tpu.memory_space<vmem>>
    %dma_start3A_23 = arith.constant 0 : i32
    %dma_start3A_24 = tpu.memref_slice %arg9[%dma_start3A_18, %dma_start3A_23] : memref<80x128xi32, #tpu.memory_space<vmem>> -> memref<1x128xi32, #tpu.memory_space<vmem>>
    %dma_start3A_25 = tpu.memref_squeeze %dma_start3A_24 : memref<1x128xi32, #tpu.memory_space<vmem>> -> memref<128xi32, #tpu.memory_space<vmem>>
    %dma_start3A_26 = arith.constant 0 : i32
    %dma_start3A_27 = arith.constant 0 : i32
    %dma_start3A_28 = tpu.memref_slice %arg2[%dma_start3A_26, %dma_start3A_27] : memref<10240x16xf32, #tpu.memory_space<hbm>> -> memref<10240x16xf32, #tpu.memory_space<hbm>>
    %dma_start3A_29 = tpu.memref_slice %arg17[%dma_start3A_19] : memref<8x!tpu.dma_semaphore, #tpu.memory_space<semaphore_mem>> -> memref<1x!tpu.dma_semaphore, #tpu.memory_space<semaphore_mem>>
    %dma_start3A_30 = tpu.memref_squeeze %dma_start3A_29 : memref<1x!tpu.dma_semaphore, #tpu.memory_space<semaphore_mem>> -> memref<!tpu.dma_semaphore, #tpu.memory_space<semaphore_mem>>
    tpu.enqueue_indirect_dma source(%dma_start3A_28 : memref<10240x16xf32, #tpu.memory_space<hbm>>) target(%dma_start3A_22 : memref<128x16xf32, #tpu.memory_space<vmem>>) offsets(%dma_start3A_25 : memref<128xi32, #tpu.memory_space<vmem>>) semaphore(%dma_start3A_30 : memref<!tpu.dma_semaphore, #tpu.memory_space<semaphore_mem>>)
    %dma_start3A_31 = arith.constant 2 : i32
    %dma_start3A_32 = arith.constant 2 : i32
    %dma_start3A_33 = arith.constant 256 : i32
    %dma_start3A_34 = arith.constant 0 : i32
    %dma_start3A_35 = tpu.memref_slice %arg12[%dma_start3A_33, %dma_start3A_34] : memref<1024x16xf32, #tpu.memory_space<vmem>> -> memref<128x16xf32, #tpu.memory_space<vmem>>
    %dma_start3A_36 = arith.constant 0 : i32
    %dma_start3A_37 = tpu.memref_slice %arg9[%dma_start3A_31, %dma_start3A_36] : memref<80x128xi32, #tpu.memory_space<vmem>> -> memref<1x128xi32, #tpu.memory_space<vmem>>
    %dma_start3A_38 = tpu.memref_squeeze %dma_start3A_37 : memref<1x128xi32, #tpu.memory_space<vmem>> -> memref<128xi32, #tpu.memory_space<vmem>>
    %dma_start3A_39 = arith.constant 0 : i32
    %dma_start3A_40 = arith.constant 0 : i32
    %dma_start3A_41 = tpu.memref_slice %arg2[%dma_start3A_39, %dma_start3A_40] : memref<10240x16xf32, #tpu.memory_space<hbm>> -> memref<10240x16xf32, #tpu.memory_space<hbm>>
    %dma_start3A_42 = tpu.memref_slice %arg17[%dma_start3A_32] : memref<8x!tpu.dma_semaphore, #tpu.memory_space<semaphore_mem>> -> memref<1x!tpu.dma_semaphore, #tpu.memory_space<semaphore_mem>>
    %dma_start3A_43 = tpu.memref_squeeze %dma_start3A_42 : memref<1x!tpu.dma_semaphore, #tpu.memory_space<semaphore_mem>> -> memref<!tpu.dma_semaphore, #tpu.memory_space<semaphore_mem>>
    tpu.enqueue_indirect_dma source(%dma_start3A_41 : memref<10240x16xf32, #tpu.memory_space<hbm>>) target(%dma_start3A_35 : memref<128x16xf32, #tpu.memory_space<vmem>>) offsets(%dma_start3A_38 : memref<128xi32, #tpu.memory_space<vmem>>) semaphore(%dma_start3A_43 : memref<!tpu.dma_semaphore, #tpu.memory_space<semaphore_mem>>)
    %dma_start3A_44 = arith.constant 3 : i32
    %dma_start3A_45 = arith.constant 3 : i32
    %dma_start3A_46 = arith.constant 384 : i32
    %dma_start3A_47 = arith.constant 0 : i32
    %dma_start3A_48 = tpu.memref_slice %arg12[%dma_start3A_46, %dma_start3A_47] : memref<1024x16xf32, #tpu.memory_space<vmem>> -> memref<128x16xf32, #tpu.memory_space<vmem>>
    %dma_start3A_49 = arith.constant 0 : i32
    %dma_start3A_50 = tpu.memref_slice %arg9[%dma_start3A_44, %dma_start3A_49] : memref<80x128xi32, #tpu.memory_space<vmem>> -> memref<1x128xi32, #tpu.memory_space<vmem>>
    %dma_start3A_51 = tpu.memref_squeeze %dma_start3A_50 : memref<1x128xi32, #tpu.memory_space<vmem>> -> memref<128xi32, #tpu.memory_space<vmem>>
    %dma_start3A_52 = arith.constant 0 : i32
    %dma_start3A_53 = arith.constant 0 : i32
    %dma_start3A_54 = tpu.memref_slice %arg2[%dma_start3A_52, %dma_start3A_53] : memref<10240x16xf32, #tpu.memory_space<hbm>> -> memref<10240x16xf32, #tpu.memory_space<hbm>>
    %dma_start3A_55 = tpu.memref_slice %arg17[%dma_start3A_45] : memref<8x!tpu.dma_semaphore, #tpu.memory_space<semaphore_mem>> -> memref<1x!tpu.dma_semaphore, #tpu.memory_space<semaphore_mem>>
    %dma_start3A_56 = tpu.memref_squeeze %dma_start3A_55 : memref<1x!tpu.dma_semaphore, #tpu.memory_space<semaphore_mem>> -> memref<!tpu.dma_semaphore, #tpu.memory_space<semaphore_mem>>
    tpu.enqueue_indirect_dma source(%dma_start3A_54 : memref<10240x16xf32, #tpu.memory_space<hbm>>) target(%dma_start3A_48 : memref<128x16xf32, #tpu.memory_space<vmem>>) offsets(%dma_start3A_51 : memref<128xi32, #tpu.memory_space<vmem>>) semaphore(%dma_start3A_56 : memref<!tpu.dma_semaphore, #tpu.memory_space<semaphore_mem>>)
    %dma_start3A_57 = arith.constant 4 : i32
    %dma_start3A_58 = arith.constant 4 : i32
    %dma_start3A_59 = arith.constant 512 : i32
    %dma_start3A_60 = arith.constant 0 : i32
    %dma_start3A_61 = tpu.memref_slice %arg12[%dma_start3A_59, %dma_start3A_60] : memref<1024x16xf32, #tpu.memory_space<vmem>> -> memref<128x16xf32, #tpu.memory_space<vmem>>
    %dma_start3A_62 = arith.constant 0 : i32
    %dma_start3A_63 = tpu.memref_slice %arg9[%dma_start3A_57, %dma_start3A_62] : memref<80x128xi32, #tpu.memory_space<vmem>> -> memref<1x128xi32, #tpu.memory_space<vmem>>
    %dma_start3A_64 = tpu.memref_squeeze %dma_start3A_63 : memref<1x128xi32, #tpu.memory_space<vmem>> -> memref<128xi32, #tpu.memory_space<vmem>>
    %dma_start3A_65 = arith.constant 0 : i32
    %dma_start3A_66 = arith.constant 0 : i32
    %dma_start3A_67 = tpu.memref_slice %arg2[%dma_start3A_65, %dma_start3A_66] : memref<10240x16xf32, #tpu.memory_space<hbm>> -> memref<10240x16xf32, #tpu.memory_space<hbm>>
    %dma_start3A_68 = tpu.memref_slice %arg17[%dma_start3A_58] : memref<8x!tpu.dma_semaphore, #tpu.memory_space<semaphore_mem>> -> memref<1x!tpu.dma_semaphore, #tpu.memory_space<semaphore_mem>>
    %dma_start3A_69 = tpu.memref_squeeze %dma_start3A_68 : memref<1x!tpu.dma_semaphore, #tpu.memory_space<semaphore_mem>> -> memref<!tpu.dma_semaphore, #tpu.memory_space<semaphore_mem>>
    tpu.enqueue_indirect_dma source(%dma_start3A_67 : memref<10240x16xf32, #tpu.memory_space<hbm>>) target(%dma_start3A_61 : memref<128x16xf32, #tpu.memory_space<vmem>>) offsets(%dma_start3A_64 : memref<128xi32, #tpu.memory_space<vmem>>) semaphore(%dma_start3A_69 : memref<!tpu.dma_semaphore, #tpu.memory_space<semaphore_mem>>)
    %dma_start3A_70 = arith.constant 5 : i32
    %dma_start3A_71 = arith.constant 5 : i32
    %dma_start3A_72 = arith.constant 640 : i32
    %dma_start3A_73 = arith.constant 0 : i32
    %dma_start3A_74 = tpu.memref_slice %arg12[%dma_start3A_72, %dma_start3A_73] : memref<1024x16xf32, #tpu.memory_space<vmem>> -> memref<128x16xf32, #tpu.memory_space<vmem>>
    %dma_start3A_75 = arith.constant 0 : i32
    %dma_start3A_76 = tpu.memref_slice %arg9[%dma_start3A_70, %dma_start3A_75] : memref<80x128xi32, #tpu.memory_space<vmem>> -> memref<1x128xi32, #tpu.memory_space<vmem>>
    %dma_start3A_77 = tpu.memref_squeeze %dma_start3A_76 : memref<1x128xi32, #tpu.memory_space<vmem>> -> memref<128xi32, #tpu.memory_space<vmem>>
    %dma_start3A_78 = arith.constant 0 : i32
    %dma_start3A_79 = arith.constant 0 : i32
    %dma_start3A_80 = tpu.memref_slice %arg2[%dma_start3A_78, %dma_start3A_79] : memref<10240x16xf32, #tpu.memory_space<hbm>> -> memref<10240x16xf32, #tpu.memory_space<hbm>>
    %dma_start3A_81 = tpu.memref_slice %arg17[%dma_start3A_71] : memref<8x!tpu.dma_semaphore, #tpu.memory_space<semaphore_mem>> -> memref<1x!tpu.dma_semaphore, #tpu.memory_space<semaphore_mem>>
    %dma_start3A_82 = tpu.memref_squeeze %dma_start3A_81 : memref<1x!tpu.dma_semaphore, #tpu.memory_space<semaphore_mem>> -> memref<!tpu.dma_semaphore, #tpu.memory_space<semaphore_mem>>
    tpu.enqueue_indirect_dma source(%dma_start3A_80 : memref<10240x16xf32, #tpu.memory_space<hbm>>) target(%dma_start3A_74 : memref<128x16xf32, #tpu.memory_space<vmem>>) offsets(%dma_start3A_77 : memref<128xi32, #tpu.memory_space<vmem>>) semaphore(%dma_start3A_82 : memref<!tpu.dma_semaphore, #tpu.memory_space<semaphore_mem>>)
    %dma_start3A_83 = arith.constant 6 : i32
    %dma_start3A_84 = arith.constant 6 : i32
    %dma_start3A_85 = arith.constant 768 : i32
    %dma_start3A_86 = arith.constant 0 : i32
    %dma_start3A_87 = tpu.memref_slice %arg12[%dma_start3A_85, %dma_start3A_86] : memref<1024x16xf32, #tpu.memory_space<vmem>> -> memref<128x16xf32, #tpu.memory_space<vmem>>
    %dma_start3A_88 = arith.constant 0 : i32
    %dma_start3A_89 = tpu.memref_slice %arg9[%dma_start3A_83, %dma_start3A_88] : memref<80x128xi32, #tpu.memory_space<vmem>> -> memref<1x128xi32, #tpu.memory_space<vmem>>
    %dma_start3A_90 = tpu.memref_squeeze %dma_start3A_89 : memref<1x128xi32, #tpu.memory_space<vmem>> -> memref<128xi32, #tpu.memory_space<vmem>>
    %dma_start3A_91 = arith.constant 0 : i32
    %dma_start3A_92 = arith.constant 0 : i32
    %dma_start3A_93 = tpu.memref_slice %arg2[%dma_start3A_91, %dma_start3A_92] : memref<10240x16xf32, #tpu.memory_space<hbm>> -> memref<10240x16xf32, #tpu.memory_space<hbm>>
    %dma_start3A_94 = tpu.memref_slice %arg17[%dma_start3A_84] : memref<8x!tpu.dma_semaphore, #tpu.memory_space<semaphore_mem>> -> memref<1x!tpu.dma_semaphore, #tpu.memory_space<semaphore_mem>>
    %dma_start3A_95 = tpu.memref_squeeze %dma_start3A_94 : memref<1x!tpu.dma_semaphore, #tpu.memory_space<semaphore_mem>> -> memref<!tpu.dma_semaphore, #tpu.memory_space<semaphore_mem>>
    tpu.enqueue_indirect_dma source(%dma_start3A_93 : memref<10240x16xf32, #tpu.memory_space<hbm>>) target(%dma_start3A_87 : memref<128x16xf32, #tpu.memory_space<vmem>>) offsets(%dma_start3A_90 : memref<128xi32, #tpu.memory_space<vmem>>) semaphore(%dma_start3A_95 : memref<!tpu.dma_semaphore, #tpu.memory_space<semaphore_mem>>)
    %dma_start3A_96 = arith.constant 7 : i32
    %dma_start3A_97 = arith.constant 7 : i32
    %dma_start3A_98 = arith.constant 896 : i32
    %dma_start3A_99 = arith.constant 0 : i32
    %dma_start3A_100 = tpu.memref_slice %arg12[%dma_start3A_98, %dma_start3A_99] : memref<1024x16xf32, #tpu.memory_space<vmem>> -> memref<128x16xf32, #tpu.memory_space<vmem>>
    %dma_start3A_101 = arith.constant 0 : i32
    %dma_start3A_102 = tpu.memref_slice %arg9[%dma_start3A_96, %dma_start3A_101] : memref<80x128xi32, #tpu.memory_space<vmem>> -> memref<1x128xi32, #tpu.memory_space<vmem>>
    %dma_start3A_103 = tpu.memref_squeeze %dma_start3A_102 : memref<1x128xi32, #tpu.memory_space<vmem>> -> memref<128xi32, #tpu.memory_space<vmem>>
    %dma_start3A_104 = arith.constant 0 : i32
    %dma_start3A_105 = arith.constant 0 : i32
    %dma_start3A_106 = tpu.memref_slice %arg2[%dma_start3A_104, %dma_start3A_105] : memref<10240x16xf32, #tpu.memory_space<hbm>> -> memref<10240x16xf32, #tpu.memory_space<hbm>>
    %dma_start3A_107 = tpu.memref_slice %arg17[%dma_start3A_97] : memref<8x!tpu.dma_semaphore, #tpu.memory_space<semaphore_mem>> -> memref<1x!tpu.dma_semaphore, #tpu.memory_space<semaphore_mem>>
    %dma_start3A_108 = tpu.memref_squeeze %dma_start3A_107 : memref<1x!tpu.dma_semaphore, #tpu.memory_space<semaphore_mem>> -> memref<!tpu.dma_semaphore, #tpu.memory_space<semaphore_mem>>
    tpu.enqueue_indirect_dma source(%dma_start3A_106 : memref<10240x16xf32, #tpu.memory_space<hbm>>) target(%dma_start3A_100 : memref<128x16xf32, #tpu.memory_space<vmem>>) offsets(%dma_start3A_103 : memref<128xi32, #tpu.memory_space<vmem>>) semaphore(%dma_start3A_108 : memref<!tpu.dma_semaphore, #tpu.memory_space<semaphore_mem>>)
    %scan3A = arith.constant 0 : i32
    %scan3A_109 = arith.constant 0 : i32
    %scan3A_110 = arith.constant 10 : i32
    %scan3A_111 = arith.addi %scan3A_109, %scan3A_110 : i32
    %scan3A_112 = arith.constant 1 : i32
    scf.for %scan3A_378 = %scan3A_109 to %scan3A_111 step %scan3A_112  : i32 {
      %mul3A_379 = arith.constant 8 : i32
      %mul3A_380 = arith.muli %scan3A_378, %mul3A_379 : i32
      %add3A_381 = arith.constant 0 : i32
      %add3A_382 = arith.addi %mul3A_380, %add3A_381 : i32
      %dma_wait3A_383 = arith.constant 0 : i32
      %dma_wait3A_384 = arith.constant 0 : i32
      %dma_wait3A_385 = arith.constant 0 : i32
      %dma_wait3A_386 = tpu.memref_slice %arg12[%dma_wait3A_384, %dma_wait3A_385] : memref<1024x16xf32, #tpu.memory_space<vmem>> -> memref<128x16xf32, #tpu.memory_space<vmem>>
      %dma_wait3A_387 = arith.constant 0 : i32
      %dma_wait3A_388 = tpu.memref_slice %arg9[%add3A_382, %dma_wait3A_387] : memref<80x128xi32, #tpu.memory_space<vmem>> -> memref<1x128xi32, #tpu.memory_space<vmem>>
      %dma_wait3A_389 = tpu.memref_squeeze %dma_wait3A_388 : memref<1x128xi32, #tpu.memory_space<vmem>> -> memref<128xi32, #tpu.memory_space<vmem>>
      %dma_wait3A_390 = arith.constant 0 : i32
      %dma_wait3A_391 = arith.constant 0 : i32
      %dma_wait3A_392 = tpu.memref_slice %arg2[%dma_wait3A_390, %dma_wait3A_391] : memref<10240x16xf32, #tpu.memory_space<hbm>> -> memref<10240x16xf32, #tpu.memory_space<hbm>>
      %dma_wait3A_393 = tpu.memref_slice %arg17[%dma_wait3A_383] : memref<8x!tpu.dma_semaphore, #tpu.memory_space<semaphore_mem>> -> memref<1x!tpu.dma_semaphore, #tpu.memory_space<semaphore_mem>>
      %dma_wait3A_394 = tpu.memref_squeeze %dma_wait3A_393 : memref<1x!tpu.dma_semaphore, #tpu.memory_space<semaphore_mem>> -> memref<!tpu.dma_semaphore, #tpu.memory_space<semaphore_mem>>
      tpu.wait_indirect_dma semaphore(%dma_wait3A_394 : memref<!tpu.dma_semaphore, #tpu.memory_space<semaphore_mem>>) src(%dma_wait3A_392 : memref<10240x16xf32, #tpu.memory_space<hbm>>) dst(%dma_wait3A_386 : memref<128x16xf32, #tpu.memory_space<vmem>>)
      %dma_start3A_395 = arith.constant 0 : i32
      %dma_start3A_396 = arith.constant 0 : i32
      %dma_start3A_397 = arith.constant 0 : i32
      %dma_start3A_398 = tpu.memref_slice %arg12[%dma_start3A_396, %dma_start3A_397] : memref<1024x16xf32, #tpu.memory_space<vmem>> -> memref<128x16xf32, #tpu.memory_space<vmem>>
      %dma_start3A_399 = arith.constant 0 : i32
      %dma_start3A_400 = tpu.memref_slice %arg10[%add3A_382, %dma_start3A_399] : memref<80x128xi32, #tpu.memory_space<vmem>> -> memref<1x128xi32, #tpu.memory_space<vmem>>
      %dma_start3A_401 = tpu.memref_squeeze %dma_start3A_400 : memref<1x128xi32, #tpu.memory_space<vmem>> -> memref<128xi32, #tpu.memory_space<vmem>>
      %dma_start3A_402 = arith.constant 0 : i32
      %dma_start3A_403 = arith.constant 0 : i32
      %dma_start3A_404 = tpu.memref_slice %arg14[%dma_start3A_402, %dma_start3A_403] : memref<10240x16xf32, #tpu.memory_space<vmem_shared>> -> memref<10240x16xf32, #tpu.memory_space<vmem_shared>>
      %dma_start3A_405 = tpu.memref_slice %arg18[%dma_start3A_395] : memref<8x!tpu.dma_semaphore, #tpu.memory_space<semaphore_mem>> -> memref<1x!tpu.dma_semaphore, #tpu.memory_space<semaphore_mem>>
      %dma_start3A_406 = tpu.memref_squeeze %dma_start3A_405 : memref<1x!tpu.dma_semaphore, #tpu.memory_space<semaphore_mem>> -> memref<!tpu.dma_semaphore, #tpu.memory_space<semaphore_mem>>
      tpu.enqueue_indirect_dma source(%dma_start3A_398 : memref<128x16xf32, #tpu.memory_space<vmem>>) target(%dma_start3A_404 : memref<10240x16xf32, #tpu.memory_space<vmem_shared>>) offsets(%dma_start3A_401 : memref<128xi32, #tpu.memory_space<vmem>>) semaphore(%dma_start3A_406 : memref<!tpu.dma_semaphore, #tpu.memory_space<semaphore_mem>>) {add = true}
      %dma_start3A_407 = arith.constant 0 : i32
      %dma_start3A_408 = arith.constant 0 : i32
      %dma_start3A_409 = tpu.memref_slice %arg9[%add3A_382, %dma_start3A_408] : memref<80x128xi32, #tpu.memory_space<vmem>> -> memref<1x128xi32, #tpu.memory_space<vmem>>
      %dma_start3A_410 = tpu.memref_squeeze %dma_start3A_409 : memref<1x128xi32, #tpu.memory_space<vmem>> -> memref<128xi32, #tpu.memory_space<vmem>>
      %dma_start3A_411 = arith.constant 0 : i32
      %dma_start3A_412 = arith.constant 0 : i32
      %dma_start3A_413 = tpu.memref_slice %arg15[%dma_start3A_411, %dma_start3A_412] : memref<10240x16xf32, #tpu.memory_space<vmem_shared>> -> memref<10240x16xf32, #tpu.memory_space<vmem_shared>>
      %dma_start3A_414 = tpu.memref_slice %arg18[%dma_start3A_407] : memref<8x!tpu.dma_semaphore, #tpu.memory_space<semaphore_mem>> -> memref<1x!tpu.dma_semaphore, #tpu.memory_space<semaphore_mem>>
      %dma_start3A_415 = tpu.memref_squeeze %dma_start3A_414 : memref<1x!tpu.dma_semaphore, #tpu.memory_space<semaphore_mem>> -> memref<!tpu.dma_semaphore, #tpu.memory_space<semaphore_mem>>
      tpu.enqueue_indirect_dma source(%arg11 : memref<128x16xf32, #tpu.memory_space<vmem>>) target(%dma_start3A_413 : memref<10240x16xf32, #tpu.memory_space<vmem_shared>>) offsets(%dma_start3A_410 : memref<128xi32, #tpu.memory_space<vmem>>) semaphore(%dma_start3A_415 : memref<!tpu.dma_semaphore, #tpu.memory_space<semaphore_mem>>) {add = true}
      %dma_start3A_416 = arith.constant 0 : i32
      %dma_start3A_417 = arith.constant 0 : i32
      %dma_start3A_418 = tpu.memref_slice %arg10[%add3A_382, %dma_start3A_417] : memref<80x128xi32, #tpu.memory_space<vmem>> -> memref<1x128xi32, #tpu.memory_space<vmem>>
      %dma_start3A_419 = tpu.memref_squeeze %dma_start3A_418 : memref<1x128xi32, #tpu.memory_space<vmem>> -> memref<128xi32, #tpu.memory_space<vmem>>
      %dma_start3A_420 = arith.constant 0 : i32
      %dma_start3A_421 = arith.constant 0 : i32
      %dma_start3A_422 = tpu.memref_slice %arg16[%dma_start3A_420, %dma_start3A_421] : memref<10240x16xf32, #tpu.memory_space<vmem_shared>> -> memref<10240x16xf32, #tpu.memory_space<vmem_shared>>
      %dma_start3A_423 = tpu.memref_slice %arg18[%dma_start3A_416] : memref<8x!tpu.dma_semaphore, #tpu.memory_space<semaphore_mem>> -> memref<1x!tpu.dma_semaphore, #tpu.memory_space<semaphore_mem>>
      %dma_start3A_424 = tpu.memref_squeeze %dma_start3A_423 : memref<1x!tpu.dma_semaphore, #tpu.memory_space<semaphore_mem>> -> memref<!tpu.dma_semaphore, #tpu.memory_space<semaphore_mem>>
      tpu.enqueue_indirect_dma source(%arg11 : memref<128x16xf32, #tpu.memory_space<vmem>>) target(%dma_start3A_422 : memref<10240x16xf32, #tpu.memory_space<vmem_shared>>) offsets(%dma_start3A_419 : memref<128xi32, #tpu.memory_space<vmem>>) semaphore(%dma_start3A_424 : memref<!tpu.dma_semaphore, #tpu.memory_space<semaphore_mem>>) {add = true}
      %sub3A = arith.constant 2 : i32
      %sub3A_425 = arith.subi %add3A_382, %sub3A : i32
      %ge3A = arith.constant 0 : i32
      %ge3A_426 = arith.cmpi sge, %sub3A_425, %ge3A : i32
      %add3A_427 = arith.constant 8 : i32
      %add3A_428 = arith.addi %sub3A_425, %add3A_427 : i32
      %lt3A = arith.constant 80 : i32
      %lt3A_429 = arith.cmpi slt, %add3A_428, %lt3A : i32
      %and3A = arith.andi %ge3A_426, %lt3A_429 : i1
      %convert_element_type3A = arith.extui %and3A : i1 to i32
      %cond3A = arith.constant 0 : i32
      %cond3A_430 = arith.cmpi ne, %convert_element_type3A, %cond3A : i32
      scf.if %cond3A_430 {
        %dma_wait3A_837 = arith.constant 6 : i32
        %dma_wait3A_838 = arith.constant 768 : i32
        %dma_wait3A_839 = arith.constant 0 : i32
        %dma_wait3A_840 = tpu.memref_slice %arg12[%dma_wait3A_838, %dma_wait3A_839] : memref<1024x16xf32, #tpu.memory_space<vmem>> -> memref<128x16xf32, #tpu.memory_space<vmem>>
        %dma_wait3A_841 = arith.constant 0 : i32
        %dma_wait3A_842 = tpu.memref_slice %arg10[%sub3A_425, %dma_wait3A_841] : memref<80x128xi32, #tpu.memory_space<vmem>> -> memref<1x128xi32, #tpu.memory_space<vmem>>
        %dma_wait3A_843 = tpu.memref_squeeze %dma_wait3A_842 : memref<1x128xi32, #tpu.memory_space<vmem>> -> memref<128xi32, #tpu.memory_space<vmem>>
        %dma_wait3A_844 = arith.constant 0 : i32
        %dma_wait3A_845 = arith.constant 0 : i32
        %dma_wait3A_846 = tpu.memref_slice %arg14[%dma_wait3A_844, %dma_wait3A_845] : memref<10240x16xf32, #tpu.memory_space<vmem_shared>> -> memref<10240x16xf32, #tpu.memory_space<vmem_shared>>
        %dma_wait3A_847 = tpu.memref_slice %arg18[%dma_wait3A_837] : memref<8x!tpu.dma_semaphore, #tpu.memory_space<semaphore_mem>> -> memref<1x!tpu.dma_semaphore, #tpu.memory_space<semaphore_mem>>
        %dma_wait3A_848 = tpu.memref_squeeze %dma_wait3A_847 : memref<1x!tpu.dma_semaphore, #tpu.memory_space<semaphore_mem>> -> memref<!tpu.dma_semaphore, #tpu.memory_space<semaphore_mem>>
        tpu.wait_indirect_dma semaphore(%dma_wait3A_848 : memref<!tpu.dma_semaphore, #tpu.memory_space<semaphore_mem>>) src(%dma_wait3A_840 : memref<128x16xf32, #tpu.memory_space<vmem>>) dst(%dma_wait3A_846 : memref<10240x16xf32, #tpu.memory_space<vmem_shared>>)
        %dma_wait3A_849 = arith.constant 6 : i32
        %dma_wait3A_850 = arith.constant 0 : i32
        %dma_wait3A_851 = tpu.memref_slice %arg9[%sub3A_425, %dma_wait3A_850] : memref<80x128xi32, #tpu.memory_space<vmem>> -> memref<1x128xi32, #tpu.memory_space<vmem>>
        %dma_wait3A_852 = tpu.memref_squeeze %dma_wait3A_851 : memref<1x128xi32, #tpu.memory_space<vmem>> -> memref<128xi32, #tpu.memory_space<vmem>>
        %dma_wait3A_853 = arith.constant 0 : i32
        %dma_wait3A_854 = arith.constant 0 : i32
        %dma_wait3A_855 = tpu.memref_slice %arg15[%dma_wait3A_853, %dma_wait3A_854] : memref<10240x16xf32, #tpu.memory_space<vmem_shared>> -> memref<10240x16xf32, #tpu.memory_space<vmem_shared>>
        %dma_wait3A_856 = tpu.memref_slice %arg18[%dma_wait3A_849] : memref<8x!tpu.dma_semaphore, #tpu.memory_space<semaphore_mem>> -> memref<1x!tpu.dma_semaphore, #tpu.memory_space<semaphore_mem>>
        %dma_wait3A_857 = tpu.memref_squeeze %dma_wait3A_856 : memref<1x!tpu.dma_semaphore, #tpu.memory_space<semaphore_mem>> -> memref<!tpu.dma_semaphore, #tpu.memory_space<semaphore_mem>>
        tpu.wait_indirect_dma semaphore(%dma_wait3A_857 : memref<!tpu.dma_semaphore, #tpu.memory_space<semaphore_mem>>) src(%arg11 : memref<128x16xf32, #tpu.memory_space<vmem>>) dst(%dma_wait3A_855 : memref<10240x16xf32, #tpu.memory_space<vmem_shared>>)
        %dma_wait3A_858 = arith.constant 6 : i32
        %dma_wait3A_859 = arith.constant 0 : i32
        %dma_wait3A_860 = tpu.memref_slice %arg10[%sub3A_425, %dma_wait3A_859] : memref<80x128xi32, #tpu.memory_space<vmem>> -> memref<1x128xi32, #tpu.memory_space<vmem>>
        %dma_wait3A_861 = tpu.memref_squeeze %dma_wait3A_860 : memref<1x128xi32, #tpu.memory_space<vmem>> -> memref<128xi32, #tpu.memory_space<vmem>>
        %dma_wait3A_862 = arith.constant 0 : i32
        %dma_wait3A_863 = arith.constant 0 : i32
        %dma_wait3A_864 = tpu.memref_slice %arg16[%dma_wait3A_862, %dma_wait3A_863] : memref<10240x16xf32, #tpu.memory_space<vmem_shared>> -> memref<10240x16xf32, #tpu.memory_space<vmem_shared>>
        %dma_wait3A_865 = tpu.memref_slice %arg18[%dma_wait3A_858] : memref<8x!tpu.dma_semaphore, #tpu.memory_space<semaphore_mem>> -> memref<1x!tpu.dma_semaphore, #tpu.memory_space<semaphore_mem>>
        %dma_wait3A_866 = tpu.memref_squeeze %dma_wait3A_865 : memref<1x!tpu.dma_semaphore, #tpu.memory_space<semaphore_mem>> -> memref<!tpu.dma_semaphore, #tpu.memory_space<semaphore_mem>>
        tpu.wait_indirect_dma semaphore(%dma_wait3A_866 : memref<!tpu.dma_semaphore, #tpu.memory_space<semaphore_mem>>) src(%arg11 : memref<128x16xf32, #tpu.memory_space<vmem>>) dst(%dma_wait3A_864 : memref<10240x16xf32, #tpu.memory_space<vmem_shared>>)
        %add3A_867 = arith.constant 8 : i32
        %add3A_868 = arith.addi %sub3A_425, %add3A_867 : i32
        %dma_start3A_869 = arith.constant 6 : i32
        %dma_start3A_870 = arith.constant 768 : i32
        %dma_start3A_871 = arith.constant 0 : i32
        %dma_start3A_872 = tpu.memref_slice %arg12[%dma_start3A_870, %dma_start3A_871] : memref<1024x16xf32, #tpu.memory_space<vmem>> -> memref<128x16xf32, #tpu.memory_space<vmem>>
        %dma_start3A_873 = arith.constant 0 : i32
        %dma_start3A_874 = tpu.memref_slice %arg9[%add3A_868, %dma_start3A_873] : memref<80x128xi32, #tpu.memory_space<vmem>> -> memref<1x128xi32, #tpu.memory_space<vmem>>
        %dma_start3A_875 = tpu.memref_squeeze %dma_start3A_874 : memref<1x128xi32, #tpu.memory_space<vmem>> -> memref<128xi32, #tpu.memory_space<vmem>>
        %dma_start3A_876 = arith.constant 0 : i32
        %dma_start3A_877 = arith.constant 0 : i32
        %dma_start3A_878 = tpu.memref_slice %arg2[%dma_start3A_876, %dma_start3A_877] : memref<10240x16xf32, #tpu.memory_space<hbm>> -> memref<10240x16xf32, #tpu.memory_space<hbm>>
        %dma_start3A_879 = tpu.memref_slice %arg17[%dma_start3A_869] : memref<8x!tpu.dma_semaphore, #tpu.memory_space<semaphore_mem>> -> memref<1x!tpu.dma_semaphore, #tpu.memory_space<semaphore_mem>>
        %dma_start3A_880 = tpu.memref_squeeze %dma_start3A_879 : memref<1x!tpu.dma_semaphore, #tpu.memory_space<semaphore_mem>> -> memref<!tpu.dma_semaphore, #tpu.memory_space<semaphore_mem>>
        tpu.enqueue_indirect_dma source(%dma_start3A_878 : memref<10240x16xf32, #tpu.memory_space<hbm>>) target(%dma_start3A_872 : memref<128x16xf32, #tpu.memory_space<vmem>>) offsets(%dma_start3A_875 : memref<128xi32, #tpu.memory_space<vmem>>) semaphore(%dma_start3A_880 : memref<!tpu.dma_semaphore, #tpu.memory_space<semaphore_mem>>)
      } else {
      }
      %mul3A_431 = arith.constant 8 : i32
      %mul3A_432 = arith.muli %scan3A_378, %mul3A_431 : i32
      %add3A_433 = arith.constant 1 : i32
      %add3A_434 = arith.addi %mul3A_432, %add3A_433 : i32
      %dma_wait3A_435 = arith.constant 1 : i32
      %dma_wait3A_436 = arith.constant 128 : i32
      %dma_wait3A_437 = arith.constant 0 : i32
      %dma_wait3A_438 = tpu.memref_slice %arg12[%dma_wait3A_436, %dma_wait3A_437] : memref<1024x16xf32, #tpu.memory_space<vmem>> -> memref<128x16xf32, #tpu.memory_space<vmem>>
      %dma_wait3A_439 = arith.constant 0 : i32
      %dma_wait3A_440 = tpu.memref_slice %arg9[%add3A_434, %dma_wait3A_439] : memref<80x128xi32, #tpu.memory_space<vmem>> -> memref<1x128xi32, #tpu.memory_space<vmem>>
      %dma_wait3A_441 = tpu.memref_squeeze %dma_wait3A_440 : memref<1x128xi32, #tpu.memory_space<vmem>> -> memref<128xi32, #tpu.memory_space<vmem>>
      %dma_wait3A_442 = arith.constant 0 : i32
      %dma_wait3A_443 = arith.constant 0 : i32
      %dma_wait3A_444 = tpu.memref_slice %arg2[%dma_wait3A_442, %dma_wait3A_443] : memref<10240x16xf32, #tpu.memory_space<hbm>> -> memref<10240x16xf32, #tpu.memory_space<hbm>>
      %dma_wait3A_445 = tpu.memref_slice %arg17[%dma_wait3A_435] : memref<8x!tpu.dma_semaphore, #tpu.memory_space<semaphore_mem>> -> memref<1x!tpu.dma_semaphore, #tpu.memory_space<semaphore_mem>>
      %dma_wait3A_446 = tpu.memref_squeeze %dma_wait3A_445 : memref<1x!tpu.dma_semaphore, #tpu.memory_space<semaphore_mem>> -> memref<!tpu.dma_semaphore, #tpu.memory_space<semaphore_mem>>
      tpu.wait_indirect_dma semaphore(%dma_wait3A_446 : memref<!tpu.dma_semaphore, #tpu.memory_space<semaphore_mem>>) src(%dma_wait3A_444 : memref<10240x16xf32, #tpu.memory_space<hbm>>) dst(%dma_wait3A_438 : memref<128x16xf32, #tpu.memory_space<vmem>>)
      %dma_start3A_447 = arith.constant 1 : i32
      %dma_start3A_448 = arith.constant 128 : i32
      %dma_start3A_449 = arith.constant 0 : i32
      %dma_start3A_450 = tpu.memref_slice %arg12[%dma_start3A_448, %dma_start3A_449] : memref<1024x16xf32, #tpu.memory_space<vmem>> -> memref<128x16xf32, #tpu.memory_space<vmem>>
      %dma_start3A_451 = arith.constant 0 : i32
      %dma_start3A_452 = tpu.memref_slice %arg10[%add3A_434, %dma_start3A_451] : memref<80x128xi32, #tpu.memory_space<vmem>> -> memref<1x128xi32, #tpu.memory_space<vmem>>
      %dma_start3A_453 = tpu.memref_squeeze %dma_start3A_452 : memref<1x128xi32, #tpu.memory_space<vmem>> -> memref<128xi32, #tpu.memory_space<vmem>>
      %dma_start3A_454 = arith.constant 0 : i32
      %dma_start3A_455 = arith.constant 0 : i32
      %dma_start3A_456 = tpu.memref_slice %arg14[%dma_start3A_454, %dma_start3A_455] : memref<10240x16xf32, #tpu.memory_space<vmem_shared>> -> memref<10240x16xf32, #tpu.memory_space<vmem_shared>>
      %dma_start3A_457 = tpu.memref_slice %arg18[%dma_start3A_447] : memref<8x!tpu.dma_semaphore, #tpu.memory_space<semaphore_mem>> -> memref<1x!tpu.dma_semaphore, #tpu.memory_space<semaphore_mem>>
      %dma_start3A_458 = tpu.memref_squeeze %dma_start3A_457 : memref<1x!tpu.dma_semaphore, #tpu.memory_space<semaphore_mem>> -> memref<!tpu.dma_semaphore, #tpu.memory_space<semaphore_mem>>
      tpu.enqueue_indirect_dma source(%dma_start3A_450 : memref<128x16xf32, #tpu.memory_space<vmem>>) target(%dma_start3A_456 : memref<10240x16xf32, #tpu.memory_space<vmem_shared>>) offsets(%dma_start3A_453 : memref<128xi32, #tpu.memory_space<vmem>>) semaphore(%dma_start3A_458 : memref<!tpu.dma_semaphore, #tpu.memory_space<semaphore_mem>>) {add = true}
      %dma_start3A_459 = arith.constant 1 : i32
      %dma_start3A_460 = arith.constant 0 : i32
      %dma_start3A_461 = tpu.memref_slice %arg9[%add3A_434, %dma_start3A_460] : memref<80x128xi32, #tpu.memory_space<vmem>> -> memref<1x128xi32, #tpu.memory_space<vmem>>
      %dma_start3A_462 = tpu.memref_squeeze %dma_start3A_461 : memref<1x128xi32, #tpu.memory_space<vmem>> -> memref<128xi32, #tpu.memory_space<vmem>>
      %dma_start3A_463 = arith.constant 0 : i32
      %dma_start3A_464 = arith.constant 0 : i32
      %dma_start3A_465 = tpu.memref_slice %arg15[%dma_start3A_463, %dma_start3A_464] : memref<10240x16xf32, #tpu.memory_space<vmem_shared>> -> memref<10240x16xf32, #tpu.memory_space<vmem_shared>>
      %dma_start3A_466 = tpu.memref_slice %arg18[%dma_start3A_459] : memref<8x!tpu.dma_semaphore, #tpu.memory_space<semaphore_mem>> -> memref<1x!tpu.dma_semaphore, #tpu.memory_space<semaphore_mem>>
      %dma_start3A_467 = tpu.memref_squeeze %dma_start3A_466 : memref<1x!tpu.dma_semaphore, #tpu.memory_space<semaphore_mem>> -> memref<!tpu.dma_semaphore, #tpu.memory_space<semaphore_mem>>
      tpu.enqueue_indirect_dma source(%arg11 : memref<128x16xf32, #tpu.memory_space<vmem>>) target(%dma_start3A_465 : memref<10240x16xf32, #tpu.memory_space<vmem_shared>>) offsets(%dma_start3A_462 : memref<128xi32, #tpu.memory_space<vmem>>) semaphore(%dma_start3A_467 : memref<!tpu.dma_semaphore, #tpu.memory_space<semaphore_mem>>) {add = true}
      %dma_start3A_468 = arith.constant 1 : i32
      %dma_start3A_469 = arith.constant 0 : i32
      %dma_start3A_470 = tpu.memref_slice %arg10[%add3A_434, %dma_start3A_469] : memref<80x128xi32, #tpu.memory_space<vmem>> -> memref<1x128xi32, #tpu.memory_space<vmem>>
      %dma_start3A_471 = tpu.memref_squeeze %dma_start3A_470 : memref<1x128xi32, #tpu.memory_space<vmem>> -> memref<128xi32, #tpu.memory_space<vmem>>
      %dma_start3A_472 = arith.constant 0 : i32
      %dma_start3A_473 = arith.constant 0 : i32
      %dma_start3A_474 = tpu.memref_slice %arg16[%dma_start3A_472, %dma_start3A_473] : memref<10240x16xf32, #tpu.memory_space<vmem_shared>> -> memref<10240x16xf32, #tpu.memory_space<vmem_shared>>
      %dma_start3A_475 = tpu.memref_slice %arg18[%dma_start3A_468] : memref<8x!tpu.dma_semaphore, #tpu.memory_space<semaphore_mem>> -> memref<1x!tpu.dma_semaphore, #tpu.memory_space<semaphore_mem>>
      %dma_start3A_476 = tpu.memref_squeeze %dma_start3A_475 : memref<1x!tpu.dma_semaphore, #tpu.memory_space<semaphore_mem>> -> memref<!tpu.dma_semaphore, #tpu.memory_space<semaphore_mem>>
      tpu.enqueue_indirect_dma source(%arg11 : memref<128x16xf32, #tpu.memory_space<vmem>>) target(%dma_start3A_474 : memref<10240x16xf32, #tpu.memory_space<vmem_shared>>) offsets(%dma_start3A_471 : memref<128xi32, #tpu.memory_space<vmem>>) semaphore(%dma_start3A_476 : memref<!tpu.dma_semaphore, #tpu.memory_space<semaphore_mem>>) {add = true}
      %sub3A_477 = arith.constant 2 : i32
      %sub3A_478 = arith.subi %add3A_434, %sub3A_477 : i32
      %ge3A_479 = arith.constant 0 : i32
      %ge3A_480 = arith.cmpi sge, %sub3A_478, %ge3A_479 : i32
      %add3A_481 = arith.constant 8 : i32
      %add3A_482 = arith.addi %sub3A_478, %add3A_481 : i32
      %lt3A_483 = arith.constant 80 : i32
      %lt3A_484 = arith.cmpi slt, %add3A_482, %lt3A_483 : i32
      %and3A_485 = arith.andi %ge3A_480, %lt3A_484 : i1
      %convert_element_type3A_486 = arith.extui %and3A_485 : i1 to i32
      %cond3A_487 = arith.constant 0 : i32
      %cond3A_488 = arith.cmpi ne, %convert_element_type3A_486, %cond3A_487 : i32
      scf.if %cond3A_488 {
        %dma_wait3A_837 = arith.constant 7 : i32
        %dma_wait3A_838 = arith.constant 896 : i32
        %dma_wait3A_839 = arith.constant 0 : i32
        %dma_wait3A_840 = tpu.memref_slice %arg12[%dma_wait3A_838, %dma_wait3A_839] : memref<1024x16xf32, #tpu.memory_space<vmem>> -> memref<128x16xf32, #tpu.memory_space<vmem>>
        %dma_wait3A_841 = arith.constant 0 : i32
        %dma_wait3A_842 = tpu.memref_slice %arg10[%sub3A_478, %dma_wait3A_841] : memref<80x128xi32, #tpu.memory_space<vmem>> -> memref<1x128xi32, #tpu.memory_space<vmem>>
        %dma_wait3A_843 = tpu.memref_squeeze %dma_wait3A_842 : memref<1x128xi32, #tpu.memory_space<vmem>> -> memref<128xi32, #tpu.memory_space<vmem>>
        %dma_wait3A_844 = arith.constant 0 : i32
        %dma_wait3A_845 = arith.constant 0 : i32
        %dma_wait3A_846 = tpu.memref_slice %arg14[%dma_wait3A_844, %dma_wait3A_845] : memref<10240x16xf32, #tpu.memory_space<vmem_shared>> -> memref<10240x16xf32, #tpu.memory_space<vmem_shared>>
        %dma_wait3A_847 = tpu.memref_slice %arg18[%dma_wait3A_837] : memref<8x!tpu.dma_semaphore, #tpu.memory_space<semaphore_mem>> -> memref<1x!tpu.dma_semaphore, #tpu.memory_space<semaphore_mem>>
        %dma_wait3A_848 = tpu.memref_squeeze %dma_wait3A_847 : memref<1x!tpu.dma_semaphore, #tpu.memory_space<semaphore_mem>> -> memref<!tpu.dma_semaphore, #tpu.memory_space<semaphore_mem>>
        tpu.wait_indirect_dma semaphore(%dma_wait3A_848 : memref<!tpu.dma_semaphore, #tpu.memory_space<semaphore_mem>>) src(%dma_wait3A_840 : memref<128x16xf32, #tpu.memory_space<vmem>>) dst(%dma_wait3A_846 : memref<10240x16xf32, #tpu.memory_space<vmem_shared>>)
        %dma_wait3A_849 = arith.constant 7 : i32
        %dma_wait3A_850 = arith.constant 0 : i32
        %dma_wait3A_851 = tpu.memref_slice %arg9[%sub3A_478, %dma_wait3A_850] : memref<80x128xi32, #tpu.memory_space<vmem>> -> memref<1x128xi32, #tpu.memory_space<vmem>>
        %dma_wait3A_852 = tpu.memref_squeeze %dma_wait3A_851 : memref<1x128xi32, #tpu.memory_space<vmem>> -> memref<128xi32, #tpu.memory_space<vmem>>
        %dma_wait3A_853 = arith.constant 0 : i32
        %dma_wait3A_854 = arith.constant 0 : i32
        %dma_wait3A_855 = tpu.memref_slice %arg15[%dma_wait3A_853, %dma_wait3A_854] : memref<10240x16xf32, #tpu.memory_space<vmem_shared>> -> memref<10240x16xf32, #tpu.memory_space<vmem_shared>>
        %dma_wait3A_856 = tpu.memref_slice %arg18[%dma_wait3A_849] : memref<8x!tpu.dma_semaphore, #tpu.memory_space<semaphore_mem>> -> memref<1x!tpu.dma_semaphore, #tpu.memory_space<semaphore_mem>>
        %dma_wait3A_857 = tpu.memref_squeeze %dma_wait3A_856 : memref<1x!tpu.dma_semaphore, #tpu.memory_space<semaphore_mem>> -> memref<!tpu.dma_semaphore, #tpu.memory_space<semaphore_mem>>
        tpu.wait_indirect_dma semaphore(%dma_wait3A_857 : memref<!tpu.dma_semaphore, #tpu.memory_space<semaphore_mem>>) src(%arg11 : memref<128x16xf32, #tpu.memory_space<vmem>>) dst(%dma_wait3A_855 : memref<10240x16xf32, #tpu.memory_space<vmem_shared>>)
        %dma_wait3A_858 = arith.constant 7 : i32
        %dma_wait3A_859 = arith.constant 0 : i32
        %dma_wait3A_860 = tpu.memref_slice %arg10[%sub3A_478, %dma_wait3A_859] : memref<80x128xi32, #tpu.memory_space<vmem>> -> memref<1x128xi32, #tpu.memory_space<vmem>>
        %dma_wait3A_861 = tpu.memref_squeeze %dma_wait3A_860 : memref<1x128xi32, #tpu.memory_space<vmem>> -> memref<128xi32, #tpu.memory_space<vmem>>
        %dma_wait3A_862 = arith.constant 0 : i32
        %dma_wait3A_863 = arith.constant 0 : i32
        %dma_wait3A_864 = tpu.memref_slice %arg16[%dma_wait3A_862, %dma_wait3A_863] : memref<10240x16xf32, #tpu.memory_space<vmem_shared>> -> memref<10240x16xf32, #tpu.memory_space<vmem_shared>>
        %dma_wait3A_865 = tpu.memref_slice %arg18[%dma_wait3A_858] : memref<8x!tpu.dma_semaphore, #tpu.memory_space<semaphore_mem>> -> memref<1x!tpu.dma_semaphore, #tpu.memory_space<semaphore_mem>>
        %dma_wait3A_866 = tpu.memref_squeeze %dma_wait3A_865 : memref<1x!tpu.dma_semaphore, #tpu.memory_space<semaphore_mem>> -> memref<!tpu.dma_semaphore, #tpu.memory_space<semaphore_mem>>
        tpu.wait_indirect_dma semaphore(%dma_wait3A_866 : memref<!tpu.dma_semaphore, #tpu.memory_space<semaphore_mem>>) src(%arg11 : memref<128x16xf32, #tpu.memory_space<vmem>>) dst(%dma_wait3A_864 : memref<10240x16xf32, #tpu.memory_space<vmem_shared>>)
        %add3A_867 = arith.constant 8 : i32
        %add3A_868 = arith.addi %sub3A_478, %add3A_867 : i32
        %dma_start3A_869 = arith.constant 7 : i32
        %dma_start3A_870 = arith.constant 896 : i32
        %dma_start3A_871 = arith.constant 0 : i32
        %dma_start3A_872 = tpu.memref_slice %arg12[%dma_start3A_870, %dma_start3A_871] : memref<1024x16xf32, #tpu.memory_space<vmem>> -> memref<128x16xf32, #tpu.memory_space<vmem>>
        %dma_start3A_873 = arith.constant 0 : i32
        %dma_start3A_874 = tpu.memref_slice %arg9[%add3A_868, %dma_start3A_873] : memref<80x128xi32, #tpu.memory_space<vmem>> -> memref<1x128xi32, #tpu.memory_space<vmem>>
        %dma_start3A_875 = tpu.memref_squeeze %dma_start3A_874 : memref<1x128xi32, #tpu.memory_space<vmem>> -> memref<128xi32, #tpu.memory_space<vmem>>
        %dma_start3A_876 = arith.constant 0 : i32
        %dma_start3A_877 = arith.constant 0 : i32
        %dma_start3A_878 = tpu.memref_slice %arg2[%dma_start3A_876, %dma_start3A_877] : memref<10240x16xf32, #tpu.memory_space<hbm>> -> memref<10240x16xf32, #tpu.memory_space<hbm>>
        %dma_start3A_879 = tpu.memref_slice %arg17[%dma_start3A_869] : memref<8x!tpu.dma_semaphore, #tpu.memory_space<semaphore_mem>> -> memref<1x!tpu.dma_semaphore, #tpu.memory_space<semaphore_mem>>
        %dma_start3A_880 = tpu.memref_squeeze %dma_start3A_879 : memref<1x!tpu.dma_semaphore, #tpu.memory_space<semaphore_mem>> -> memref<!tpu.dma_semaphore, #tpu.memory_space<semaphore_mem>>
        tpu.enqueue_indirect_dma source(%dma_start3A_878 : memref<10240x16xf32, #tpu.memory_space<hbm>>) target(%dma_start3A_872 : memref<128x16xf32, #tpu.memory_space<vmem>>) offsets(%dma_start3A_875 : memref<128xi32, #tpu.memory_space<vmem>>) semaphore(%dma_start3A_880 : memref<!tpu.dma_semaphore, #tpu.memory_space<semaphore_mem>>)
      } else {
      }
      %mul3A_489 = arith.constant 8 : i32
      %mul3A_490 = arith.muli %scan3A_378, %mul3A_489 : i32
      %add3A_491 = arith.constant 2 : i32
      %add3A_492 = arith.addi %mul3A_490, %add3A_491 : i32
      %dma_wait3A_493 = arith.constant 2 : i32
      %dma_wait3A_494 = arith.constant 256 : i32
      %dma_wait3A_495 = arith.constant 0 : i32
      %dma_wait3A_496 = tpu.memref_slice %arg12[%dma_wait3A_494, %dma_wait3A_495] : memref<1024x16xf32, #tpu.memory_space<vmem>> -> memref<128x16xf32, #tpu.memory_space<vmem>>
      %dma_wait3A_497 = arith.constant 0 : i32
      %dma_wait3A_498 = tpu.memref_slice %arg9[%add3A_492, %dma_wait3A_497] : memref<80x128xi32, #tpu.memory_space<vmem>> -> memref<1x128xi32, #tpu.memory_space<vmem>>
      %dma_wait3A_499 = tpu.memref_squeeze %dma_wait3A_498 : memref<1x128xi32, #tpu.memory_space<vmem>> -> memref<128xi32, #tpu.memory_space<vmem>>
      %dma_wait3A_500 = arith.constant 0 : i32
      %dma_wait3A_501 = arith.constant 0 : i32
      %dma_wait3A_502 = tpu.memref_slice %arg2[%dma_wait3A_500, %dma_wait3A_501] : memref<10240x16xf32, #tpu.memory_space<hbm>> -> memref<10240x16xf32, #tpu.memory_space<hbm>>
      %dma_wait3A_503 = tpu.memref_slice %arg17[%dma_wait3A_493] : memref<8x!tpu.dma_semaphore, #tpu.memory_space<semaphore_mem>> -> memref<1x!tpu.dma_semaphore, #tpu.memory_space<semaphore_mem>>
      %dma_wait3A_504 = tpu.memref_squeeze %dma_wait3A_503 : memref<1x!tpu.dma_semaphore, #tpu.memory_space<semaphore_mem>> -> memref<!tpu.dma_semaphore, #tpu.memory_space<semaphore_mem>>
      tpu.wait_indirect_dma semaphore(%dma_wait3A_504 : memref<!tpu.dma_semaphore, #tpu.memory_space<semaphore_mem>>) src(%dma_wait3A_502 : memref<10240x16xf32, #tpu.memory_space<hbm>>) dst(%dma_wait3A_496 : memref<128x16xf32, #tpu.memory_space<vmem>>)
      %dma_start3A_505 = arith.constant 2 : i32
      %dma_start3A_506 = arith.constant 256 : i32
      %dma_start3A_507 = arith.constant 0 : i32
      %dma_start3A_508 = tpu.memref_slice %arg12[%dma_start3A_506, %dma_start3A_507] : memref<1024x16xf32, #tpu.memory_space<vmem>> -> memref<128x16xf32, #tpu.memory_space<vmem>>
      %dma_start3A_509 = arith.constant 0 : i32
      %dma_start3A_510 = tpu.memref_slice %arg10[%add3A_492, %dma_start3A_509] : memref<80x128xi32, #tpu.memory_space<vmem>> -> memref<1x128xi32, #tpu.memory_space<vmem>>
      %dma_start3A_511 = tpu.memref_squeeze %dma_start3A_510 : memref<1x128xi32, #tpu.memory_space<vmem>> -> memref<128xi32, #tpu.memory_space<vmem>>
      %dma_start3A_512 = arith.constant 0 : i32
      %dma_start3A_513 = arith.constant 0 : i32
      %dma_start3A_514 = tpu.memref_slice %arg14[%dma_start3A_512, %dma_start3A_513] : memref<10240x16xf32, #tpu.memory_space<vmem_shared>> -> memref<10240x16xf32, #tpu.memory_space<vmem_shared>>
      %dma_start3A_515 = tpu.memref_slice %arg18[%dma_start3A_505] : memref<8x!tpu.dma_semaphore, #tpu.memory_space<semaphore_mem>> -> memref<1x!tpu.dma_semaphore, #tpu.memory_space<semaphore_mem>>
      %dma_start3A_516 = tpu.memref_squeeze %dma_start3A_515 : memref<1x!tpu.dma_semaphore, #tpu.memory_space<semaphore_mem>> -> memref<!tpu.dma_semaphore, #tpu.memory_space<semaphore_mem>>
      tpu.enqueue_indirect_dma source(%dma_start3A_508 : memref<128x16xf32, #tpu.memory_space<vmem>>) target(%dma_start3A_514 : memref<10240x16xf32, #tpu.memory_space<vmem_shared>>) offsets(%dma_start3A_511 : memref<128xi32, #tpu.memory_space<vmem>>) semaphore(%dma_start3A_516 : memref<!tpu.dma_semaphore, #tpu.memory_space<semaphore_mem>>) {add = true}
      %dma_start3A_517 = arith.constant 2 : i32
      %dma_start3A_518 = arith.constant 0 : i32
      %dma_start3A_519 = tpu.memref_slice %arg9[%add3A_492, %dma_start3A_518] : memref<80x128xi32, #tpu.memory_space<vmem>> -> memref<1x128xi32, #tpu.memory_space<vmem>>
      %dma_start3A_520 = tpu.memref_squeeze %dma_start3A_519 : memref<1x128xi32, #tpu.memory_space<vmem>> -> memref<128xi32, #tpu.memory_space<vmem>>
      %dma_start3A_521 = arith.constant 0 : i32
      %dma_start3A_522 = arith.constant 0 : i32
      %dma_start3A_523 = tpu.memref_slice %arg15[%dma_start3A_521, %dma_start3A_522] : memref<10240x16xf32, #tpu.memory_space<vmem_shared>> -> memref<10240x16xf32, #tpu.memory_space<vmem_shared>>
      %dma_start3A_524 = tpu.memref_slice %arg18[%dma_start3A_517] : memref<8x!tpu.dma_semaphore, #tpu.memory_space<semaphore_mem>> -> memref<1x!tpu.dma_semaphore, #tpu.memory_space<semaphore_mem>>
      %dma_start3A_525 = tpu.memref_squeeze %dma_start3A_524 : memref<1x!tpu.dma_semaphore, #tpu.memory_space<semaphore_mem>> -> memref<!tpu.dma_semaphore, #tpu.memory_space<semaphore_mem>>
      tpu.enqueue_indirect_dma source(%arg11 : memref<128x16xf32, #tpu.memory_space<vmem>>) target(%dma_start3A_523 : memref<10240x16xf32, #tpu.memory_space<vmem_shared>>) offsets(%dma_start3A_520 : memref<128xi32, #tpu.memory_space<vmem>>) semaphore(%dma_start3A_525 : memref<!tpu.dma_semaphore, #tpu.memory_space<semaphore_mem>>) {add = true}
      %dma_start3A_526 = arith.constant 2 : i32
      %dma_start3A_527 = arith.constant 0 : i32
      %dma_start3A_528 = tpu.memref_slice %arg10[%add3A_492, %dma_start3A_527] : memref<80x128xi32, #tpu.memory_space<vmem>> -> memref<1x128xi32, #tpu.memory_space<vmem>>
      %dma_start3A_529 = tpu.memref_squeeze %dma_start3A_528 : memref<1x128xi32, #tpu.memory_space<vmem>> -> memref<128xi32, #tpu.memory_space<vmem>>
      %dma_start3A_530 = arith.constant 0 : i32
      %dma_start3A_531 = arith.constant 0 : i32
      %dma_start3A_532 = tpu.memref_slice %arg16[%dma_start3A_530, %dma_start3A_531] : memref<10240x16xf32, #tpu.memory_space<vmem_shared>> -> memref<10240x16xf32, #tpu.memory_space<vmem_shared>>
      %dma_start3A_533 = tpu.memref_slice %arg18[%dma_start3A_526] : memref<8x!tpu.dma_semaphore, #tpu.memory_space<semaphore_mem>> -> memref<1x!tpu.dma_semaphore, #tpu.memory_space<semaphore_mem>>
      %dma_start3A_534 = tpu.memref_squeeze %dma_start3A_533 : memref<1x!tpu.dma_semaphore, #tpu.memory_space<semaphore_mem>> -> memref<!tpu.dma_semaphore, #tpu.memory_space<semaphore_mem>>
      tpu.enqueue_indirect_dma source(%arg11 : memref<128x16xf32, #tpu.memory_space<vmem>>) target(%dma_start3A_532 : memref<10240x16xf32, #tpu.memory_space<vmem_shared>>) offsets(%dma_start3A_529 : memref<128xi32, #tpu.memory_space<vmem>>) semaphore(%dma_start3A_534 : memref<!tpu.dma_semaphore, #tpu.memory_space<semaphore_mem>>) {add = true}
      %sub3A_535 = arith.constant 2 : i32
      %sub3A_536 = arith.subi %add3A_492, %sub3A_535 : i32
      %ge3A_537 = arith.constant 0 : i32
      %ge3A_538 = arith.cmpi sge, %sub3A_536, %ge3A_537 : i32
      %add3A_539 = arith.constant 8 : i32
      %add3A_540 = arith.addi %sub3A_536, %add3A_539 : i32
      %lt3A_541 = arith.constant 80 : i32
      %lt3A_542 = arith.cmpi slt, %add3A_540, %lt3A_541 : i32
      %and3A_543 = arith.andi %ge3A_538, %lt3A_542 : i1
      %convert_element_type3A_544 = arith.extui %and3A_543 : i1 to i32
      %cond3A_545 = arith.constant 0 : i32
      %cond3A_546 = arith.cmpi ne, %convert_element_type3A_544, %cond3A_545 : i32
      scf.if %cond3A_546 {
        %dma_wait3A_837 = arith.constant 0 : i32
        %dma_wait3A_838 = arith.constant 0 : i32
        %dma_wait3A_839 = arith.constant 0 : i32
        %dma_wait3A_840 = tpu.memref_slice %arg12[%dma_wait3A_838, %dma_wait3A_839] : memref<1024x16xf32, #tpu.memory_space<vmem>> -> memref<128x16xf32, #tpu.memory_space<vmem>>
        %dma_wait3A_841 = arith.constant 0 : i32
        %dma_wait3A_842 = tpu.memref_slice %arg10[%sub3A_536, %dma_wait3A_841] : memref<80x128xi32, #tpu.memory_space<vmem>> -> memref<1x128xi32, #tpu.memory_space<vmem>>
        %dma_wait3A_843 = tpu.memref_squeeze %dma_wait3A_842 : memref<1x128xi32, #tpu.memory_space<vmem>> -> memref<128xi32, #tpu.memory_space<vmem>>
        %dma_wait3A_844 = arith.constant 0 : i32
        %dma_wait3A_845 = arith.constant 0 : i32
        %dma_wait3A_846 = tpu.memref_slice %arg14[%dma_wait3A_844, %dma_wait3A_845] : memref<10240x16xf32, #tpu.memory_space<vmem_shared>> -> memref<10240x16xf32, #tpu.memory_space<vmem_shared>>
        %dma_wait3A_847 = tpu.memref_slice %arg18[%dma_wait3A_837] : memref<8x!tpu.dma_semaphore, #tpu.memory_space<semaphore_mem>> -> memref<1x!tpu.dma_semaphore, #tpu.memory_space<semaphore_mem>>
        %dma_wait3A_848 = tpu.memref_squeeze %dma_wait3A_847 : memref<1x!tpu.dma_semaphore, #tpu.memory_space<semaphore_mem>> -> memref<!tpu.dma_semaphore, #tpu.memory_space<semaphore_mem>>
        tpu.wait_indirect_dma semaphore(%dma_wait3A_848 : memref<!tpu.dma_semaphore, #tpu.memory_space<semaphore_mem>>) src(%dma_wait3A_840 : memref<128x16xf32, #tpu.memory_space<vmem>>) dst(%dma_wait3A_846 : memref<10240x16xf32, #tpu.memory_space<vmem_shared>>)
        %dma_wait3A_849 = arith.constant 0 : i32
        %dma_wait3A_850 = arith.constant 0 : i32
        %dma_wait3A_851 = tpu.memref_slice %arg9[%sub3A_536, %dma_wait3A_850] : memref<80x128xi32, #tpu.memory_space<vmem>> -> memref<1x128xi32, #tpu.memory_space<vmem>>
        %dma_wait3A_852 = tpu.memref_squeeze %dma_wait3A_851 : memref<1x128xi32, #tpu.memory_space<vmem>> -> memref<128xi32, #tpu.memory_space<vmem>>
        %dma_wait3A_853 = arith.constant 0 : i32
        %dma_wait3A_854 = arith.constant 0 : i32
        %dma_wait3A_855 = tpu.memref_slice %arg15[%dma_wait3A_853, %dma_wait3A_854] : memref<10240x16xf32, #tpu.memory_space<vmem_shared>> -> memref<10240x16xf32, #tpu.memory_space<vmem_shared>>
        %dma_wait3A_856 = tpu.memref_slice %arg18[%dma_wait3A_849] : memref<8x!tpu.dma_semaphore, #tpu.memory_space<semaphore_mem>> -> memref<1x!tpu.dma_semaphore, #tpu.memory_space<semaphore_mem>>
        %dma_wait3A_857 = tpu.memref_squeeze %dma_wait3A_856 : memref<1x!tpu.dma_semaphore, #tpu.memory_space<semaphore_mem>> -> memref<!tpu.dma_semaphore, #tpu.memory_space<semaphore_mem>>
        tpu.wait_indirect_dma semaphore(%dma_wait3A_857 : memref<!tpu.dma_semaphore, #tpu.memory_space<semaphore_mem>>) src(%arg11 : memref<128x16xf32, #tpu.memory_space<vmem>>) dst(%dma_wait3A_855 : memref<10240x16xf32, #tpu.memory_space<vmem_shared>>)
        %dma_wait3A_858 = arith.constant 0 : i32
        %dma_wait3A_859 = arith.constant 0 : i32
        %dma_wait3A_860 = tpu.memref_slice %arg10[%sub3A_536, %dma_wait3A_859] : memref<80x128xi32, #tpu.memory_space<vmem>> -> memref<1x128xi32, #tpu.memory_space<vmem>>
        %dma_wait3A_861 = tpu.memref_squeeze %dma_wait3A_860 : memref<1x128xi32, #tpu.memory_space<vmem>> -> memref<128xi32, #tpu.memory_space<vmem>>
        %dma_wait3A_862 = arith.constant 0 : i32
        %dma_wait3A_863 = arith.constant 0 : i32
        %dma_wait3A_864 = tpu.memref_slice %arg16[%dma_wait3A_862, %dma_wait3A_863] : memref<10240x16xf32, #tpu.memory_space<vmem_shared>> -> memref<10240x16xf32, #tpu.memory_space<vmem_shared>>
        %dma_wait3A_865 = tpu.memref_slice %arg18[%dma_wait3A_858] : memref<8x!tpu.dma_semaphore, #tpu.memory_space<semaphore_mem>> -> memref<1x!tpu.dma_semaphore, #tpu.memory_space<semaphore_mem>>
        %dma_wait3A_866 = tpu.memref_squeeze %dma_wait3A_865 : memref<1x!tpu.dma_semaphore, #tpu.memory_space<semaphore_mem>> -> memref<!tpu.dma_semaphore, #tpu.memory_space<semaphore_mem>>
        tpu.wait_indirect_dma semaphore(%dma_wait3A_866 : memref<!tpu.dma_semaphore, #tpu.memory_space<semaphore_mem>>) src(%arg11 : memref<128x16xf32, #tpu.memory_space<vmem>>) dst(%dma_wait3A_864 : memref<10240x16xf32, #tpu.memory_space<vmem_shared>>)
        %add3A_867 = arith.constant 8 : i32
        %add3A_868 = arith.addi %sub3A_536, %add3A_867 : i32
        %dma_start3A_869 = arith.constant 0 : i32
        %dma_start3A_870 = arith.constant 0 : i32
        %dma_start3A_871 = arith.constant 0 : i32
        %dma_start3A_872 = tpu.memref_slice %arg12[%dma_start3A_870, %dma_start3A_871] : memref<1024x16xf32, #tpu.memory_space<vmem>> -> memref<128x16xf32, #tpu.memory_space<vmem>>
        %dma_start3A_873 = arith.constant 0 : i32
        %dma_start3A_874 = tpu.memref_slice %arg9[%add3A_868, %dma_start3A_873] : memref<80x128xi32, #tpu.memory_space<vmem>> -> memref<1x128xi32, #tpu.memory_space<vmem>>
        %dma_start3A_875 = tpu.memref_squeeze %dma_start3A_874 : memref<1x128xi32, #tpu.memory_space<vmem>> -> memref<128xi32, #tpu.memory_space<vmem>>
        %dma_start3A_876 = arith.constant 0 : i32
        %dma_start3A_877 = arith.constant 0 : i32
        %dma_start3A_878 = tpu.memref_slice %arg2[%dma_start3A_876, %dma_start3A_877] : memref<10240x16xf32, #tpu.memory_space<hbm>> -> memref<10240x16xf32, #tpu.memory_space<hbm>>
        %dma_start3A_879 = tpu.memref_slice %arg17[%dma_start3A_869] : memref<8x!tpu.dma_semaphore, #tpu.memory_space<semaphore_mem>> -> memref<1x!tpu.dma_semaphore, #tpu.memory_space<semaphore_mem>>
        %dma_start3A_880 = tpu.memref_squeeze %dma_start3A_879 : memref<1x!tpu.dma_semaphore, #tpu.memory_space<semaphore_mem>> -> memref<!tpu.dma_semaphore, #tpu.memory_space<semaphore_mem>>
        tpu.enqueue_indirect_dma source(%dma_start3A_878 : memref<10240x16xf32, #tpu.memory_space<hbm>>) target(%dma_start3A_872 : memref<128x16xf32, #tpu.memory_space<vmem>>) offsets(%dma_start3A_875 : memref<128xi32, #tpu.memory_space<vmem>>) semaphore(%dma_start3A_880 : memref<!tpu.dma_semaphore, #tpu.memory_space<semaphore_mem>>)
      } else {
      }
      %mul3A_547 = arith.constant 8 : i32
      %mul3A_548 = arith.muli %scan3A_378, %mul3A_547 : i32
      %add3A_549 = arith.constant 3 : i32
      %add3A_550 = arith.addi %mul3A_548, %add3A_549 : i32
      %dma_wait3A_551 = arith.constant 3 : i32
      %dma_wait3A_552 = arith.constant 384 : i32
      %dma_wait3A_553 = arith.constant 0 : i32
      %dma_wait3A_554 = tpu.memref_slice %arg12[%dma_wait3A_552, %dma_wait3A_553] : memref<1024x16xf32, #tpu.memory_space<vmem>> -> memref<128x16xf32, #tpu.memory_space<vmem>>
      %dma_wait3A_555 = arith.constant 0 : i32
      %dma_wait3A_556 = tpu.memref_slice %arg9[%add3A_550, %dma_wait3A_555] : memref<80x128xi32, #tpu.memory_space<vmem>> -> memref<1x128xi32, #tpu.memory_space<vmem>>
      %dma_wait3A_557 = tpu.memref_squeeze %dma_wait3A_556 : memref<1x128xi32, #tpu.memory_space<vmem>> -> memref<128xi32, #tpu.memory_space<vmem>>
      %dma_wait3A_558 = arith.constant 0 : i32
      %dma_wait3A_559 = arith.constant 0 : i32
      %dma_wait3A_560 = tpu.memref_slice %arg2[%dma_wait3A_558, %dma_wait3A_559] : memref<10240x16xf32, #tpu.memory_space<hbm>> -> memref<10240x16xf32, #tpu.memory_space<hbm>>
      %dma_wait3A_561 = tpu.memref_slice %arg17[%dma_wait3A_551] : memref<8x!tpu.dma_semaphore, #tpu.memory_space<semaphore_mem>> -> memref<1x!tpu.dma_semaphore, #tpu.memory_space<semaphore_mem>>
      %dma_wait3A_562 = tpu.memref_squeeze %dma_wait3A_561 : memref<1x!tpu.dma_semaphore, #tpu.memory_space<semaphore_mem>> -> memref<!tpu.dma_semaphore, #tpu.memory_space<semaphore_mem>>
      tpu.wait_indirect_dma semaphore(%dma_wait3A_562 : memref<!tpu.dma_semaphore, #tpu.memory_space<semaphore_mem>>) src(%dma_wait3A_560 : memref<10240x16xf32, #tpu.memory_space<hbm>>) dst(%dma_wait3A_554 : memref<128x16xf32, #tpu.memory_space<vmem>>)
      %dma_start3A_563 = arith.constant 3 : i32
      %dma_start3A_564 = arith.constant 384 : i32
      %dma_start3A_565 = arith.constant 0 : i32
      %dma_start3A_566 = tpu.memref_slice %arg12[%dma_start3A_564, %dma_start3A_565] : memref<1024x16xf32, #tpu.memory_space<vmem>> -> memref<128x16xf32, #tpu.memory_space<vmem>>
      %dma_start3A_567 = arith.constant 0 : i32
      %dma_start3A_568 = tpu.memref_slice %arg10[%add3A_550, %dma_start3A_567] : memref<80x128xi32, #tpu.memory_space<vmem>> -> memref<1x128xi32, #tpu.memory_space<vmem>>
      %dma_start3A_569 = tpu.memref_squeeze %dma_start3A_568 : memref<1x128xi32, #tpu.memory_space<vmem>> -> memref<128xi32, #tpu.memory_space<vmem>>
      %dma_start3A_570 = arith.constant 0 : i32
      %dma_start3A_571 = arith.constant 0 : i32
      %dma_start3A_572 = tpu.memref_slice %arg14[%dma_start3A_570, %dma_start3A_571] : memref<10240x16xf32, #tpu.memory_space<vmem_shared>> -> memref<10240x16xf32, #tpu.memory_space<vmem_shared>>
      %dma_start3A_573 = tpu.memref_slice %arg18[%dma_start3A_563] : memref<8x!tpu.dma_semaphore, #tpu.memory_space<semaphore_mem>> -> memref<1x!tpu.dma_semaphore, #tpu.memory_space<semaphore_mem>>
      %dma_start3A_574 = tpu.memref_squeeze %dma_start3A_573 : memref<1x!tpu.dma_semaphore, #tpu.memory_space<semaphore_mem>> -> memref<!tpu.dma_semaphore, #tpu.memory_space<semaphore_mem>>
      tpu.enqueue_indirect_dma source(%dma_start3A_566 : memref<128x16xf32, #tpu.memory_space<vmem>>) target(%dma_start3A_572 : memref<10240x16xf32, #tpu.memory_space<vmem_shared>>) offsets(%dma_start3A_569 : memref<128xi32, #tpu.memory_space<vmem>>) semaphore(%dma_start3A_574 : memref<!tpu.dma_semaphore, #tpu.memory_space<semaphore_mem>>) {add = true}
      %dma_start3A_575 = arith.constant 3 : i32
      %dma_start3A_576 = arith.constant 0 : i32
      %dma_start3A_577 = tpu.memref_slice %arg9[%add3A_550, %dma_start3A_576] : memref<80x128xi32, #tpu.memory_space<vmem>> -> memref<1x128xi32, #tpu.memory_space<vmem>>
      %dma_start3A_578 = tpu.memref_squeeze %dma_start3A_577 : memref<1x128xi32, #tpu.memory_space<vmem>> -> memref<128xi32, #tpu.memory_space<vmem>>
      %dma_start3A_579 = arith.constant 0 : i32
      %dma_start3A_580 = arith.constant 0 : i32
      %dma_start3A_581 = tpu.memref_slice %arg15[%dma_start3A_579, %dma_start3A_580] : memref<10240x16xf32, #tpu.memory_space<vmem_shared>> -> memref<10240x16xf32, #tpu.memory_space<vmem_shared>>
      %dma_start3A_582 = tpu.memref_slice %arg18[%dma_start3A_575] : memref<8x!tpu.dma_semaphore, #tpu.memory_space<semaphore_mem>> -> memref<1x!tpu.dma_semaphore, #tpu.memory_space<semaphore_mem>>
      %dma_start3A_583 = tpu.memref_squeeze %dma_start3A_582 : memref<1x!tpu.dma_semaphore, #tpu.memory_space<semaphore_mem>> -> memref<!tpu.dma_semaphore, #tpu.memory_space<semaphore_mem>>
      tpu.enqueue_indirect_dma source(%arg11 : memref<128x16xf32, #tpu.memory_space<vmem>>) target(%dma_start3A_581 : memref<10240x16xf32, #tpu.memory_space<vmem_shared>>) offsets(%dma_start3A_578 : memref<128xi32, #tpu.memory_space<vmem>>) semaphore(%dma_start3A_583 : memref<!tpu.dma_semaphore, #tpu.memory_space<semaphore_mem>>) {add = true}
      %dma_start3A_584 = arith.constant 3 : i32
      %dma_start3A_585 = arith.constant 0 : i32
      %dma_start3A_586 = tpu.memref_slice %arg10[%add3A_550, %dma_start3A_585] : memref<80x128xi32, #tpu.memory_space<vmem>> -> memref<1x128xi32, #tpu.memory_space<vmem>>
      %dma_start3A_587 = tpu.memref_squeeze %dma_start3A_586 : memref<1x128xi32, #tpu.memory_space<vmem>> -> memref<128xi32, #tpu.memory_space<vmem>>
      %dma_start3A_588 = arith.constant 0 : i32
      %dma_start3A_589 = arith.constant 0 : i32
      %dma_start3A_590 = tpu.memref_slice %arg16[%dma_start3A_588, %dma_start3A_589] : memref<10240x16xf32, #tpu.memory_space<vmem_shared>> -> memref<10240x16xf32, #tpu.memory_space<vmem_shared>>
      %dma_start3A_591 = tpu.memref_slice %arg18[%dma_start3A_584] : memref<8x!tpu.dma_semaphore, #tpu.memory_space<semaphore_mem>> -> memref<1x!tpu.dma_semaphore, #tpu.memory_space<semaphore_mem>>
      %dma_start3A_592 = tpu.memref_squeeze %dma_start3A_591 : memref<1x!tpu.dma_semaphore, #tpu.memory_space<semaphore_mem>> -> memref<!tpu.dma_semaphore, #tpu.memory_space<semaphore_mem>>
      tpu.enqueue_indirect_dma source(%arg11 : memref<128x16xf32, #tpu.memory_space<vmem>>) target(%dma_start3A_590 : memref<10240x16xf32, #tpu.memory_space<vmem_shared>>) offsets(%dma_start3A_587 : memref<128xi32, #tpu.memory_space<vmem>>) semaphore(%dma_start3A_592 : memref<!tpu.dma_semaphore, #tpu.memory_space<semaphore_mem>>) {add = true}
      %sub3A_593 = arith.constant 2 : i32
      %sub3A_594 = arith.subi %add3A_550, %sub3A_593 : i32
      %ge3A_595 = arith.constant 0 : i32
      %ge3A_596 = arith.cmpi sge, %sub3A_594, %ge3A_595 : i32
      %add3A_597 = arith.constant 8 : i32
      %add3A_598 = arith.addi %sub3A_594, %add3A_597 : i32
      %lt3A_599 = arith.constant 80 : i32
      %lt3A_600 = arith.cmpi slt, %add3A_598, %lt3A_599 : i32
      %and3A_601 = arith.andi %ge3A_596, %lt3A_600 : i1
      %convert_element_type3A_602 = arith.extui %and3A_601 : i1 to i32
      %cond3A_603 = arith.constant 0 : i32
      %cond3A_604 = arith.cmpi ne, %convert_element_type3A_602, %cond3A_603 : i32
      scf.if %cond3A_604 {
        %dma_wait3A_837 = arith.constant 1 : i32
        %dma_wait3A_838 = arith.constant 128 : i32
        %dma_wait3A_839 = arith.constant 0 : i32
        %dma_wait3A_840 = tpu.memref_slice %arg12[%dma_wait3A_838, %dma_wait3A_839] : memref<1024x16xf32, #tpu.memory_space<vmem>> -> memref<128x16xf32, #tpu.memory_space<vmem>>
        %dma_wait3A_841 = arith.constant 0 : i32
        %dma_wait3A_842 = tpu.memref_slice %arg10[%sub3A_594, %dma_wait3A_841] : memref<80x128xi32, #tpu.memory_space<vmem>> -> memref<1x128xi32, #tpu.memory_space<vmem>>
        %dma_wait3A_843 = tpu.memref_squeeze %dma_wait3A_842 : memref<1x128xi32, #tpu.memory_space<vmem>> -> memref<128xi32, #tpu.memory_space<vmem>>
        %dma_wait3A_844 = arith.constant 0 : i32
        %dma_wait3A_845 = arith.constant 0 : i32
        %dma_wait3A_846 = tpu.memref_slice %arg14[%dma_wait3A_844, %dma_wait3A_845] : memref<10240x16xf32, #tpu.memory_space<vmem_shared>> -> memref<10240x16xf32, #tpu.memory_space<vmem_shared>>
        %dma_wait3A_847 = tpu.memref_slice %arg18[%dma_wait3A_837] : memref<8x!tpu.dma_semaphore, #tpu.memory_space<semaphore_mem>> -> memref<1x!tpu.dma_semaphore, #tpu.memory_space<semaphore_mem>>
        %dma_wait3A_848 = tpu.memref_squeeze %dma_wait3A_847 : memref<1x!tpu.dma_semaphore, #tpu.memory_space<semaphore_mem>> -> memref<!tpu.dma_semaphore, #tpu.memory_space<semaphore_mem>>
        tpu.wait_indirect_dma semaphore(%dma_wait3A_848 : memref<!tpu.dma_semaphore, #tpu.memory_space<semaphore_mem>>) src(%dma_wait3A_840 : memref<128x16xf32, #tpu.memory_space<vmem>>) dst(%dma_wait3A_846 : memref<10240x16xf32, #tpu.memory_space<vmem_shared>>)
        %dma_wait3A_849 = arith.constant 1 : i32
        %dma_wait3A_850 = arith.constant 0 : i32
        %dma_wait3A_851 = tpu.memref_slice %arg9[%sub3A_594, %dma_wait3A_850] : memref<80x128xi32, #tpu.memory_space<vmem>> -> memref<1x128xi32, #tpu.memory_space<vmem>>
        %dma_wait3A_852 = tpu.memref_squeeze %dma_wait3A_851 : memref<1x128xi32, #tpu.memory_space<vmem>> -> memref<128xi32, #tpu.memory_space<vmem>>
        %dma_wait3A_853 = arith.constant 0 : i32
        %dma_wait3A_854 = arith.constant 0 : i32
        %dma_wait3A_855 = tpu.memref_slice %arg15[%dma_wait3A_853, %dma_wait3A_854] : memref<10240x16xf32, #tpu.memory_space<vmem_shared>> -> memref<10240x16xf32, #tpu.memory_space<vmem_shared>>
        %dma_wait3A_856 = tpu.memref_slice %arg18[%dma_wait3A_849] : memref<8x!tpu.dma_semaphore, #tpu.memory_space<semaphore_mem>> -> memref<1x!tpu.dma_semaphore, #tpu.memory_space<semaphore_mem>>
        %dma_wait3A_857 = tpu.memref_squeeze %dma_wait3A_856 : memref<1x!tpu.dma_semaphore, #tpu.memory_space<semaphore_mem>> -> memref<!tpu.dma_semaphore, #tpu.memory_space<semaphore_mem>>
        tpu.wait_indirect_dma semaphore(%dma_wait3A_857 : memref<!tpu.dma_semaphore, #tpu.memory_space<semaphore_mem>>) src(%arg11 : memref<128x16xf32, #tpu.memory_space<vmem>>) dst(%dma_wait3A_855 : memref<10240x16xf32, #tpu.memory_space<vmem_shared>>)
        %dma_wait3A_858 = arith.constant 1 : i32
        %dma_wait3A_859 = arith.constant 0 : i32
        %dma_wait3A_860 = tpu.memref_slice %arg10[%sub3A_594, %dma_wait3A_859] : memref<80x128xi32, #tpu.memory_space<vmem>> -> memref<1x128xi32, #tpu.memory_space<vmem>>
        %dma_wait3A_861 = tpu.memref_squeeze %dma_wait3A_860 : memref<1x128xi32, #tpu.memory_space<vmem>> -> memref<128xi32, #tpu.memory_space<vmem>>
        %dma_wait3A_862 = arith.constant 0 : i32
        %dma_wait3A_863 = arith.constant 0 : i32
        %dma_wait3A_864 = tpu.memref_slice %arg16[%dma_wait3A_862, %dma_wait3A_863] : memref<10240x16xf32, #tpu.memory_space<vmem_shared>> -> memref<10240x16xf32, #tpu.memory_space<vmem_shared>>
        %dma_wait3A_865 = tpu.memref_slice %arg18[%dma_wait3A_858] : memref<8x!tpu.dma_semaphore, #tpu.memory_space<semaphore_mem>> -> memref<1x!tpu.dma_semaphore, #tpu.memory_space<semaphore_mem>>
        %dma_wait3A_866 = tpu.memref_squeeze %dma_wait3A_865 : memref<1x!tpu.dma_semaphore, #tpu.memory_space<semaphore_mem>> -> memref<!tpu.dma_semaphore, #tpu.memory_space<semaphore_mem>>
        tpu.wait_indirect_dma semaphore(%dma_wait3A_866 : memref<!tpu.dma_semaphore, #tpu.memory_space<semaphore_mem>>) src(%arg11 : memref<128x16xf32, #tpu.memory_space<vmem>>) dst(%dma_wait3A_864 : memref<10240x16xf32, #tpu.memory_space<vmem_shared>>)
        %add3A_867 = arith.constant 8 : i32
        %add3A_868 = arith.addi %sub3A_594, %add3A_867 : i32
        %dma_start3A_869 = arith.constant 1 : i32
        %dma_start3A_870 = arith.constant 128 : i32
        %dma_start3A_871 = arith.constant 0 : i32
        %dma_start3A_872 = tpu.memref_slice %arg12[%dma_start3A_870, %dma_start3A_871] : memref<1024x16xf32, #tpu.memory_space<vmem>> -> memref<128x16xf32, #tpu.memory_space<vmem>>
        %dma_start3A_873 = arith.constant 0 : i32
        %dma_start3A_874 = tpu.memref_slice %arg9[%add3A_868, %dma_start3A_873] : memref<80x128xi32, #tpu.memory_space<vmem>> -> memref<1x128xi32, #tpu.memory_space<vmem>>
        %dma_start3A_875 = tpu.memref_squeeze %dma_start3A_874 : memref<1x128xi32, #tpu.memory_space<vmem>> -> memref<128xi32, #tpu.memory_space<vmem>>
        %dma_start3A_876 = arith.constant 0 : i32
        %dma_start3A_877 = arith.constant 0 : i32
        %dma_start3A_878 = tpu.memref_slice %arg2[%dma_start3A_876, %dma_start3A_877] : memref<10240x16xf32, #tpu.memory_space<hbm>> -> memref<10240x16xf32, #tpu.memory_space<hbm>>
        %dma_start3A_879 = tpu.memref_slice %arg17[%dma_start3A_869] : memref<8x!tpu.dma_semaphore, #tpu.memory_space<semaphore_mem>> -> memref<1x!tpu.dma_semaphore, #tpu.memory_space<semaphore_mem>>
        %dma_start3A_880 = tpu.memref_squeeze %dma_start3A_879 : memref<1x!tpu.dma_semaphore, #tpu.memory_space<semaphore_mem>> -> memref<!tpu.dma_semaphore, #tpu.memory_space<semaphore_mem>>
        tpu.enqueue_indirect_dma source(%dma_start3A_878 : memref<10240x16xf32, #tpu.memory_space<hbm>>) target(%dma_start3A_872 : memref<128x16xf32, #tpu.memory_space<vmem>>) offsets(%dma_start3A_875 : memref<128xi32, #tpu.memory_space<vmem>>) semaphore(%dma_start3A_880 : memref<!tpu.dma_semaphore, #tpu.memory_space<semaphore_mem>>)
      } else {
      }
      %mul3A_605 = arith.constant 8 : i32
      %mul3A_606 = arith.muli %scan3A_378, %mul3A_605 : i32
      %add3A_607 = arith.constant 4 : i32
      %add3A_608 = arith.addi %mul3A_606, %add3A_607 : i32
      %dma_wait3A_609 = arith.constant 4 : i32
      %dma_wait3A_610 = arith.constant 512 : i32
      %dma_wait3A_611 = arith.constant 0 : i32
      %dma_wait3A_612 = tpu.memref_slice %arg12[%dma_wait3A_610, %dma_wait3A_611] : memref<1024x16xf32, #tpu.memory_space<vmem>> -> memref<128x16xf32, #tpu.memory_space<vmem>>
      %dma_wait3A_613 = arith.constant 0 : i32
      %dma_wait3A_614 = tpu.memref_slice %arg9[%add3A_608, %dma_wait3A_613] : memref<80x128xi32, #tpu.memory_space<vmem>> -> memref<1x128xi32, #tpu.memory_space<vmem>>
      %dma_wait3A_615 = tpu.memref_squeeze %dma_wait3A_614 : memref<1x128xi32, #tpu.memory_space<vmem>> -> memref<128xi32, #tpu.memory_space<vmem>>
      %dma_wait3A_616 = arith.constant 0 : i32
      %dma_wait3A_617 = arith.constant 0 : i32
      %dma_wait3A_618 = tpu.memref_slice %arg2[%dma_wait3A_616, %dma_wait3A_617] : memref<10240x16xf32, #tpu.memory_space<hbm>> -> memref<10240x16xf32, #tpu.memory_space<hbm>>
      %dma_wait3A_619 = tpu.memref_slice %arg17[%dma_wait3A_609] : memref<8x!tpu.dma_semaphore, #tpu.memory_space<semaphore_mem>> -> memref<1x!tpu.dma_semaphore, #tpu.memory_space<semaphore_mem>>
      %dma_wait3A_620 = tpu.memref_squeeze %dma_wait3A_619 : memref<1x!tpu.dma_semaphore, #tpu.memory_space<semaphore_mem>> -> memref<!tpu.dma_semaphore, #tpu.memory_space<semaphore_mem>>
      tpu.wait_indirect_dma semaphore(%dma_wait3A_620 : memref<!tpu.dma_semaphore, #tpu.memory_space<semaphore_mem>>) src(%dma_wait3A_618 : memref<10240x16xf32, #tpu.memory_space<hbm>>) dst(%dma_wait3A_612 : memref<128x16xf32, #tpu.memory_space<vmem>>)
      %dma_start3A_621 = arith.constant 4 : i32
      %dma_start3A_622 = arith.constant 512 : i32
      %dma_start3A_623 = arith.constant 0 : i32
      %dma_start3A_624 = tpu.memref_slice %arg12[%dma_start3A_622, %dma_start3A_623] : memref<1024x16xf32, #tpu.memory_space<vmem>> -> memref<128x16xf32, #tpu.memory_space<vmem>>
      %dma_start3A_625 = arith.constant 0 : i32
      %dma_start3A_626 = tpu.memref_slice %arg10[%add3A_608, %dma_start3A_625] : memref<80x128xi32, #tpu.memory_space<vmem>> -> memref<1x128xi32, #tpu.memory_space<vmem>>
      %dma_start3A_627 = tpu.memref_squeeze %dma_start3A_626 : memref<1x128xi32, #tpu.memory_space<vmem>> -> memref<128xi32, #tpu.memory_space<vmem>>
      %dma_start3A_628 = arith.constant 0 : i32
      %dma_start3A_629 = arith.constant 0 : i32
      %dma_start3A_630 = tpu.memref_slice %arg14[%dma_start3A_628, %dma_start3A_629] : memref<10240x16xf32, #tpu.memory_space<vmem_shared>> -> memref<10240x16xf32, #tpu.memory_space<vmem_shared>>
      %dma_start3A_631 = tpu.memref_slice %arg18[%dma_start3A_621] : memref<8x!tpu.dma_semaphore, #tpu.memory_space<semaphore_mem>> -> memref<1x!tpu.dma_semaphore, #tpu.memory_space<semaphore_mem>>
      %dma_start3A_632 = tpu.memref_squeeze %dma_start3A_631 : memref<1x!tpu.dma_semaphore, #tpu.memory_space<semaphore_mem>> -> memref<!tpu.dma_semaphore, #tpu.memory_space<semaphore_mem>>
      tpu.enqueue_indirect_dma source(%dma_start3A_624 : memref<128x16xf32, #tpu.memory_space<vmem>>) target(%dma_start3A_630 : memref<10240x16xf32, #tpu.memory_space<vmem_shared>>) offsets(%dma_start3A_627 : memref<128xi32, #tpu.memory_space<vmem>>) semaphore(%dma_start3A_632 : memref<!tpu.dma_semaphore, #tpu.memory_space<semaphore_mem>>) {add = true}
      %dma_start3A_633 = arith.constant 4 : i32
      %dma_start3A_634 = arith.constant 0 : i32
      %dma_start3A_635 = tpu.memref_slice %arg9[%add3A_608, %dma_start3A_634] : memref<80x128xi32, #tpu.memory_space<vmem>> -> memref<1x128xi32, #tpu.memory_space<vmem>>
      %dma_start3A_636 = tpu.memref_squeeze %dma_start3A_635 : memref<1x128xi32, #tpu.memory_space<vmem>> -> memref<128xi32, #tpu.memory_space<vmem>>
      %dma_start3A_637 = arith.constant 0 : i32
      %dma_start3A_638 = arith.constant 0 : i32
      %dma_start3A_639 = tpu.memref_slice %arg15[%dma_start3A_637, %dma_start3A_638] : memref<10240x16xf32, #tpu.memory_space<vmem_shared>> -> memref<10240x16xf32, #tpu.memory_space<vmem_shared>>
      %dma_start3A_640 = tpu.memref_slice %arg18[%dma_start3A_633] : memref<8x!tpu.dma_semaphore, #tpu.memory_space<semaphore_mem>> -> memref<1x!tpu.dma_semaphore, #tpu.memory_space<semaphore_mem>>
      %dma_start3A_641 = tpu.memref_squeeze %dma_start3A_640 : memref<1x!tpu.dma_semaphore, #tpu.memory_space<semaphore_mem>> -> memref<!tpu.dma_semaphore, #tpu.memory_space<semaphore_mem>>
      tpu.enqueue_indirect_dma source(%arg11 : memref<128x16xf32, #tpu.memory_space<vmem>>) target(%dma_start3A_639 : memref<10240x16xf32, #tpu.memory_space<vmem_shared>>) offsets(%dma_start3A_636 : memref<128xi32, #tpu.memory_space<vmem>>) semaphore(%dma_start3A_641 : memref<!tpu.dma_semaphore, #tpu.memory_space<semaphore_mem>>) {add = true}
      %dma_start3A_642 = arith.constant 4 : i32
      %dma_start3A_643 = arith.constant 0 : i32
      %dma_start3A_644 = tpu.memref_slice %arg10[%add3A_608, %dma_start3A_643] : memref<80x128xi32, #tpu.memory_space<vmem>> -> memref<1x128xi32, #tpu.memory_space<vmem>>
      %dma_start3A_645 = tpu.memref_squeeze %dma_start3A_644 : memref<1x128xi32, #tpu.memory_space<vmem>> -> memref<128xi32, #tpu.memory_space<vmem>>
      %dma_start3A_646 = arith.constant 0 : i32
      %dma_start3A_647 = arith.constant 0 : i32
      %dma_start3A_648 = tpu.memref_slice %arg16[%dma_start3A_646, %dma_start3A_647] : memref<10240x16xf32, #tpu.memory_space<vmem_shared>> -> memref<10240x16xf32, #tpu.memory_space<vmem_shared>>
      %dma_start3A_649 = tpu.memref_slice %arg18[%dma_start3A_642] : memref<8x!tpu.dma_semaphore, #tpu.memory_space<semaphore_mem>> -> memref<1x!tpu.dma_semaphore, #tpu.memory_space<semaphore_mem>>
      %dma_start3A_650 = tpu.memref_squeeze %dma_start3A_649 : memref<1x!tpu.dma_semaphore, #tpu.memory_space<semaphore_mem>> -> memref<!tpu.dma_semaphore, #tpu.memory_space<semaphore_mem>>
      tpu.enqueue_indirect_dma source(%arg11 : memref<128x16xf32, #tpu.memory_space<vmem>>) target(%dma_start3A_648 : memref<10240x16xf32, #tpu.memory_space<vmem_shared>>) offsets(%dma_start3A_645 : memref<128xi32, #tpu.memory_space<vmem>>) semaphore(%dma_start3A_650 : memref<!tpu.dma_semaphore, #tpu.memory_space<semaphore_mem>>) {add = true}
      %sub3A_651 = arith.constant 2 : i32
      %sub3A_652 = arith.subi %add3A_608, %sub3A_651 : i32
      %ge3A_653 = arith.constant 0 : i32
      %ge3A_654 = arith.cmpi sge, %sub3A_652, %ge3A_653 : i32
      %add3A_655 = arith.constant 8 : i32
      %add3A_656 = arith.addi %sub3A_652, %add3A_655 : i32
      %lt3A_657 = arith.constant 80 : i32
      %lt3A_658 = arith.cmpi slt, %add3A_656, %lt3A_657 : i32
      %and3A_659 = arith.andi %ge3A_654, %lt3A_658 : i1
      %convert_element_type3A_660 = arith.extui %and3A_659 : i1 to i32
      %cond3A_661 = arith.constant 0 : i32
      %cond3A_662 = arith.cmpi ne, %convert_element_type3A_660, %cond3A_661 : i32
      scf.if %cond3A_662 {
        %dma_wait3A_837 = arith.constant 2 : i32
        %dma_wait3A_838 = arith.constant 256 : i32
        %dma_wait3A_839 = arith.constant 0 : i32
        %dma_wait3A_840 = tpu.memref_slice %arg12[%dma_wait3A_838, %dma_wait3A_839] : memref<1024x16xf32, #tpu.memory_space<vmem>> -> memref<128x16xf32, #tpu.memory_space<vmem>>
        %dma_wait3A_841 = arith.constant 0 : i32
        %dma_wait3A_842 = tpu.memref_slice %arg10[%sub3A_652, %dma_wait3A_841] : memref<80x128xi32, #tpu.memory_space<vmem>> -> memref<1x128xi32, #tpu.memory_space<vmem>>
        %dma_wait3A_843 = tpu.memref_squeeze %dma_wait3A_842 : memref<1x128xi32, #tpu.memory_space<vmem>> -> memref<128xi32, #tpu.memory_space<vmem>>
        %dma_wait3A_844 = arith.constant 0 : i32
        %dma_wait3A_845 = arith.constant 0 : i32
        %dma_wait3A_846 = tpu.memref_slice %arg14[%dma_wait3A_844, %dma_wait3A_845] : memref<10240x16xf32, #tpu.memory_space<vmem_shared>> -> memref<10240x16xf32, #tpu.memory_space<vmem_shared>>
        %dma_wait3A_847 = tpu.memref_slice %arg18[%dma_wait3A_837] : memref<8x!tpu.dma_semaphore, #tpu.memory_space<semaphore_mem>> -> memref<1x!tpu.dma_semaphore, #tpu.memory_space<semaphore_mem>>
        %dma_wait3A_848 = tpu.memref_squeeze %dma_wait3A_847 : memref<1x!tpu.dma_semaphore, #tpu.memory_space<semaphore_mem>> -> memref<!tpu.dma_semaphore, #tpu.memory_space<semaphore_mem>>
        tpu.wait_indirect_dma semaphore(%dma_wait3A_848 : memref<!tpu.dma_semaphore, #tpu.memory_space<semaphore_mem>>) src(%dma_wait3A_840 : memref<128x16xf32, #tpu.memory_space<vmem>>) dst(%dma_wait3A_846 : memref<10240x16xf32, #tpu.memory_space<vmem_shared>>)
        %dma_wait3A_849 = arith.constant 2 : i32
        %dma_wait3A_850 = arith.constant 0 : i32
        %dma_wait3A_851 = tpu.memref_slice %arg9[%sub3A_652, %dma_wait3A_850] : memref<80x128xi32, #tpu.memory_space<vmem>> -> memref<1x128xi32, #tpu.memory_space<vmem>>
        %dma_wait3A_852 = tpu.memref_squeeze %dma_wait3A_851 : memref<1x128xi32, #tpu.memory_space<vmem>> -> memref<128xi32, #tpu.memory_space<vmem>>
        %dma_wait3A_853 = arith.constant 0 : i32
        %dma_wait3A_854 = arith.constant 0 : i32
        %dma_wait3A_855 = tpu.memref_slice %arg15[%dma_wait3A_853, %dma_wait3A_854] : memref<10240x16xf32, #tpu.memory_space<vmem_shared>> -> memref<10240x16xf32, #tpu.memory_space<vmem_shared>>
        %dma_wait3A_856 = tpu.memref_slice %arg18[%dma_wait3A_849] : memref<8x!tpu.dma_semaphore, #tpu.memory_space<semaphore_mem>> -> memref<1x!tpu.dma_semaphore, #tpu.memory_space<semaphore_mem>>
        %dma_wait3A_857 = tpu.memref_squeeze %dma_wait3A_856 : memref<1x!tpu.dma_semaphore, #tpu.memory_space<semaphore_mem>> -> memref<!tpu.dma_semaphore, #tpu.memory_space<semaphore_mem>>
        tpu.wait_indirect_dma semaphore(%dma_wait3A_857 : memref<!tpu.dma_semaphore, #tpu.memory_space<semaphore_mem>>) src(%arg11 : memref<128x16xf32, #tpu.memory_space<vmem>>) dst(%dma_wait3A_855 : memref<10240x16xf32, #tpu.memory_space<vmem_shared>>)
        %dma_wait3A_858 = arith.constant 2 : i32
        %dma_wait3A_859 = arith.constant 0 : i32
        %dma_wait3A_860 = tpu.memref_slice %arg10[%sub3A_652, %dma_wait3A_859] : memref<80x128xi32, #tpu.memory_space<vmem>> -> memref<1x128xi32, #tpu.memory_space<vmem>>
        %dma_wait3A_861 = tpu.memref_squeeze %dma_wait3A_860 : memref<1x128xi32, #tpu.memory_space<vmem>> -> memref<128xi32, #tpu.memory_space<vmem>>
        %dma_wait3A_862 = arith.constant 0 : i32
        %dma_wait3A_863 = arith.constant 0 : i32
        %dma_wait3A_864 = tpu.memref_slice %arg16[%dma_wait3A_862, %dma_wait3A_863] : memref<10240x16xf32, #tpu.memory_space<vmem_shared>> -> memref<10240x16xf32, #tpu.memory_space<vmem_shared>>
        %dma_wait3A_865 = tpu.memref_slice %arg18[%dma_wait3A_858] : memref<8x!tpu.dma_semaphore, #tpu.memory_space<semaphore_mem>> -> memref<1x!tpu.dma_semaphore, #tpu.memory_space<semaphore_mem>>
        %dma_wait3A_866 = tpu.memref_squeeze %dma_wait3A_865 : memref<1x!tpu.dma_semaphore, #tpu.memory_space<semaphore_mem>> -> memref<!tpu.dma_semaphore, #tpu.memory_space<semaphore_mem>>
        tpu.wait_indirect_dma semaphore(%dma_wait3A_866 : memref<!tpu.dma_semaphore, #tpu.memory_space<semaphore_mem>>) src(%arg11 : memref<128x16xf32, #tpu.memory_space<vmem>>) dst(%dma_wait3A_864 : memref<10240x16xf32, #tpu.memory_space<vmem_shared>>)
        %add3A_867 = arith.constant 8 : i32
        %add3A_868 = arith.addi %sub3A_652, %add3A_867 : i32
        %dma_start3A_869 = arith.constant 2 : i32
        %dma_start3A_870 = arith.constant 256 : i32
        %dma_start3A_871 = arith.constant 0 : i32
        %dma_start3A_872 = tpu.memref_slice %arg12[%dma_start3A_870, %dma_start3A_871] : memref<1024x16xf32, #tpu.memory_space<vmem>> -> memref<128x16xf32, #tpu.memory_space<vmem>>
        %dma_start3A_873 = arith.constant 0 : i32
        %dma_start3A_874 = tpu.memref_slice %arg9[%add3A_868, %dma_start3A_873] : memref<80x128xi32, #tpu.memory_space<vmem>> -> memref<1x128xi32, #tpu.memory_space<vmem>>
        %dma_start3A_875 = tpu.memref_squeeze %dma_start3A_874 : memref<1x128xi32, #tpu.memory_space<vmem>> -> memref<128xi32, #tpu.memory_space<vmem>>
        %dma_start3A_876 = arith.constant 0 : i32
        %dma_start3A_877 = arith.constant 0 : i32
        %dma_start3A_878 = tpu.memref_slice %arg2[%dma_start3A_876, %dma_start3A_877] : memref<10240x16xf32, #tpu.memory_space<hbm>> -> memref<10240x16xf32, #tpu.memory_space<hbm>>
        %dma_start3A_879 = tpu.memref_slice %arg17[%dma_start3A_869] : memref<8x!tpu.dma_semaphore, #tpu.memory_space<semaphore_mem>> -> memref<1x!tpu.dma_semaphore, #tpu.memory_space<semaphore_mem>>
        %dma_start3A_880 = tpu.memref_squeeze %dma_start3A_879 : memref<1x!tpu.dma_semaphore, #tpu.memory_space<semaphore_mem>> -> memref<!tpu.dma_semaphore, #tpu.memory_space<semaphore_mem>>
        tpu.enqueue_indirect_dma source(%dma_start3A_878 : memref<10240x16xf32, #tpu.memory_space<hbm>>) target(%dma_start3A_872 : memref<128x16xf32, #tpu.memory_space<vmem>>) offsets(%dma_start3A_875 : memref<128xi32, #tpu.memory_space<vmem>>) semaphore(%dma_start3A_880 : memref<!tpu.dma_semaphore, #tpu.memory_space<semaphore_mem>>)
      } else {
      }
      %mul3A_663 = arith.constant 8 : i32
      %mul3A_664 = arith.muli %scan3A_378, %mul3A_663 : i32
      %add3A_665 = arith.constant 5 : i32
      %add3A_666 = arith.addi %mul3A_664, %add3A_665 : i32
      %dma_wait3A_667 = arith.constant 5 : i32
      %dma_wait3A_668 = arith.constant 640 : i32
      %dma_wait3A_669 = arith.constant 0 : i32
      %dma_wait3A_670 = tpu.memref_slice %arg12[%dma_wait3A_668, %dma_wait3A_669] : memref<1024x16xf32, #tpu.memory_space<vmem>> -> memref<128x16xf32, #tpu.memory_space<vmem>>
      %dma_wait3A_671 = arith.constant 0 : i32
      %dma_wait3A_672 = tpu.memref_slice %arg9[%add3A_666, %dma_wait3A_671] : memref<80x128xi32, #tpu.memory_space<vmem>> -> memref<1x128xi32, #tpu.memory_space<vmem>>
      %dma_wait3A_673 = tpu.memref_squeeze %dma_wait3A_672 : memref<1x128xi32, #tpu.memory_space<vmem>> -> memref<128xi32, #tpu.memory_space<vmem>>
      %dma_wait3A_674 = arith.constant 0 : i32
      %dma_wait3A_675 = arith.constant 0 : i32
      %dma_wait3A_676 = tpu.memref_slice %arg2[%dma_wait3A_674, %dma_wait3A_675] : memref<10240x16xf32, #tpu.memory_space<hbm>> -> memref<10240x16xf32, #tpu.memory_space<hbm>>
      %dma_wait3A_677 = tpu.memref_slice %arg17[%dma_wait3A_667] : memref<8x!tpu.dma_semaphore, #tpu.memory_space<semaphore_mem>> -> memref<1x!tpu.dma_semaphore, #tpu.memory_space<semaphore_mem>>
      %dma_wait3A_678 = tpu.memref_squeeze %dma_wait3A_677 : memref<1x!tpu.dma_semaphore, #tpu.memory_space<semaphore_mem>> -> memref<!tpu.dma_semaphore, #tpu.memory_space<semaphore_mem>>
      tpu.wait_indirect_dma semaphore(%dma_wait3A_678 : memref<!tpu.dma_semaphore, #tpu.memory_space<semaphore_mem>>) src(%dma_wait3A_676 : memref<10240x16xf32, #tpu.memory_space<hbm>>) dst(%dma_wait3A_670 : memref<128x16xf32, #tpu.memory_space<vmem>>)
      %dma_start3A_679 = arith.constant 5 : i32
      %dma_start3A_680 = arith.constant 640 : i32
      %dma_start3A_681 = arith.constant 0 : i32
      %dma_start3A_682 = tpu.memref_slice %arg12[%dma_start3A_680, %dma_start3A_681] : memref<1024x16xf32, #tpu.memory_space<vmem>> -> memref<128x16xf32, #tpu.memory_space<vmem>>
      %dma_start3A_683 = arith.constant 0 : i32
      %dma_start3A_684 = tpu.memref_slice %arg10[%add3A_666, %dma_start3A_683] : memref<80x128xi32, #tpu.memory_space<vmem>> -> memref<1x128xi32, #tpu.memory_space<vmem>>
      %dma_start3A_685 = tpu.memref_squeeze %dma_start3A_684 : memref<1x128xi32, #tpu.memory_space<vmem>> -> memref<128xi32, #tpu.memory_space<vmem>>
      %dma_start3A_686 = arith.constant 0 : i32
      %dma_start3A_687 = arith.constant 0 : i32
      %dma_start3A_688 = tpu.memref_slice %arg14[%dma_start3A_686, %dma_start3A_687] : memref<10240x16xf32, #tpu.memory_space<vmem_shared>> -> memref<10240x16xf32, #tpu.memory_space<vmem_shared>>
      %dma_start3A_689 = tpu.memref_slice %arg18[%dma_start3A_679] : memref<8x!tpu.dma_semaphore, #tpu.memory_space<semaphore_mem>> -> memref<1x!tpu.dma_semaphore, #tpu.memory_space<semaphore_mem>>
      %dma_start3A_690 = tpu.memref_squeeze %dma_start3A_689 : memref<1x!tpu.dma_semaphore, #tpu.memory_space<semaphore_mem>> -> memref<!tpu.dma_semaphore, #tpu.memory_space<semaphore_mem>>
      tpu.enqueue_indirect_dma source(%dma_start3A_682 : memref<128x16xf32, #tpu.memory_space<vmem>>) target(%dma_start3A_688 : memref<10240x16xf32, #tpu.memory_space<vmem_shared>>) offsets(%dma_start3A_685 : memref<128xi32, #tpu.memory_space<vmem>>) semaphore(%dma_start3A_690 : memref<!tpu.dma_semaphore, #tpu.memory_space<semaphore_mem>>) {add = true}
      %dma_start3A_691 = arith.constant 5 : i32
      %dma_start3A_692 = arith.constant 0 : i32
      %dma_start3A_693 = tpu.memref_slice %arg9[%add3A_666, %dma_start3A_692] : memref<80x128xi32, #tpu.memory_space<vmem>> -> memref<1x128xi32, #tpu.memory_space<vmem>>
      %dma_start3A_694 = tpu.memref_squeeze %dma_start3A_693 : memref<1x128xi32, #tpu.memory_space<vmem>> -> memref<128xi32, #tpu.memory_space<vmem>>
      %dma_start3A_695 = arith.constant 0 : i32
      %dma_start3A_696 = arith.constant 0 : i32
      %dma_start3A_697 = tpu.memref_slice %arg15[%dma_start3A_695, %dma_start3A_696] : memref<10240x16xf32, #tpu.memory_space<vmem_shared>> -> memref<10240x16xf32, #tpu.memory_space<vmem_shared>>
      %dma_start3A_698 = tpu.memref_slice %arg18[%dma_start3A_691] : memref<8x!tpu.dma_semaphore, #tpu.memory_space<semaphore_mem>> -> memref<1x!tpu.dma_semaphore, #tpu.memory_space<semaphore_mem>>
      %dma_start3A_699 = tpu.memref_squeeze %dma_start3A_698 : memref<1x!tpu.dma_semaphore, #tpu.memory_space<semaphore_mem>> -> memref<!tpu.dma_semaphore, #tpu.memory_space<semaphore_mem>>
      tpu.enqueue_indirect_dma source(%arg11 : memref<128x16xf32, #tpu.memory_space<vmem>>) target(%dma_start3A_697 : memref<10240x16xf32, #tpu.memory_space<vmem_shared>>) offsets(%dma_start3A_694 : memref<128xi32, #tpu.memory_space<vmem>>) semaphore(%dma_start3A_699 : memref<!tpu.dma_semaphore, #tpu.memory_space<semaphore_mem>>) {add = true}
      %dma_start3A_700 = arith.constant 5 : i32
      %dma_start3A_701 = arith.constant 0 : i32
      %dma_start3A_702 = tpu.memref_slice %arg10[%add3A_666, %dma_start3A_701] : memref<80x128xi32, #tpu.memory_space<vmem>> -> memref<1x128xi32, #tpu.memory_space<vmem>>
      %dma_start3A_703 = tpu.memref_squeeze %dma_start3A_702 : memref<1x128xi32, #tpu.memory_space<vmem>> -> memref<128xi32, #tpu.memory_space<vmem>>
      %dma_start3A_704 = arith.constant 0 : i32
      %dma_start3A_705 = arith.constant 0 : i32
      %dma_start3A_706 = tpu.memref_slice %arg16[%dma_start3A_704, %dma_start3A_705] : memref<10240x16xf32, #tpu.memory_space<vmem_shared>> -> memref<10240x16xf32, #tpu.memory_space<vmem_shared>>
      %dma_start3A_707 = tpu.memref_slice %arg18[%dma_start3A_700] : memref<8x!tpu.dma_semaphore, #tpu.memory_space<semaphore_mem>> -> memref<1x!tpu.dma_semaphore, #tpu.memory_space<semaphore_mem>>
      %dma_start3A_708 = tpu.memref_squeeze %dma_start3A_707 : memref<1x!tpu.dma_semaphore, #tpu.memory_space<semaphore_mem>> -> memref<!tpu.dma_semaphore, #tpu.memory_space<semaphore_mem>>
      tpu.enqueue_indirect_dma source(%arg11 : memref<128x16xf32, #tpu.memory_space<vmem>>) target(%dma_start3A_706 : memref<10240x16xf32, #tpu.memory_space<vmem_shared>>) offsets(%dma_start3A_703 : memref<128xi32, #tpu.memory_space<vmem>>) semaphore(%dma_start3A_708 : memref<!tpu.dma_semaphore, #tpu.memory_space<semaphore_mem>>) {add = true}
      %sub3A_709 = arith.constant 2 : i32
      %sub3A_710 = arith.subi %add3A_666, %sub3A_709 : i32
      %ge3A_711 = arith.constant 0 : i32
      %ge3A_712 = arith.cmpi sge, %sub3A_710, %ge3A_711 : i32
      %add3A_713 = arith.constant 8 : i32
      %add3A_714 = arith.addi %sub3A_710, %add3A_713 : i32
      %lt3A_715 = arith.constant 80 : i32
      %lt3A_716 = arith.cmpi slt, %add3A_714, %lt3A_715 : i32
      %and3A_717 = arith.andi %ge3A_712, %lt3A_716 : i1
      %convert_element_type3A_718 = arith.extui %and3A_717 : i1 to i32
      %cond3A_719 = arith.constant 0 : i32
      %cond3A_720 = arith.cmpi ne, %convert_element_type3A_718, %cond3A_719 : i32
      scf.if %cond3A_720 {
        %dma_wait3A_837 = arith.constant 3 : i32
        %dma_wait3A_838 = arith.constant 384 : i32
        %dma_wait3A_839 = arith.constant 0 : i32
        %dma_wait3A_840 = tpu.memref_slice %arg12[%dma_wait3A_838, %dma_wait3A_839] : memref<1024x16xf32, #tpu.memory_space<vmem>> -> memref<128x16xf32, #tpu.memory_space<vmem>>
        %dma_wait3A_841 = arith.constant 0 : i32
        %dma_wait3A_842 = tpu.memref_slice %arg10[%sub3A_710, %dma_wait3A_841] : memref<80x128xi32, #tpu.memory_space<vmem>> -> memref<1x128xi32, #tpu.memory_space<vmem>>
        %dma_wait3A_843 = tpu.memref_squeeze %dma_wait3A_842 : memref<1x128xi32, #tpu.memory_space<vmem>> -> memref<128xi32, #tpu.memory_space<vmem>>
        %dma_wait3A_844 = arith.constant 0 : i32
        %dma_wait3A_845 = arith.constant 0 : i32
        %dma_wait3A_846 = tpu.memref_slice %arg14[%dma_wait3A_844, %dma_wait3A_845] : memref<10240x16xf32, #tpu.memory_space<vmem_shared>> -> memref<10240x16xf32, #tpu.memory_space<vmem_shared>>
        %dma_wait3A_847 = tpu.memref_slice %arg18[%dma_wait3A_837] : memref<8x!tpu.dma_semaphore, #tpu.memory_space<semaphore_mem>> -> memref<1x!tpu.dma_semaphore, #tpu.memory_space<semaphore_mem>>
        %dma_wait3A_848 = tpu.memref_squeeze %dma_wait3A_847 : memref<1x!tpu.dma_semaphore, #tpu.memory_space<semaphore_mem>> -> memref<!tpu.dma_semaphore, #tpu.memory_space<semaphore_mem>>
        tpu.wait_indirect_dma semaphore(%dma_wait3A_848 : memref<!tpu.dma_semaphore, #tpu.memory_space<semaphore_mem>>) src(%dma_wait3A_840 : memref<128x16xf32, #tpu.memory_space<vmem>>) dst(%dma_wait3A_846 : memref<10240x16xf32, #tpu.memory_space<vmem_shared>>)
        %dma_wait3A_849 = arith.constant 3 : i32
        %dma_wait3A_850 = arith.constant 0 : i32
        %dma_wait3A_851 = tpu.memref_slice %arg9[%sub3A_710, %dma_wait3A_850] : memref<80x128xi32, #tpu.memory_space<vmem>> -> memref<1x128xi32, #tpu.memory_space<vmem>>
        %dma_wait3A_852 = tpu.memref_squeeze %dma_wait3A_851 : memref<1x128xi32, #tpu.memory_space<vmem>> -> memref<128xi32, #tpu.memory_space<vmem>>
        %dma_wait3A_853 = arith.constant 0 : i32
        %dma_wait3A_854 = arith.constant 0 : i32
        %dma_wait3A_855 = tpu.memref_slice %arg15[%dma_wait3A_853, %dma_wait3A_854] : memref<10240x16xf32, #tpu.memory_space<vmem_shared>> -> memref<10240x16xf32, #tpu.memory_space<vmem_shared>>
        %dma_wait3A_856 = tpu.memref_slice %arg18[%dma_wait3A_849] : memref<8x!tpu.dma_semaphore, #tpu.memory_space<semaphore_mem>> -> memref<1x!tpu.dma_semaphore, #tpu.memory_space<semaphore_mem>>
        %dma_wait3A_857 = tpu.memref_squeeze %dma_wait3A_856 : memref<1x!tpu.dma_semaphore, #tpu.memory_space<semaphore_mem>> -> memref<!tpu.dma_semaphore, #tpu.memory_space<semaphore_mem>>
        tpu.wait_indirect_dma semaphore(%dma_wait3A_857 : memref<!tpu.dma_semaphore, #tpu.memory_space<semaphore_mem>>) src(%arg11 : memref<128x16xf32, #tpu.memory_space<vmem>>) dst(%dma_wait3A_855 : memref<10240x16xf32, #tpu.memory_space<vmem_shared>>)
        %dma_wait3A_858 = arith.constant 3 : i32
        %dma_wait3A_859 = arith.constant 0 : i32
        %dma_wait3A_860 = tpu.memref_slice %arg10[%sub3A_710, %dma_wait3A_859] : memref<80x128xi32, #tpu.memory_space<vmem>> -> memref<1x128xi32, #tpu.memory_space<vmem>>
        %dma_wait3A_861 = tpu.memref_squeeze %dma_wait3A_860 : memref<1x128xi32, #tpu.memory_space<vmem>> -> memref<128xi32, #tpu.memory_space<vmem>>
        %dma_wait3A_862 = arith.constant 0 : i32
        %dma_wait3A_863 = arith.constant 0 : i32
        %dma_wait3A_864 = tpu.memref_slice %arg16[%dma_wait3A_862, %dma_wait3A_863] : memref<10240x16xf32, #tpu.memory_space<vmem_shared>> -> memref<10240x16xf32, #tpu.memory_space<vmem_shared>>
        %dma_wait3A_865 = tpu.memref_slice %arg18[%dma_wait3A_858] : memref<8x!tpu.dma_semaphore, #tpu.memory_space<semaphore_mem>> -> memref<1x!tpu.dma_semaphore, #tpu.memory_space<semaphore_mem>>
        %dma_wait3A_866 = tpu.memref_squeeze %dma_wait3A_865 : memref<1x!tpu.dma_semaphore, #tpu.memory_space<semaphore_mem>> -> memref<!tpu.dma_semaphore, #tpu.memory_space<semaphore_mem>>
        tpu.wait_indirect_dma semaphore(%dma_wait3A_866 : memref<!tpu.dma_semaphore, #tpu.memory_space<semaphore_mem>>) src(%arg11 : memref<128x16xf32, #tpu.memory_space<vmem>>) dst(%dma_wait3A_864 : memref<10240x16xf32, #tpu.memory_space<vmem_shared>>)
        %add3A_867 = arith.constant 8 : i32
        %add3A_868 = arith.addi %sub3A_710, %add3A_867 : i32
        %dma_start3A_869 = arith.constant 3 : i32
        %dma_start3A_870 = arith.constant 384 : i32
        %dma_start3A_871 = arith.constant 0 : i32
        %dma_start3A_872 = tpu.memref_slice %arg12[%dma_start3A_870, %dma_start3A_871] : memref<1024x16xf32, #tpu.memory_space<vmem>> -> memref<128x16xf32, #tpu.memory_space<vmem>>
        %dma_start3A_873 = arith.constant 0 : i32
        %dma_start3A_874 = tpu.memref_slice %arg9[%add3A_868, %dma_start3A_873] : memref<80x128xi32, #tpu.memory_space<vmem>> -> memref<1x128xi32, #tpu.memory_space<vmem>>
        %dma_start3A_875 = tpu.memref_squeeze %dma_start3A_874 : memref<1x128xi32, #tpu.memory_space<vmem>> -> memref<128xi32, #tpu.memory_space<vmem>>
        %dma_start3A_876 = arith.constant 0 : i32
        %dma_start3A_877 = arith.constant 0 : i32
        %dma_start3A_878 = tpu.memref_slice %arg2[%dma_start3A_876, %dma_start3A_877] : memref<10240x16xf32, #tpu.memory_space<hbm>> -> memref<10240x16xf32, #tpu.memory_space<hbm>>
        %dma_start3A_879 = tpu.memref_slice %arg17[%dma_start3A_869] : memref<8x!tpu.dma_semaphore, #tpu.memory_space<semaphore_mem>> -> memref<1x!tpu.dma_semaphore, #tpu.memory_space<semaphore_mem>>
        %dma_start3A_880 = tpu.memref_squeeze %dma_start3A_879 : memref<1x!tpu.dma_semaphore, #tpu.memory_space<semaphore_mem>> -> memref<!tpu.dma_semaphore, #tpu.memory_space<semaphore_mem>>
        tpu.enqueue_indirect_dma source(%dma_start3A_878 : memref<10240x16xf32, #tpu.memory_space<hbm>>) target(%dma_start3A_872 : memref<128x16xf32, #tpu.memory_space<vmem>>) offsets(%dma_start3A_875 : memref<128xi32, #tpu.memory_space<vmem>>) semaphore(%dma_start3A_880 : memref<!tpu.dma_semaphore, #tpu.memory_space<semaphore_mem>>)
      } else {
      }
      %mul3A_721 = arith.constant 8 : i32
      %mul3A_722 = arith.muli %scan3A_378, %mul3A_721 : i32
      %add3A_723 = arith.constant 6 : i32
      %add3A_724 = arith.addi %mul3A_722, %add3A_723 : i32
      %dma_wait3A_725 = arith.constant 6 : i32
      %dma_wait3A_726 = arith.constant 768 : i32
      %dma_wait3A_727 = arith.constant 0 : i32
      %dma_wait3A_728 = tpu.memref_slice %arg12[%dma_wait3A_726, %dma_wait3A_727] : memref<1024x16xf32, #tpu.memory_space<vmem>> -> memref<128x16xf32, #tpu.memory_space<vmem>>
      %dma_wait3A_729 = arith.constant 0 : i32
      %dma_wait3A_730 = tpu.memref_slice %arg9[%add3A_724, %dma_wait3A_729] : memref<80x128xi32, #tpu.memory_space<vmem>> -> memref<1x128xi32, #tpu.memory_space<vmem>>
      %dma_wait3A_731 = tpu.memref_squeeze %dma_wait3A_730 : memref<1x128xi32, #tpu.memory_space<vmem>> -> memref<128xi32, #tpu.memory_space<vmem>>
      %dma_wait3A_732 = arith.constant 0 : i32
      %dma_wait3A_733 = arith.constant 0 : i32
      %dma_wait3A_734 = tpu.memref_slice %arg2[%dma_wait3A_732, %dma_wait3A_733] : memref<10240x16xf32, #tpu.memory_space<hbm>> -> memref<10240x16xf32, #tpu.memory_space<hbm>>
      %dma_wait3A_735 = tpu.memref_slice %arg17[%dma_wait3A_725] : memref<8x!tpu.dma_semaphore, #tpu.memory_space<semaphore_mem>> -> memref<1x!tpu.dma_semaphore, #tpu.memory_space<semaphore_mem>>
      %dma_wait3A_736 = tpu.memref_squeeze %dma_wait3A_735 : memref<1x!tpu.dma_semaphore, #tpu.memory_space<semaphore_mem>> -> memref<!tpu.dma_semaphore, #tpu.memory_space<semaphore_mem>>
      tpu.wait_indirect_dma semaphore(%dma_wait3A_736 : memref<!tpu.dma_semaphore, #tpu.memory_space<semaphore_mem>>) src(%dma_wait3A_734 : memref<10240x16xf32, #tpu.memory_space<hbm>>) dst(%dma_wait3A_728 : memref<128x16xf32, #tpu.memory_space<vmem>>)
      %dma_start3A_737 = arith.constant 6 : i32
      %dma_start3A_738 = arith.constant 768 : i32
      %dma_start3A_739 = arith.constant 0 : i32
      %dma_start3A_740 = tpu.memref_slice %arg12[%dma_start3A_738, %dma_start3A_739] : memref<1024x16xf32, #tpu.memory_space<vmem>> -> memref<128x16xf32, #tpu.memory_space<vmem>>
      %dma_start3A_741 = arith.constant 0 : i32
      %dma_start3A_742 = tpu.memref_slice %arg10[%add3A_724, %dma_start3A_741] : memref<80x128xi32, #tpu.memory_space<vmem>> -> memref<1x128xi32, #tpu.memory_space<vmem>>
      %dma_start3A_743 = tpu.memref_squeeze %dma_start3A_742 : memref<1x128xi32, #tpu.memory_space<vmem>> -> memref<128xi32, #tpu.memory_space<vmem>>
      %dma_start3A_744 = arith.constant 0 : i32
      %dma_start3A_745 = arith.constant 0 : i32
      %dma_start3A_746 = tpu.memref_slice %arg14[%dma_start3A_744, %dma_start3A_745] : memref<10240x16xf32, #tpu.memory_space<vmem_shared>> -> memref<10240x16xf32, #tpu.memory_space<vmem_shared>>
      %dma_start3A_747 = tpu.memref_slice %arg18[%dma_start3A_737] : memref<8x!tpu.dma_semaphore, #tpu.memory_space<semaphore_mem>> -> memref<1x!tpu.dma_semaphore, #tpu.memory_space<semaphore_mem>>
      %dma_start3A_748 = tpu.memref_squeeze %dma_start3A_747 : memref<1x!tpu.dma_semaphore, #tpu.memory_space<semaphore_mem>> -> memref<!tpu.dma_semaphore, #tpu.memory_space<semaphore_mem>>
      tpu.enqueue_indirect_dma source(%dma_start3A_740 : memref<128x16xf32, #tpu.memory_space<vmem>>) target(%dma_start3A_746 : memref<10240x16xf32, #tpu.memory_space<vmem_shared>>) offsets(%dma_start3A_743 : memref<128xi32, #tpu.memory_space<vmem>>) semaphore(%dma_start3A_748 : memref<!tpu.dma_semaphore, #tpu.memory_space<semaphore_mem>>) {add = true}
      %dma_start3A_749 = arith.constant 6 : i32
      %dma_start3A_750 = arith.constant 0 : i32
      %dma_start3A_751 = tpu.memref_slice %arg9[%add3A_724, %dma_start3A_750] : memref<80x128xi32, #tpu.memory_space<vmem>> -> memref<1x128xi32, #tpu.memory_space<vmem>>
      %dma_start3A_752 = tpu.memref_squeeze %dma_start3A_751 : memref<1x128xi32, #tpu.memory_space<vmem>> -> memref<128xi32, #tpu.memory_space<vmem>>
      %dma_start3A_753 = arith.constant 0 : i32
      %dma_start3A_754 = arith.constant 0 : i32
      %dma_start3A_755 = tpu.memref_slice %arg15[%dma_start3A_753, %dma_start3A_754] : memref<10240x16xf32, #tpu.memory_space<vmem_shared>> -> memref<10240x16xf32, #tpu.memory_space<vmem_shared>>
      %dma_start3A_756 = tpu.memref_slice %arg18[%dma_start3A_749] : memref<8x!tpu.dma_semaphore, #tpu.memory_space<semaphore_mem>> -> memref<1x!tpu.dma_semaphore, #tpu.memory_space<semaphore_mem>>
      %dma_start3A_757 = tpu.memref_squeeze %dma_start3A_756 : memref<1x!tpu.dma_semaphore, #tpu.memory_space<semaphore_mem>> -> memref<!tpu.dma_semaphore, #tpu.memory_space<semaphore_mem>>
      tpu.enqueue_indirect_dma source(%arg11 : memref<128x16xf32, #tpu.memory_space<vmem>>) target(%dma_start3A_755 : memref<10240x16xf32, #tpu.memory_space<vmem_shared>>) offsets(%dma_start3A_752 : memref<128xi32, #tpu.memory_space<vmem>>) semaphore(%dma_start3A_757 : memref<!tpu.dma_semaphore, #tpu.memory_space<semaphore_mem>>) {add = true}
      %dma_start3A_758 = arith.constant 6 : i32
      %dma_start3A_759 = arith.constant 0 : i32
      %dma_start3A_760 = tpu.memref_slice %arg10[%add3A_724, %dma_start3A_759] : memref<80x128xi32, #tpu.memory_space<vmem>> -> memref<1x128xi32, #tpu.memory_space<vmem>>
      %dma_start3A_761 = tpu.memref_squeeze %dma_start3A_760 : memref<1x128xi32, #tpu.memory_space<vmem>> -> memref<128xi32, #tpu.memory_space<vmem>>
      %dma_start3A_762 = arith.constant 0 : i32
      %dma_start3A_763 = arith.constant 0 : i32
      %dma_start3A_764 = tpu.memref_slice %arg16[%dma_start3A_762, %dma_start3A_763] : memref<10240x16xf32, #tpu.memory_space<vmem_shared>> -> memref<10240x16xf32, #tpu.memory_space<vmem_shared>>
      %dma_start3A_765 = tpu.memref_slice %arg18[%dma_start3A_758] : memref<8x!tpu.dma_semaphore, #tpu.memory_space<semaphore_mem>> -> memref<1x!tpu.dma_semaphore, #tpu.memory_space<semaphore_mem>>
      %dma_start3A_766 = tpu.memref_squeeze %dma_start3A_765 : memref<1x!tpu.dma_semaphore, #tpu.memory_space<semaphore_mem>> -> memref<!tpu.dma_semaphore, #tpu.memory_space<semaphore_mem>>
      tpu.enqueue_indirect_dma source(%arg11 : memref<128x16xf32, #tpu.memory_space<vmem>>) target(%dma_start3A_764 : memref<10240x16xf32, #tpu.memory_space<vmem_shared>>) offsets(%dma_start3A_761 : memref<128xi32, #tpu.memory_space<vmem>>) semaphore(%dma_start3A_766 : memref<!tpu.dma_semaphore, #tpu.memory_space<semaphore_mem>>) {add = true}
      %sub3A_767 = arith.constant 2 : i32
      %sub3A_768 = arith.subi %add3A_724, %sub3A_767 : i32
      %ge3A_769 = arith.constant 0 : i32
      %ge3A_770 = arith.cmpi sge, %sub3A_768, %ge3A_769 : i32
      %add3A_771 = arith.constant 8 : i32
      %add3A_772 = arith.addi %sub3A_768, %add3A_771 : i32
      %lt3A_773 = arith.constant 80 : i32
      %lt3A_774 = arith.cmpi slt, %add3A_772, %lt3A_773 : i32
      %and3A_775 = arith.andi %ge3A_770, %lt3A_774 : i1
      %convert_element_type3A_776 = arith.extui %and3A_775 : i1 to i32
      %cond3A_777 = arith.constant 0 : i32
      %cond3A_778 = arith.cmpi ne, %convert_element_type3A_776, %cond3A_777 : i32
      scf.if %cond3A_778 {
        %dma_wait3A_837 = arith.constant 4 : i32
        %dma_wait3A_838 = arith.constant 512 : i32
        %dma_wait3A_839 = arith.constant 0 : i32
        %dma_wait3A_840 = tpu.memref_slice %arg12[%dma_wait3A_838, %dma_wait3A_839] : memref<1024x16xf32, #tpu.memory_space<vmem>> -> memref<128x16xf32, #tpu.memory_space<vmem>>
        %dma_wait3A_841 = arith.constant 0 : i32
        %dma_wait3A_842 = tpu.memref_slice %arg10[%sub3A_768, %dma_wait3A_841] : memref<80x128xi32, #tpu.memory_space<vmem>> -> memref<1x128xi32, #tpu.memory_space<vmem>>
        %dma_wait3A_843 = tpu.memref_squeeze %dma_wait3A_842 : memref<1x128xi32, #tpu.memory_space<vmem>> -> memref<128xi32, #tpu.memory_space<vmem>>
        %dma_wait3A_844 = arith.constant 0 : i32
        %dma_wait3A_845 = arith.constant 0 : i32
        %dma_wait3A_846 = tpu.memref_slice %arg14[%dma_wait3A_844, %dma_wait3A_845] : memref<10240x16xf32, #tpu.memory_space<vmem_shared>> -> memref<10240x16xf32, #tpu.memory_space<vmem_shared>>
        %dma_wait3A_847 = tpu.memref_slice %arg18[%dma_wait3A_837] : memref<8x!tpu.dma_semaphore, #tpu.memory_space<semaphore_mem>> -> memref<1x!tpu.dma_semaphore, #tpu.memory_space<semaphore_mem>>
        %dma_wait3A_848 = tpu.memref_squeeze %dma_wait3A_847 : memref<1x!tpu.dma_semaphore, #tpu.memory_space<semaphore_mem>> -> memref<!tpu.dma_semaphore, #tpu.memory_space<semaphore_mem>>
        tpu.wait_indirect_dma semaphore(%dma_wait3A_848 : memref<!tpu.dma_semaphore, #tpu.memory_space<semaphore_mem>>) src(%dma_wait3A_840 : memref<128x16xf32, #tpu.memory_space<vmem>>) dst(%dma_wait3A_846 : memref<10240x16xf32, #tpu.memory_space<vmem_shared>>)
        %dma_wait3A_849 = arith.constant 4 : i32
        %dma_wait3A_850 = arith.constant 0 : i32
        %dma_wait3A_851 = tpu.memref_slice %arg9[%sub3A_768, %dma_wait3A_850] : memref<80x128xi32, #tpu.memory_space<vmem>> -> memref<1x128xi32, #tpu.memory_space<vmem>>
        %dma_wait3A_852 = tpu.memref_squeeze %dma_wait3A_851 : memref<1x128xi32, #tpu.memory_space<vmem>> -> memref<128xi32, #tpu.memory_space<vmem>>
        %dma_wait3A_853 = arith.constant 0 : i32
        %dma_wait3A_854 = arith.constant 0 : i32
        %dma_wait3A_855 = tpu.memref_slice %arg15[%dma_wait3A_853, %dma_wait3A_854] : memref<10240x16xf32, #tpu.memory_space<vmem_shared>> -> memref<10240x16xf32, #tpu.memory_space<vmem_shared>>
        %dma_wait3A_856 = tpu.memref_slice %arg18[%dma_wait3A_849] : memref<8x!tpu.dma_semaphore, #tpu.memory_space<semaphore_mem>> -> memref<1x!tpu.dma_semaphore, #tpu.memory_space<semaphore_mem>>
        %dma_wait3A_857 = tpu.memref_squeeze %dma_wait3A_856 : memref<1x!tpu.dma_semaphore, #tpu.memory_space<semaphore_mem>> -> memref<!tpu.dma_semaphore, #tpu.memory_space<semaphore_mem>>
        tpu.wait_indirect_dma semaphore(%dma_wait3A_857 : memref<!tpu.dma_semaphore, #tpu.memory_space<semaphore_mem>>) src(%arg11 : memref<128x16xf32, #tpu.memory_space<vmem>>) dst(%dma_wait3A_855 : memref<10240x16xf32, #tpu.memory_space<vmem_shared>>)
        %dma_wait3A_858 = arith.constant 4 : i32
        %dma_wait3A_859 = arith.constant 0 : i32
        %dma_wait3A_860 = tpu.memref_slice %arg10[%sub3A_768, %dma_wait3A_859] : memref<80x128xi32, #tpu.memory_space<vmem>> -> memref<1x128xi32, #tpu.memory_space<vmem>>
        %dma_wait3A_861 = tpu.memref_squeeze %dma_wait3A_860 : memref<1x128xi32, #tpu.memory_space<vmem>> -> memref<128xi32, #tpu.memory_space<vmem>>
        %dma_wait3A_862 = arith.constant 0 : i32
        %dma_wait3A_863 = arith.constant 0 : i32
        %dma_wait3A_864 = tpu.memref_slice %arg16[%dma_wait3A_862, %dma_wait3A_863] : memref<10240x16xf32, #tpu.memory_space<vmem_shared>> -> memref<10240x16xf32, #tpu.memory_space<vmem_shared>>
        %dma_wait3A_865 = tpu.memref_slice %arg18[%dma_wait3A_858] : memref<8x!tpu.dma_semaphore, #tpu.memory_space<semaphore_mem>> -> memref<1x!tpu.dma_semaphore, #tpu.memory_space<semaphore_mem>>
        %dma_wait3A_866 = tpu.memref_squeeze %dma_wait3A_865 : memref<1x!tpu.dma_semaphore, #tpu.memory_space<semaphore_mem>> -> memref<!tpu.dma_semaphore, #tpu.memory_space<semaphore_mem>>
        tpu.wait_indirect_dma semaphore(%dma_wait3A_866 : memref<!tpu.dma_semaphore, #tpu.memory_space<semaphore_mem>>) src(%arg11 : memref<128x16xf32, #tpu.memory_space<vmem>>) dst(%dma_wait3A_864 : memref<10240x16xf32, #tpu.memory_space<vmem_shared>>)
        %add3A_867 = arith.constant 8 : i32
        %add3A_868 = arith.addi %sub3A_768, %add3A_867 : i32
        %dma_start3A_869 = arith.constant 4 : i32
        %dma_start3A_870 = arith.constant 512 : i32
        %dma_start3A_871 = arith.constant 0 : i32
        %dma_start3A_872 = tpu.memref_slice %arg12[%dma_start3A_870, %dma_start3A_871] : memref<1024x16xf32, #tpu.memory_space<vmem>> -> memref<128x16xf32, #tpu.memory_space<vmem>>
        %dma_start3A_873 = arith.constant 0 : i32
        %dma_start3A_874 = tpu.memref_slice %arg9[%add3A_868, %dma_start3A_873] : memref<80x128xi32, #tpu.memory_space<vmem>> -> memref<1x128xi32, #tpu.memory_space<vmem>>
        %dma_start3A_875 = tpu.memref_squeeze %dma_start3A_874 : memref<1x128xi32, #tpu.memory_space<vmem>> -> memref<128xi32, #tpu.memory_space<vmem>>
        %dma_start3A_876 = arith.constant 0 : i32
        %dma_start3A_877 = arith.constant 0 : i32
        %dma_start3A_878 = tpu.memref_slice %arg2[%dma_start3A_876, %dma_start3A_877] : memref<10240x16xf32, #tpu.memory_space<hbm>> -> memref<10240x16xf32, #tpu.memory_space<hbm>>
        %dma_start3A_879 = tpu.memref_slice %arg17[%dma_start3A_869] : memref<8x!tpu.dma_semaphore, #tpu.memory_space<semaphore_mem>> -> memref<1x!tpu.dma_semaphore, #tpu.memory_space<semaphore_mem>>
        %dma_start3A_880 = tpu.memref_squeeze %dma_start3A_879 : memref<1x!tpu.dma_semaphore, #tpu.memory_space<semaphore_mem>> -> memref<!tpu.dma_semaphore, #tpu.memory_space<semaphore_mem>>
        tpu.enqueue_indirect_dma source(%dma_start3A_878 : memref<10240x16xf32, #tpu.memory_space<hbm>>) target(%dma_start3A_872 : memref<128x16xf32, #tpu.memory_space<vmem>>) offsets(%dma_start3A_875 : memref<128xi32, #tpu.memory_space<vmem>>) semaphore(%dma_start3A_880 : memref<!tpu.dma_semaphore, #tpu.memory_space<semaphore_mem>>)
      } else {
      }
      %mul3A_779 = arith.constant 8 : i32
      %mul3A_780 = arith.muli %scan3A_378, %mul3A_779 : i32
      %add3A_781 = arith.constant 7 : i32
      %add3A_782 = arith.addi %mul3A_780, %add3A_781 : i32
      %dma_wait3A_783 = arith.constant 7 : i32
      %dma_wait3A_784 = arith.constant 896 : i32
      %dma_wait3A_785 = arith.constant 0 : i32
      %dma_wait3A_786 = tpu.memref_slice %arg12[%dma_wait3A_784, %dma_wait3A_785] : memref<1024x16xf32, #tpu.memory_space<vmem>> -> memref<128x16xf32, #tpu.memory_space<vmem>>
      %dma_wait3A_787 = arith.constant 0 : i32
      %dma_wait3A_788 = tpu.memref_slice %arg9[%add3A_782, %dma_wait3A_787] : memref<80x128xi32, #tpu.memory_space<vmem>> -> memref<1x128xi32, #tpu.memory_space<vmem>>
      %dma_wait3A_789 = tpu.memref_squeeze %dma_wait3A_788 : memref<1x128xi32, #tpu.memory_space<vmem>> -> memref<128xi32, #tpu.memory_space<vmem>>
      %dma_wait3A_790 = arith.constant 0 : i32
      %dma_wait3A_791 = arith.constant 0 : i32
      %dma_wait3A_792 = tpu.memref_slice %arg2[%dma_wait3A_790, %dma_wait3A_791] : memref<10240x16xf32, #tpu.memory_space<hbm>> -> memref<10240x16xf32, #tpu.memory_space<hbm>>
      %dma_wait3A_793 = tpu.memref_slice %arg17[%dma_wait3A_783] : memref<8x!tpu.dma_semaphore, #tpu.memory_space<semaphore_mem>> -> memref<1x!tpu.dma_semaphore, #tpu.memory_space<semaphore_mem>>
      %dma_wait3A_794 = tpu.memref_squeeze %dma_wait3A_793 : memref<1x!tpu.dma_semaphore, #tpu.memory_space<semaphore_mem>> -> memref<!tpu.dma_semaphore, #tpu.memory_space<semaphore_mem>>
      tpu.wait_indirect_dma semaphore(%dma_wait3A_794 : memref<!tpu.dma_semaphore, #tpu.memory_space<semaphore_mem>>) src(%dma_wait3A_792 : memref<10240x16xf32, #tpu.memory_space<hbm>>) dst(%dma_wait3A_786 : memref<128x16xf32, #tpu.memory_space<vmem>>)
      %dma_start3A_795 = arith.constant 7 : i32
      %dma_start3A_796 = arith.constant 896 : i32
      %dma_start3A_797 = arith.constant 0 : i32
      %dma_start3A_798 = tpu.memref_slice %arg12[%dma_start3A_796, %dma_start3A_797] : memref<1024x16xf32, #tpu.memory_space<vmem>> -> memref<128x16xf32, #tpu.memory_space<vmem>>
      %dma_start3A_799 = arith.constant 0 : i32
      %dma_start3A_800 = tpu.memref_slice %arg10[%add3A_782, %dma_start3A_799] : memref<80x128xi32, #tpu.memory_space<vmem>> -> memref<1x128xi32, #tpu.memory_space<vmem>>
      %dma_start3A_801 = tpu.memref_squeeze %dma_start3A_800 : memref<1x128xi32, #tpu.memory_space<vmem>> -> memref<128xi32, #tpu.memory_space<vmem>>
      %dma_start3A_802 = arith.constant 0 : i32
      %dma_start3A_803 = arith.constant 0 : i32
      %dma_start3A_804 = tpu.memref_slice %arg14[%dma_start3A_802, %dma_start3A_803] : memref<10240x16xf32, #tpu.memory_space<vmem_shared>> -> memref<10240x16xf32, #tpu.memory_space<vmem_shared>>
      %dma_start3A_805 = tpu.memref_slice %arg18[%dma_start3A_795] : memref<8x!tpu.dma_semaphore, #tpu.memory_space<semaphore_mem>> -> memref<1x!tpu.dma_semaphore, #tpu.memory_space<semaphore_mem>>
      %dma_start3A_806 = tpu.memref_squeeze %dma_start3A_805 : memref<1x!tpu.dma_semaphore, #tpu.memory_space<semaphore_mem>> -> memref<!tpu.dma_semaphore, #tpu.memory_space<semaphore_mem>>
      tpu.enqueue_indirect_dma source(%dma_start3A_798 : memref<128x16xf32, #tpu.memory_space<vmem>>) target(%dma_start3A_804 : memref<10240x16xf32, #tpu.memory_space<vmem_shared>>) offsets(%dma_start3A_801 : memref<128xi32, #tpu.memory_space<vmem>>) semaphore(%dma_start3A_806 : memref<!tpu.dma_semaphore, #tpu.memory_space<semaphore_mem>>) {add = true}
      %dma_start3A_807 = arith.constant 7 : i32
      %dma_start3A_808 = arith.constant 0 : i32
      %dma_start3A_809 = tpu.memref_slice %arg9[%add3A_782, %dma_start3A_808] : memref<80x128xi32, #tpu.memory_space<vmem>> -> memref<1x128xi32, #tpu.memory_space<vmem>>
      %dma_start3A_810 = tpu.memref_squeeze %dma_start3A_809 : memref<1x128xi32, #tpu.memory_space<vmem>> -> memref<128xi32, #tpu.memory_space<vmem>>
      %dma_start3A_811 = arith.constant 0 : i32
      %dma_start3A_812 = arith.constant 0 : i32
      %dma_start3A_813 = tpu.memref_slice %arg15[%dma_start3A_811, %dma_start3A_812] : memref<10240x16xf32, #tpu.memory_space<vmem_shared>> -> memref<10240x16xf32, #tpu.memory_space<vmem_shared>>
      %dma_start3A_814 = tpu.memref_slice %arg18[%dma_start3A_807] : memref<8x!tpu.dma_semaphore, #tpu.memory_space<semaphore_mem>> -> memref<1x!tpu.dma_semaphore, #tpu.memory_space<semaphore_mem>>
      %dma_start3A_815 = tpu.memref_squeeze %dma_start3A_814 : memref<1x!tpu.dma_semaphore, #tpu.memory_space<semaphore_mem>> -> memref<!tpu.dma_semaphore, #tpu.memory_space<semaphore_mem>>
      tpu.enqueue_indirect_dma source(%arg11 : memref<128x16xf32, #tpu.memory_space<vmem>>) target(%dma_start3A_813 : memref<10240x16xf32, #tpu.memory_space<vmem_shared>>) offsets(%dma_start3A_810 : memref<128xi32, #tpu.memory_space<vmem>>) semaphore(%dma_start3A_815 : memref<!tpu.dma_semaphore, #tpu.memory_space<semaphore_mem>>) {add = true}
      %dma_start3A_816 = arith.constant 7 : i32
      %dma_start3A_817 = arith.constant 0 : i32
      %dma_start3A_818 = tpu.memref_slice %arg10[%add3A_782, %dma_start3A_817] : memref<80x128xi32, #tpu.memory_space<vmem>> -> memref<1x128xi32, #tpu.memory_space<vmem>>
      %dma_start3A_819 = tpu.memref_squeeze %dma_start3A_818 : memref<1x128xi32, #tpu.memory_space<vmem>> -> memref<128xi32, #tpu.memory_space<vmem>>
      %dma_start3A_820 = arith.constant 0 : i32
      %dma_start3A_821 = arith.constant 0 : i32
      %dma_start3A_822 = tpu.memref_slice %arg16[%dma_start3A_820, %dma_start3A_821] : memref<10240x16xf32, #tpu.memory_space<vmem_shared>> -> memref<10240x16xf32, #tpu.memory_space<vmem_shared>>
      %dma_start3A_823 = tpu.memref_slice %arg18[%dma_start3A_816] : memref<8x!tpu.dma_semaphore, #tpu.memory_space<semaphore_mem>> -> memref<1x!tpu.dma_semaphore, #tpu.memory_space<semaphore_mem>>
      %dma_start3A_824 = tpu.memref_squeeze %dma_start3A_823 : memref<1x!tpu.dma_semaphore, #tpu.memory_space<semaphore_mem>> -> memref<!tpu.dma_semaphore, #tpu.memory_space<semaphore_mem>>
      tpu.enqueue_indirect_dma source(%arg11 : memref<128x16xf32, #tpu.memory_space<vmem>>) target(%dma_start3A_822 : memref<10240x16xf32, #tpu.memory_space<vmem_shared>>) offsets(%dma_start3A_819 : memref<128xi32, #tpu.memory_space<vmem>>) semaphore(%dma_start3A_824 : memref<!tpu.dma_semaphore, #tpu.memory_space<semaphore_mem>>) {add = true}
      %sub3A_825 = arith.constant 2 : i32
      %sub3A_826 = arith.subi %add3A_782, %sub3A_825 : i32
      %ge3A_827 = arith.constant 0 : i32
      %ge3A_828 = arith.cmpi sge, %sub3A_826, %ge3A_827 : i32
      %add3A_829 = arith.constant 8 : i32
      %add3A_830 = arith.addi %sub3A_826, %add3A_829 : i32
      %lt3A_831 = arith.constant 80 : i32
      %lt3A_832 = arith.cmpi slt, %add3A_830, %lt3A_831 : i32
      %and3A_833 = arith.andi %ge3A_828, %lt3A_832 : i1
      %convert_element_type3A_834 = arith.extui %and3A_833 : i1 to i32
      %cond3A_835 = arith.constant 0 : i32
      %cond3A_836 = arith.cmpi ne, %convert_element_type3A_834, %cond3A_835 : i32
      scf.if %cond3A_836 {
        %dma_wait3A_837 = arith.constant 5 : i32
        %dma_wait3A_838 = arith.constant 640 : i32
        %dma_wait3A_839 = arith.constant 0 : i32
        %dma_wait3A_840 = tpu.memref_slice %arg12[%dma_wait3A_838, %dma_wait3A_839] : memref<1024x16xf32, #tpu.memory_space<vmem>> -> memref<128x16xf32, #tpu.memory_space<vmem>>
        %dma_wait3A_841 = arith.constant 0 : i32
        %dma_wait3A_842 = tpu.memref_slice %arg10[%sub3A_826, %dma_wait3A_841] : memref<80x128xi32, #tpu.memory_space<vmem>> -> memref<1x128xi32, #tpu.memory_space<vmem>>
        %dma_wait3A_843 = tpu.memref_squeeze %dma_wait3A_842 : memref<1x128xi32, #tpu.memory_space<vmem>> -> memref<128xi32, #tpu.memory_space<vmem>>
        %dma_wait3A_844 = arith.constant 0 : i32
        %dma_wait3A_845 = arith.constant 0 : i32
        %dma_wait3A_846 = tpu.memref_slice %arg14[%dma_wait3A_844, %dma_wait3A_845] : memref<10240x16xf32, #tpu.memory_space<vmem_shared>> -> memref<10240x16xf32, #tpu.memory_space<vmem_shared>>
        %dma_wait3A_847 = tpu.memref_slice %arg18[%dma_wait3A_837] : memref<8x!tpu.dma_semaphore, #tpu.memory_space<semaphore_mem>> -> memref<1x!tpu.dma_semaphore, #tpu.memory_space<semaphore_mem>>
        %dma_wait3A_848 = tpu.memref_squeeze %dma_wait3A_847 : memref<1x!tpu.dma_semaphore, #tpu.memory_space<semaphore_mem>> -> memref<!tpu.dma_semaphore, #tpu.memory_space<semaphore_mem>>
        tpu.wait_indirect_dma semaphore(%dma_wait3A_848 : memref<!tpu.dma_semaphore, #tpu.memory_space<semaphore_mem>>) src(%dma_wait3A_840 : memref<128x16xf32, #tpu.memory_space<vmem>>) dst(%dma_wait3A_846 : memref<10240x16xf32, #tpu.memory_space<vmem_shared>>)
        %dma_wait3A_849 = arith.constant 5 : i32
        %dma_wait3A_850 = arith.constant 0 : i32
        %dma_wait3A_851 = tpu.memref_slice %arg9[%sub3A_826, %dma_wait3A_850] : memref<80x128xi32, #tpu.memory_space<vmem>> -> memref<1x128xi32, #tpu.memory_space<vmem>>
        %dma_wait3A_852 = tpu.memref_squeeze %dma_wait3A_851 : memref<1x128xi32, #tpu.memory_space<vmem>> -> memref<128xi32, #tpu.memory_space<vmem>>
        %dma_wait3A_853 = arith.constant 0 : i32
        %dma_wait3A_854 = arith.constant 0 : i32
        %dma_wait3A_855 = tpu.memref_slice %arg15[%dma_wait3A_853, %dma_wait3A_854] : memref<10240x16xf32, #tpu.memory_space<vmem_shared>> -> memref<10240x16xf32, #tpu.memory_space<vmem_shared>>
        %dma_wait3A_856 = tpu.memref_slice %arg18[%dma_wait3A_849] : memref<8x!tpu.dma_semaphore, #tpu.memory_space<semaphore_mem>> -> memref<1x!tpu.dma_semaphore, #tpu.memory_space<semaphore_mem>>
        %dma_wait3A_857 = tpu.memref_squeeze %dma_wait3A_856 : memref<1x!tpu.dma_semaphore, #tpu.memory_space<semaphore_mem>> -> memref<!tpu.dma_semaphore, #tpu.memory_space<semaphore_mem>>
        tpu.wait_indirect_dma semaphore(%dma_wait3A_857 : memref<!tpu.dma_semaphore, #tpu.memory_space<semaphore_mem>>) src(%arg11 : memref<128x16xf32, #tpu.memory_space<vmem>>) dst(%dma_wait3A_855 : memref<10240x16xf32, #tpu.memory_space<vmem_shared>>)
        %dma_wait3A_858 = arith.constant 5 : i32
        %dma_wait3A_859 = arith.constant 0 : i32
        %dma_wait3A_860 = tpu.memref_slice %arg10[%sub3A_826, %dma_wait3A_859] : memref<80x128xi32, #tpu.memory_space<vmem>> -> memref<1x128xi32, #tpu.memory_space<vmem>>
        %dma_wait3A_861 = tpu.memref_squeeze %dma_wait3A_860 : memref<1x128xi32, #tpu.memory_space<vmem>> -> memref<128xi32, #tpu.memory_space<vmem>>
        %dma_wait3A_862 = arith.constant 0 : i32
        %dma_wait3A_863 = arith.constant 0 : i32
        %dma_wait3A_864 = tpu.memref_slice %arg16[%dma_wait3A_862, %dma_wait3A_863] : memref<10240x16xf32, #tpu.memory_space<vmem_shared>> -> memref<10240x16xf32, #tpu.memory_space<vmem_shared>>
        %dma_wait3A_865 = tpu.memref_slice %arg18[%dma_wait3A_858] : memref<8x!tpu.dma_semaphore, #tpu.memory_space<semaphore_mem>> -> memref<1x!tpu.dma_semaphore, #tpu.memory_space<semaphore_mem>>
        %dma_wait3A_866 = tpu.memref_squeeze %dma_wait3A_865 : memref<1x!tpu.dma_semaphore, #tpu.memory_space<semaphore_mem>> -> memref<!tpu.dma_semaphore, #tpu.memory_space<semaphore_mem>>
        tpu.wait_indirect_dma semaphore(%dma_wait3A_866 : memref<!tpu.dma_semaphore, #tpu.memory_space<semaphore_mem>>) src(%arg11 : memref<128x16xf32, #tpu.memory_space<vmem>>) dst(%dma_wait3A_864 : memref<10240x16xf32, #tpu.memory_space<vmem_shared>>)
        %add3A_867 = arith.constant 8 : i32
        %add3A_868 = arith.addi %sub3A_826, %add3A_867 : i32
        %dma_start3A_869 = arith.constant 5 : i32
        %dma_start3A_870 = arith.constant 640 : i32
        %dma_start3A_871 = arith.constant 0 : i32
        %dma_start3A_872 = tpu.memref_slice %arg12[%dma_start3A_870, %dma_start3A_871] : memref<1024x16xf32, #tpu.memory_space<vmem>> -> memref<128x16xf32, #tpu.memory_space<vmem>>
        %dma_start3A_873 = arith.constant 0 : i32
        %dma_start3A_874 = tpu.memref_slice %arg9[%add3A_868, %dma_start3A_873] : memref<80x128xi32, #tpu.memory_space<vmem>> -> memref<1x128xi32, #tpu.memory_space<vmem>>
        %dma_start3A_875 = tpu.memref_squeeze %dma_start3A_874 : memref<1x128xi32, #tpu.memory_space<vmem>> -> memref<128xi32, #tpu.memory_space<vmem>>
        %dma_start3A_876 = arith.constant 0 : i32
        %dma_start3A_877 = arith.constant 0 : i32
        %dma_start3A_878 = tpu.memref_slice %arg2[%dma_start3A_876, %dma_start3A_877] : memref<10240x16xf32, #tpu.memory_space<hbm>> -> memref<10240x16xf32, #tpu.memory_space<hbm>>
        %dma_start3A_879 = tpu.memref_slice %arg17[%dma_start3A_869] : memref<8x!tpu.dma_semaphore, #tpu.memory_space<semaphore_mem>> -> memref<1x!tpu.dma_semaphore, #tpu.memory_space<semaphore_mem>>
        %dma_start3A_880 = tpu.memref_squeeze %dma_start3A_879 : memref<1x!tpu.dma_semaphore, #tpu.memory_space<semaphore_mem>> -> memref<!tpu.dma_semaphore, #tpu.memory_space<semaphore_mem>>
        tpu.enqueue_indirect_dma source(%dma_start3A_878 : memref<10240x16xf32, #tpu.memory_space<hbm>>) target(%dma_start3A_872 : memref<128x16xf32, #tpu.memory_space<vmem>>) offsets(%dma_start3A_875 : memref<128xi32, #tpu.memory_space<vmem>>) semaphore(%dma_start3A_880 : memref<!tpu.dma_semaphore, #tpu.memory_space<semaphore_mem>>)
      } else {
      }
    }
    %scan3A_113 = arith.constant 10 : i32
    %dma_wait3A = arith.constant 72 : i32
    %dma_wait3A_114 = arith.constant 0 : i32
    %dma_wait3A_115 = arith.constant 0 : i32
    %dma_wait3A_116 = arith.constant 0 : i32
    %dma_wait3A_117 = tpu.memref_slice %arg12[%dma_wait3A_115, %dma_wait3A_116] : memref<1024x16xf32, #tpu.memory_space<vmem>> -> memref<128x16xf32, #tpu.memory_space<vmem>>
    %dma_wait3A_118 = arith.constant 0 : i32
    %dma_wait3A_119 = tpu.memref_slice %arg10[%dma_wait3A, %dma_wait3A_118] : memref<80x128xi32, #tpu.memory_space<vmem>> -> memref<1x128xi32, #tpu.memory_space<vmem>>
    %dma_wait3A_120 = tpu.memref_squeeze %dma_wait3A_119 : memref<1x128xi32, #tpu.memory_space<vmem>> -> memref<128xi32, #tpu.memory_space<vmem>>
    %dma_wait3A_121 = arith.constant 0 : i32
    %dma_wait3A_122 = arith.constant 0 : i32
    %dma_wait3A_123 = tpu.memref_slice %arg14[%dma_wait3A_121, %dma_wait3A_122] : memref<10240x16xf32, #tpu.memory_space<vmem_shared>> -> memref<10240x16xf32, #tpu.memory_space<vmem_shared>>
    %dma_wait3A_124 = tpu.memref_slice %arg18[%dma_wait3A_114] : memref<8x!tpu.dma_semaphore, #tpu.memory_space<semaphore_mem>> -> memref<1x!tpu.dma_semaphore, #tpu.memory_space<semaphore_mem>>
    %dma_wait3A_125 = tpu.memref_squeeze %dma_wait3A_124 : memref<1x!tpu.dma_semaphore, #tpu.memory_space<semaphore_mem>> -> memref<!tpu.dma_semaphore, #tpu.memory_space<semaphore_mem>>
    tpu.wait_indirect_dma semaphore(%dma_wait3A_125 : memref<!tpu.dma_semaphore, #tpu.memory_space<semaphore_mem>>) src(%dma_wait3A_117 : memref<128x16xf32, #tpu.memory_space<vmem>>) dst(%dma_wait3A_123 : memref<10240x16xf32, #tpu.memory_space<vmem_shared>>)
    %dma_wait3A_126 = arith.constant 72 : i32
    %dma_wait3A_127 = arith.constant 0 : i32
    %dma_wait3A_128 = arith.constant 0 : i32
    %dma_wait3A_129 = tpu.memref_slice %arg9[%dma_wait3A_126, %dma_wait3A_128] : memref<80x128xi32, #tpu.memory_space<vmem>> -> memref<1x128xi32, #tpu.memory_space<vmem>>
    %dma_wait3A_130 = tpu.memref_squeeze %dma_wait3A_129 : memref<1x128xi32, #tpu.memory_space<vmem>> -> memref<128xi32, #tpu.memory_space<vmem>>
    %dma_wait3A_131 = arith.constant 0 : i32
    %dma_wait3A_132 = arith.constant 0 : i32
    %dma_wait3A_133 = tpu.memref_slice %arg15[%dma_wait3A_131, %dma_wait3A_132] : memref<10240x16xf32, #tpu.memory_space<vmem_shared>> -> memref<10240x16xf32, #tpu.memory_space<vmem_shared>>
    %dma_wait3A_134 = tpu.memref_slice %arg18[%dma_wait3A_127] : memref<8x!tpu.dma_semaphore, #tpu.memory_space<semaphore_mem>> -> memref<1x!tpu.dma_semaphore, #tpu.memory_space<semaphore_mem>>
    %dma_wait3A_135 = tpu.memref_squeeze %dma_wait3A_134 : memref<1x!tpu.dma_semaphore, #tpu.memory_space<semaphore_mem>> -> memref<!tpu.dma_semaphore, #tpu.memory_space<semaphore_mem>>
    tpu.wait_indirect_dma semaphore(%dma_wait3A_135 : memref<!tpu.dma_semaphore, #tpu.memory_space<semaphore_mem>>) src(%arg11 : memref<128x16xf32, #tpu.memory_space<vmem>>) dst(%dma_wait3A_133 : memref<10240x16xf32, #tpu.memory_space<vmem_shared>>)
    %dma_wait3A_136 = arith.constant 72 : i32
    %dma_wait3A_137 = arith.constant 0 : i32
    %dma_wait3A_138 = arith.constant 0 : i32
    %dma_wait3A_139 = tpu.memref_slice %arg10[%dma_wait3A_136, %dma_wait3A_138] : memref<80x128xi32, #tpu.memory_space<vmem>> -> memref<1x128xi32, #tpu.memory_space<vmem>>
    %dma_wait3A_140 = tpu.memref_squeeze %dma_wait3A_139 : memref<1x128xi32, #tpu.memory_space<vmem>> -> memref<128xi32, #tpu.memory_space<vmem>>
    %dma_wait3A_141 = arith.constant 0 : i32
    %dma_wait3A_142 = arith.constant 0 : i32
    %dma_wait3A_143 = tpu.memref_slice %arg16[%dma_wait3A_141, %dma_wait3A_142] : memref<10240x16xf32, #tpu.memory_space<vmem_shared>> -> memref<10240x16xf32, #tpu.memory_space<vmem_shared>>
    %dma_wait3A_144 = tpu.memref_slice %arg18[%dma_wait3A_137] : memref<8x!tpu.dma_semaphore, #tpu.memory_space<semaphore_mem>> -> memref<1x!tpu.dma_semaphore, #tpu.memory_space<semaphore_mem>>
    %dma_wait3A_145 = tpu.memref_squeeze %dma_wait3A_144 : memref<1x!tpu.dma_semaphore, #tpu.memory_space<semaphore_mem>> -> memref<!tpu.dma_semaphore, #tpu.memory_space<semaphore_mem>>
    tpu.wait_indirect_dma semaphore(%dma_wait3A_145 : memref<!tpu.dma_semaphore, #tpu.memory_space<semaphore_mem>>) src(%arg11 : memref<128x16xf32, #tpu.memory_space<vmem>>) dst(%dma_wait3A_143 : memref<10240x16xf32, #tpu.memory_space<vmem_shared>>)
    %dma_wait3A_146 = arith.constant 73 : i32
    %dma_wait3A_147 = arith.constant 1 : i32
    %dma_wait3A_148 = arith.constant 128 : i32
    %dma_wait3A_149 = arith.constant 0 : i32
    %dma_wait3A_150 = tpu.memref_slice %arg12[%dma_wait3A_148, %dma_wait3A_149] : memref<1024x16xf32, #tpu.memory_space<vmem>> -> memref<128x16xf32, #tpu.memory_space<vmem>>
    %dma_wait3A_151 = arith.constant 0 : i32
    %dma_wait3A_152 = tpu.memref_slice %arg10[%dma_wait3A_146, %dma_wait3A_151] : memref<80x128xi32, #tpu.memory_space<vmem>> -> memref<1x128xi32, #tpu.memory_space<vmem>>
    %dma_wait3A_153 = tpu.memref_squeeze %dma_wait3A_152 : memref<1x128xi32, #tpu.memory_space<vmem>> -> memref<128xi32, #tpu.memory_space<vmem>>
    %dma_wait3A_154 = arith.constant 0 : i32
    %dma_wait3A_155 = arith.constant 0 : i32
    %dma_wait3A_156 = tpu.memref_slice %arg14[%dma_wait3A_154, %dma_wait3A_155] : memref<10240x16xf32, #tpu.memory_space<vmem_shared>> -> memref<10240x16xf32, #tpu.memory_space<vmem_shared>>
    %dma_wait3A_157 = tpu.memref_slice %arg18[%dma_wait3A_147] : memref<8x!tpu.dma_semaphore, #tpu.memory_space<semaphore_mem>> -> memref<1x!tpu.dma_semaphore, #tpu.memory_space<semaphore_mem>>
    %dma_wait3A_158 = tpu.memref_squeeze %dma_wait3A_157 : memref<1x!tpu.dma_semaphore, #tpu.memory_space<semaphore_mem>> -> memref<!tpu.dma_semaphore, #tpu.memory_space<semaphore_mem>>
    tpu.wait_indirect_dma semaphore(%dma_wait3A_158 : memref<!tpu.dma_semaphore, #tpu.memory_space<semaphore_mem>>) src(%dma_wait3A_150 : memref<128x16xf32, #tpu.memory_space<vmem>>) dst(%dma_wait3A_156 : memref<10240x16xf32, #tpu.memory_space<vmem_shared>>)
    %dma_wait3A_159 = arith.constant 73 : i32
    %dma_wait3A_160 = arith.constant 1 : i32
    %dma_wait3A_161 = arith.constant 0 : i32
    %dma_wait3A_162 = tpu.memref_slice %arg9[%dma_wait3A_159, %dma_wait3A_161] : memref<80x128xi32, #tpu.memory_space<vmem>> -> memref<1x128xi32, #tpu.memory_space<vmem>>
    %dma_wait3A_163 = tpu.memref_squeeze %dma_wait3A_162 : memref<1x128xi32, #tpu.memory_space<vmem>> -> memref<128xi32, #tpu.memory_space<vmem>>
    %dma_wait3A_164 = arith.constant 0 : i32
    %dma_wait3A_165 = arith.constant 0 : i32
    %dma_wait3A_166 = tpu.memref_slice %arg15[%dma_wait3A_164, %dma_wait3A_165] : memref<10240x16xf32, #tpu.memory_space<vmem_shared>> -> memref<10240x16xf32, #tpu.memory_space<vmem_shared>>
    %dma_wait3A_167 = tpu.memref_slice %arg18[%dma_wait3A_160] : memref<8x!tpu.dma_semaphore, #tpu.memory_space<semaphore_mem>> -> memref<1x!tpu.dma_semaphore, #tpu.memory_space<semaphore_mem>>
    %dma_wait3A_168 = tpu.memref_squeeze %dma_wait3A_167 : memref<1x!tpu.dma_semaphore, #tpu.memory_space<semaphore_mem>> -> memref<!tpu.dma_semaphore, #tpu.memory_space<semaphore_mem>>
    tpu.wait_indirect_dma semaphore(%dma_wait3A_168 : memref<!tpu.dma_semaphore, #tpu.memory_space<semaphore_mem>>) src(%arg11 : memref<128x16xf32, #tpu.memory_space<vmem>>) dst(%dma_wait3A_166 : memref<10240x16xf32, #tpu.memory_space<vmem_shared>>)
    %dma_wait3A_169 = arith.constant 73 : i32
    %dma_wait3A_170 = arith.constant 1 : i32
    %dma_wait3A_171 = arith.constant 0 : i32
    %dma_wait3A_172 = tpu.memref_slice %arg10[%dma_wait3A_169, %dma_wait3A_171] : memref<80x128xi32, #tpu.memory_space<vmem>> -> memref<1x128xi32, #tpu.memory_space<vmem>>
    %dma_wait3A_173 = tpu.memref_squeeze %dma_wait3A_172 : memref<1x128xi32, #tpu.memory_space<vmem>> -> memref<128xi32, #tpu.memory_space<vmem>>
    %dma_wait3A_174 = arith.constant 0 : i32
    %dma_wait3A_175 = arith.constant 0 : i32
    %dma_wait3A_176 = tpu.memref_slice %arg16[%dma_wait3A_174, %dma_wait3A_175] : memref<10240x16xf32, #tpu.memory_space<vmem_shared>> -> memref<10240x16xf32, #tpu.memory_space<vmem_shared>>
    %dma_wait3A_177 = tpu.memref_slice %arg18[%dma_wait3A_170] : memref<8x!tpu.dma_semaphore, #tpu.memory_space<semaphore_mem>> -> memref<1x!tpu.dma_semaphore, #tpu.memory_space<semaphore_mem>>
    %dma_wait3A_178 = tpu.memref_squeeze %dma_wait3A_177 : memref<1x!tpu.dma_semaphore, #tpu.memory_space<semaphore_mem>> -> memref<!tpu.dma_semaphore, #tpu.memory_space<semaphore_mem>>
    tpu.wait_indirect_dma semaphore(%dma_wait3A_178 : memref<!tpu.dma_semaphore, #tpu.memory_space<semaphore_mem>>) src(%arg11 : memref<128x16xf32, #tpu.memory_space<vmem>>) dst(%dma_wait3A_176 : memref<10240x16xf32, #tpu.memory_space<vmem_shared>>)
    %dma_wait3A_179 = arith.constant 74 : i32
    %dma_wait3A_180 = arith.constant 2 : i32
    %dma_wait3A_181 = arith.constant 256 : i32
    %dma_wait3A_182 = arith.constant 0 : i32
    %dma_wait3A_183 = tpu.memref_slice %arg12[%dma_wait3A_181, %dma_wait3A_182] : memref<1024x16xf32, #tpu.memory_space<vmem>> -> memref<128x16xf32, #tpu.memory_space<vmem>>
    %dma_wait3A_184 = arith.constant 0 : i32
    %dma_wait3A_185 = tpu.memref_slice %arg10[%dma_wait3A_179, %dma_wait3A_184] : memref<80x128xi32, #tpu.memory_space<vmem>> -> memref<1x128xi32, #tpu.memory_space<vmem>>
    %dma_wait3A_186 = tpu.memref_squeeze %dma_wait3A_185 : memref<1x128xi32, #tpu.memory_space<vmem>> -> memref<128xi32, #tpu.memory_space<vmem>>
    %dma_wait3A_187 = arith.constant 0 : i32
    %dma_wait3A_188 = arith.constant 0 : i32
    %dma_wait3A_189 = tpu.memref_slice %arg14[%dma_wait3A_187, %dma_wait3A_188] : memref<10240x16xf32, #tpu.memory_space<vmem_shared>> -> memref<10240x16xf32, #tpu.memory_space<vmem_shared>>
    %dma_wait3A_190 = tpu.memref_slice %arg18[%dma_wait3A_180] : memref<8x!tpu.dma_semaphore, #tpu.memory_space<semaphore_mem>> -> memref<1x!tpu.dma_semaphore, #tpu.memory_space<semaphore_mem>>
    %dma_wait3A_191 = tpu.memref_squeeze %dma_wait3A_190 : memref<1x!tpu.dma_semaphore, #tpu.memory_space<semaphore_mem>> -> memref<!tpu.dma_semaphore, #tpu.memory_space<semaphore_mem>>
    tpu.wait_indirect_dma semaphore(%dma_wait3A_191 : memref<!tpu.dma_semaphore, #tpu.memory_space<semaphore_mem>>) src(%dma_wait3A_183 : memref<128x16xf32, #tpu.memory_space<vmem>>) dst(%dma_wait3A_189 : memref<10240x16xf32, #tpu.memory_space<vmem_shared>>)
    %dma_wait3A_192 = arith.constant 74 : i32
    %dma_wait3A_193 = arith.constant 2 : i32
    %dma_wait3A_194 = arith.constant 0 : i32
    %dma_wait3A_195 = tpu.memref_slice %arg9[%dma_wait3A_192, %dma_wait3A_194] : memref<80x128xi32, #tpu.memory_space<vmem>> -> memref<1x128xi32, #tpu.memory_space<vmem>>
    %dma_wait3A_196 = tpu.memref_squeeze %dma_wait3A_195 : memref<1x128xi32, #tpu.memory_space<vmem>> -> memref<128xi32, #tpu.memory_space<vmem>>
    %dma_wait3A_197 = arith.constant 0 : i32
    %dma_wait3A_198 = arith.constant 0 : i32
    %dma_wait3A_199 = tpu.memref_slice %arg15[%dma_wait3A_197, %dma_wait3A_198] : memref<10240x16xf32, #tpu.memory_space<vmem_shared>> -> memref<10240x16xf32, #tpu.memory_space<vmem_shared>>
    %dma_wait3A_200 = tpu.memref_slice %arg18[%dma_wait3A_193] : memref<8x!tpu.dma_semaphore, #tpu.memory_space<semaphore_mem>> -> memref<1x!tpu.dma_semaphore, #tpu.memory_space<semaphore_mem>>
    %dma_wait3A_201 = tpu.memref_squeeze %dma_wait3A_200 : memref<1x!tpu.dma_semaphore, #tpu.memory_space<semaphore_mem>> -> memref<!tpu.dma_semaphore, #tpu.memory_space<semaphore_mem>>
    tpu.wait_indirect_dma semaphore(%dma_wait3A_201 : memref<!tpu.dma_semaphore, #tpu.memory_space<semaphore_mem>>) src(%arg11 : memref<128x16xf32, #tpu.memory_space<vmem>>) dst(%dma_wait3A_199 : memref<10240x16xf32, #tpu.memory_space<vmem_shared>>)
    %dma_wait3A_202 = arith.constant 74 : i32
    %dma_wait3A_203 = arith.constant 2 : i32
    %dma_wait3A_204 = arith.constant 0 : i32
    %dma_wait3A_205 = tpu.memref_slice %arg10[%dma_wait3A_202, %dma_wait3A_204] : memref<80x128xi32, #tpu.memory_space<vmem>> -> memref<1x128xi32, #tpu.memory_space<vmem>>
    %dma_wait3A_206 = tpu.memref_squeeze %dma_wait3A_205 : memref<1x128xi32, #tpu.memory_space<vmem>> -> memref<128xi32, #tpu.memory_space<vmem>>
    %dma_wait3A_207 = arith.constant 0 : i32
    %dma_wait3A_208 = arith.constant 0 : i32
    %dma_wait3A_209 = tpu.memref_slice %arg16[%dma_wait3A_207, %dma_wait3A_208] : memref<10240x16xf32, #tpu.memory_space<vmem_shared>> -> memref<10240x16xf32, #tpu.memory_space<vmem_shared>>
    %dma_wait3A_210 = tpu.memref_slice %arg18[%dma_wait3A_203] : memref<8x!tpu.dma_semaphore, #tpu.memory_space<semaphore_mem>> -> memref<1x!tpu.dma_semaphore, #tpu.memory_space<semaphore_mem>>
    %dma_wait3A_211 = tpu.memref_squeeze %dma_wait3A_210 : memref<1x!tpu.dma_semaphore, #tpu.memory_space<semaphore_mem>> -> memref<!tpu.dma_semaphore, #tpu.memory_space<semaphore_mem>>
    tpu.wait_indirect_dma semaphore(%dma_wait3A_211 : memref<!tpu.dma_semaphore, #tpu.memory_space<semaphore_mem>>) src(%arg11 : memref<128x16xf32, #tpu.memory_space<vmem>>) dst(%dma_wait3A_209 : memref<10240x16xf32, #tpu.memory_space<vmem_shared>>)
    %dma_wait3A_212 = arith.constant 75 : i32
    %dma_wait3A_213 = arith.constant 3 : i32
    %dma_wait3A_214 = arith.constant 384 : i32
    %dma_wait3A_215 = arith.constant 0 : i32
    %dma_wait3A_216 = tpu.memref_slice %arg12[%dma_wait3A_214, %dma_wait3A_215] : memref<1024x16xf32, #tpu.memory_space<vmem>> -> memref<128x16xf32, #tpu.memory_space<vmem>>
    %dma_wait3A_217 = arith.constant 0 : i32
    %dma_wait3A_218 = tpu.memref_slice %arg10[%dma_wait3A_212, %dma_wait3A_217] : memref<80x128xi32, #tpu.memory_space<vmem>> -> memref<1x128xi32, #tpu.memory_space<vmem>>
    %dma_wait3A_219 = tpu.memref_squeeze %dma_wait3A_218 : memref<1x128xi32, #tpu.memory_space<vmem>> -> memref<128xi32, #tpu.memory_space<vmem>>
    %dma_wait3A_220 = arith.constant 0 : i32
    %dma_wait3A_221 = arith.constant 0 : i32
    %dma_wait3A_222 = tpu.memref_slice %arg14[%dma_wait3A_220, %dma_wait3A_221] : memref<10240x16xf32, #tpu.memory_space<vmem_shared>> -> memref<10240x16xf32, #tpu.memory_space<vmem_shared>>
    %dma_wait3A_223 = tpu.memref_slice %arg18[%dma_wait3A_213] : memref<8x!tpu.dma_semaphore, #tpu.memory_space<semaphore_mem>> -> memref<1x!tpu.dma_semaphore, #tpu.memory_space<semaphore_mem>>
    %dma_wait3A_224 = tpu.memref_squeeze %dma_wait3A_223 : memref<1x!tpu.dma_semaphore, #tpu.memory_space<semaphore_mem>> -> memref<!tpu.dma_semaphore, #tpu.memory_space<semaphore_mem>>
    tpu.wait_indirect_dma semaphore(%dma_wait3A_224 : memref<!tpu.dma_semaphore, #tpu.memory_space<semaphore_mem>>) src(%dma_wait3A_216 : memref<128x16xf32, #tpu.memory_space<vmem>>) dst(%dma_wait3A_222 : memref<10240x16xf32, #tpu.memory_space<vmem_shared>>)
    %dma_wait3A_225 = arith.constant 75 : i32
    %dma_wait3A_226 = arith.constant 3 : i32
    %dma_wait3A_227 = arith.constant 0 : i32
    %dma_wait3A_228 = tpu.memref_slice %arg9[%dma_wait3A_225, %dma_wait3A_227] : memref<80x128xi32, #tpu.memory_space<vmem>> -> memref<1x128xi32, #tpu.memory_space<vmem>>
    %dma_wait3A_229 = tpu.memref_squeeze %dma_wait3A_228 : memref<1x128xi32, #tpu.memory_space<vmem>> -> memref<128xi32, #tpu.memory_space<vmem>>
    %dma_wait3A_230 = arith.constant 0 : i32
    %dma_wait3A_231 = arith.constant 0 : i32
    %dma_wait3A_232 = tpu.memref_slice %arg15[%dma_wait3A_230, %dma_wait3A_231] : memref<10240x16xf32, #tpu.memory_space<vmem_shared>> -> memref<10240x16xf32, #tpu.memory_space<vmem_shared>>
    %dma_wait3A_233 = tpu.memref_slice %arg18[%dma_wait3A_226] : memref<8x!tpu.dma_semaphore, #tpu.memory_space<semaphore_mem>> -> memref<1x!tpu.dma_semaphore, #tpu.memory_space<semaphore_mem>>
    %dma_wait3A_234 = tpu.memref_squeeze %dma_wait3A_233 : memref<1x!tpu.dma_semaphore, #tpu.memory_space<semaphore_mem>> -> memref<!tpu.dma_semaphore, #tpu.memory_space<semaphore_mem>>
    tpu.wait_indirect_dma semaphore(%dma_wait3A_234 : memref<!tpu.dma_semaphore, #tpu.memory_space<semaphore_mem>>) src(%arg11 : memref<128x16xf32, #tpu.memory_space<vmem>>) dst(%dma_wait3A_232 : memref<10240x16xf32, #tpu.memory_space<vmem_shared>>)
    %dma_wait3A_235 = arith.constant 75 : i32
    %dma_wait3A_236 = arith.constant 3 : i32
    %dma_wait3A_237 = arith.constant 0 : i32
    %dma_wait3A_238 = tpu.memref_slice %arg10[%dma_wait3A_235, %dma_wait3A_237] : memref<80x128xi32, #tpu.memory_space<vmem>> -> memref<1x128xi32, #tpu.memory_space<vmem>>
    %dma_wait3A_239 = tpu.memref_squeeze %dma_wait3A_238 : memref<1x128xi32, #tpu.memory_space<vmem>> -> memref<128xi32, #tpu.memory_space<vmem>>
    %dma_wait3A_240 = arith.constant 0 : i32
    %dma_wait3A_241 = arith.constant 0 : i32
    %dma_wait3A_242 = tpu.memref_slice %arg16[%dma_wait3A_240, %dma_wait3A_241] : memref<10240x16xf32, #tpu.memory_space<vmem_shared>> -> memref<10240x16xf32, #tpu.memory_space<vmem_shared>>
    %dma_wait3A_243 = tpu.memref_slice %arg18[%dma_wait3A_236] : memref<8x!tpu.dma_semaphore, #tpu.memory_space<semaphore_mem>> -> memref<1x!tpu.dma_semaphore, #tpu.memory_space<semaphore_mem>>
    %dma_wait3A_244 = tpu.memref_squeeze %dma_wait3A_243 : memref<1x!tpu.dma_semaphore, #tpu.memory_space<semaphore_mem>> -> memref<!tpu.dma_semaphore, #tpu.memory_space<semaphore_mem>>
    tpu.wait_indirect_dma semaphore(%dma_wait3A_244 : memref<!tpu.dma_semaphore, #tpu.memory_space<semaphore_mem>>) src(%arg11 : memref<128x16xf32, #tpu.memory_space<vmem>>) dst(%dma_wait3A_242 : memref<10240x16xf32, #tpu.memory_space<vmem_shared>>)
    %dma_wait3A_245 = arith.constant 76 : i32
    %dma_wait3A_246 = arith.constant 4 : i32
    %dma_wait3A_247 = arith.constant 512 : i32
    %dma_wait3A_248 = arith.constant 0 : i32
    %dma_wait3A_249 = tpu.memref_slice %arg12[%dma_wait3A_247, %dma_wait3A_248] : memref<1024x16xf32, #tpu.memory_space<vmem>> -> memref<128x16xf32, #tpu.memory_space<vmem>>
    %dma_wait3A_250 = arith.constant 0 : i32
    %dma_wait3A_251 = tpu.memref_slice %arg10[%dma_wait3A_245, %dma_wait3A_250] : memref<80x128xi32, #tpu.memory_space<vmem>> -> memref<1x128xi32, #tpu.memory_space<vmem>>
    %dma_wait3A_252 = tpu.memref_squeeze %dma_wait3A_251 : memref<1x128xi32, #tpu.memory_space<vmem>> -> memref<128xi32, #tpu.memory_space<vmem>>
    %dma_wait3A_253 = arith.constant 0 : i32
    %dma_wait3A_254 = arith.constant 0 : i32
    %dma_wait3A_255 = tpu.memref_slice %arg14[%dma_wait3A_253, %dma_wait3A_254] : memref<10240x16xf32, #tpu.memory_space<vmem_shared>> -> memref<10240x16xf32, #tpu.memory_space<vmem_shared>>
    %dma_wait3A_256 = tpu.memref_slice %arg18[%dma_wait3A_246] : memref<8x!tpu.dma_semaphore, #tpu.memory_space<semaphore_mem>> -> memref<1x!tpu.dma_semaphore, #tpu.memory_space<semaphore_mem>>
    %dma_wait3A_257 = tpu.memref_squeeze %dma_wait3A_256 : memref<1x!tpu.dma_semaphore, #tpu.memory_space<semaphore_mem>> -> memref<!tpu.dma_semaphore, #tpu.memory_space<semaphore_mem>>
    tpu.wait_indirect_dma semaphore(%dma_wait3A_257 : memref<!tpu.dma_semaphore, #tpu.memory_space<semaphore_mem>>) src(%dma_wait3A_249 : memref<128x16xf32, #tpu.memory_space<vmem>>) dst(%dma_wait3A_255 : memref<10240x16xf32, #tpu.memory_space<vmem_shared>>)
    %dma_wait3A_258 = arith.constant 76 : i32
    %dma_wait3A_259 = arith.constant 4 : i32
    %dma_wait3A_260 = arith.constant 0 : i32
    %dma_wait3A_261 = tpu.memref_slice %arg9[%dma_wait3A_258, %dma_wait3A_260] : memref<80x128xi32, #tpu.memory_space<vmem>> -> memref<1x128xi32, #tpu.memory_space<vmem>>
    %dma_wait3A_262 = tpu.memref_squeeze %dma_wait3A_261 : memref<1x128xi32, #tpu.memory_space<vmem>> -> memref<128xi32, #tpu.memory_space<vmem>>
    %dma_wait3A_263 = arith.constant 0 : i32
    %dma_wait3A_264 = arith.constant 0 : i32
    %dma_wait3A_265 = tpu.memref_slice %arg15[%dma_wait3A_263, %dma_wait3A_264] : memref<10240x16xf32, #tpu.memory_space<vmem_shared>> -> memref<10240x16xf32, #tpu.memory_space<vmem_shared>>
    %dma_wait3A_266 = tpu.memref_slice %arg18[%dma_wait3A_259] : memref<8x!tpu.dma_semaphore, #tpu.memory_space<semaphore_mem>> -> memref<1x!tpu.dma_semaphore, #tpu.memory_space<semaphore_mem>>
    %dma_wait3A_267 = tpu.memref_squeeze %dma_wait3A_266 : memref<1x!tpu.dma_semaphore, #tpu.memory_space<semaphore_mem>> -> memref<!tpu.dma_semaphore, #tpu.memory_space<semaphore_mem>>
    tpu.wait_indirect_dma semaphore(%dma_wait3A_267 : memref<!tpu.dma_semaphore, #tpu.memory_space<semaphore_mem>>) src(%arg11 : memref<128x16xf32, #tpu.memory_space<vmem>>) dst(%dma_wait3A_265 : memref<10240x16xf32, #tpu.memory_space<vmem_shared>>)
    %dma_wait3A_268 = arith.constant 76 : i32
    %dma_wait3A_269 = arith.constant 4 : i32
    %dma_wait3A_270 = arith.constant 0 : i32
    %dma_wait3A_271 = tpu.memref_slice %arg10[%dma_wait3A_268, %dma_wait3A_270] : memref<80x128xi32, #tpu.memory_space<vmem>> -> memref<1x128xi32, #tpu.memory_space<vmem>>
    %dma_wait3A_272 = tpu.memref_squeeze %dma_wait3A_271 : memref<1x128xi32, #tpu.memory_space<vmem>> -> memref<128xi32, #tpu.memory_space<vmem>>
    %dma_wait3A_273 = arith.constant 0 : i32
    %dma_wait3A_274 = arith.constant 0 : i32
    %dma_wait3A_275 = tpu.memref_slice %arg16[%dma_wait3A_273, %dma_wait3A_274] : memref<10240x16xf32, #tpu.memory_space<vmem_shared>> -> memref<10240x16xf32, #tpu.memory_space<vmem_shared>>
    %dma_wait3A_276 = tpu.memref_slice %arg18[%dma_wait3A_269] : memref<8x!tpu.dma_semaphore, #tpu.memory_space<semaphore_mem>> -> memref<1x!tpu.dma_semaphore, #tpu.memory_space<semaphore_mem>>
    %dma_wait3A_277 = tpu.memref_squeeze %dma_wait3A_276 : memref<1x!tpu.dma_semaphore, #tpu.memory_space<semaphore_mem>> -> memref<!tpu.dma_semaphore, #tpu.memory_space<semaphore_mem>>
    tpu.wait_indirect_dma semaphore(%dma_wait3A_277 : memref<!tpu.dma_semaphore, #tpu.memory_space<semaphore_mem>>) src(%arg11 : memref<128x16xf32, #tpu.memory_space<vmem>>) dst(%dma_wait3A_275 : memref<10240x16xf32, #tpu.memory_space<vmem_shared>>)
    %dma_wait3A_278 = arith.constant 77 : i32
    %dma_wait3A_279 = arith.constant 5 : i32
    %dma_wait3A_280 = arith.constant 640 : i32
    %dma_wait3A_281 = arith.constant 0 : i32
    %dma_wait3A_282 = tpu.memref_slice %arg12[%dma_wait3A_280, %dma_wait3A_281] : memref<1024x16xf32, #tpu.memory_space<vmem>> -> memref<128x16xf32, #tpu.memory_space<vmem>>
    %dma_wait3A_283 = arith.constant 0 : i32
    %dma_wait3A_284 = tpu.memref_slice %arg10[%dma_wait3A_278, %dma_wait3A_283] : memref<80x128xi32, #tpu.memory_space<vmem>> -> memref<1x128xi32, #tpu.memory_space<vmem>>
    %dma_wait3A_285 = tpu.memref_squeeze %dma_wait3A_284 : memref<1x128xi32, #tpu.memory_space<vmem>> -> memref<128xi32, #tpu.memory_space<vmem>>
    %dma_wait3A_286 = arith.constant 0 : i32
    %dma_wait3A_287 = arith.constant 0 : i32
    %dma_wait3A_288 = tpu.memref_slice %arg14[%dma_wait3A_286, %dma_wait3A_287] : memref<10240x16xf32, #tpu.memory_space<vmem_shared>> -> memref<10240x16xf32, #tpu.memory_space<vmem_shared>>
    %dma_wait3A_289 = tpu.memref_slice %arg18[%dma_wait3A_279] : memref<8x!tpu.dma_semaphore, #tpu.memory_space<semaphore_mem>> -> memref<1x!tpu.dma_semaphore, #tpu.memory_space<semaphore_mem>>
    %dma_wait3A_290 = tpu.memref_squeeze %dma_wait3A_289 : memref<1x!tpu.dma_semaphore, #tpu.memory_space<semaphore_mem>> -> memref<!tpu.dma_semaphore, #tpu.memory_space<semaphore_mem>>
    tpu.wait_indirect_dma semaphore(%dma_wait3A_290 : memref<!tpu.dma_semaphore, #tpu.memory_space<semaphore_mem>>) src(%dma_wait3A_282 : memref<128x16xf32, #tpu.memory_space<vmem>>) dst(%dma_wait3A_288 : memref<10240x16xf32, #tpu.memory_space<vmem_shared>>)
    %dma_wait3A_291 = arith.constant 77 : i32
    %dma_wait3A_292 = arith.constant 5 : i32
    %dma_wait3A_293 = arith.constant 0 : i32
    %dma_wait3A_294 = tpu.memref_slice %arg9[%dma_wait3A_291, %dma_wait3A_293] : memref<80x128xi32, #tpu.memory_space<vmem>> -> memref<1x128xi32, #tpu.memory_space<vmem>>
    %dma_wait3A_295 = tpu.memref_squeeze %dma_wait3A_294 : memref<1x128xi32, #tpu.memory_space<vmem>> -> memref<128xi32, #tpu.memory_space<vmem>>
    %dma_wait3A_296 = arith.constant 0 : i32
    %dma_wait3A_297 = arith.constant 0 : i32
    %dma_wait3A_298 = tpu.memref_slice %arg15[%dma_wait3A_296, %dma_wait3A_297] : memref<10240x16xf32, #tpu.memory_space<vmem_shared>> -> memref<10240x16xf32, #tpu.memory_space<vmem_shared>>
    %dma_wait3A_299 = tpu.memref_slice %arg18[%dma_wait3A_292] : memref<8x!tpu.dma_semaphore, #tpu.memory_space<semaphore_mem>> -> memref<1x!tpu.dma_semaphore, #tpu.memory_space<semaphore_mem>>
    %dma_wait3A_300 = tpu.memref_squeeze %dma_wait3A_299 : memref<1x!tpu.dma_semaphore, #tpu.memory_space<semaphore_mem>> -> memref<!tpu.dma_semaphore, #tpu.memory_space<semaphore_mem>>
    tpu.wait_indirect_dma semaphore(%dma_wait3A_300 : memref<!tpu.dma_semaphore, #tpu.memory_space<semaphore_mem>>) src(%arg11 : memref<128x16xf32, #tpu.memory_space<vmem>>) dst(%dma_wait3A_298 : memref<10240x16xf32, #tpu.memory_space<vmem_shared>>)
    %dma_wait3A_301 = arith.constant 77 : i32
    %dma_wait3A_302 = arith.constant 5 : i32
    %dma_wait3A_303 = arith.constant 0 : i32
    %dma_wait3A_304 = tpu.memref_slice %arg10[%dma_wait3A_301, %dma_wait3A_303] : memref<80x128xi32, #tpu.memory_space<vmem>> -> memref<1x128xi32, #tpu.memory_space<vmem>>
    %dma_wait3A_305 = tpu.memref_squeeze %dma_wait3A_304 : memref<1x128xi32, #tpu.memory_space<vmem>> -> memref<128xi32, #tpu.memory_space<vmem>>
    %dma_wait3A_306 = arith.constant 0 : i32
    %dma_wait3A_307 = arith.constant 0 : i32
    %dma_wait3A_308 = tpu.memref_slice %arg16[%dma_wait3A_306, %dma_wait3A_307] : memref<10240x16xf32, #tpu.memory_space<vmem_shared>> -> memref<10240x16xf32, #tpu.memory_space<vmem_shared>>
    %dma_wait3A_309 = tpu.memref_slice %arg18[%dma_wait3A_302] : memref<8x!tpu.dma_semaphore, #tpu.memory_space<semaphore_mem>> -> memref<1x!tpu.dma_semaphore, #tpu.memory_space<semaphore_mem>>
    %dma_wait3A_310 = tpu.memref_squeeze %dma_wait3A_309 : memref<1x!tpu.dma_semaphore, #tpu.memory_space<semaphore_mem>> -> memref<!tpu.dma_semaphore, #tpu.memory_space<semaphore_mem>>
    tpu.wait_indirect_dma semaphore(%dma_wait3A_310 : memref<!tpu.dma_semaphore, #tpu.memory_space<semaphore_mem>>) src(%arg11 : memref<128x16xf32, #tpu.memory_space<vmem>>) dst(%dma_wait3A_308 : memref<10240x16xf32, #tpu.memory_space<vmem_shared>>)
    %dma_wait3A_311 = arith.constant 78 : i32
    %dma_wait3A_312 = arith.constant 6 : i32
    %dma_wait3A_313 = arith.constant 768 : i32
    %dma_wait3A_314 = arith.constant 0 : i32
    %dma_wait3A_315 = tpu.memref_slice %arg12[%dma_wait3A_313, %dma_wait3A_314] : memref<1024x16xf32, #tpu.memory_space<vmem>> -> memref<128x16xf32, #tpu.memory_space<vmem>>
    %dma_wait3A_316 = arith.constant 0 : i32
    %dma_wait3A_317 = tpu.memref_slice %arg10[%dma_wait3A_311, %dma_wait3A_316] : memref<80x128xi32, #tpu.memory_space<vmem>> -> memref<1x128xi32, #tpu.memory_space<vmem>>
    %dma_wait3A_318 = tpu.memref_squeeze %dma_wait3A_317 : memref<1x128xi32, #tpu.memory_space<vmem>> -> memref<128xi32, #tpu.memory_space<vmem>>
    %dma_wait3A_319 = arith.constant 0 : i32
    %dma_wait3A_320 = arith.constant 0 : i32
    %dma_wait3A_321 = tpu.memref_slice %arg14[%dma_wait3A_319, %dma_wait3A_320] : memref<10240x16xf32, #tpu.memory_space<vmem_shared>> -> memref<10240x16xf32, #tpu.memory_space<vmem_shared>>
    %dma_wait3A_322 = tpu.memref_slice %arg18[%dma_wait3A_312] : memref<8x!tpu.dma_semaphore, #tpu.memory_space<semaphore_mem>> -> memref<1x!tpu.dma_semaphore, #tpu.memory_space<semaphore_mem>>
    %dma_wait3A_323 = tpu.memref_squeeze %dma_wait3A_322 : memref<1x!tpu.dma_semaphore, #tpu.memory_space<semaphore_mem>> -> memref<!tpu.dma_semaphore, #tpu.memory_space<semaphore_mem>>
    tpu.wait_indirect_dma semaphore(%dma_wait3A_323 : memref<!tpu.dma_semaphore, #tpu.memory_space<semaphore_mem>>) src(%dma_wait3A_315 : memref<128x16xf32, #tpu.memory_space<vmem>>) dst(%dma_wait3A_321 : memref<10240x16xf32, #tpu.memory_space<vmem_shared>>)
    %dma_wait3A_324 = arith.constant 78 : i32
    %dma_wait3A_325 = arith.constant 6 : i32
    %dma_wait3A_326 = arith.constant 0 : i32
    %dma_wait3A_327 = tpu.memref_slice %arg9[%dma_wait3A_324, %dma_wait3A_326] : memref<80x128xi32, #tpu.memory_space<vmem>> -> memref<1x128xi32, #tpu.memory_space<vmem>>
    %dma_wait3A_328 = tpu.memref_squeeze %dma_wait3A_327 : memref<1x128xi32, #tpu.memory_space<vmem>> -> memref<128xi32, #tpu.memory_space<vmem>>
    %dma_wait3A_329 = arith.constant 0 : i32
    %dma_wait3A_330 = arith.constant 0 : i32
    %dma_wait3A_331 = tpu.memref_slice %arg15[%dma_wait3A_329, %dma_wait3A_330] : memref<10240x16xf32, #tpu.memory_space<vmem_shared>> -> memref<10240x16xf32, #tpu.memory_space<vmem_shared>>
    %dma_wait3A_332 = tpu.memref_slice %arg18[%dma_wait3A_325] : memref<8x!tpu.dma_semaphore, #tpu.memory_space<semaphore_mem>> -> memref<1x!tpu.dma_semaphore, #tpu.memory_space<semaphore_mem>>
    %dma_wait3A_333 = tpu.memref_squeeze %dma_wait3A_332 : memref<1x!tpu.dma_semaphore, #tpu.memory_space<semaphore_mem>> -> memref<!tpu.dma_semaphore, #tpu.memory_space<semaphore_mem>>
    tpu.wait_indirect_dma semaphore(%dma_wait3A_333 : memref<!tpu.dma_semaphore, #tpu.memory_space<semaphore_mem>>) src(%arg11 : memref<128x16xf32, #tpu.memory_space<vmem>>) dst(%dma_wait3A_331 : memref<10240x16xf32, #tpu.memory_space<vmem_shared>>)
    %dma_wait3A_334 = arith.constant 78 : i32
    %dma_wait3A_335 = arith.constant 6 : i32
    %dma_wait3A_336 = arith.constant 0 : i32
    %dma_wait3A_337 = tpu.memref_slice %arg10[%dma_wait3A_334, %dma_wait3A_336] : memref<80x128xi32, #tpu.memory_space<vmem>> -> memref<1x128xi32, #tpu.memory_space<vmem>>
    %dma_wait3A_338 = tpu.memref_squeeze %dma_wait3A_337 : memref<1x128xi32, #tpu.memory_space<vmem>> -> memref<128xi32, #tpu.memory_space<vmem>>
    %dma_wait3A_339 = arith.constant 0 : i32
    %dma_wait3A_340 = arith.constant 0 : i32
    %dma_wait3A_341 = tpu.memref_slice %arg16[%dma_wait3A_339, %dma_wait3A_340] : memref<10240x16xf32, #tpu.memory_space<vmem_shared>> -> memref<10240x16xf32, #tpu.memory_space<vmem_shared>>
    %dma_wait3A_342 = tpu.memref_slice %arg18[%dma_wait3A_335] : memref<8x!tpu.dma_semaphore, #tpu.memory_space<semaphore_mem>> -> memref<1x!tpu.dma_semaphore, #tpu.memory_space<semaphore_mem>>
    %dma_wait3A_343 = tpu.memref_squeeze %dma_wait3A_342 : memref<1x!tpu.dma_semaphore, #tpu.memory_space<semaphore_mem>> -> memref<!tpu.dma_semaphore, #tpu.memory_space<semaphore_mem>>
    tpu.wait_indirect_dma semaphore(%dma_wait3A_343 : memref<!tpu.dma_semaphore, #tpu.memory_space<semaphore_mem>>) src(%arg11 : memref<128x16xf32, #tpu.memory_space<vmem>>) dst(%dma_wait3A_341 : memref<10240x16xf32, #tpu.memory_space<vmem_shared>>)
    %dma_wait3A_344 = arith.constant 79 : i32
    %dma_wait3A_345 = arith.constant 7 : i32
    %dma_wait3A_346 = arith.constant 896 : i32
    %dma_wait3A_347 = arith.constant 0 : i32
    %dma_wait3A_348 = tpu.memref_slice %arg12[%dma_wait3A_346, %dma_wait3A_347] : memref<1024x16xf32, #tpu.memory_space<vmem>> -> memref<128x16xf32, #tpu.memory_space<vmem>>
    %dma_wait3A_349 = arith.constant 0 : i32
    %dma_wait3A_350 = tpu.memref_slice %arg10[%dma_wait3A_344, %dma_wait3A_349] : memref<80x128xi32, #tpu.memory_space<vmem>> -> memref<1x128xi32, #tpu.memory_space<vmem>>
    %dma_wait3A_351 = tpu.memref_squeeze %dma_wait3A_350 : memref<1x128xi32, #tpu.memory_space<vmem>> -> memref<128xi32, #tpu.memory_space<vmem>>
    %dma_wait3A_352 = arith.constant 0 : i32
    %dma_wait3A_353 = arith.constant 0 : i32
    %dma_wait3A_354 = tpu.memref_slice %arg14[%dma_wait3A_352, %dma_wait3A_353] : memref<10240x16xf32, #tpu.memory_space<vmem_shared>> -> memref<10240x16xf32, #tpu.memory_space<vmem_shared>>
    %dma_wait3A_355 = tpu.memref_slice %arg18[%dma_wait3A_345] : memref<8x!tpu.dma_semaphore, #tpu.memory_space<semaphore_mem>> -> memref<1x!tpu.dma_semaphore, #tpu.memory_space<semaphore_mem>>
    %dma_wait3A_356 = tpu.memref_squeeze %dma_wait3A_355 : memref<1x!tpu.dma_semaphore, #tpu.memory_space<semaphore_mem>> -> memref<!tpu.dma_semaphore, #tpu.memory_space<semaphore_mem>>
    tpu.wait_indirect_dma semaphore(%dma_wait3A_356 : memref<!tpu.dma_semaphore, #tpu.memory_space<semaphore_mem>>) src(%dma_wait3A_348 : memref<128x16xf32, #tpu.memory_space<vmem>>) dst(%dma_wait3A_354 : memref<10240x16xf32, #tpu.memory_space<vmem_shared>>)
    %dma_wait3A_357 = arith.constant 79 : i32
    %dma_wait3A_358 = arith.constant 7 : i32
    %dma_wait3A_359 = arith.constant 0 : i32
    %dma_wait3A_360 = tpu.memref_slice %arg9[%dma_wait3A_357, %dma_wait3A_359] : memref<80x128xi32, #tpu.memory_space<vmem>> -> memref<1x128xi32, #tpu.memory_space<vmem>>
    %dma_wait3A_361 = tpu.memref_squeeze %dma_wait3A_360 : memref<1x128xi32, #tpu.memory_space<vmem>> -> memref<128xi32, #tpu.memory_space<vmem>>
    %dma_wait3A_362 = arith.constant 0 : i32
    %dma_wait3A_363 = arith.constant 0 : i32
    %dma_wait3A_364 = tpu.memref_slice %arg15[%dma_wait3A_362, %dma_wait3A_363] : memref<10240x16xf32, #tpu.memory_space<vmem_shared>> -> memref<10240x16xf32, #tpu.memory_space<vmem_shared>>
    %dma_wait3A_365 = tpu.memref_slice %arg18[%dma_wait3A_358] : memref<8x!tpu.dma_semaphore, #tpu.memory_space<semaphore_mem>> -> memref<1x!tpu.dma_semaphore, #tpu.memory_space<semaphore_mem>>
    %dma_wait3A_366 = tpu.memref_squeeze %dma_wait3A_365 : memref<1x!tpu.dma_semaphore, #tpu.memory_space<semaphore_mem>> -> memref<!tpu.dma_semaphore, #tpu.memory_space<semaphore_mem>>
    tpu.wait_indirect_dma semaphore(%dma_wait3A_366 : memref<!tpu.dma_semaphore, #tpu.memory_space<semaphore_mem>>) src(%arg11 : memref<128x16xf32, #tpu.memory_space<vmem>>) dst(%dma_wait3A_364 : memref<10240x16xf32, #tpu.memory_space<vmem_shared>>)
    %dma_wait3A_367 = arith.constant 79 : i32
    %dma_wait3A_368 = arith.constant 7 : i32
    %dma_wait3A_369 = arith.constant 0 : i32
    %dma_wait3A_370 = tpu.memref_slice %arg10[%dma_wait3A_367, %dma_wait3A_369] : memref<80x128xi32, #tpu.memory_space<vmem>> -> memref<1x128xi32, #tpu.memory_space<vmem>>
    %dma_wait3A_371 = tpu.memref_squeeze %dma_wait3A_370 : memref<1x128xi32, #tpu.memory_space<vmem>> -> memref<128xi32, #tpu.memory_space<vmem>>
    %dma_wait3A_372 = arith.constant 0 : i32
    %dma_wait3A_373 = arith.constant 0 : i32
    %dma_wait3A_374 = tpu.memref_slice %arg16[%dma_wait3A_372, %dma_wait3A_373] : memref<10240x16xf32, #tpu.memory_space<vmem_shared>> -> memref<10240x16xf32, #tpu.memory_space<vmem_shared>>
    %dma_wait3A_375 = tpu.memref_slice %arg18[%dma_wait3A_368] : memref<8x!tpu.dma_semaphore, #tpu.memory_space<semaphore_mem>> -> memref<1x!tpu.dma_semaphore, #tpu.memory_space<semaphore_mem>>
    %dma_wait3A_376 = tpu.memref_squeeze %dma_wait3A_375 : memref<1x!tpu.dma_semaphore, #tpu.memory_space<semaphore_mem>> -> memref<!tpu.dma_semaphore, #tpu.memory_space<semaphore_mem>>
    tpu.wait_indirect_dma semaphore(%dma_wait3A_376 : memref<!tpu.dma_semaphore, #tpu.memory_space<semaphore_mem>>) src(%arg11 : memref<128x16xf32, #tpu.memory_space<vmem>>) dst(%dma_wait3A_374 : memref<10240x16xf32, #tpu.memory_space<vmem_shared>>)
    %barrier3A_377 = arith.constant 0 : index
    tpu.barrier barrier_id(%barrier3A_377)
    "tpu.region"() ({
      %run_scoped3A_378 = tpu.sem_alloc : memref<!tpu.dma_semaphore, #tpu.memory_space<semaphore_mem>>
      %dma_start3A_379 = arith.constant 0 : i32
      %dma_start3A_380 = tpu.memref_slice %arg14[%mul3A_2, %dma_start3A_379] : memref<10240x16xf32, #tpu.memory_space<vmem_shared>> -> memref<640x16xf32, #tpu.memory_space<vmem_shared>>
      %dma_start3A_381 = arith.constant 0 : i32
      %dma_start3A_382 = tpu.memref_slice %arg14[%mul3A_2, %dma_start3A_381] : memref<10240x16xf32, #tpu.memory_space<vmem_shared>> -> memref<640x16xf32, #tpu.memory_space<vmem_shared>>
      tpu.enqueue_dma source(%dma_start3A_382 : memref<640x16xf32, #tpu.memory_space<vmem_shared>>) target(%arg13 : memref<640x16xf32, #tpu.memory_space<vmem>>) target_semaphore(%run_scoped3A_378 : memref<!tpu.dma_semaphore, #tpu.memory_space<semaphore_mem>>)
      %dma_wait3A_383 = arith.constant 0 : i32
      %dma_wait3A_384 = tpu.memref_slice %arg14[%mul3A_2, %dma_wait3A_383] : memref<10240x16xf32, #tpu.memory_space<vmem_shared>> -> memref<640x16xf32, #tpu.memory_space<vmem_shared>>
      %dma_wait3A_385 = arith.constant 0 : i32
      %dma_wait3A_386 = tpu.memref_slice %arg14[%mul3A_2, %dma_wait3A_385] : memref<10240x16xf32, #tpu.memory_space<vmem_shared>> -> memref<640x16xf32, #tpu.memory_space<vmem_shared>>
      tpu.wait_dma2 semaphore(%run_scoped3A_378 : memref<!tpu.dma_semaphore, #tpu.memory_space<semaphore_mem>>) src(%dma_wait3A_386 : memref<640x16xf32, #tpu.memory_space<vmem_shared>>) dst(%arg13 : memref<640x16xf32, #tpu.memory_space<vmem>>)
      tpu.yield
    }) : () -> ()
    "tpu.region"() ({
      %run_scoped3A_378 = tpu.sem_alloc : memref<!tpu.dma_semaphore, #tpu.memory_space<semaphore_mem>>
      %dma_start3A_379 = arith.constant 0 : i32
      %dma_start3A_380 = arith.constant 0 : i32
      %dma_start3A_381 = tpu.memref_slice %arg6[%arg0, %dma_start3A_379, %dma_start3A_380] : memref<2x10240x16xf32, #tpu.memory_space<hbm>> -> memref<1x10240x16xf32, #tpu.memory_space<hbm>>
      %dma_start3A_382 = tpu.memref_squeeze %dma_start3A_381 : memref<1x10240x16xf32, #tpu.memory_space<hbm>> -> memref<10240x16xf32, #tpu.memory_space<hbm>>
      %dma_start3A_383 = arith.constant 0 : i32
      %dma_start3A_384 = tpu.memref_slice %dma_start3A_382[%mul3A_2, %dma_start3A_383] : memref<10240x16xf32, #tpu.memory_space<hbm>> -> memref<640x16xf32, #tpu.memory_space<hbm>>
      %dma_start3A_385 = arith.constant 0 : i32
      %dma_start3A_386 = arith.constant 0 : i32
      %dma_start3A_387 = tpu.memref_slice %arg6[%arg0, %dma_start3A_385, %dma_start3A_386] : memref<2x10240x16xf32, #tpu.memory_space<hbm>> -> memref<1x10240x16xf32, #tpu.memory_space<hbm>>
      %dma_start3A_388 = tpu.memref_squeeze %dma_start3A_387 : memref<1x10240x16xf32, #tpu.memory_space<hbm>> -> memref<10240x16xf32, #tpu.memory_space<hbm>>
      %dma_start3A_389 = arith.constant 0 : i32
      %dma_start3A_390 = tpu.memref_slice %dma_start3A_388[%mul3A_2, %dma_start3A_389] : memref<10240x16xf32, #tpu.memory_space<hbm>> -> memref<640x16xf32, #tpu.memory_space<hbm>>
      tpu.enqueue_dma source(%arg13 : memref<640x16xf32, #tpu.memory_space<vmem>>) target(%dma_start3A_390 : memref<640x16xf32, #tpu.memory_space<hbm>>) target_semaphore(%run_scoped3A_378 : memref<!tpu.dma_semaphore, #tpu.memory_space<semaphore_mem>>)
      %dma_wait3A_391 = arith.constant 0 : i32
      %dma_wait3A_392 = arith.constant 0 : i32
      %dma_wait3A_393 = tpu.memref_slice %arg6[%arg0, %dma_wait3A_391, %dma_wait3A_392] : memref<2x10240x16xf32, #tpu.memory_space<hbm>> -> memref<1x10240x16xf32, #tpu.memory_space<hbm>>
      %dma_wait3A_394 = tpu.memref_squeeze %dma_wait3A_393 : memref<1x10240x16xf32, #tpu.memory_space<hbm>> -> memref<10240x16xf32, #tpu.memory_space<hbm>>
      %dma_wait3A_395 = arith.constant 0 : i32
      %dma_wait3A_396 = tpu.memref_slice %dma_wait3A_394[%mul3A_2, %dma_wait3A_395] : memref<10240x16xf32, #tpu.memory_space<hbm>> -> memref<640x16xf32, #tpu.memory_space<hbm>>
      %dma_wait3A_397 = arith.constant 0 : i32
      %dma_wait3A_398 = arith.constant 0 : i32
      %dma_wait3A_399 = tpu.memref_slice %arg6[%arg0, %dma_wait3A_397, %dma_wait3A_398] : memref<2x10240x16xf32, #tpu.memory_space<hbm>> -> memref<1x10240x16xf32, #tpu.memory_space<hbm>>
      %dma_wait3A_400 = tpu.memref_squeeze %dma_wait3A_399 : memref<1x10240x16xf32, #tpu.memory_space<hbm>> -> memref<10240x16xf32, #tpu.memory_space<hbm>>
      %dma_wait3A_401 = arith.constant 0 : i32
      %dma_wait3A_402 = tpu.memref_slice %dma_wait3A_400[%mul3A_2, %dma_wait3A_401] : memref<10240x16xf32, #tpu.memory_space<hbm>> -> memref<640x16xf32, #tpu.memory_space<hbm>>
      tpu.wait_dma2 semaphore(%run_scoped3A_378 : memref<!tpu.dma_semaphore, #tpu.memory_space<semaphore_mem>>) src(%arg13 : memref<640x16xf32, #tpu.memory_space<vmem>>) dst(%dma_wait3A_402 : memref<640x16xf32, #tpu.memory_space<hbm>>)
      tpu.yield
    }) : () -> ()
    "tpu.region"() ({
      %run_scoped3A_378 = tpu.sem_alloc : memref<!tpu.dma_semaphore, #tpu.memory_space<semaphore_mem>>
      %dma_start3A_379 = arith.constant 0 : i32
      %dma_start3A_380 = tpu.memref_slice %arg15[%mul3A_2, %dma_start3A_379] : memref<10240x16xf32, #tpu.memory_space<vmem_shared>> -> memref<640x16xf32, #tpu.memory_space<vmem_shared>>
      %dma_start3A_381 = arith.constant 0 : i32
      %dma_start3A_382 = tpu.memref_slice %arg15[%mul3A_2, %dma_start3A_381] : memref<10240x16xf32, #tpu.memory_space<vmem_shared>> -> memref<640x16xf32, #tpu.memory_space<vmem_shared>>
      tpu.enqueue_dma source(%dma_start3A_382 : memref<640x16xf32, #tpu.memory_space<vmem_shared>>) target(%arg13 : memref<640x16xf32, #tpu.memory_space<vmem>>) target_semaphore(%run_scoped3A_378 : memref<!tpu.dma_semaphore, #tpu.memory_space<semaphore_mem>>)
      %dma_wait3A_383 = arith.constant 0 : i32
      %dma_wait3A_384 = tpu.memref_slice %arg15[%mul3A_2, %dma_wait3A_383] : memref<10240x16xf32, #tpu.memory_space<vmem_shared>> -> memref<640x16xf32, #tpu.memory_space<vmem_shared>>
      %dma_wait3A_385 = arith.constant 0 : i32
      %dma_wait3A_386 = tpu.memref_slice %arg15[%mul3A_2, %dma_wait3A_385] : memref<10240x16xf32, #tpu.memory_space<vmem_shared>> -> memref<640x16xf32, #tpu.memory_space<vmem_shared>>
      tpu.wait_dma2 semaphore(%run_scoped3A_378 : memref<!tpu.dma_semaphore, #tpu.memory_space<semaphore_mem>>) src(%dma_wait3A_386 : memref<640x16xf32, #tpu.memory_space<vmem_shared>>) dst(%arg13 : memref<640x16xf32, #tpu.memory_space<vmem>>)
      tpu.yield
    }) : () -> ()
    "tpu.region"() ({
      %run_scoped3A_378 = tpu.sem_alloc : memref<!tpu.dma_semaphore, #tpu.memory_space<semaphore_mem>>
      %dma_start3A_379 = arith.constant 0 : i32
      %dma_start3A_380 = arith.constant 0 : i32
      %dma_start3A_381 = tpu.memref_slice %arg7[%arg0, %dma_start3A_379, %dma_start3A_380] : memref<2x10240x16xf32, #tpu.memory_space<hbm>> -> memref<1x10240x16xf32, #tpu.memory_space<hbm>>
      %dma_start3A_382 = tpu.memref_squeeze %dma_start3A_381 : memref<1x10240x16xf32, #tpu.memory_space<hbm>> -> memref<10240x16xf32, #tpu.memory_space<hbm>>
      %dma_start3A_383 = arith.constant 0 : i32
      %dma_start3A_384 = tpu.memref_slice %dma_start3A_382[%mul3A_2, %dma_start3A_383] : memref<10240x16xf32, #tpu.memory_space<hbm>> -> memref<640x16xf32, #tpu.memory_space<hbm>>
      %dma_start3A_385 = arith.constant 0 : i32
      %dma_start3A_386 = arith.constant 0 : i32
      %dma_start3A_387 = tpu.memref_slice %arg7[%arg0, %dma_start3A_385, %dma_start3A_386] : memref<2x10240x16xf32, #tpu.memory_space<hbm>> -> memref<1x10240x16xf32, #tpu.memory_space<hbm>>
      %dma_start3A_388 = tpu.memref_squeeze %dma_start3A_387 : memref<1x10240x16xf32, #tpu.memory_space<hbm>> -> memref<10240x16xf32, #tpu.memory_space<hbm>>
      %dma_start3A_389 = arith.constant 0 : i32
      %dma_start3A_390 = tpu.memref_slice %dma_start3A_388[%mul3A_2, %dma_start3A_389] : memref<10240x16xf32, #tpu.memory_space<hbm>> -> memref<640x16xf32, #tpu.memory_space<hbm>>
      tpu.enqueue_dma source(%arg13 : memref<640x16xf32, #tpu.memory_space<vmem>>) target(%dma_start3A_390 : memref<640x16xf32, #tpu.memory_space<hbm>>) target_semaphore(%run_scoped3A_378 : memref<!tpu.dma_semaphore, #tpu.memory_space<semaphore_mem>>)
      %dma_wait3A_391 = arith.constant 0 : i32
      %dma_wait3A_392 = arith.constant 0 : i32
      %dma_wait3A_393 = tpu.memref_slice %arg7[%arg0, %dma_wait3A_391, %dma_wait3A_392] : memref<2x10240x16xf32, #tpu.memory_space<hbm>> -> memref<1x10240x16xf32, #tpu.memory_space<hbm>>
      %dma_wait3A_394 = tpu.memref_squeeze %dma_wait3A_393 : memref<1x10240x16xf32, #tpu.memory_space<hbm>> -> memref<10240x16xf32, #tpu.memory_space<hbm>>
      %dma_wait3A_395 = arith.constant 0 : i32
      %dma_wait3A_396 = tpu.memref_slice %dma_wait3A_394[%mul3A_2, %dma_wait3A_395] : memref<10240x16xf32, #tpu.memory_space<hbm>> -> memref<640x16xf32, #tpu.memory_space<hbm>>
      %dma_wait3A_397 = arith.constant 0 : i32
      %dma_wait3A_398 = arith.constant 0 : i32
      %dma_wait3A_399 = tpu.memref_slice %arg7[%arg0, %dma_wait3A_397, %dma_wait3A_398] : memref<2x10240x16xf32, #tpu.memory_space<hbm>> -> memref<1x10240x16xf32, #tpu.memory_space<hbm>>
      %dma_wait3A_400 = tpu.memref_squeeze %dma_wait3A_399 : memref<1x10240x16xf32, #tpu.memory_space<hbm>> -> memref<10240x16xf32, #tpu.memory_space<hbm>>
      %dma_wait3A_401 = arith.constant 0 : i32
      %dma_wait3A_402 = tpu.memref_slice %dma_wait3A_400[%mul3A_2, %dma_wait3A_401] : memref<10240x16xf32, #tpu.memory_space<hbm>> -> memref<640x16xf32, #tpu.memory_space<hbm>>
      tpu.wait_dma2 semaphore(%run_scoped3A_378 : memref<!tpu.dma_semaphore, #tpu.memory_space<semaphore_mem>>) src(%arg13 : memref<640x16xf32, #tpu.memory_space<vmem>>) dst(%dma_wait3A_402 : memref<640x16xf32, #tpu.memory_space<hbm>>)
      tpu.yield
    }) : () -> ()
    "tpu.region"() ({
      %run_scoped3A_378 = tpu.sem_alloc : memref<!tpu.dma_semaphore, #tpu.memory_space<semaphore_mem>>
      %dma_start3A_379 = arith.constant 0 : i32
      %dma_start3A_380 = tpu.memref_slice %arg16[%mul3A_2, %dma_start3A_379] : memref<10240x16xf32, #tpu.memory_space<vmem_shared>> -> memref<640x16xf32, #tpu.memory_space<vmem_shared>>
      %dma_start3A_381 = arith.constant 0 : i32
      %dma_start3A_382 = tpu.memref_slice %arg16[%mul3A_2, %dma_start3A_381] : memref<10240x16xf32, #tpu.memory_space<vmem_shared>> -> memref<640x16xf32, #tpu.memory_space<vmem_shared>>
      tpu.enqueue_dma source(%dma_start3A_382 : memref<640x16xf32, #tpu.memory_space<vmem_shared>>) target(%arg13 : memref<640x16xf32, #tpu.memory_space<vmem>>) target_semaphore(%run_scoped3A_378 : memref<!tpu.dma_semaphore, #tpu.memory_space<semaphore_mem>>)
      %dma_wait3A_383 = arith.constant 0 : i32
      %dma_wait3A_384 = tpu.memref_slice %arg16[%mul3A_2, %dma_wait3A_383] : memref<10240x16xf32, #tpu.memory_space<vmem_shared>> -> memref<640x16xf32, #tpu.memory_space<vmem_shared>>
      %dma_wait3A_385 = arith.constant 0 : i32
      %dma_wait3A_386 = tpu.memref_slice %arg16[%mul3A_2, %dma_wait3A_385] : memref<10240x16xf32, #tpu.memory_space<vmem_shared>> -> memref<640x16xf32, #tpu.memory_space<vmem_shared>>
      tpu.wait_dma2 semaphore(%run_scoped3A_378 : memref<!tpu.dma_semaphore, #tpu.memory_space<semaphore_mem>>) src(%dma_wait3A_386 : memref<640x16xf32, #tpu.memory_space<vmem_shared>>) dst(%arg13 : memref<640x16xf32, #tpu.memory_space<vmem>>)
      tpu.yield
    }) : () -> ()
    "tpu.region"() ({
      %run_scoped3A_378 = tpu.sem_alloc : memref<!tpu.dma_semaphore, #tpu.memory_space<semaphore_mem>>
      %dma_start3A_379 = arith.constant 0 : i32
      %dma_start3A_380 = arith.constant 0 : i32
      %dma_start3A_381 = tpu.memref_slice %arg8[%arg0, %dma_start3A_379, %dma_start3A_380] : memref<2x10240x16xf32, #tpu.memory_space<hbm>> -> memref<1x10240x16xf32, #tpu.memory_space<hbm>>
      %dma_start3A_382 = tpu.memref_squeeze %dma_start3A_381 : memref<1x10240x16xf32, #tpu.memory_space<hbm>> -> memref<10240x16xf32, #tpu.memory_space<hbm>>
      %dma_start3A_383 = arith.constant 0 : i32
      %dma_start3A_384 = tpu.memref_slice %dma_start3A_382[%mul3A_2, %dma_start3A_383] : memref<10240x16xf32, #tpu.memory_space<hbm>> -> memref<640x16xf32, #tpu.memory_space<hbm>>
      %dma_start3A_385 = arith.constant 0 : i32
      %dma_start3A_386 = arith.constant 0 : i32
      %dma_start3A_387 = tpu.memref_slice %arg8[%arg0, %dma_start3A_385, %dma_start3A_386] : memref<2x10240x16xf32, #tpu.memory_space<hbm>> -> memref<1x10240x16xf32, #tpu.memory_space<hbm>>
      %dma_start3A_388 = tpu.memref_squeeze %dma_start3A_387 : memref<1x10240x16xf32, #tpu.memory_space<hbm>> -> memref<10240x16xf32, #tpu.memory_space<hbm>>
      %dma_start3A_389 = arith.constant 0 : i32
      %dma_start3A_390 = tpu.memref_slice %dma_start3A_388[%mul3A_2, %dma_start3A_389] : memref<10240x16xf32, #tpu.memory_space<hbm>> -> memref<640x16xf32, #tpu.memory_space<hbm>>
      tpu.enqueue_dma source(%arg13 : memref<640x16xf32, #tpu.memory_space<vmem>>) target(%dma_start3A_390 : memref<640x16xf32, #tpu.memory_space<hbm>>) target_semaphore(%run_scoped3A_378 : memref<!tpu.dma_semaphore, #tpu.memory_space<semaphore_mem>>)
      %dma_wait3A_391 = arith.constant 0 : i32
      %dma_wait3A_392 = arith.constant 0 : i32
      %dma_wait3A_393 = tpu.memref_slice %arg8[%arg0, %dma_wait3A_391, %dma_wait3A_392] : memref<2x10240x16xf32, #tpu.memory_space<hbm>> -> memref<1x10240x16xf32, #tpu.memory_space<hbm>>
      %dma_wait3A_394 = tpu.memref_squeeze %dma_wait3A_393 : memref<1x10240x16xf32, #tpu.memory_space<hbm>> -> memref<10240x16xf32, #tpu.memory_space<hbm>>
      %dma_wait3A_395 = arith.constant 0 : i32
      %dma_wait3A_396 = tpu.memref_slice %dma_wait3A_394[%mul3A_2, %dma_wait3A_395] : memref<10240x16xf32, #tpu.memory_space<hbm>> -> memref<640x16xf32, #tpu.memory_space<hbm>>
      %dma_wait3A_397 = arith.constant 0 : i32
      %dma_wait3A_398 = arith.constant 0 : i32
      %dma_wait3A_399 = tpu.memref_slice %arg8[%arg0, %dma_wait3A_397, %dma_wait3A_398] : memref<2x10240x16xf32, #tpu.memory_space<hbm>> -> memref<1x10240x16xf32, #tpu.memory_space<hbm>>
      %dma_wait3A_400 = tpu.memref_squeeze %dma_wait3A_399 : memref<1x10240x16xf32, #tpu.memory_space<hbm>> -> memref<10240x16xf32, #tpu.memory_space<hbm>>
      %dma_wait3A_401 = arith.constant 0 : i32
      %dma_wait3A_402 = tpu.memref_slice %dma_wait3A_400[%mul3A_2, %dma_wait3A_401] : memref<10240x16xf32, #tpu.memory_space<hbm>> -> memref<640x16xf32, #tpu.memory_space<hbm>>
      tpu.wait_dma2 semaphore(%run_scoped3A_378 : memref<!tpu.dma_semaphore, #tpu.memory_space<semaphore_mem>>) src(%arg13 : memref<640x16xf32, #tpu.memory_space<vmem>>) dst(%dma_wait3A_402 : memref<640x16xf32, #tpu.memory_space<hbm>>)
      tpu.yield
    }) : () -> ()
    return
  }
}

#map = affine_map<(d0, d1) -> (0, 0)>
#map1 = affine_map<(d0, d1) -> (0, 0, 0)>
module attributes {stable_mosaic.version = 14 : i64} {
  func.func @_round_body(%arg0: i32, %arg1: i32, %arg2: memref<10240x16xf32, #tpu.memory_space<hbm>>, %arg3: memref<2x2560x128xi32, #tpu.memory_space<hbm>>, %arg4: memref<640x16xf32, #tpu.memory_space<hbm>>, %arg5: memref<2x10240x16xf32, #tpu.memory_space<hbm>>, %arg6: memref<80x128xi32, #tpu.memory_space<vmem>>, %arg7: memref<80x128xi32, #tpu.memory_space<vmem>>, %arg8: memref<1024x16xf32, #tpu.memory_space<vmem>>, %arg9: memref<640x16xf32, #tpu.memory_space<vmem>>, %arg10: memref<10240x16xf32, #tpu.memory_space<vmem_shared>>, %arg11: memref<8x!tpu.dma_semaphore, #tpu.memory_space<semaphore_mem>>, %arg12: memref<8x!tpu.dma_semaphore, #tpu.memory_space<semaphore_mem>>) attributes {dimension_semantics = [#tpu.dimension_semantics<core_parallel>, #tpu.dimension_semantics<subcore_parallel>], iteration_bounds = array<i64: 2, 16>, scalar_prefetch = 0 : i64, scratch_operands = 7 : i64, tpu.core_type = #tpu.core_type<sc_vector_subcore>, window_params = [{transform_indices = #map}, {transform_indices = #map1}, {transform_indices = #map}, {transform_indices = #map1}]} {
    %mul3A = arith.constant 2 : i32
    %mul3A_0 = arith.muli %arg1, %mul3A : i32
    %add3A = arith.addi %mul3A_0, %arg0 : i32
    %mul3A_1 = arith.constant 640 : i32
    %mul3A_2 = arith.muli %arg1, %mul3A_1 : i32
    "tpu.region"() ({
      %run_scoped3A_218 = tpu.sem_alloc : memref<!tpu.dma_semaphore, #tpu.memory_space<semaphore_mem>>
      tpu.enqueue_dma source(%arg4 : memref<640x16xf32, #tpu.memory_space<hbm>>) target(%arg9 : memref<640x16xf32, #tpu.memory_space<vmem>>) target_semaphore(%run_scoped3A_218 : memref<!tpu.dma_semaphore, #tpu.memory_space<semaphore_mem>>)
      tpu.wait_dma2 semaphore(%run_scoped3A_218 : memref<!tpu.dma_semaphore, #tpu.memory_space<semaphore_mem>>) src(%arg4 : memref<640x16xf32, #tpu.memory_space<hbm>>) dst(%arg9 : memref<640x16xf32, #tpu.memory_space<vmem>>)
      tpu.yield
    }) : () -> ()
    "tpu.region"() ({
      %run_scoped3A_218 = tpu.sem_alloc : memref<!tpu.dma_semaphore, #tpu.memory_space<semaphore_mem>>
      %dma_start3A_219 = arith.constant 0 : i32
      %dma_start3A_220 = tpu.memref_slice %arg10[%mul3A_2, %dma_start3A_219] : memref<10240x16xf32, #tpu.memory_space<vmem_shared>> -> memref<640x16xf32, #tpu.memory_space<vmem_shared>>
      %dma_start3A_221 = arith.constant 0 : i32
      %dma_start3A_222 = tpu.memref_slice %arg10[%mul3A_2, %dma_start3A_221] : memref<10240x16xf32, #tpu.memory_space<vmem_shared>> -> memref<640x16xf32, #tpu.memory_space<vmem_shared>>
      tpu.enqueue_dma source(%arg9 : memref<640x16xf32, #tpu.memory_space<vmem>>) target(%dma_start3A_222 : memref<640x16xf32, #tpu.memory_space<vmem_shared>>) target_semaphore(%run_scoped3A_218 : memref<!tpu.dma_semaphore, #tpu.memory_space<semaphore_mem>>)
      %dma_wait3A_223 = arith.constant 0 : i32
      %dma_wait3A_224 = tpu.memref_slice %arg10[%mul3A_2, %dma_wait3A_223] : memref<10240x16xf32, #tpu.memory_space<vmem_shared>> -> memref<640x16xf32, #tpu.memory_space<vmem_shared>>
      %dma_wait3A_225 = arith.constant 0 : i32
      %dma_wait3A_226 = tpu.memref_slice %arg10[%mul3A_2, %dma_wait3A_225] : memref<10240x16xf32, #tpu.memory_space<vmem_shared>> -> memref<640x16xf32, #tpu.memory_space<vmem_shared>>
      tpu.wait_dma2 semaphore(%run_scoped3A_218 : memref<!tpu.dma_semaphore, #tpu.memory_space<semaphore_mem>>) src(%arg9 : memref<640x16xf32, #tpu.memory_space<vmem>>) dst(%dma_wait3A_226 : memref<640x16xf32, #tpu.memory_space<vmem_shared>>)
      tpu.yield
    }) : () -> ()
    %mul3A_3 = arith.constant 80 : i32
    %mul3A_4 = arith.muli %add3A, %mul3A_3 : i32
    %run_scoped3A = arith.constant 0 : i32
    "tpu.region"() ({
      %run_scoped3A_218 = tpu.sem_alloc : memref<!tpu.dma_semaphore, #tpu.memory_space<semaphore_mem>>
      %dma_start3A_219 = arith.constant 0 : i32
      %dma_start3A_220 = arith.constant 0 : i32
      %dma_start3A_221 = tpu.memref_slice %arg3[%run_scoped3A, %dma_start3A_219, %dma_start3A_220] : memref<2x2560x128xi32, #tpu.memory_space<hbm>> -> memref<1x2560x128xi32, #tpu.memory_space<hbm>>
      %dma_start3A_222 = tpu.memref_squeeze %dma_start3A_221 : memref<1x2560x128xi32, #tpu.memory_space<hbm>> -> memref<2560x128xi32, #tpu.memory_space<hbm>>
      %dma_start3A_223 = arith.constant 0 : i32
      %dma_start3A_224 = tpu.memref_slice %dma_start3A_222[%mul3A_4, %dma_start3A_223] : memref<2560x128xi32, #tpu.memory_space<hbm>> -> memref<80x128xi32, #tpu.memory_space<hbm>>
      %dma_start3A_225 = arith.constant 0 : i32
      %dma_start3A_226 = arith.constant 0 : i32
      %dma_start3A_227 = tpu.memref_slice %arg3[%run_scoped3A, %dma_start3A_225, %dma_start3A_226] : memref<2x2560x128xi32, #tpu.memory_space<hbm>> -> memref<1x2560x128xi32, #tpu.memory_space<hbm>>
      %dma_start3A_228 = tpu.memref_squeeze %dma_start3A_227 : memref<1x2560x128xi32, #tpu.memory_space<hbm>> -> memref<2560x128xi32, #tpu.memory_space<hbm>>
      %dma_start3A_229 = arith.constant 0 : i32
      %dma_start3A_230 = tpu.memref_slice %dma_start3A_228[%mul3A_4, %dma_start3A_229] : memref<2560x128xi32, #tpu.memory_space<hbm>> -> memref<80x128xi32, #tpu.memory_space<hbm>>
      tpu.enqueue_dma source(%dma_start3A_230 : memref<80x128xi32, #tpu.memory_space<hbm>>) target(%arg6 : memref<80x128xi32, #tpu.memory_space<vmem>>) target_semaphore(%run_scoped3A_218 : memref<!tpu.dma_semaphore, #tpu.memory_space<semaphore_mem>>)
      %dma_wait3A_231 = arith.constant 0 : i32
      %dma_wait3A_232 = arith.constant 0 : i32
      %dma_wait3A_233 = tpu.memref_slice %arg3[%run_scoped3A, %dma_wait3A_231, %dma_wait3A_232] : memref<2x2560x128xi32, #tpu.memory_space<hbm>> -> memref<1x2560x128xi32, #tpu.memory_space<hbm>>
      %dma_wait3A_234 = tpu.memref_squeeze %dma_wait3A_233 : memref<1x2560x128xi32, #tpu.memory_space<hbm>> -> memref<2560x128xi32, #tpu.memory_space<hbm>>
      %dma_wait3A_235 = arith.constant 0 : i32
      %dma_wait3A_236 = tpu.memref_slice %dma_wait3A_234[%mul3A_4, %dma_wait3A_235] : memref<2560x128xi32, #tpu.memory_space<hbm>> -> memref<80x128xi32, #tpu.memory_space<hbm>>
      %dma_wait3A_237 = arith.constant 0 : i32
      %dma_wait3A_238 = arith.constant 0 : i32
      %dma_wait3A_239 = tpu.memref_slice %arg3[%run_scoped3A, %dma_wait3A_237, %dma_wait3A_238] : memref<2x2560x128xi32, #tpu.memory_space<hbm>> -> memref<1x2560x128xi32, #tpu.memory_space<hbm>>
      %dma_wait3A_240 = tpu.memref_squeeze %dma_wait3A_239 : memref<1x2560x128xi32, #tpu.memory_space<hbm>> -> memref<2560x128xi32, #tpu.memory_space<hbm>>
      %dma_wait3A_241 = arith.constant 0 : i32
      %dma_wait3A_242 = tpu.memref_slice %dma_wait3A_240[%mul3A_4, %dma_wait3A_241] : memref<2560x128xi32, #tpu.memory_space<hbm>> -> memref<80x128xi32, #tpu.memory_space<hbm>>
      tpu.wait_dma2 semaphore(%run_scoped3A_218 : memref<!tpu.dma_semaphore, #tpu.memory_space<semaphore_mem>>) src(%dma_wait3A_242 : memref<80x128xi32, #tpu.memory_space<hbm>>) dst(%arg6 : memref<80x128xi32, #tpu.memory_space<vmem>>)
      tpu.yield
    }) : () -> ()
    %run_scoped3A_5 = arith.constant 1 : i32
    "tpu.region"() ({
      %run_scoped3A_218 = tpu.sem_alloc : memref<!tpu.dma_semaphore, #tpu.memory_space<semaphore_mem>>
      %dma_start3A_219 = arith.constant 0 : i32
      %dma_start3A_220 = arith.constant 0 : i32
      %dma_start3A_221 = tpu.memref_slice %arg3[%run_scoped3A_5, %dma_start3A_219, %dma_start3A_220] : memref<2x2560x128xi32, #tpu.memory_space<hbm>> -> memref<1x2560x128xi32, #tpu.memory_space<hbm>>
      %dma_start3A_222 = tpu.memref_squeeze %dma_start3A_221 : memref<1x2560x128xi32, #tpu.memory_space<hbm>> -> memref<2560x128xi32, #tpu.memory_space<hbm>>
      %dma_start3A_223 = arith.constant 0 : i32
      %dma_start3A_224 = tpu.memref_slice %dma_start3A_222[%mul3A_4, %dma_start3A_223] : memref<2560x128xi32, #tpu.memory_space<hbm>> -> memref<80x128xi32, #tpu.memory_space<hbm>>
      %dma_start3A_225 = arith.constant 0 : i32
      %dma_start3A_226 = arith.constant 0 : i32
      %dma_start3A_227 = tpu.memref_slice %arg3[%run_scoped3A_5, %dma_start3A_225, %dma_start3A_226] : memref<2x2560x128xi32, #tpu.memory_space<hbm>> -> memref<1x2560x128xi32, #tpu.memory_space<hbm>>
      %dma_start3A_228 = tpu.memref_squeeze %dma_start3A_227 : memref<1x2560x128xi32, #tpu.memory_space<hbm>> -> memref<2560x128xi32, #tpu.memory_space<hbm>>
      %dma_start3A_229 = arith.constant 0 : i32
      %dma_start3A_230 = tpu.memref_slice %dma_start3A_228[%mul3A_4, %dma_start3A_229] : memref<2560x128xi32, #tpu.memory_space<hbm>> -> memref<80x128xi32, #tpu.memory_space<hbm>>
      tpu.enqueue_dma source(%dma_start3A_230 : memref<80x128xi32, #tpu.memory_space<hbm>>) target(%arg7 : memref<80x128xi32, #tpu.memory_space<vmem>>) target_semaphore(%run_scoped3A_218 : memref<!tpu.dma_semaphore, #tpu.memory_space<semaphore_mem>>)
      %dma_wait3A_231 = arith.constant 0 : i32
      %dma_wait3A_232 = arith.constant 0 : i32
      %dma_wait3A_233 = tpu.memref_slice %arg3[%run_scoped3A_5, %dma_wait3A_231, %dma_wait3A_232] : memref<2x2560x128xi32, #tpu.memory_space<hbm>> -> memref<1x2560x128xi32, #tpu.memory_space<hbm>>
      %dma_wait3A_234 = tpu.memref_squeeze %dma_wait3A_233 : memref<1x2560x128xi32, #tpu.memory_space<hbm>> -> memref<2560x128xi32, #tpu.memory_space<hbm>>
      %dma_wait3A_235 = arith.constant 0 : i32
      %dma_wait3A_236 = tpu.memref_slice %dma_wait3A_234[%mul3A_4, %dma_wait3A_235] : memref<2560x128xi32, #tpu.memory_space<hbm>> -> memref<80x128xi32, #tpu.memory_space<hbm>>
      %dma_wait3A_237 = arith.constant 0 : i32
      %dma_wait3A_238 = arith.constant 0 : i32
      %dma_wait3A_239 = tpu.memref_slice %arg3[%run_scoped3A_5, %dma_wait3A_237, %dma_wait3A_238] : memref<2x2560x128xi32, #tpu.memory_space<hbm>> -> memref<1x2560x128xi32, #tpu.memory_space<hbm>>
      %dma_wait3A_240 = tpu.memref_squeeze %dma_wait3A_239 : memref<1x2560x128xi32, #tpu.memory_space<hbm>> -> memref<2560x128xi32, #tpu.memory_space<hbm>>
      %dma_wait3A_241 = arith.constant 0 : i32
      %dma_wait3A_242 = tpu.memref_slice %dma_wait3A_240[%mul3A_4, %dma_wait3A_241] : memref<2560x128xi32, #tpu.memory_space<hbm>> -> memref<80x128xi32, #tpu.memory_space<hbm>>
      tpu.wait_dma2 semaphore(%run_scoped3A_218 : memref<!tpu.dma_semaphore, #tpu.memory_space<semaphore_mem>>) src(%dma_wait3A_242 : memref<80x128xi32, #tpu.memory_space<hbm>>) dst(%arg7 : memref<80x128xi32, #tpu.memory_space<vmem>>)
      tpu.yield
    }) : () -> ()
    %barrier3A = arith.constant 0 : index
    tpu.barrier barrier_id(%barrier3A)
    %dma_start3A = arith.constant 0 : i32
    %dma_start3A_6 = arith.constant 0 : i32
    %dma_start3A_7 = arith.constant 0 : i32
    %dma_start3A_8 = arith.constant 0 : i32
    %dma_start3A_9 = tpu.memref_slice %arg8[%dma_start3A_7, %dma_start3A_8] : memref<1024x16xf32, #tpu.memory_space<vmem>> -> memref<128x16xf32, #tpu.memory_space<vmem>>
    %dma_start3A_10 = arith.constant 0 : i32
    %dma_start3A_11 = tpu.memref_slice %arg6[%dma_start3A, %dma_start3A_10] : memref<80x128xi32, #tpu.memory_space<vmem>> -> memref<1x128xi32, #tpu.memory_space<vmem>>
    %dma_start3A_12 = tpu.memref_squeeze %dma_start3A_11 : memref<1x128xi32, #tpu.memory_space<vmem>> -> memref<128xi32, #tpu.memory_space<vmem>>
    %dma_start3A_13 = arith.constant 0 : i32
    %dma_start3A_14 = arith.constant 0 : i32
    %dma_start3A_15 = tpu.memref_slice %arg2[%dma_start3A_13, %dma_start3A_14] : memref<10240x16xf32, #tpu.memory_space<hbm>> -> memref<10240x16xf32, #tpu.memory_space<hbm>>
    %dma_start3A_16 = tpu.memref_slice %arg11[%dma_start3A_6] : memref<8x!tpu.dma_semaphore, #tpu.memory_space<semaphore_mem>> -> memref<1x!tpu.dma_semaphore, #tpu.memory_space<semaphore_mem>>
    %dma_start3A_17 = tpu.memref_squeeze %dma_start3A_16 : memref<1x!tpu.dma_semaphore, #tpu.memory_space<semaphore_mem>> -> memref<!tpu.dma_semaphore, #tpu.memory_space<semaphore_mem>>
    tpu.enqueue_indirect_dma source(%dma_start3A_15 : memref<10240x16xf32, #tpu.memory_space<hbm>>) target(%dma_start3A_9 : memref<128x16xf32, #tpu.memory_space<vmem>>) offsets(%dma_start3A_12 : memref<128xi32, #tpu.memory_space<vmem>>) semaphore(%dma_start3A_17 : memref<!tpu.dma_semaphore, #tpu.memory_space<semaphore_mem>>)
    %dma_start3A_18 = arith.constant 1 : i32
    %dma_start3A_19 = arith.constant 1 : i32
    %dma_start3A_20 = arith.constant 128 : i32
    %dma_start3A_21 = arith.constant 0 : i32
    %dma_start3A_22 = tpu.memref_slice %arg8[%dma_start3A_20, %dma_start3A_21] : memref<1024x16xf32, #tpu.memory_space<vmem>> -> memref<128x16xf32, #tpu.memory_space<vmem>>
    %dma_start3A_23 = arith.constant 0 : i32
    %dma_start3A_24 = tpu.memref_slice %arg6[%dma_start3A_18, %dma_start3A_23] : memref<80x128xi32, #tpu.memory_space<vmem>> -> memref<1x128xi32, #tpu.memory_space<vmem>>
    %dma_start3A_25 = tpu.memref_squeeze %dma_start3A_24 : memref<1x128xi32, #tpu.memory_space<vmem>> -> memref<128xi32, #tpu.memory_space<vmem>>
    %dma_start3A_26 = arith.constant 0 : i32
    %dma_start3A_27 = arith.constant 0 : i32
    %dma_start3A_28 = tpu.memref_slice %arg2[%dma_start3A_26, %dma_start3A_27] : memref<10240x16xf32, #tpu.memory_space<hbm>> -> memref<10240x16xf32, #tpu.memory_space<hbm>>
    %dma_start3A_29 = tpu.memref_slice %arg11[%dma_start3A_19] : memref<8x!tpu.dma_semaphore, #tpu.memory_space<semaphore_mem>> -> memref<1x!tpu.dma_semaphore, #tpu.memory_space<semaphore_mem>>
    %dma_start3A_30 = tpu.memref_squeeze %dma_start3A_29 : memref<1x!tpu.dma_semaphore, #tpu.memory_space<semaphore_mem>> -> memref<!tpu.dma_semaphore, #tpu.memory_space<semaphore_mem>>
    tpu.enqueue_indirect_dma source(%dma_start3A_28 : memref<10240x16xf32, #tpu.memory_space<hbm>>) target(%dma_start3A_22 : memref<128x16xf32, #tpu.memory_space<vmem>>) offsets(%dma_start3A_25 : memref<128xi32, #tpu.memory_space<vmem>>) semaphore(%dma_start3A_30 : memref<!tpu.dma_semaphore, #tpu.memory_space<semaphore_mem>>)
    %dma_start3A_31 = arith.constant 2 : i32
    %dma_start3A_32 = arith.constant 2 : i32
    %dma_start3A_33 = arith.constant 256 : i32
    %dma_start3A_34 = arith.constant 0 : i32
    %dma_start3A_35 = tpu.memref_slice %arg8[%dma_start3A_33, %dma_start3A_34] : memref<1024x16xf32, #tpu.memory_space<vmem>> -> memref<128x16xf32, #tpu.memory_space<vmem>>
    %dma_start3A_36 = arith.constant 0 : i32
    %dma_start3A_37 = tpu.memref_slice %arg6[%dma_start3A_31, %dma_start3A_36] : memref<80x128xi32, #tpu.memory_space<vmem>> -> memref<1x128xi32, #tpu.memory_space<vmem>>
    %dma_start3A_38 = tpu.memref_squeeze %dma_start3A_37 : memref<1x128xi32, #tpu.memory_space<vmem>> -> memref<128xi32, #tpu.memory_space<vmem>>
    %dma_start3A_39 = arith.constant 0 : i32
    %dma_start3A_40 = arith.constant 0 : i32
    %dma_start3A_41 = tpu.memref_slice %arg2[%dma_start3A_39, %dma_start3A_40] : memref<10240x16xf32, #tpu.memory_space<hbm>> -> memref<10240x16xf32, #tpu.memory_space<hbm>>
    %dma_start3A_42 = tpu.memref_slice %arg11[%dma_start3A_32] : memref<8x!tpu.dma_semaphore, #tpu.memory_space<semaphore_mem>> -> memref<1x!tpu.dma_semaphore, #tpu.memory_space<semaphore_mem>>
    %dma_start3A_43 = tpu.memref_squeeze %dma_start3A_42 : memref<1x!tpu.dma_semaphore, #tpu.memory_space<semaphore_mem>> -> memref<!tpu.dma_semaphore, #tpu.memory_space<semaphore_mem>>
    tpu.enqueue_indirect_dma source(%dma_start3A_41 : memref<10240x16xf32, #tpu.memory_space<hbm>>) target(%dma_start3A_35 : memref<128x16xf32, #tpu.memory_space<vmem>>) offsets(%dma_start3A_38 : memref<128xi32, #tpu.memory_space<vmem>>) semaphore(%dma_start3A_43 : memref<!tpu.dma_semaphore, #tpu.memory_space<semaphore_mem>>)
    %dma_start3A_44 = arith.constant 3 : i32
    %dma_start3A_45 = arith.constant 3 : i32
    %dma_start3A_46 = arith.constant 384 : i32
    %dma_start3A_47 = arith.constant 0 : i32
    %dma_start3A_48 = tpu.memref_slice %arg8[%dma_start3A_46, %dma_start3A_47] : memref<1024x16xf32, #tpu.memory_space<vmem>> -> memref<128x16xf32, #tpu.memory_space<vmem>>
    %dma_start3A_49 = arith.constant 0 : i32
    %dma_start3A_50 = tpu.memref_slice %arg6[%dma_start3A_44, %dma_start3A_49] : memref<80x128xi32, #tpu.memory_space<vmem>> -> memref<1x128xi32, #tpu.memory_space<vmem>>
    %dma_start3A_51 = tpu.memref_squeeze %dma_start3A_50 : memref<1x128xi32, #tpu.memory_space<vmem>> -> memref<128xi32, #tpu.memory_space<vmem>>
    %dma_start3A_52 = arith.constant 0 : i32
    %dma_start3A_53 = arith.constant 0 : i32
    %dma_start3A_54 = tpu.memref_slice %arg2[%dma_start3A_52, %dma_start3A_53] : memref<10240x16xf32, #tpu.memory_space<hbm>> -> memref<10240x16xf32, #tpu.memory_space<hbm>>
    %dma_start3A_55 = tpu.memref_slice %arg11[%dma_start3A_45] : memref<8x!tpu.dma_semaphore, #tpu.memory_space<semaphore_mem>> -> memref<1x!tpu.dma_semaphore, #tpu.memory_space<semaphore_mem>>
    %dma_start3A_56 = tpu.memref_squeeze %dma_start3A_55 : memref<1x!tpu.dma_semaphore, #tpu.memory_space<semaphore_mem>> -> memref<!tpu.dma_semaphore, #tpu.memory_space<semaphore_mem>>
    tpu.enqueue_indirect_dma source(%dma_start3A_54 : memref<10240x16xf32, #tpu.memory_space<hbm>>) target(%dma_start3A_48 : memref<128x16xf32, #tpu.memory_space<vmem>>) offsets(%dma_start3A_51 : memref<128xi32, #tpu.memory_space<vmem>>) semaphore(%dma_start3A_56 : memref<!tpu.dma_semaphore, #tpu.memory_space<semaphore_mem>>)
    %dma_start3A_57 = arith.constant 4 : i32
    %dma_start3A_58 = arith.constant 4 : i32
    %dma_start3A_59 = arith.constant 512 : i32
    %dma_start3A_60 = arith.constant 0 : i32
    %dma_start3A_61 = tpu.memref_slice %arg8[%dma_start3A_59, %dma_start3A_60] : memref<1024x16xf32, #tpu.memory_space<vmem>> -> memref<128x16xf32, #tpu.memory_space<vmem>>
    %dma_start3A_62 = arith.constant 0 : i32
    %dma_start3A_63 = tpu.memref_slice %arg6[%dma_start3A_57, %dma_start3A_62] : memref<80x128xi32, #tpu.memory_space<vmem>> -> memref<1x128xi32, #tpu.memory_space<vmem>>
    %dma_start3A_64 = tpu.memref_squeeze %dma_start3A_63 : memref<1x128xi32, #tpu.memory_space<vmem>> -> memref<128xi32, #tpu.memory_space<vmem>>
    %dma_start3A_65 = arith.constant 0 : i32
    %dma_start3A_66 = arith.constant 0 : i32
    %dma_start3A_67 = tpu.memref_slice %arg2[%dma_start3A_65, %dma_start3A_66] : memref<10240x16xf32, #tpu.memory_space<hbm>> -> memref<10240x16xf32, #tpu.memory_space<hbm>>
    %dma_start3A_68 = tpu.memref_slice %arg11[%dma_start3A_58] : memref<8x!tpu.dma_semaphore, #tpu.memory_space<semaphore_mem>> -> memref<1x!tpu.dma_semaphore, #tpu.memory_space<semaphore_mem>>
    %dma_start3A_69 = tpu.memref_squeeze %dma_start3A_68 : memref<1x!tpu.dma_semaphore, #tpu.memory_space<semaphore_mem>> -> memref<!tpu.dma_semaphore, #tpu.memory_space<semaphore_mem>>
    tpu.enqueue_indirect_dma source(%dma_start3A_67 : memref<10240x16xf32, #tpu.memory_space<hbm>>) target(%dma_start3A_61 : memref<128x16xf32, #tpu.memory_space<vmem>>) offsets(%dma_start3A_64 : memref<128xi32, #tpu.memory_space<vmem>>) semaphore(%dma_start3A_69 : memref<!tpu.dma_semaphore, #tpu.memory_space<semaphore_mem>>)
    %dma_start3A_70 = arith.constant 5 : i32
    %dma_start3A_71 = arith.constant 5 : i32
    %dma_start3A_72 = arith.constant 640 : i32
    %dma_start3A_73 = arith.constant 0 : i32
    %dma_start3A_74 = tpu.memref_slice %arg8[%dma_start3A_72, %dma_start3A_73] : memref<1024x16xf32, #tpu.memory_space<vmem>> -> memref<128x16xf32, #tpu.memory_space<vmem>>
    %dma_start3A_75 = arith.constant 0 : i32
    %dma_start3A_76 = tpu.memref_slice %arg6[%dma_start3A_70, %dma_start3A_75] : memref<80x128xi32, #tpu.memory_space<vmem>> -> memref<1x128xi32, #tpu.memory_space<vmem>>
    %dma_start3A_77 = tpu.memref_squeeze %dma_start3A_76 : memref<1x128xi32, #tpu.memory_space<vmem>> -> memref<128xi32, #tpu.memory_space<vmem>>
    %dma_start3A_78 = arith.constant 0 : i32
    %dma_start3A_79 = arith.constant 0 : i32
    %dma_start3A_80 = tpu.memref_slice %arg2[%dma_start3A_78, %dma_start3A_79] : memref<10240x16xf32, #tpu.memory_space<hbm>> -> memref<10240x16xf32, #tpu.memory_space<hbm>>
    %dma_start3A_81 = tpu.memref_slice %arg11[%dma_start3A_71] : memref<8x!tpu.dma_semaphore, #tpu.memory_space<semaphore_mem>> -> memref<1x!tpu.dma_semaphore, #tpu.memory_space<semaphore_mem>>
    %dma_start3A_82 = tpu.memref_squeeze %dma_start3A_81 : memref<1x!tpu.dma_semaphore, #tpu.memory_space<semaphore_mem>> -> memref<!tpu.dma_semaphore, #tpu.memory_space<semaphore_mem>>
    tpu.enqueue_indirect_dma source(%dma_start3A_80 : memref<10240x16xf32, #tpu.memory_space<hbm>>) target(%dma_start3A_74 : memref<128x16xf32, #tpu.memory_space<vmem>>) offsets(%dma_start3A_77 : memref<128xi32, #tpu.memory_space<vmem>>) semaphore(%dma_start3A_82 : memref<!tpu.dma_semaphore, #tpu.memory_space<semaphore_mem>>)
    %dma_start3A_83 = arith.constant 6 : i32
    %dma_start3A_84 = arith.constant 6 : i32
    %dma_start3A_85 = arith.constant 768 : i32
    %dma_start3A_86 = arith.constant 0 : i32
    %dma_start3A_87 = tpu.memref_slice %arg8[%dma_start3A_85, %dma_start3A_86] : memref<1024x16xf32, #tpu.memory_space<vmem>> -> memref<128x16xf32, #tpu.memory_space<vmem>>
    %dma_start3A_88 = arith.constant 0 : i32
    %dma_start3A_89 = tpu.memref_slice %arg6[%dma_start3A_83, %dma_start3A_88] : memref<80x128xi32, #tpu.memory_space<vmem>> -> memref<1x128xi32, #tpu.memory_space<vmem>>
    %dma_start3A_90 = tpu.memref_squeeze %dma_start3A_89 : memref<1x128xi32, #tpu.memory_space<vmem>> -> memref<128xi32, #tpu.memory_space<vmem>>
    %dma_start3A_91 = arith.constant 0 : i32
    %dma_start3A_92 = arith.constant 0 : i32
    %dma_start3A_93 = tpu.memref_slice %arg2[%dma_start3A_91, %dma_start3A_92] : memref<10240x16xf32, #tpu.memory_space<hbm>> -> memref<10240x16xf32, #tpu.memory_space<hbm>>
    %dma_start3A_94 = tpu.memref_slice %arg11[%dma_start3A_84] : memref<8x!tpu.dma_semaphore, #tpu.memory_space<semaphore_mem>> -> memref<1x!tpu.dma_semaphore, #tpu.memory_space<semaphore_mem>>
    %dma_start3A_95 = tpu.memref_squeeze %dma_start3A_94 : memref<1x!tpu.dma_semaphore, #tpu.memory_space<semaphore_mem>> -> memref<!tpu.dma_semaphore, #tpu.memory_space<semaphore_mem>>
    tpu.enqueue_indirect_dma source(%dma_start3A_93 : memref<10240x16xf32, #tpu.memory_space<hbm>>) target(%dma_start3A_87 : memref<128x16xf32, #tpu.memory_space<vmem>>) offsets(%dma_start3A_90 : memref<128xi32, #tpu.memory_space<vmem>>) semaphore(%dma_start3A_95 : memref<!tpu.dma_semaphore, #tpu.memory_space<semaphore_mem>>)
    %dma_start3A_96 = arith.constant 7 : i32
    %dma_start3A_97 = arith.constant 7 : i32
    %dma_start3A_98 = arith.constant 896 : i32
    %dma_start3A_99 = arith.constant 0 : i32
    %dma_start3A_100 = tpu.memref_slice %arg8[%dma_start3A_98, %dma_start3A_99] : memref<1024x16xf32, #tpu.memory_space<vmem>> -> memref<128x16xf32, #tpu.memory_space<vmem>>
    %dma_start3A_101 = arith.constant 0 : i32
    %dma_start3A_102 = tpu.memref_slice %arg6[%dma_start3A_96, %dma_start3A_101] : memref<80x128xi32, #tpu.memory_space<vmem>> -> memref<1x128xi32, #tpu.memory_space<vmem>>
    %dma_start3A_103 = tpu.memref_squeeze %dma_start3A_102 : memref<1x128xi32, #tpu.memory_space<vmem>> -> memref<128xi32, #tpu.memory_space<vmem>>
    %dma_start3A_104 = arith.constant 0 : i32
    %dma_start3A_105 = arith.constant 0 : i32
    %dma_start3A_106 = tpu.memref_slice %arg2[%dma_start3A_104, %dma_start3A_105] : memref<10240x16xf32, #tpu.memory_space<hbm>> -> memref<10240x16xf32, #tpu.memory_space<hbm>>
    %dma_start3A_107 = tpu.memref_slice %arg11[%dma_start3A_97] : memref<8x!tpu.dma_semaphore, #tpu.memory_space<semaphore_mem>> -> memref<1x!tpu.dma_semaphore, #tpu.memory_space<semaphore_mem>>
    %dma_start3A_108 = tpu.memref_squeeze %dma_start3A_107 : memref<1x!tpu.dma_semaphore, #tpu.memory_space<semaphore_mem>> -> memref<!tpu.dma_semaphore, #tpu.memory_space<semaphore_mem>>
    tpu.enqueue_indirect_dma source(%dma_start3A_106 : memref<10240x16xf32, #tpu.memory_space<hbm>>) target(%dma_start3A_100 : memref<128x16xf32, #tpu.memory_space<vmem>>) offsets(%dma_start3A_103 : memref<128xi32, #tpu.memory_space<vmem>>) semaphore(%dma_start3A_108 : memref<!tpu.dma_semaphore, #tpu.memory_space<semaphore_mem>>)
    %scan3A = arith.constant 0 : i32
    %scan3A_109 = arith.constant 0 : i32
    %scan3A_110 = arith.constant 10 : i32
    %scan3A_111 = arith.addi %scan3A_109, %scan3A_110 : i32
    %scan3A_112 = arith.constant 1 : i32
    scf.for %scan3A_218 = %scan3A_109 to %scan3A_111 step %scan3A_112  : i32 {
      %mul3A_219 = arith.constant 8 : i32
      %mul3A_220 = arith.muli %scan3A_218, %mul3A_219 : i32
      %add3A_221 = arith.constant 0 : i32
      %add3A_222 = arith.addi %mul3A_220, %add3A_221 : i32
      %dma_wait3A_223 = arith.constant 0 : i32
      %dma_wait3A_224 = arith.constant 0 : i32
      %dma_wait3A_225 = arith.constant 0 : i32
      %dma_wait3A_226 = tpu.memref_slice %arg8[%dma_wait3A_224, %dma_wait3A_225] : memref<1024x16xf32, #tpu.memory_space<vmem>> -> memref<128x16xf32, #tpu.memory_space<vmem>>
      %dma_wait3A_227 = arith.constant 0 : i32
      %dma_wait3A_228 = tpu.memref_slice %arg6[%add3A_222, %dma_wait3A_227] : memref<80x128xi32, #tpu.memory_space<vmem>> -> memref<1x128xi32, #tpu.memory_space<vmem>>
      %dma_wait3A_229 = tpu.memref_squeeze %dma_wait3A_228 : memref<1x128xi32, #tpu.memory_space<vmem>> -> memref<128xi32, #tpu.memory_space<vmem>>
      %dma_wait3A_230 = arith.constant 0 : i32
      %dma_wait3A_231 = arith.constant 0 : i32
      %dma_wait3A_232 = tpu.memref_slice %arg2[%dma_wait3A_230, %dma_wait3A_231] : memref<10240x16xf32, #tpu.memory_space<hbm>> -> memref<10240x16xf32, #tpu.memory_space<hbm>>
      %dma_wait3A_233 = tpu.memref_slice %arg11[%dma_wait3A_223] : memref<8x!tpu.dma_semaphore, #tpu.memory_space<semaphore_mem>> -> memref<1x!tpu.dma_semaphore, #tpu.memory_space<semaphore_mem>>
      %dma_wait3A_234 = tpu.memref_squeeze %dma_wait3A_233 : memref<1x!tpu.dma_semaphore, #tpu.memory_space<semaphore_mem>> -> memref<!tpu.dma_semaphore, #tpu.memory_space<semaphore_mem>>
      tpu.wait_indirect_dma semaphore(%dma_wait3A_234 : memref<!tpu.dma_semaphore, #tpu.memory_space<semaphore_mem>>) src(%dma_wait3A_232 : memref<10240x16xf32, #tpu.memory_space<hbm>>) dst(%dma_wait3A_226 : memref<128x16xf32, #tpu.memory_space<vmem>>)
      %dma_start3A_235 = arith.constant 0 : i32
      %dma_start3A_236 = arith.constant 0 : i32
      %dma_start3A_237 = arith.constant 0 : i32
      %dma_start3A_238 = tpu.memref_slice %arg8[%dma_start3A_236, %dma_start3A_237] : memref<1024x16xf32, #tpu.memory_space<vmem>> -> memref<128x16xf32, #tpu.memory_space<vmem>>
      %dma_start3A_239 = arith.constant 0 : i32
      %dma_start3A_240 = tpu.memref_slice %arg7[%add3A_222, %dma_start3A_239] : memref<80x128xi32, #tpu.memory_space<vmem>> -> memref<1x128xi32, #tpu.memory_space<vmem>>
      %dma_start3A_241 = tpu.memref_squeeze %dma_start3A_240 : memref<1x128xi32, #tpu.memory_space<vmem>> -> memref<128xi32, #tpu.memory_space<vmem>>
      %dma_start3A_242 = arith.constant 0 : i32
      %dma_start3A_243 = arith.constant 0 : i32
      %dma_start3A_244 = tpu.memref_slice %arg10[%dma_start3A_242, %dma_start3A_243] : memref<10240x16xf32, #tpu.memory_space<vmem_shared>> -> memref<10240x16xf32, #tpu.memory_space<vmem_shared>>
      %dma_start3A_245 = tpu.memref_slice %arg12[%dma_start3A_235] : memref<8x!tpu.dma_semaphore, #tpu.memory_space<semaphore_mem>> -> memref<1x!tpu.dma_semaphore, #tpu.memory_space<semaphore_mem>>
      %dma_start3A_246 = tpu.memref_squeeze %dma_start3A_245 : memref<1x!tpu.dma_semaphore, #tpu.memory_space<semaphore_mem>> -> memref<!tpu.dma_semaphore, #tpu.memory_space<semaphore_mem>>
      tpu.enqueue_indirect_dma source(%dma_start3A_238 : memref<128x16xf32, #tpu.memory_space<vmem>>) target(%dma_start3A_244 : memref<10240x16xf32, #tpu.memory_space<vmem_shared>>) offsets(%dma_start3A_241 : memref<128xi32, #tpu.memory_space<vmem>>) semaphore(%dma_start3A_246 : memref<!tpu.dma_semaphore, #tpu.memory_space<semaphore_mem>>) {add = true}
      %sub3A = arith.constant 2 : i32
      %sub3A_247 = arith.subi %add3A_222, %sub3A : i32
      %ge3A = arith.constant 0 : i32
      %ge3A_248 = arith.cmpi sge, %sub3A_247, %ge3A : i32
      %add3A_249 = arith.constant 8 : i32
      %add3A_250 = arith.addi %sub3A_247, %add3A_249 : i32
      %lt3A = arith.constant 80 : i32
      %lt3A_251 = arith.cmpi slt, %add3A_250, %lt3A : i32
      %and3A = arith.andi %ge3A_248, %lt3A_251 : i1
      %convert_element_type3A = arith.extui %and3A : i1 to i32
      %cond3A = arith.constant 0 : i32
      %cond3A_252 = arith.cmpi ne, %convert_element_type3A, %cond3A : i32
      scf.if %cond3A_252 {
        %dma_wait3A_533 = arith.constant 6 : i32
        %dma_wait3A_534 = arith.constant 768 : i32
        %dma_wait3A_535 = arith.constant 0 : i32
        %dma_wait3A_536 = tpu.memref_slice %arg8[%dma_wait3A_534, %dma_wait3A_535] : memref<1024x16xf32, #tpu.memory_space<vmem>> -> memref<128x16xf32, #tpu.memory_space<vmem>>
        %dma_wait3A_537 = arith.constant 0 : i32
        %dma_wait3A_538 = tpu.memref_slice %arg7[%sub3A_247, %dma_wait3A_537] : memref<80x128xi32, #tpu.memory_space<vmem>> -> memref<1x128xi32, #tpu.memory_space<vmem>>
        %dma_wait3A_539 = tpu.memref_squeeze %dma_wait3A_538 : memref<1x128xi32, #tpu.memory_space<vmem>> -> memref<128xi32, #tpu.memory_space<vmem>>
        %dma_wait3A_540 = arith.constant 0 : i32
        %dma_wait3A_541 = arith.constant 0 : i32
        %dma_wait3A_542 = tpu.memref_slice %arg10[%dma_wait3A_540, %dma_wait3A_541] : memref<10240x16xf32, #tpu.memory_space<vmem_shared>> -> memref<10240x16xf32, #tpu.memory_space<vmem_shared>>
        %dma_wait3A_543 = tpu.memref_slice %arg12[%dma_wait3A_533] : memref<8x!tpu.dma_semaphore, #tpu.memory_space<semaphore_mem>> -> memref<1x!tpu.dma_semaphore, #tpu.memory_space<semaphore_mem>>
        %dma_wait3A_544 = tpu.memref_squeeze %dma_wait3A_543 : memref<1x!tpu.dma_semaphore, #tpu.memory_space<semaphore_mem>> -> memref<!tpu.dma_semaphore, #tpu.memory_space<semaphore_mem>>
        tpu.wait_indirect_dma semaphore(%dma_wait3A_544 : memref<!tpu.dma_semaphore, #tpu.memory_space<semaphore_mem>>) src(%dma_wait3A_536 : memref<128x16xf32, #tpu.memory_space<vmem>>) dst(%dma_wait3A_542 : memref<10240x16xf32, #tpu.memory_space<vmem_shared>>)
        %add3A_545 = arith.constant 8 : i32
        %add3A_546 = arith.addi %sub3A_247, %add3A_545 : i32
        %dma_start3A_547 = arith.constant 6 : i32
        %dma_start3A_548 = arith.constant 768 : i32
        %dma_start3A_549 = arith.constant 0 : i32
        %dma_start3A_550 = tpu.memref_slice %arg8[%dma_start3A_548, %dma_start3A_549] : memref<1024x16xf32, #tpu.memory_space<vmem>> -> memref<128x16xf32, #tpu.memory_space<vmem>>
        %dma_start3A_551 = arith.constant 0 : i32
        %dma_start3A_552 = tpu.memref_slice %arg6[%add3A_546, %dma_start3A_551] : memref<80x128xi32, #tpu.memory_space<vmem>> -> memref<1x128xi32, #tpu.memory_space<vmem>>
        %dma_start3A_553 = tpu.memref_squeeze %dma_start3A_552 : memref<1x128xi32, #tpu.memory_space<vmem>> -> memref<128xi32, #tpu.memory_space<vmem>>
        %dma_start3A_554 = arith.constant 0 : i32
        %dma_start3A_555 = arith.constant 0 : i32
        %dma_start3A_556 = tpu.memref_slice %arg2[%dma_start3A_554, %dma_start3A_555] : memref<10240x16xf32, #tpu.memory_space<hbm>> -> memref<10240x16xf32, #tpu.memory_space<hbm>>
        %dma_start3A_557 = tpu.memref_slice %arg11[%dma_start3A_547] : memref<8x!tpu.dma_semaphore, #tpu.memory_space<semaphore_mem>> -> memref<1x!tpu.dma_semaphore, #tpu.memory_space<semaphore_mem>>
        %dma_start3A_558 = tpu.memref_squeeze %dma_start3A_557 : memref<1x!tpu.dma_semaphore, #tpu.memory_space<semaphore_mem>> -> memref<!tpu.dma_semaphore, #tpu.memory_space<semaphore_mem>>
        tpu.enqueue_indirect_dma source(%dma_start3A_556 : memref<10240x16xf32, #tpu.memory_space<hbm>>) target(%dma_start3A_550 : memref<128x16xf32, #tpu.memory_space<vmem>>) offsets(%dma_start3A_553 : memref<128xi32, #tpu.memory_space<vmem>>) semaphore(%dma_start3A_558 : memref<!tpu.dma_semaphore, #tpu.memory_space<semaphore_mem>>)
      } else {
      }
      %mul3A_253 = arith.constant 8 : i32
      %mul3A_254 = arith.muli %scan3A_218, %mul3A_253 : i32
      %add3A_255 = arith.constant 1 : i32
      %add3A_256 = arith.addi %mul3A_254, %add3A_255 : i32
      %dma_wait3A_257 = arith.constant 1 : i32
      %dma_wait3A_258 = arith.constant 128 : i32
      %dma_wait3A_259 = arith.constant 0 : i32
      %dma_wait3A_260 = tpu.memref_slice %arg8[%dma_wait3A_258, %dma_wait3A_259] : memref<1024x16xf32, #tpu.memory_space<vmem>> -> memref<128x16xf32, #tpu.memory_space<vmem>>
      %dma_wait3A_261 = arith.constant 0 : i32
      %dma_wait3A_262 = tpu.memref_slice %arg6[%add3A_256, %dma_wait3A_261] : memref<80x128xi32, #tpu.memory_space<vmem>> -> memref<1x128xi32, #tpu.memory_space<vmem>>
      %dma_wait3A_263 = tpu.memref_squeeze %dma_wait3A_262 : memref<1x128xi32, #tpu.memory_space<vmem>> -> memref<128xi32, #tpu.memory_space<vmem>>
      %dma_wait3A_264 = arith.constant 0 : i32
      %dma_wait3A_265 = arith.constant 0 : i32
      %dma_wait3A_266 = tpu.memref_slice %arg2[%dma_wait3A_264, %dma_wait3A_265] : memref<10240x16xf32, #tpu.memory_space<hbm>> -> memref<10240x16xf32, #tpu.memory_space<hbm>>
      %dma_wait3A_267 = tpu.memref_slice %arg11[%dma_wait3A_257] : memref<8x!tpu.dma_semaphore, #tpu.memory_space<semaphore_mem>> -> memref<1x!tpu.dma_semaphore, #tpu.memory_space<semaphore_mem>>
      %dma_wait3A_268 = tpu.memref_squeeze %dma_wait3A_267 : memref<1x!tpu.dma_semaphore, #tpu.memory_space<semaphore_mem>> -> memref<!tpu.dma_semaphore, #tpu.memory_space<semaphore_mem>>
      tpu.wait_indirect_dma semaphore(%dma_wait3A_268 : memref<!tpu.dma_semaphore, #tpu.memory_space<semaphore_mem>>) src(%dma_wait3A_266 : memref<10240x16xf32, #tpu.memory_space<hbm>>) dst(%dma_wait3A_260 : memref<128x16xf32, #tpu.memory_space<vmem>>)
      %dma_start3A_269 = arith.constant 1 : i32
      %dma_start3A_270 = arith.constant 128 : i32
      %dma_start3A_271 = arith.constant 0 : i32
      %dma_start3A_272 = tpu.memref_slice %arg8[%dma_start3A_270, %dma_start3A_271] : memref<1024x16xf32, #tpu.memory_space<vmem>> -> memref<128x16xf32, #tpu.memory_space<vmem>>
      %dma_start3A_273 = arith.constant 0 : i32
      %dma_start3A_274 = tpu.memref_slice %arg7[%add3A_256, %dma_start3A_273] : memref<80x128xi32, #tpu.memory_space<vmem>> -> memref<1x128xi32, #tpu.memory_space<vmem>>
      %dma_start3A_275 = tpu.memref_squeeze %dma_start3A_274 : memref<1x128xi32, #tpu.memory_space<vmem>> -> memref<128xi32, #tpu.memory_space<vmem>>
      %dma_start3A_276 = arith.constant 0 : i32
      %dma_start3A_277 = arith.constant 0 : i32
      %dma_start3A_278 = tpu.memref_slice %arg10[%dma_start3A_276, %dma_start3A_277] : memref<10240x16xf32, #tpu.memory_space<vmem_shared>> -> memref<10240x16xf32, #tpu.memory_space<vmem_shared>>
      %dma_start3A_279 = tpu.memref_slice %arg12[%dma_start3A_269] : memref<8x!tpu.dma_semaphore, #tpu.memory_space<semaphore_mem>> -> memref<1x!tpu.dma_semaphore, #tpu.memory_space<semaphore_mem>>
      %dma_start3A_280 = tpu.memref_squeeze %dma_start3A_279 : memref<1x!tpu.dma_semaphore, #tpu.memory_space<semaphore_mem>> -> memref<!tpu.dma_semaphore, #tpu.memory_space<semaphore_mem>>
      tpu.enqueue_indirect_dma source(%dma_start3A_272 : memref<128x16xf32, #tpu.memory_space<vmem>>) target(%dma_start3A_278 : memref<10240x16xf32, #tpu.memory_space<vmem_shared>>) offsets(%dma_start3A_275 : memref<128xi32, #tpu.memory_space<vmem>>) semaphore(%dma_start3A_280 : memref<!tpu.dma_semaphore, #tpu.memory_space<semaphore_mem>>) {add = true}
      %sub3A_281 = arith.constant 2 : i32
      %sub3A_282 = arith.subi %add3A_256, %sub3A_281 : i32
      %ge3A_283 = arith.constant 0 : i32
      %ge3A_284 = arith.cmpi sge, %sub3A_282, %ge3A_283 : i32
      %add3A_285 = arith.constant 8 : i32
      %add3A_286 = arith.addi %sub3A_282, %add3A_285 : i32
      %lt3A_287 = arith.constant 80 : i32
      %lt3A_288 = arith.cmpi slt, %add3A_286, %lt3A_287 : i32
      %and3A_289 = arith.andi %ge3A_284, %lt3A_288 : i1
      %convert_element_type3A_290 = arith.extui %and3A_289 : i1 to i32
      %cond3A_291 = arith.constant 0 : i32
      %cond3A_292 = arith.cmpi ne, %convert_element_type3A_290, %cond3A_291 : i32
      scf.if %cond3A_292 {
        %dma_wait3A_533 = arith.constant 7 : i32
        %dma_wait3A_534 = arith.constant 896 : i32
        %dma_wait3A_535 = arith.constant 0 : i32
        %dma_wait3A_536 = tpu.memref_slice %arg8[%dma_wait3A_534, %dma_wait3A_535] : memref<1024x16xf32, #tpu.memory_space<vmem>> -> memref<128x16xf32, #tpu.memory_space<vmem>>
        %dma_wait3A_537 = arith.constant 0 : i32
        %dma_wait3A_538 = tpu.memref_slice %arg7[%sub3A_282, %dma_wait3A_537] : memref<80x128xi32, #tpu.memory_space<vmem>> -> memref<1x128xi32, #tpu.memory_space<vmem>>
        %dma_wait3A_539 = tpu.memref_squeeze %dma_wait3A_538 : memref<1x128xi32, #tpu.memory_space<vmem>> -> memref<128xi32, #tpu.memory_space<vmem>>
        %dma_wait3A_540 = arith.constant 0 : i32
        %dma_wait3A_541 = arith.constant 0 : i32
        %dma_wait3A_542 = tpu.memref_slice %arg10[%dma_wait3A_540, %dma_wait3A_541] : memref<10240x16xf32, #tpu.memory_space<vmem_shared>> -> memref<10240x16xf32, #tpu.memory_space<vmem_shared>>
        %dma_wait3A_543 = tpu.memref_slice %arg12[%dma_wait3A_533] : memref<8x!tpu.dma_semaphore, #tpu.memory_space<semaphore_mem>> -> memref<1x!tpu.dma_semaphore, #tpu.memory_space<semaphore_mem>>
        %dma_wait3A_544 = tpu.memref_squeeze %dma_wait3A_543 : memref<1x!tpu.dma_semaphore, #tpu.memory_space<semaphore_mem>> -> memref<!tpu.dma_semaphore, #tpu.memory_space<semaphore_mem>>
        tpu.wait_indirect_dma semaphore(%dma_wait3A_544 : memref<!tpu.dma_semaphore, #tpu.memory_space<semaphore_mem>>) src(%dma_wait3A_536 : memref<128x16xf32, #tpu.memory_space<vmem>>) dst(%dma_wait3A_542 : memref<10240x16xf32, #tpu.memory_space<vmem_shared>>)
        %add3A_545 = arith.constant 8 : i32
        %add3A_546 = arith.addi %sub3A_282, %add3A_545 : i32
        %dma_start3A_547 = arith.constant 7 : i32
        %dma_start3A_548 = arith.constant 896 : i32
        %dma_start3A_549 = arith.constant 0 : i32
        %dma_start3A_550 = tpu.memref_slice %arg8[%dma_start3A_548, %dma_start3A_549] : memref<1024x16xf32, #tpu.memory_space<vmem>> -> memref<128x16xf32, #tpu.memory_space<vmem>>
        %dma_start3A_551 = arith.constant 0 : i32
        %dma_start3A_552 = tpu.memref_slice %arg6[%add3A_546, %dma_start3A_551] : memref<80x128xi32, #tpu.memory_space<vmem>> -> memref<1x128xi32, #tpu.memory_space<vmem>>
        %dma_start3A_553 = tpu.memref_squeeze %dma_start3A_552 : memref<1x128xi32, #tpu.memory_space<vmem>> -> memref<128xi32, #tpu.memory_space<vmem>>
        %dma_start3A_554 = arith.constant 0 : i32
        %dma_start3A_555 = arith.constant 0 : i32
        %dma_start3A_556 = tpu.memref_slice %arg2[%dma_start3A_554, %dma_start3A_555] : memref<10240x16xf32, #tpu.memory_space<hbm>> -> memref<10240x16xf32, #tpu.memory_space<hbm>>
        %dma_start3A_557 = tpu.memref_slice %arg11[%dma_start3A_547] : memref<8x!tpu.dma_semaphore, #tpu.memory_space<semaphore_mem>> -> memref<1x!tpu.dma_semaphore, #tpu.memory_space<semaphore_mem>>
        %dma_start3A_558 = tpu.memref_squeeze %dma_start3A_557 : memref<1x!tpu.dma_semaphore, #tpu.memory_space<semaphore_mem>> -> memref<!tpu.dma_semaphore, #tpu.memory_space<semaphore_mem>>
        tpu.enqueue_indirect_dma source(%dma_start3A_556 : memref<10240x16xf32, #tpu.memory_space<hbm>>) target(%dma_start3A_550 : memref<128x16xf32, #tpu.memory_space<vmem>>) offsets(%dma_start3A_553 : memref<128xi32, #tpu.memory_space<vmem>>) semaphore(%dma_start3A_558 : memref<!tpu.dma_semaphore, #tpu.memory_space<semaphore_mem>>)
      } else {
      }
      %mul3A_293 = arith.constant 8 : i32
      %mul3A_294 = arith.muli %scan3A_218, %mul3A_293 : i32
      %add3A_295 = arith.constant 2 : i32
      %add3A_296 = arith.addi %mul3A_294, %add3A_295 : i32
      %dma_wait3A_297 = arith.constant 2 : i32
      %dma_wait3A_298 = arith.constant 256 : i32
      %dma_wait3A_299 = arith.constant 0 : i32
      %dma_wait3A_300 = tpu.memref_slice %arg8[%dma_wait3A_298, %dma_wait3A_299] : memref<1024x16xf32, #tpu.memory_space<vmem>> -> memref<128x16xf32, #tpu.memory_space<vmem>>
      %dma_wait3A_301 = arith.constant 0 : i32
      %dma_wait3A_302 = tpu.memref_slice %arg6[%add3A_296, %dma_wait3A_301] : memref<80x128xi32, #tpu.memory_space<vmem>> -> memref<1x128xi32, #tpu.memory_space<vmem>>
      %dma_wait3A_303 = tpu.memref_squeeze %dma_wait3A_302 : memref<1x128xi32, #tpu.memory_space<vmem>> -> memref<128xi32, #tpu.memory_space<vmem>>
      %dma_wait3A_304 = arith.constant 0 : i32
      %dma_wait3A_305 = arith.constant 0 : i32
      %dma_wait3A_306 = tpu.memref_slice %arg2[%dma_wait3A_304, %dma_wait3A_305] : memref<10240x16xf32, #tpu.memory_space<hbm>> -> memref<10240x16xf32, #tpu.memory_space<hbm>>
      %dma_wait3A_307 = tpu.memref_slice %arg11[%dma_wait3A_297] : memref<8x!tpu.dma_semaphore, #tpu.memory_space<semaphore_mem>> -> memref<1x!tpu.dma_semaphore, #tpu.memory_space<semaphore_mem>>
      %dma_wait3A_308 = tpu.memref_squeeze %dma_wait3A_307 : memref<1x!tpu.dma_semaphore, #tpu.memory_space<semaphore_mem>> -> memref<!tpu.dma_semaphore, #tpu.memory_space<semaphore_mem>>
      tpu.wait_indirect_dma semaphore(%dma_wait3A_308 : memref<!tpu.dma_semaphore, #tpu.memory_space<semaphore_mem>>) src(%dma_wait3A_306 : memref<10240x16xf32, #tpu.memory_space<hbm>>) dst(%dma_wait3A_300 : memref<128x16xf32, #tpu.memory_space<vmem>>)
      %dma_start3A_309 = arith.constant 2 : i32
      %dma_start3A_310 = arith.constant 256 : i32
      %dma_start3A_311 = arith.constant 0 : i32
      %dma_start3A_312 = tpu.memref_slice %arg8[%dma_start3A_310, %dma_start3A_311] : memref<1024x16xf32, #tpu.memory_space<vmem>> -> memref<128x16xf32, #tpu.memory_space<vmem>>
      %dma_start3A_313 = arith.constant 0 : i32
      %dma_start3A_314 = tpu.memref_slice %arg7[%add3A_296, %dma_start3A_313] : memref<80x128xi32, #tpu.memory_space<vmem>> -> memref<1x128xi32, #tpu.memory_space<vmem>>
      %dma_start3A_315 = tpu.memref_squeeze %dma_start3A_314 : memref<1x128xi32, #tpu.memory_space<vmem>> -> memref<128xi32, #tpu.memory_space<vmem>>
      %dma_start3A_316 = arith.constant 0 : i32
      %dma_start3A_317 = arith.constant 0 : i32
      %dma_start3A_318 = tpu.memref_slice %arg10[%dma_start3A_316, %dma_start3A_317] : memref<10240x16xf32, #tpu.memory_space<vmem_shared>> -> memref<10240x16xf32, #tpu.memory_space<vmem_shared>>
      %dma_start3A_319 = tpu.memref_slice %arg12[%dma_start3A_309] : memref<8x!tpu.dma_semaphore, #tpu.memory_space<semaphore_mem>> -> memref<1x!tpu.dma_semaphore, #tpu.memory_space<semaphore_mem>>
      %dma_start3A_320 = tpu.memref_squeeze %dma_start3A_319 : memref<1x!tpu.dma_semaphore, #tpu.memory_space<semaphore_mem>> -> memref<!tpu.dma_semaphore, #tpu.memory_space<semaphore_mem>>
      tpu.enqueue_indirect_dma source(%dma_start3A_312 : memref<128x16xf32, #tpu.memory_space<vmem>>) target(%dma_start3A_318 : memref<10240x16xf32, #tpu.memory_space<vmem_shared>>) offsets(%dma_start3A_315 : memref<128xi32, #tpu.memory_space<vmem>>) semaphore(%dma_start3A_320 : memref<!tpu.dma_semaphore, #tpu.memory_space<semaphore_mem>>) {add = true}
      %sub3A_321 = arith.constant 2 : i32
      %sub3A_322 = arith.subi %add3A_296, %sub3A_321 : i32
      %ge3A_323 = arith.constant 0 : i32
      %ge3A_324 = arith.cmpi sge, %sub3A_322, %ge3A_323 : i32
      %add3A_325 = arith.constant 8 : i32
      %add3A_326 = arith.addi %sub3A_322, %add3A_325 : i32
      %lt3A_327 = arith.constant 80 : i32
      %lt3A_328 = arith.cmpi slt, %add3A_326, %lt3A_327 : i32
      %and3A_329 = arith.andi %ge3A_324, %lt3A_328 : i1
      %convert_element_type3A_330 = arith.extui %and3A_329 : i1 to i32
      %cond3A_331 = arith.constant 0 : i32
      %cond3A_332 = arith.cmpi ne, %convert_element_type3A_330, %cond3A_331 : i32
      scf.if %cond3A_332 {
        %dma_wait3A_533 = arith.constant 0 : i32
        %dma_wait3A_534 = arith.constant 0 : i32
        %dma_wait3A_535 = arith.constant 0 : i32
        %dma_wait3A_536 = tpu.memref_slice %arg8[%dma_wait3A_534, %dma_wait3A_535] : memref<1024x16xf32, #tpu.memory_space<vmem>> -> memref<128x16xf32, #tpu.memory_space<vmem>>
        %dma_wait3A_537 = arith.constant 0 : i32
        %dma_wait3A_538 = tpu.memref_slice %arg7[%sub3A_322, %dma_wait3A_537] : memref<80x128xi32, #tpu.memory_space<vmem>> -> memref<1x128xi32, #tpu.memory_space<vmem>>
        %dma_wait3A_539 = tpu.memref_squeeze %dma_wait3A_538 : memref<1x128xi32, #tpu.memory_space<vmem>> -> memref<128xi32, #tpu.memory_space<vmem>>
        %dma_wait3A_540 = arith.constant 0 : i32
        %dma_wait3A_541 = arith.constant 0 : i32
        %dma_wait3A_542 = tpu.memref_slice %arg10[%dma_wait3A_540, %dma_wait3A_541] : memref<10240x16xf32, #tpu.memory_space<vmem_shared>> -> memref<10240x16xf32, #tpu.memory_space<vmem_shared>>
        %dma_wait3A_543 = tpu.memref_slice %arg12[%dma_wait3A_533] : memref<8x!tpu.dma_semaphore, #tpu.memory_space<semaphore_mem>> -> memref<1x!tpu.dma_semaphore, #tpu.memory_space<semaphore_mem>>
        %dma_wait3A_544 = tpu.memref_squeeze %dma_wait3A_543 : memref<1x!tpu.dma_semaphore, #tpu.memory_space<semaphore_mem>> -> memref<!tpu.dma_semaphore, #tpu.memory_space<semaphore_mem>>
        tpu.wait_indirect_dma semaphore(%dma_wait3A_544 : memref<!tpu.dma_semaphore, #tpu.memory_space<semaphore_mem>>) src(%dma_wait3A_536 : memref<128x16xf32, #tpu.memory_space<vmem>>) dst(%dma_wait3A_542 : memref<10240x16xf32, #tpu.memory_space<vmem_shared>>)
        %add3A_545 = arith.constant 8 : i32
        %add3A_546 = arith.addi %sub3A_322, %add3A_545 : i32
        %dma_start3A_547 = arith.constant 0 : i32
        %dma_start3A_548 = arith.constant 0 : i32
        %dma_start3A_549 = arith.constant 0 : i32
        %dma_start3A_550 = tpu.memref_slice %arg8[%dma_start3A_548, %dma_start3A_549] : memref<1024x16xf32, #tpu.memory_space<vmem>> -> memref<128x16xf32, #tpu.memory_space<vmem>>
        %dma_start3A_551 = arith.constant 0 : i32
        %dma_start3A_552 = tpu.memref_slice %arg6[%add3A_546, %dma_start3A_551] : memref<80x128xi32, #tpu.memory_space<vmem>> -> memref<1x128xi32, #tpu.memory_space<vmem>>
        %dma_start3A_553 = tpu.memref_squeeze %dma_start3A_552 : memref<1x128xi32, #tpu.memory_space<vmem>> -> memref<128xi32, #tpu.memory_space<vmem>>
        %dma_start3A_554 = arith.constant 0 : i32
        %dma_start3A_555 = arith.constant 0 : i32
        %dma_start3A_556 = tpu.memref_slice %arg2[%dma_start3A_554, %dma_start3A_555] : memref<10240x16xf32, #tpu.memory_space<hbm>> -> memref<10240x16xf32, #tpu.memory_space<hbm>>
        %dma_start3A_557 = tpu.memref_slice %arg11[%dma_start3A_547] : memref<8x!tpu.dma_semaphore, #tpu.memory_space<semaphore_mem>> -> memref<1x!tpu.dma_semaphore, #tpu.memory_space<semaphore_mem>>
        %dma_start3A_558 = tpu.memref_squeeze %dma_start3A_557 : memref<1x!tpu.dma_semaphore, #tpu.memory_space<semaphore_mem>> -> memref<!tpu.dma_semaphore, #tpu.memory_space<semaphore_mem>>
        tpu.enqueue_indirect_dma source(%dma_start3A_556 : memref<10240x16xf32, #tpu.memory_space<hbm>>) target(%dma_start3A_550 : memref<128x16xf32, #tpu.memory_space<vmem>>) offsets(%dma_start3A_553 : memref<128xi32, #tpu.memory_space<vmem>>) semaphore(%dma_start3A_558 : memref<!tpu.dma_semaphore, #tpu.memory_space<semaphore_mem>>)
      } else {
      }
      %mul3A_333 = arith.constant 8 : i32
      %mul3A_334 = arith.muli %scan3A_218, %mul3A_333 : i32
      %add3A_335 = arith.constant 3 : i32
      %add3A_336 = arith.addi %mul3A_334, %add3A_335 : i32
      %dma_wait3A_337 = arith.constant 3 : i32
      %dma_wait3A_338 = arith.constant 384 : i32
      %dma_wait3A_339 = arith.constant 0 : i32
      %dma_wait3A_340 = tpu.memref_slice %arg8[%dma_wait3A_338, %dma_wait3A_339] : memref<1024x16xf32, #tpu.memory_space<vmem>> -> memref<128x16xf32, #tpu.memory_space<vmem>>
      %dma_wait3A_341 = arith.constant 0 : i32
      %dma_wait3A_342 = tpu.memref_slice %arg6[%add3A_336, %dma_wait3A_341] : memref<80x128xi32, #tpu.memory_space<vmem>> -> memref<1x128xi32, #tpu.memory_space<vmem>>
      %dma_wait3A_343 = tpu.memref_squeeze %dma_wait3A_342 : memref<1x128xi32, #tpu.memory_space<vmem>> -> memref<128xi32, #tpu.memory_space<vmem>>
      %dma_wait3A_344 = arith.constant 0 : i32
      %dma_wait3A_345 = arith.constant 0 : i32
      %dma_wait3A_346 = tpu.memref_slice %arg2[%dma_wait3A_344, %dma_wait3A_345] : memref<10240x16xf32, #tpu.memory_space<hbm>> -> memref<10240x16xf32, #tpu.memory_space<hbm>>
      %dma_wait3A_347 = tpu.memref_slice %arg11[%dma_wait3A_337] : memref<8x!tpu.dma_semaphore, #tpu.memory_space<semaphore_mem>> -> memref<1x!tpu.dma_semaphore, #tpu.memory_space<semaphore_mem>>
      %dma_wait3A_348 = tpu.memref_squeeze %dma_wait3A_347 : memref<1x!tpu.dma_semaphore, #tpu.memory_space<semaphore_mem>> -> memref<!tpu.dma_semaphore, #tpu.memory_space<semaphore_mem>>
      tpu.wait_indirect_dma semaphore(%dma_wait3A_348 : memref<!tpu.dma_semaphore, #tpu.memory_space<semaphore_mem>>) src(%dma_wait3A_346 : memref<10240x16xf32, #tpu.memory_space<hbm>>) dst(%dma_wait3A_340 : memref<128x16xf32, #tpu.memory_space<vmem>>)
      %dma_start3A_349 = arith.constant 3 : i32
      %dma_start3A_350 = arith.constant 384 : i32
      %dma_start3A_351 = arith.constant 0 : i32
      %dma_start3A_352 = tpu.memref_slice %arg8[%dma_start3A_350, %dma_start3A_351] : memref<1024x16xf32, #tpu.memory_space<vmem>> -> memref<128x16xf32, #tpu.memory_space<vmem>>
      %dma_start3A_353 = arith.constant 0 : i32
      %dma_start3A_354 = tpu.memref_slice %arg7[%add3A_336, %dma_start3A_353] : memref<80x128xi32, #tpu.memory_space<vmem>> -> memref<1x128xi32, #tpu.memory_space<vmem>>
      %dma_start3A_355 = tpu.memref_squeeze %dma_start3A_354 : memref<1x128xi32, #tpu.memory_space<vmem>> -> memref<128xi32, #tpu.memory_space<vmem>>
      %dma_start3A_356 = arith.constant 0 : i32
      %dma_start3A_357 = arith.constant 0 : i32
      %dma_start3A_358 = tpu.memref_slice %arg10[%dma_start3A_356, %dma_start3A_357] : memref<10240x16xf32, #tpu.memory_space<vmem_shared>> -> memref<10240x16xf32, #tpu.memory_space<vmem_shared>>
      %dma_start3A_359 = tpu.memref_slice %arg12[%dma_start3A_349] : memref<8x!tpu.dma_semaphore, #tpu.memory_space<semaphore_mem>> -> memref<1x!tpu.dma_semaphore, #tpu.memory_space<semaphore_mem>>
      %dma_start3A_360 = tpu.memref_squeeze %dma_start3A_359 : memref<1x!tpu.dma_semaphore, #tpu.memory_space<semaphore_mem>> -> memref<!tpu.dma_semaphore, #tpu.memory_space<semaphore_mem>>
      tpu.enqueue_indirect_dma source(%dma_start3A_352 : memref<128x16xf32, #tpu.memory_space<vmem>>) target(%dma_start3A_358 : memref<10240x16xf32, #tpu.memory_space<vmem_shared>>) offsets(%dma_start3A_355 : memref<128xi32, #tpu.memory_space<vmem>>) semaphore(%dma_start3A_360 : memref<!tpu.dma_semaphore, #tpu.memory_space<semaphore_mem>>) {add = true}
      %sub3A_361 = arith.constant 2 : i32
      %sub3A_362 = arith.subi %add3A_336, %sub3A_361 : i32
      %ge3A_363 = arith.constant 0 : i32
      %ge3A_364 = arith.cmpi sge, %sub3A_362, %ge3A_363 : i32
      %add3A_365 = arith.constant 8 : i32
      %add3A_366 = arith.addi %sub3A_362, %add3A_365 : i32
      %lt3A_367 = arith.constant 80 : i32
      %lt3A_368 = arith.cmpi slt, %add3A_366, %lt3A_367 : i32
      %and3A_369 = arith.andi %ge3A_364, %lt3A_368 : i1
      %convert_element_type3A_370 = arith.extui %and3A_369 : i1 to i32
      %cond3A_371 = arith.constant 0 : i32
      %cond3A_372 = arith.cmpi ne, %convert_element_type3A_370, %cond3A_371 : i32
      scf.if %cond3A_372 {
        %dma_wait3A_533 = arith.constant 1 : i32
        %dma_wait3A_534 = arith.constant 128 : i32
        %dma_wait3A_535 = arith.constant 0 : i32
        %dma_wait3A_536 = tpu.memref_slice %arg8[%dma_wait3A_534, %dma_wait3A_535] : memref<1024x16xf32, #tpu.memory_space<vmem>> -> memref<128x16xf32, #tpu.memory_space<vmem>>
        %dma_wait3A_537 = arith.constant 0 : i32
        %dma_wait3A_538 = tpu.memref_slice %arg7[%sub3A_362, %dma_wait3A_537] : memref<80x128xi32, #tpu.memory_space<vmem>> -> memref<1x128xi32, #tpu.memory_space<vmem>>
        %dma_wait3A_539 = tpu.memref_squeeze %dma_wait3A_538 : memref<1x128xi32, #tpu.memory_space<vmem>> -> memref<128xi32, #tpu.memory_space<vmem>>
        %dma_wait3A_540 = arith.constant 0 : i32
        %dma_wait3A_541 = arith.constant 0 : i32
        %dma_wait3A_542 = tpu.memref_slice %arg10[%dma_wait3A_540, %dma_wait3A_541] : memref<10240x16xf32, #tpu.memory_space<vmem_shared>> -> memref<10240x16xf32, #tpu.memory_space<vmem_shared>>
        %dma_wait3A_543 = tpu.memref_slice %arg12[%dma_wait3A_533] : memref<8x!tpu.dma_semaphore, #tpu.memory_space<semaphore_mem>> -> memref<1x!tpu.dma_semaphore, #tpu.memory_space<semaphore_mem>>
        %dma_wait3A_544 = tpu.memref_squeeze %dma_wait3A_543 : memref<1x!tpu.dma_semaphore, #tpu.memory_space<semaphore_mem>> -> memref<!tpu.dma_semaphore, #tpu.memory_space<semaphore_mem>>
        tpu.wait_indirect_dma semaphore(%dma_wait3A_544 : memref<!tpu.dma_semaphore, #tpu.memory_space<semaphore_mem>>) src(%dma_wait3A_536 : memref<128x16xf32, #tpu.memory_space<vmem>>) dst(%dma_wait3A_542 : memref<10240x16xf32, #tpu.memory_space<vmem_shared>>)
        %add3A_545 = arith.constant 8 : i32
        %add3A_546 = arith.addi %sub3A_362, %add3A_545 : i32
        %dma_start3A_547 = arith.constant 1 : i32
        %dma_start3A_548 = arith.constant 128 : i32
        %dma_start3A_549 = arith.constant 0 : i32
        %dma_start3A_550 = tpu.memref_slice %arg8[%dma_start3A_548, %dma_start3A_549] : memref<1024x16xf32, #tpu.memory_space<vmem>> -> memref<128x16xf32, #tpu.memory_space<vmem>>
        %dma_start3A_551 = arith.constant 0 : i32
        %dma_start3A_552 = tpu.memref_slice %arg6[%add3A_546, %dma_start3A_551] : memref<80x128xi32, #tpu.memory_space<vmem>> -> memref<1x128xi32, #tpu.memory_space<vmem>>
        %dma_start3A_553 = tpu.memref_squeeze %dma_start3A_552 : memref<1x128xi32, #tpu.memory_space<vmem>> -> memref<128xi32, #tpu.memory_space<vmem>>
        %dma_start3A_554 = arith.constant 0 : i32
        %dma_start3A_555 = arith.constant 0 : i32
        %dma_start3A_556 = tpu.memref_slice %arg2[%dma_start3A_554, %dma_start3A_555] : memref<10240x16xf32, #tpu.memory_space<hbm>> -> memref<10240x16xf32, #tpu.memory_space<hbm>>
        %dma_start3A_557 = tpu.memref_slice %arg11[%dma_start3A_547] : memref<8x!tpu.dma_semaphore, #tpu.memory_space<semaphore_mem>> -> memref<1x!tpu.dma_semaphore, #tpu.memory_space<semaphore_mem>>
        %dma_start3A_558 = tpu.memref_squeeze %dma_start3A_557 : memref<1x!tpu.dma_semaphore, #tpu.memory_space<semaphore_mem>> -> memref<!tpu.dma_semaphore, #tpu.memory_space<semaphore_mem>>
        tpu.enqueue_indirect_dma source(%dma_start3A_556 : memref<10240x16xf32, #tpu.memory_space<hbm>>) target(%dma_start3A_550 : memref<128x16xf32, #tpu.memory_space<vmem>>) offsets(%dma_start3A_553 : memref<128xi32, #tpu.memory_space<vmem>>) semaphore(%dma_start3A_558 : memref<!tpu.dma_semaphore, #tpu.memory_space<semaphore_mem>>)
      } else {
      }
      %mul3A_373 = arith.constant 8 : i32
      %mul3A_374 = arith.muli %scan3A_218, %mul3A_373 : i32
      %add3A_375 = arith.constant 4 : i32
      %add3A_376 = arith.addi %mul3A_374, %add3A_375 : i32
      %dma_wait3A_377 = arith.constant 4 : i32
      %dma_wait3A_378 = arith.constant 512 : i32
      %dma_wait3A_379 = arith.constant 0 : i32
      %dma_wait3A_380 = tpu.memref_slice %arg8[%dma_wait3A_378, %dma_wait3A_379] : memref<1024x16xf32, #tpu.memory_space<vmem>> -> memref<128x16xf32, #tpu.memory_space<vmem>>
      %dma_wait3A_381 = arith.constant 0 : i32
      %dma_wait3A_382 = tpu.memref_slice %arg6[%add3A_376, %dma_wait3A_381] : memref<80x128xi32, #tpu.memory_space<vmem>> -> memref<1x128xi32, #tpu.memory_space<vmem>>
      %dma_wait3A_383 = tpu.memref_squeeze %dma_wait3A_382 : memref<1x128xi32, #tpu.memory_space<vmem>> -> memref<128xi32, #tpu.memory_space<vmem>>
      %dma_wait3A_384 = arith.constant 0 : i32
      %dma_wait3A_385 = arith.constant 0 : i32
      %dma_wait3A_386 = tpu.memref_slice %arg2[%dma_wait3A_384, %dma_wait3A_385] : memref<10240x16xf32, #tpu.memory_space<hbm>> -> memref<10240x16xf32, #tpu.memory_space<hbm>>
      %dma_wait3A_387 = tpu.memref_slice %arg11[%dma_wait3A_377] : memref<8x!tpu.dma_semaphore, #tpu.memory_space<semaphore_mem>> -> memref<1x!tpu.dma_semaphore, #tpu.memory_space<semaphore_mem>>
      %dma_wait3A_388 = tpu.memref_squeeze %dma_wait3A_387 : memref<1x!tpu.dma_semaphore, #tpu.memory_space<semaphore_mem>> -> memref<!tpu.dma_semaphore, #tpu.memory_space<semaphore_mem>>
      tpu.wait_indirect_dma semaphore(%dma_wait3A_388 : memref<!tpu.dma_semaphore, #tpu.memory_space<semaphore_mem>>) src(%dma_wait3A_386 : memref<10240x16xf32, #tpu.memory_space<hbm>>) dst(%dma_wait3A_380 : memref<128x16xf32, #tpu.memory_space<vmem>>)
      %dma_start3A_389 = arith.constant 4 : i32
      %dma_start3A_390 = arith.constant 512 : i32
      %dma_start3A_391 = arith.constant 0 : i32
      %dma_start3A_392 = tpu.memref_slice %arg8[%dma_start3A_390, %dma_start3A_391] : memref<1024x16xf32, #tpu.memory_space<vmem>> -> memref<128x16xf32, #tpu.memory_space<vmem>>
      %dma_start3A_393 = arith.constant 0 : i32
      %dma_start3A_394 = tpu.memref_slice %arg7[%add3A_376, %dma_start3A_393] : memref<80x128xi32, #tpu.memory_space<vmem>> -> memref<1x128xi32, #tpu.memory_space<vmem>>
      %dma_start3A_395 = tpu.memref_squeeze %dma_start3A_394 : memref<1x128xi32, #tpu.memory_space<vmem>> -> memref<128xi32, #tpu.memory_space<vmem>>
      %dma_start3A_396 = arith.constant 0 : i32
      %dma_start3A_397 = arith.constant 0 : i32
      %dma_start3A_398 = tpu.memref_slice %arg10[%dma_start3A_396, %dma_start3A_397] : memref<10240x16xf32, #tpu.memory_space<vmem_shared>> -> memref<10240x16xf32, #tpu.memory_space<vmem_shared>>
      %dma_start3A_399 = tpu.memref_slice %arg12[%dma_start3A_389] : memref<8x!tpu.dma_semaphore, #tpu.memory_space<semaphore_mem>> -> memref<1x!tpu.dma_semaphore, #tpu.memory_space<semaphore_mem>>
      %dma_start3A_400 = tpu.memref_squeeze %dma_start3A_399 : memref<1x!tpu.dma_semaphore, #tpu.memory_space<semaphore_mem>> -> memref<!tpu.dma_semaphore, #tpu.memory_space<semaphore_mem>>
      tpu.enqueue_indirect_dma source(%dma_start3A_392 : memref<128x16xf32, #tpu.memory_space<vmem>>) target(%dma_start3A_398 : memref<10240x16xf32, #tpu.memory_space<vmem_shared>>) offsets(%dma_start3A_395 : memref<128xi32, #tpu.memory_space<vmem>>) semaphore(%dma_start3A_400 : memref<!tpu.dma_semaphore, #tpu.memory_space<semaphore_mem>>) {add = true}
      %sub3A_401 = arith.constant 2 : i32
      %sub3A_402 = arith.subi %add3A_376, %sub3A_401 : i32
      %ge3A_403 = arith.constant 0 : i32
      %ge3A_404 = arith.cmpi sge, %sub3A_402, %ge3A_403 : i32
      %add3A_405 = arith.constant 8 : i32
      %add3A_406 = arith.addi %sub3A_402, %add3A_405 : i32
      %lt3A_407 = arith.constant 80 : i32
      %lt3A_408 = arith.cmpi slt, %add3A_406, %lt3A_407 : i32
      %and3A_409 = arith.andi %ge3A_404, %lt3A_408 : i1
      %convert_element_type3A_410 = arith.extui %and3A_409 : i1 to i32
      %cond3A_411 = arith.constant 0 : i32
      %cond3A_412 = arith.cmpi ne, %convert_element_type3A_410, %cond3A_411 : i32
      scf.if %cond3A_412 {
        %dma_wait3A_533 = arith.constant 2 : i32
        %dma_wait3A_534 = arith.constant 256 : i32
        %dma_wait3A_535 = arith.constant 0 : i32
        %dma_wait3A_536 = tpu.memref_slice %arg8[%dma_wait3A_534, %dma_wait3A_535] : memref<1024x16xf32, #tpu.memory_space<vmem>> -> memref<128x16xf32, #tpu.memory_space<vmem>>
        %dma_wait3A_537 = arith.constant 0 : i32
        %dma_wait3A_538 = tpu.memref_slice %arg7[%sub3A_402, %dma_wait3A_537] : memref<80x128xi32, #tpu.memory_space<vmem>> -> memref<1x128xi32, #tpu.memory_space<vmem>>
        %dma_wait3A_539 = tpu.memref_squeeze %dma_wait3A_538 : memref<1x128xi32, #tpu.memory_space<vmem>> -> memref<128xi32, #tpu.memory_space<vmem>>
        %dma_wait3A_540 = arith.constant 0 : i32
        %dma_wait3A_541 = arith.constant 0 : i32
        %dma_wait3A_542 = tpu.memref_slice %arg10[%dma_wait3A_540, %dma_wait3A_541] : memref<10240x16xf32, #tpu.memory_space<vmem_shared>> -> memref<10240x16xf32, #tpu.memory_space<vmem_shared>>
        %dma_wait3A_543 = tpu.memref_slice %arg12[%dma_wait3A_533] : memref<8x!tpu.dma_semaphore, #tpu.memory_space<semaphore_mem>> -> memref<1x!tpu.dma_semaphore, #tpu.memory_space<semaphore_mem>>
        %dma_wait3A_544 = tpu.memref_squeeze %dma_wait3A_543 : memref<1x!tpu.dma_semaphore, #tpu.memory_space<semaphore_mem>> -> memref<!tpu.dma_semaphore, #tpu.memory_space<semaphore_mem>>
        tpu.wait_indirect_dma semaphore(%dma_wait3A_544 : memref<!tpu.dma_semaphore, #tpu.memory_space<semaphore_mem>>) src(%dma_wait3A_536 : memref<128x16xf32, #tpu.memory_space<vmem>>) dst(%dma_wait3A_542 : memref<10240x16xf32, #tpu.memory_space<vmem_shared>>)
        %add3A_545 = arith.constant 8 : i32
        %add3A_546 = arith.addi %sub3A_402, %add3A_545 : i32
        %dma_start3A_547 = arith.constant 2 : i32
        %dma_start3A_548 = arith.constant 256 : i32
        %dma_start3A_549 = arith.constant 0 : i32
        %dma_start3A_550 = tpu.memref_slice %arg8[%dma_start3A_548, %dma_start3A_549] : memref<1024x16xf32, #tpu.memory_space<vmem>> -> memref<128x16xf32, #tpu.memory_space<vmem>>
        %dma_start3A_551 = arith.constant 0 : i32
        %dma_start3A_552 = tpu.memref_slice %arg6[%add3A_546, %dma_start3A_551] : memref<80x128xi32, #tpu.memory_space<vmem>> -> memref<1x128xi32, #tpu.memory_space<vmem>>
        %dma_start3A_553 = tpu.memref_squeeze %dma_start3A_552 : memref<1x128xi32, #tpu.memory_space<vmem>> -> memref<128xi32, #tpu.memory_space<vmem>>
        %dma_start3A_554 = arith.constant 0 : i32
        %dma_start3A_555 = arith.constant 0 : i32
        %dma_start3A_556 = tpu.memref_slice %arg2[%dma_start3A_554, %dma_start3A_555] : memref<10240x16xf32, #tpu.memory_space<hbm>> -> memref<10240x16xf32, #tpu.memory_space<hbm>>
        %dma_start3A_557 = tpu.memref_slice %arg11[%dma_start3A_547] : memref<8x!tpu.dma_semaphore, #tpu.memory_space<semaphore_mem>> -> memref<1x!tpu.dma_semaphore, #tpu.memory_space<semaphore_mem>>
        %dma_start3A_558 = tpu.memref_squeeze %dma_start3A_557 : memref<1x!tpu.dma_semaphore, #tpu.memory_space<semaphore_mem>> -> memref<!tpu.dma_semaphore, #tpu.memory_space<semaphore_mem>>
        tpu.enqueue_indirect_dma source(%dma_start3A_556 : memref<10240x16xf32, #tpu.memory_space<hbm>>) target(%dma_start3A_550 : memref<128x16xf32, #tpu.memory_space<vmem>>) offsets(%dma_start3A_553 : memref<128xi32, #tpu.memory_space<vmem>>) semaphore(%dma_start3A_558 : memref<!tpu.dma_semaphore, #tpu.memory_space<semaphore_mem>>)
      } else {
      }
      %mul3A_413 = arith.constant 8 : i32
      %mul3A_414 = arith.muli %scan3A_218, %mul3A_413 : i32
      %add3A_415 = arith.constant 5 : i32
      %add3A_416 = arith.addi %mul3A_414, %add3A_415 : i32
      %dma_wait3A_417 = arith.constant 5 : i32
      %dma_wait3A_418 = arith.constant 640 : i32
      %dma_wait3A_419 = arith.constant 0 : i32
      %dma_wait3A_420 = tpu.memref_slice %arg8[%dma_wait3A_418, %dma_wait3A_419] : memref<1024x16xf32, #tpu.memory_space<vmem>> -> memref<128x16xf32, #tpu.memory_space<vmem>>
      %dma_wait3A_421 = arith.constant 0 : i32
      %dma_wait3A_422 = tpu.memref_slice %arg6[%add3A_416, %dma_wait3A_421] : memref<80x128xi32, #tpu.memory_space<vmem>> -> memref<1x128xi32, #tpu.memory_space<vmem>>
      %dma_wait3A_423 = tpu.memref_squeeze %dma_wait3A_422 : memref<1x128xi32, #tpu.memory_space<vmem>> -> memref<128xi32, #tpu.memory_space<vmem>>
      %dma_wait3A_424 = arith.constant 0 : i32
      %dma_wait3A_425 = arith.constant 0 : i32
      %dma_wait3A_426 = tpu.memref_slice %arg2[%dma_wait3A_424, %dma_wait3A_425] : memref<10240x16xf32, #tpu.memory_space<hbm>> -> memref<10240x16xf32, #tpu.memory_space<hbm>>
      %dma_wait3A_427 = tpu.memref_slice %arg11[%dma_wait3A_417] : memref<8x!tpu.dma_semaphore, #tpu.memory_space<semaphore_mem>> -> memref<1x!tpu.dma_semaphore, #tpu.memory_space<semaphore_mem>>
      %dma_wait3A_428 = tpu.memref_squeeze %dma_wait3A_427 : memref<1x!tpu.dma_semaphore, #tpu.memory_space<semaphore_mem>> -> memref<!tpu.dma_semaphore, #tpu.memory_space<semaphore_mem>>
      tpu.wait_indirect_dma semaphore(%dma_wait3A_428 : memref<!tpu.dma_semaphore, #tpu.memory_space<semaphore_mem>>) src(%dma_wait3A_426 : memref<10240x16xf32, #tpu.memory_space<hbm>>) dst(%dma_wait3A_420 : memref<128x16xf32, #tpu.memory_space<vmem>>)
      %dma_start3A_429 = arith.constant 5 : i32
      %dma_start3A_430 = arith.constant 640 : i32
      %dma_start3A_431 = arith.constant 0 : i32
      %dma_start3A_432 = tpu.memref_slice %arg8[%dma_start3A_430, %dma_start3A_431] : memref<1024x16xf32, #tpu.memory_space<vmem>> -> memref<128x16xf32, #tpu.memory_space<vmem>>
      %dma_start3A_433 = arith.constant 0 : i32
      %dma_start3A_434 = tpu.memref_slice %arg7[%add3A_416, %dma_start3A_433] : memref<80x128xi32, #tpu.memory_space<vmem>> -> memref<1x128xi32, #tpu.memory_space<vmem>>
      %dma_start3A_435 = tpu.memref_squeeze %dma_start3A_434 : memref<1x128xi32, #tpu.memory_space<vmem>> -> memref<128xi32, #tpu.memory_space<vmem>>
      %dma_start3A_436 = arith.constant 0 : i32
      %dma_start3A_437 = arith.constant 0 : i32
      %dma_start3A_438 = tpu.memref_slice %arg10[%dma_start3A_436, %dma_start3A_437] : memref<10240x16xf32, #tpu.memory_space<vmem_shared>> -> memref<10240x16xf32, #tpu.memory_space<vmem_shared>>
      %dma_start3A_439 = tpu.memref_slice %arg12[%dma_start3A_429] : memref<8x!tpu.dma_semaphore, #tpu.memory_space<semaphore_mem>> -> memref<1x!tpu.dma_semaphore, #tpu.memory_space<semaphore_mem>>
      %dma_start3A_440 = tpu.memref_squeeze %dma_start3A_439 : memref<1x!tpu.dma_semaphore, #tpu.memory_space<semaphore_mem>> -> memref<!tpu.dma_semaphore, #tpu.memory_space<semaphore_mem>>
      tpu.enqueue_indirect_dma source(%dma_start3A_432 : memref<128x16xf32, #tpu.memory_space<vmem>>) target(%dma_start3A_438 : memref<10240x16xf32, #tpu.memory_space<vmem_shared>>) offsets(%dma_start3A_435 : memref<128xi32, #tpu.memory_space<vmem>>) semaphore(%dma_start3A_440 : memref<!tpu.dma_semaphore, #tpu.memory_space<semaphore_mem>>) {add = true}
      %sub3A_441 = arith.constant 2 : i32
      %sub3A_442 = arith.subi %add3A_416, %sub3A_441 : i32
      %ge3A_443 = arith.constant 0 : i32
      %ge3A_444 = arith.cmpi sge, %sub3A_442, %ge3A_443 : i32
      %add3A_445 = arith.constant 8 : i32
      %add3A_446 = arith.addi %sub3A_442, %add3A_445 : i32
      %lt3A_447 = arith.constant 80 : i32
      %lt3A_448 = arith.cmpi slt, %add3A_446, %lt3A_447 : i32
      %and3A_449 = arith.andi %ge3A_444, %lt3A_448 : i1
      %convert_element_type3A_450 = arith.extui %and3A_449 : i1 to i32
      %cond3A_451 = arith.constant 0 : i32
      %cond3A_452 = arith.cmpi ne, %convert_element_type3A_450, %cond3A_451 : i32
      scf.if %cond3A_452 {
        %dma_wait3A_533 = arith.constant 3 : i32
        %dma_wait3A_534 = arith.constant 384 : i32
        %dma_wait3A_535 = arith.constant 0 : i32
        %dma_wait3A_536 = tpu.memref_slice %arg8[%dma_wait3A_534, %dma_wait3A_535] : memref<1024x16xf32, #tpu.memory_space<vmem>> -> memref<128x16xf32, #tpu.memory_space<vmem>>
        %dma_wait3A_537 = arith.constant 0 : i32
        %dma_wait3A_538 = tpu.memref_slice %arg7[%sub3A_442, %dma_wait3A_537] : memref<80x128xi32, #tpu.memory_space<vmem>> -> memref<1x128xi32, #tpu.memory_space<vmem>>
        %dma_wait3A_539 = tpu.memref_squeeze %dma_wait3A_538 : memref<1x128xi32, #tpu.memory_space<vmem>> -> memref<128xi32, #tpu.memory_space<vmem>>
        %dma_wait3A_540 = arith.constant 0 : i32
        %dma_wait3A_541 = arith.constant 0 : i32
        %dma_wait3A_542 = tpu.memref_slice %arg10[%dma_wait3A_540, %dma_wait3A_541] : memref<10240x16xf32, #tpu.memory_space<vmem_shared>> -> memref<10240x16xf32, #tpu.memory_space<vmem_shared>>
        %dma_wait3A_543 = tpu.memref_slice %arg12[%dma_wait3A_533] : memref<8x!tpu.dma_semaphore, #tpu.memory_space<semaphore_mem>> -> memref<1x!tpu.dma_semaphore, #tpu.memory_space<semaphore_mem>>
        %dma_wait3A_544 = tpu.memref_squeeze %dma_wait3A_543 : memref<1x!tpu.dma_semaphore, #tpu.memory_space<semaphore_mem>> -> memref<!tpu.dma_semaphore, #tpu.memory_space<semaphore_mem>>
        tpu.wait_indirect_dma semaphore(%dma_wait3A_544 : memref<!tpu.dma_semaphore, #tpu.memory_space<semaphore_mem>>) src(%dma_wait3A_536 : memref<128x16xf32, #tpu.memory_space<vmem>>) dst(%dma_wait3A_542 : memref<10240x16xf32, #tpu.memory_space<vmem_shared>>)
        %add3A_545 = arith.constant 8 : i32
        %add3A_546 = arith.addi %sub3A_442, %add3A_545 : i32
        %dma_start3A_547 = arith.constant 3 : i32
        %dma_start3A_548 = arith.constant 384 : i32
        %dma_start3A_549 = arith.constant 0 : i32
        %dma_start3A_550 = tpu.memref_slice %arg8[%dma_start3A_548, %dma_start3A_549] : memref<1024x16xf32, #tpu.memory_space<vmem>> -> memref<128x16xf32, #tpu.memory_space<vmem>>
        %dma_start3A_551 = arith.constant 0 : i32
        %dma_start3A_552 = tpu.memref_slice %arg6[%add3A_546, %dma_start3A_551] : memref<80x128xi32, #tpu.memory_space<vmem>> -> memref<1x128xi32, #tpu.memory_space<vmem>>
        %dma_start3A_553 = tpu.memref_squeeze %dma_start3A_552 : memref<1x128xi32, #tpu.memory_space<vmem>> -> memref<128xi32, #tpu.memory_space<vmem>>
        %dma_start3A_554 = arith.constant 0 : i32
        %dma_start3A_555 = arith.constant 0 : i32
        %dma_start3A_556 = tpu.memref_slice %arg2[%dma_start3A_554, %dma_start3A_555] : memref<10240x16xf32, #tpu.memory_space<hbm>> -> memref<10240x16xf32, #tpu.memory_space<hbm>>
        %dma_start3A_557 = tpu.memref_slice %arg11[%dma_start3A_547] : memref<8x!tpu.dma_semaphore, #tpu.memory_space<semaphore_mem>> -> memref<1x!tpu.dma_semaphore, #tpu.memory_space<semaphore_mem>>
        %dma_start3A_558 = tpu.memref_squeeze %dma_start3A_557 : memref<1x!tpu.dma_semaphore, #tpu.memory_space<semaphore_mem>> -> memref<!tpu.dma_semaphore, #tpu.memory_space<semaphore_mem>>
        tpu.enqueue_indirect_dma source(%dma_start3A_556 : memref<10240x16xf32, #tpu.memory_space<hbm>>) target(%dma_start3A_550 : memref<128x16xf32, #tpu.memory_space<vmem>>) offsets(%dma_start3A_553 : memref<128xi32, #tpu.memory_space<vmem>>) semaphore(%dma_start3A_558 : memref<!tpu.dma_semaphore, #tpu.memory_space<semaphore_mem>>)
      } else {
      }
      %mul3A_453 = arith.constant 8 : i32
      %mul3A_454 = arith.muli %scan3A_218, %mul3A_453 : i32
      %add3A_455 = arith.constant 6 : i32
      %add3A_456 = arith.addi %mul3A_454, %add3A_455 : i32
      %dma_wait3A_457 = arith.constant 6 : i32
      %dma_wait3A_458 = arith.constant 768 : i32
      %dma_wait3A_459 = arith.constant 0 : i32
      %dma_wait3A_460 = tpu.memref_slice %arg8[%dma_wait3A_458, %dma_wait3A_459] : memref<1024x16xf32, #tpu.memory_space<vmem>> -> memref<128x16xf32, #tpu.memory_space<vmem>>
      %dma_wait3A_461 = arith.constant 0 : i32
      %dma_wait3A_462 = tpu.memref_slice %arg6[%add3A_456, %dma_wait3A_461] : memref<80x128xi32, #tpu.memory_space<vmem>> -> memref<1x128xi32, #tpu.memory_space<vmem>>
      %dma_wait3A_463 = tpu.memref_squeeze %dma_wait3A_462 : memref<1x128xi32, #tpu.memory_space<vmem>> -> memref<128xi32, #tpu.memory_space<vmem>>
      %dma_wait3A_464 = arith.constant 0 : i32
      %dma_wait3A_465 = arith.constant 0 : i32
      %dma_wait3A_466 = tpu.memref_slice %arg2[%dma_wait3A_464, %dma_wait3A_465] : memref<10240x16xf32, #tpu.memory_space<hbm>> -> memref<10240x16xf32, #tpu.memory_space<hbm>>
      %dma_wait3A_467 = tpu.memref_slice %arg11[%dma_wait3A_457] : memref<8x!tpu.dma_semaphore, #tpu.memory_space<semaphore_mem>> -> memref<1x!tpu.dma_semaphore, #tpu.memory_space<semaphore_mem>>
      %dma_wait3A_468 = tpu.memref_squeeze %dma_wait3A_467 : memref<1x!tpu.dma_semaphore, #tpu.memory_space<semaphore_mem>> -> memref<!tpu.dma_semaphore, #tpu.memory_space<semaphore_mem>>
      tpu.wait_indirect_dma semaphore(%dma_wait3A_468 : memref<!tpu.dma_semaphore, #tpu.memory_space<semaphore_mem>>) src(%dma_wait3A_466 : memref<10240x16xf32, #tpu.memory_space<hbm>>) dst(%dma_wait3A_460 : memref<128x16xf32, #tpu.memory_space<vmem>>)
      %dma_start3A_469 = arith.constant 6 : i32
      %dma_start3A_470 = arith.constant 768 : i32
      %dma_start3A_471 = arith.constant 0 : i32
      %dma_start3A_472 = tpu.memref_slice %arg8[%dma_start3A_470, %dma_start3A_471] : memref<1024x16xf32, #tpu.memory_space<vmem>> -> memref<128x16xf32, #tpu.memory_space<vmem>>
      %dma_start3A_473 = arith.constant 0 : i32
      %dma_start3A_474 = tpu.memref_slice %arg7[%add3A_456, %dma_start3A_473] : memref<80x128xi32, #tpu.memory_space<vmem>> -> memref<1x128xi32, #tpu.memory_space<vmem>>
      %dma_start3A_475 = tpu.memref_squeeze %dma_start3A_474 : memref<1x128xi32, #tpu.memory_space<vmem>> -> memref<128xi32, #tpu.memory_space<vmem>>
      %dma_start3A_476 = arith.constant 0 : i32
      %dma_start3A_477 = arith.constant 0 : i32
      %dma_start3A_478 = tpu.memref_slice %arg10[%dma_start3A_476, %dma_start3A_477] : memref<10240x16xf32, #tpu.memory_space<vmem_shared>> -> memref<10240x16xf32, #tpu.memory_space<vmem_shared>>
      %dma_start3A_479 = tpu.memref_slice %arg12[%dma_start3A_469] : memref<8x!tpu.dma_semaphore, #tpu.memory_space<semaphore_mem>> -> memref<1x!tpu.dma_semaphore, #tpu.memory_space<semaphore_mem>>
      %dma_start3A_480 = tpu.memref_squeeze %dma_start3A_479 : memref<1x!tpu.dma_semaphore, #tpu.memory_space<semaphore_mem>> -> memref<!tpu.dma_semaphore, #tpu.memory_space<semaphore_mem>>
      tpu.enqueue_indirect_dma source(%dma_start3A_472 : memref<128x16xf32, #tpu.memory_space<vmem>>) target(%dma_start3A_478 : memref<10240x16xf32, #tpu.memory_space<vmem_shared>>) offsets(%dma_start3A_475 : memref<128xi32, #tpu.memory_space<vmem>>) semaphore(%dma_start3A_480 : memref<!tpu.dma_semaphore, #tpu.memory_space<semaphore_mem>>) {add = true}
      %sub3A_481 = arith.constant 2 : i32
      %sub3A_482 = arith.subi %add3A_456, %sub3A_481 : i32
      %ge3A_483 = arith.constant 0 : i32
      %ge3A_484 = arith.cmpi sge, %sub3A_482, %ge3A_483 : i32
      %add3A_485 = arith.constant 8 : i32
      %add3A_486 = arith.addi %sub3A_482, %add3A_485 : i32
      %lt3A_487 = arith.constant 80 : i32
      %lt3A_488 = arith.cmpi slt, %add3A_486, %lt3A_487 : i32
      %and3A_489 = arith.andi %ge3A_484, %lt3A_488 : i1
      %convert_element_type3A_490 = arith.extui %and3A_489 : i1 to i32
      %cond3A_491 = arith.constant 0 : i32
      %cond3A_492 = arith.cmpi ne, %convert_element_type3A_490, %cond3A_491 : i32
      scf.if %cond3A_492 {
        %dma_wait3A_533 = arith.constant 4 : i32
        %dma_wait3A_534 = arith.constant 512 : i32
        %dma_wait3A_535 = arith.constant 0 : i32
        %dma_wait3A_536 = tpu.memref_slice %arg8[%dma_wait3A_534, %dma_wait3A_535] : memref<1024x16xf32, #tpu.memory_space<vmem>> -> memref<128x16xf32, #tpu.memory_space<vmem>>
        %dma_wait3A_537 = arith.constant 0 : i32
        %dma_wait3A_538 = tpu.memref_slice %arg7[%sub3A_482, %dma_wait3A_537] : memref<80x128xi32, #tpu.memory_space<vmem>> -> memref<1x128xi32, #tpu.memory_space<vmem>>
        %dma_wait3A_539 = tpu.memref_squeeze %dma_wait3A_538 : memref<1x128xi32, #tpu.memory_space<vmem>> -> memref<128xi32, #tpu.memory_space<vmem>>
        %dma_wait3A_540 = arith.constant 0 : i32
        %dma_wait3A_541 = arith.constant 0 : i32
        %dma_wait3A_542 = tpu.memref_slice %arg10[%dma_wait3A_540, %dma_wait3A_541] : memref<10240x16xf32, #tpu.memory_space<vmem_shared>> -> memref<10240x16xf32, #tpu.memory_space<vmem_shared>>
        %dma_wait3A_543 = tpu.memref_slice %arg12[%dma_wait3A_533] : memref<8x!tpu.dma_semaphore, #tpu.memory_space<semaphore_mem>> -> memref<1x!tpu.dma_semaphore, #tpu.memory_space<semaphore_mem>>
        %dma_wait3A_544 = tpu.memref_squeeze %dma_wait3A_543 : memref<1x!tpu.dma_semaphore, #tpu.memory_space<semaphore_mem>> -> memref<!tpu.dma_semaphore, #tpu.memory_space<semaphore_mem>>
        tpu.wait_indirect_dma semaphore(%dma_wait3A_544 : memref<!tpu.dma_semaphore, #tpu.memory_space<semaphore_mem>>) src(%dma_wait3A_536 : memref<128x16xf32, #tpu.memory_space<vmem>>) dst(%dma_wait3A_542 : memref<10240x16xf32, #tpu.memory_space<vmem_shared>>)
        %add3A_545 = arith.constant 8 : i32
        %add3A_546 = arith.addi %sub3A_482, %add3A_545 : i32
        %dma_start3A_547 = arith.constant 4 : i32
        %dma_start3A_548 = arith.constant 512 : i32
        %dma_start3A_549 = arith.constant 0 : i32
        %dma_start3A_550 = tpu.memref_slice %arg8[%dma_start3A_548, %dma_start3A_549] : memref<1024x16xf32, #tpu.memory_space<vmem>> -> memref<128x16xf32, #tpu.memory_space<vmem>>
        %dma_start3A_551 = arith.constant 0 : i32
        %dma_start3A_552 = tpu.memref_slice %arg6[%add3A_546, %dma_start3A_551] : memref<80x128xi32, #tpu.memory_space<vmem>> -> memref<1x128xi32, #tpu.memory_space<vmem>>
        %dma_start3A_553 = tpu.memref_squeeze %dma_start3A_552 : memref<1x128xi32, #tpu.memory_space<vmem>> -> memref<128xi32, #tpu.memory_space<vmem>>
        %dma_start3A_554 = arith.constant 0 : i32
        %dma_start3A_555 = arith.constant 0 : i32
        %dma_start3A_556 = tpu.memref_slice %arg2[%dma_start3A_554, %dma_start3A_555] : memref<10240x16xf32, #tpu.memory_space<hbm>> -> memref<10240x16xf32, #tpu.memory_space<hbm>>
        %dma_start3A_557 = tpu.memref_slice %arg11[%dma_start3A_547] : memref<8x!tpu.dma_semaphore, #tpu.memory_space<semaphore_mem>> -> memref<1x!tpu.dma_semaphore, #tpu.memory_space<semaphore_mem>>
        %dma_start3A_558 = tpu.memref_squeeze %dma_start3A_557 : memref<1x!tpu.dma_semaphore, #tpu.memory_space<semaphore_mem>> -> memref<!tpu.dma_semaphore, #tpu.memory_space<semaphore_mem>>
        tpu.enqueue_indirect_dma source(%dma_start3A_556 : memref<10240x16xf32, #tpu.memory_space<hbm>>) target(%dma_start3A_550 : memref<128x16xf32, #tpu.memory_space<vmem>>) offsets(%dma_start3A_553 : memref<128xi32, #tpu.memory_space<vmem>>) semaphore(%dma_start3A_558 : memref<!tpu.dma_semaphore, #tpu.memory_space<semaphore_mem>>)
      } else {
      }
      %mul3A_493 = arith.constant 8 : i32
      %mul3A_494 = arith.muli %scan3A_218, %mul3A_493 : i32
      %add3A_495 = arith.constant 7 : i32
      %add3A_496 = arith.addi %mul3A_494, %add3A_495 : i32
      %dma_wait3A_497 = arith.constant 7 : i32
      %dma_wait3A_498 = arith.constant 896 : i32
      %dma_wait3A_499 = arith.constant 0 : i32
      %dma_wait3A_500 = tpu.memref_slice %arg8[%dma_wait3A_498, %dma_wait3A_499] : memref<1024x16xf32, #tpu.memory_space<vmem>> -> memref<128x16xf32, #tpu.memory_space<vmem>>
      %dma_wait3A_501 = arith.constant 0 : i32
      %dma_wait3A_502 = tpu.memref_slice %arg6[%add3A_496, %dma_wait3A_501] : memref<80x128xi32, #tpu.memory_space<vmem>> -> memref<1x128xi32, #tpu.memory_space<vmem>>
      %dma_wait3A_503 = tpu.memref_squeeze %dma_wait3A_502 : memref<1x128xi32, #tpu.memory_space<vmem>> -> memref<128xi32, #tpu.memory_space<vmem>>
      %dma_wait3A_504 = arith.constant 0 : i32
      %dma_wait3A_505 = arith.constant 0 : i32
      %dma_wait3A_506 = tpu.memref_slice %arg2[%dma_wait3A_504, %dma_wait3A_505] : memref<10240x16xf32, #tpu.memory_space<hbm>> -> memref<10240x16xf32, #tpu.memory_space<hbm>>
      %dma_wait3A_507 = tpu.memref_slice %arg11[%dma_wait3A_497] : memref<8x!tpu.dma_semaphore, #tpu.memory_space<semaphore_mem>> -> memref<1x!tpu.dma_semaphore, #tpu.memory_space<semaphore_mem>>
      %dma_wait3A_508 = tpu.memref_squeeze %dma_wait3A_507 : memref<1x!tpu.dma_semaphore, #tpu.memory_space<semaphore_mem>> -> memref<!tpu.dma_semaphore, #tpu.memory_space<semaphore_mem>>
      tpu.wait_indirect_dma semaphore(%dma_wait3A_508 : memref<!tpu.dma_semaphore, #tpu.memory_space<semaphore_mem>>) src(%dma_wait3A_506 : memref<10240x16xf32, #tpu.memory_space<hbm>>) dst(%dma_wait3A_500 : memref<128x16xf32, #tpu.memory_space<vmem>>)
      %dma_start3A_509 = arith.constant 7 : i32
      %dma_start3A_510 = arith.constant 896 : i32
      %dma_start3A_511 = arith.constant 0 : i32
      %dma_start3A_512 = tpu.memref_slice %arg8[%dma_start3A_510, %dma_start3A_511] : memref<1024x16xf32, #tpu.memory_space<vmem>> -> memref<128x16xf32, #tpu.memory_space<vmem>>
      %dma_start3A_513 = arith.constant 0 : i32
      %dma_start3A_514 = tpu.memref_slice %arg7[%add3A_496, %dma_start3A_513] : memref<80x128xi32, #tpu.memory_space<vmem>> -> memref<1x128xi32, #tpu.memory_space<vmem>>
      %dma_start3A_515 = tpu.memref_squeeze %dma_start3A_514 : memref<1x128xi32, #tpu.memory_space<vmem>> -> memref<128xi32, #tpu.memory_space<vmem>>
      %dma_start3A_516 = arith.constant 0 : i32
      %dma_start3A_517 = arith.constant 0 : i32
      %dma_start3A_518 = tpu.memref_slice %arg10[%dma_start3A_516, %dma_start3A_517] : memref<10240x16xf32, #tpu.memory_space<vmem_shared>> -> memref<10240x16xf32, #tpu.memory_space<vmem_shared>>
      %dma_start3A_519 = tpu.memref_slice %arg12[%dma_start3A_509] : memref<8x!tpu.dma_semaphore, #tpu.memory_space<semaphore_mem>> -> memref<1x!tpu.dma_semaphore, #tpu.memory_space<semaphore_mem>>
      %dma_start3A_520 = tpu.memref_squeeze %dma_start3A_519 : memref<1x!tpu.dma_semaphore, #tpu.memory_space<semaphore_mem>> -> memref<!tpu.dma_semaphore, #tpu.memory_space<semaphore_mem>>
      tpu.enqueue_indirect_dma source(%dma_start3A_512 : memref<128x16xf32, #tpu.memory_space<vmem>>) target(%dma_start3A_518 : memref<10240x16xf32, #tpu.memory_space<vmem_shared>>) offsets(%dma_start3A_515 : memref<128xi32, #tpu.memory_space<vmem>>) semaphore(%dma_start3A_520 : memref<!tpu.dma_semaphore, #tpu.memory_space<semaphore_mem>>) {add = true}
      %sub3A_521 = arith.constant 2 : i32
      %sub3A_522 = arith.subi %add3A_496, %sub3A_521 : i32
      %ge3A_523 = arith.constant 0 : i32
      %ge3A_524 = arith.cmpi sge, %sub3A_522, %ge3A_523 : i32
      %add3A_525 = arith.constant 8 : i32
      %add3A_526 = arith.addi %sub3A_522, %add3A_525 : i32
      %lt3A_527 = arith.constant 80 : i32
      %lt3A_528 = arith.cmpi slt, %add3A_526, %lt3A_527 : i32
      %and3A_529 = arith.andi %ge3A_524, %lt3A_528 : i1
      %convert_element_type3A_530 = arith.extui %and3A_529 : i1 to i32
      %cond3A_531 = arith.constant 0 : i32
      %cond3A_532 = arith.cmpi ne, %convert_element_type3A_530, %cond3A_531 : i32
      scf.if %cond3A_532 {
        %dma_wait3A_533 = arith.constant 5 : i32
        %dma_wait3A_534 = arith.constant 640 : i32
        %dma_wait3A_535 = arith.constant 0 : i32
        %dma_wait3A_536 = tpu.memref_slice %arg8[%dma_wait3A_534, %dma_wait3A_535] : memref<1024x16xf32, #tpu.memory_space<vmem>> -> memref<128x16xf32, #tpu.memory_space<vmem>>
        %dma_wait3A_537 = arith.constant 0 : i32
        %dma_wait3A_538 = tpu.memref_slice %arg7[%sub3A_522, %dma_wait3A_537] : memref<80x128xi32, #tpu.memory_space<vmem>> -> memref<1x128xi32, #tpu.memory_space<vmem>>
        %dma_wait3A_539 = tpu.memref_squeeze %dma_wait3A_538 : memref<1x128xi32, #tpu.memory_space<vmem>> -> memref<128xi32, #tpu.memory_space<vmem>>
        %dma_wait3A_540 = arith.constant 0 : i32
        %dma_wait3A_541 = arith.constant 0 : i32
        %dma_wait3A_542 = tpu.memref_slice %arg10[%dma_wait3A_540, %dma_wait3A_541] : memref<10240x16xf32, #tpu.memory_space<vmem_shared>> -> memref<10240x16xf32, #tpu.memory_space<vmem_shared>>
        %dma_wait3A_543 = tpu.memref_slice %arg12[%dma_wait3A_533] : memref<8x!tpu.dma_semaphore, #tpu.memory_space<semaphore_mem>> -> memref<1x!tpu.dma_semaphore, #tpu.memory_space<semaphore_mem>>
        %dma_wait3A_544 = tpu.memref_squeeze %dma_wait3A_543 : memref<1x!tpu.dma_semaphore, #tpu.memory_space<semaphore_mem>> -> memref<!tpu.dma_semaphore, #tpu.memory_space<semaphore_mem>>
        tpu.wait_indirect_dma semaphore(%dma_wait3A_544 : memref<!tpu.dma_semaphore, #tpu.memory_space<semaphore_mem>>) src(%dma_wait3A_536 : memref<128x16xf32, #tpu.memory_space<vmem>>) dst(%dma_wait3A_542 : memref<10240x16xf32, #tpu.memory_space<vmem_shared>>)
        %add3A_545 = arith.constant 8 : i32
        %add3A_546 = arith.addi %sub3A_522, %add3A_545 : i32
        %dma_start3A_547 = arith.constant 5 : i32
        %dma_start3A_548 = arith.constant 640 : i32
        %dma_start3A_549 = arith.constant 0 : i32
        %dma_start3A_550 = tpu.memref_slice %arg8[%dma_start3A_548, %dma_start3A_549] : memref<1024x16xf32, #tpu.memory_space<vmem>> -> memref<128x16xf32, #tpu.memory_space<vmem>>
        %dma_start3A_551 = arith.constant 0 : i32
        %dma_start3A_552 = tpu.memref_slice %arg6[%add3A_546, %dma_start3A_551] : memref<80x128xi32, #tpu.memory_space<vmem>> -> memref<1x128xi32, #tpu.memory_space<vmem>>
        %dma_start3A_553 = tpu.memref_squeeze %dma_start3A_552 : memref<1x128xi32, #tpu.memory_space<vmem>> -> memref<128xi32, #tpu.memory_space<vmem>>
        %dma_start3A_554 = arith.constant 0 : i32
        %dma_start3A_555 = arith.constant 0 : i32
        %dma_start3A_556 = tpu.memref_slice %arg2[%dma_start3A_554, %dma_start3A_555] : memref<10240x16xf32, #tpu.memory_space<hbm>> -> memref<10240x16xf32, #tpu.memory_space<hbm>>
        %dma_start3A_557 = tpu.memref_slice %arg11[%dma_start3A_547] : memref<8x!tpu.dma_semaphore, #tpu.memory_space<semaphore_mem>> -> memref<1x!tpu.dma_semaphore, #tpu.memory_space<semaphore_mem>>
        %dma_start3A_558 = tpu.memref_squeeze %dma_start3A_557 : memref<1x!tpu.dma_semaphore, #tpu.memory_space<semaphore_mem>> -> memref<!tpu.dma_semaphore, #tpu.memory_space<semaphore_mem>>
        tpu.enqueue_indirect_dma source(%dma_start3A_556 : memref<10240x16xf32, #tpu.memory_space<hbm>>) target(%dma_start3A_550 : memref<128x16xf32, #tpu.memory_space<vmem>>) offsets(%dma_start3A_553 : memref<128xi32, #tpu.memory_space<vmem>>) semaphore(%dma_start3A_558 : memref<!tpu.dma_semaphore, #tpu.memory_space<semaphore_mem>>)
      } else {
      }
    }
    %scan3A_113 = arith.constant 10 : i32
    %dma_wait3A = arith.constant 72 : i32
    %dma_wait3A_114 = arith.constant 0 : i32
    %dma_wait3A_115 = arith.constant 0 : i32
    %dma_wait3A_116 = arith.constant 0 : i32
    %dma_wait3A_117 = tpu.memref_slice %arg8[%dma_wait3A_115, %dma_wait3A_116] : memref<1024x16xf32, #tpu.memory_space<vmem>> -> memref<128x16xf32, #tpu.memory_space<vmem>>
    %dma_wait3A_118 = arith.constant 0 : i32
    %dma_wait3A_119 = tpu.memref_slice %arg7[%dma_wait3A, %dma_wait3A_118] : memref<80x128xi32, #tpu.memory_space<vmem>> -> memref<1x128xi32, #tpu.memory_space<vmem>>
    %dma_wait3A_120 = tpu.memref_squeeze %dma_wait3A_119 : memref<1x128xi32, #tpu.memory_space<vmem>> -> memref<128xi32, #tpu.memory_space<vmem>>
    %dma_wait3A_121 = arith.constant 0 : i32
    %dma_wait3A_122 = arith.constant 0 : i32
    %dma_wait3A_123 = tpu.memref_slice %arg10[%dma_wait3A_121, %dma_wait3A_122] : memref<10240x16xf32, #tpu.memory_space<vmem_shared>> -> memref<10240x16xf32, #tpu.memory_space<vmem_shared>>
    %dma_wait3A_124 = tpu.memref_slice %arg12[%dma_wait3A_114] : memref<8x!tpu.dma_semaphore, #tpu.memory_space<semaphore_mem>> -> memref<1x!tpu.dma_semaphore, #tpu.memory_space<semaphore_mem>>
    %dma_wait3A_125 = tpu.memref_squeeze %dma_wait3A_124 : memref<1x!tpu.dma_semaphore, #tpu.memory_space<semaphore_mem>> -> memref<!tpu.dma_semaphore, #tpu.memory_space<semaphore_mem>>
    tpu.wait_indirect_dma semaphore(%dma_wait3A_125 : memref<!tpu.dma_semaphore, #tpu.memory_space<semaphore_mem>>) src(%dma_wait3A_117 : memref<128x16xf32, #tpu.memory_space<vmem>>) dst(%dma_wait3A_123 : memref<10240x16xf32, #tpu.memory_space<vmem_shared>>)
    %dma_wait3A_126 = arith.constant 73 : i32
    %dma_wait3A_127 = arith.constant 1 : i32
    %dma_wait3A_128 = arith.constant 128 : i32
    %dma_wait3A_129 = arith.constant 0 : i32
    %dma_wait3A_130 = tpu.memref_slice %arg8[%dma_wait3A_128, %dma_wait3A_129] : memref<1024x16xf32, #tpu.memory_space<vmem>> -> memref<128x16xf32, #tpu.memory_space<vmem>>
    %dma_wait3A_131 = arith.constant 0 : i32
    %dma_wait3A_132 = tpu.memref_slice %arg7[%dma_wait3A_126, %dma_wait3A_131] : memref<80x128xi32, #tpu.memory_space<vmem>> -> memref<1x128xi32, #tpu.memory_space<vmem>>
    %dma_wait3A_133 = tpu.memref_squeeze %dma_wait3A_132 : memref<1x128xi32, #tpu.memory_space<vmem>> -> memref<128xi32, #tpu.memory_space<vmem>>
    %dma_wait3A_134 = arith.constant 0 : i32
    %dma_wait3A_135 = arith.constant 0 : i32
    %dma_wait3A_136 = tpu.memref_slice %arg10[%dma_wait3A_134, %dma_wait3A_135] : memref<10240x16xf32, #tpu.memory_space<vmem_shared>> -> memref<10240x16xf32, #tpu.memory_space<vmem_shared>>
    %dma_wait3A_137 = tpu.memref_slice %arg12[%dma_wait3A_127] : memref<8x!tpu.dma_semaphore, #tpu.memory_space<semaphore_mem>> -> memref<1x!tpu.dma_semaphore, #tpu.memory_space<semaphore_mem>>
    %dma_wait3A_138 = tpu.memref_squeeze %dma_wait3A_137 : memref<1x!tpu.dma_semaphore, #tpu.memory_space<semaphore_mem>> -> memref<!tpu.dma_semaphore, #tpu.memory_space<semaphore_mem>>
    tpu.wait_indirect_dma semaphore(%dma_wait3A_138 : memref<!tpu.dma_semaphore, #tpu.memory_space<semaphore_mem>>) src(%dma_wait3A_130 : memref<128x16xf32, #tpu.memory_space<vmem>>) dst(%dma_wait3A_136 : memref<10240x16xf32, #tpu.memory_space<vmem_shared>>)
    %dma_wait3A_139 = arith.constant 74 : i32
    %dma_wait3A_140 = arith.constant 2 : i32
    %dma_wait3A_141 = arith.constant 256 : i32
    %dma_wait3A_142 = arith.constant 0 : i32
    %dma_wait3A_143 = tpu.memref_slice %arg8[%dma_wait3A_141, %dma_wait3A_142] : memref<1024x16xf32, #tpu.memory_space<vmem>> -> memref<128x16xf32, #tpu.memory_space<vmem>>
    %dma_wait3A_144 = arith.constant 0 : i32
    %dma_wait3A_145 = tpu.memref_slice %arg7[%dma_wait3A_139, %dma_wait3A_144] : memref<80x128xi32, #tpu.memory_space<vmem>> -> memref<1x128xi32, #tpu.memory_space<vmem>>
    %dma_wait3A_146 = tpu.memref_squeeze %dma_wait3A_145 : memref<1x128xi32, #tpu.memory_space<vmem>> -> memref<128xi32, #tpu.memory_space<vmem>>
    %dma_wait3A_147 = arith.constant 0 : i32
    %dma_wait3A_148 = arith.constant 0 : i32
    %dma_wait3A_149 = tpu.memref_slice %arg10[%dma_wait3A_147, %dma_wait3A_148] : memref<10240x16xf32, #tpu.memory_space<vmem_shared>> -> memref<10240x16xf32, #tpu.memory_space<vmem_shared>>
    %dma_wait3A_150 = tpu.memref_slice %arg12[%dma_wait3A_140] : memref<8x!tpu.dma_semaphore, #tpu.memory_space<semaphore_mem>> -> memref<1x!tpu.dma_semaphore, #tpu.memory_space<semaphore_mem>>
    %dma_wait3A_151 = tpu.memref_squeeze %dma_wait3A_150 : memref<1x!tpu.dma_semaphore, #tpu.memory_space<semaphore_mem>> -> memref<!tpu.dma_semaphore, #tpu.memory_space<semaphore_mem>>
    tpu.wait_indirect_dma semaphore(%dma_wait3A_151 : memref<!tpu.dma_semaphore, #tpu.memory_space<semaphore_mem>>) src(%dma_wait3A_143 : memref<128x16xf32, #tpu.memory_space<vmem>>) dst(%dma_wait3A_149 : memref<10240x16xf32, #tpu.memory_space<vmem_shared>>)
    %dma_wait3A_152 = arith.constant 75 : i32
    %dma_wait3A_153 = arith.constant 3 : i32
    %dma_wait3A_154 = arith.constant 384 : i32
    %dma_wait3A_155 = arith.constant 0 : i32
    %dma_wait3A_156 = tpu.memref_slice %arg8[%dma_wait3A_154, %dma_wait3A_155] : memref<1024x16xf32, #tpu.memory_space<vmem>> -> memref<128x16xf32, #tpu.memory_space<vmem>>
    %dma_wait3A_157 = arith.constant 0 : i32
    %dma_wait3A_158 = tpu.memref_slice %arg7[%dma_wait3A_152, %dma_wait3A_157] : memref<80x128xi32, #tpu.memory_space<vmem>> -> memref<1x128xi32, #tpu.memory_space<vmem>>
    %dma_wait3A_159 = tpu.memref_squeeze %dma_wait3A_158 : memref<1x128xi32, #tpu.memory_space<vmem>> -> memref<128xi32, #tpu.memory_space<vmem>>
    %dma_wait3A_160 = arith.constant 0 : i32
    %dma_wait3A_161 = arith.constant 0 : i32
    %dma_wait3A_162 = tpu.memref_slice %arg10[%dma_wait3A_160, %dma_wait3A_161] : memref<10240x16xf32, #tpu.memory_space<vmem_shared>> -> memref<10240x16xf32, #tpu.memory_space<vmem_shared>>
    %dma_wait3A_163 = tpu.memref_slice %arg12[%dma_wait3A_153] : memref<8x!tpu.dma_semaphore, #tpu.memory_space<semaphore_mem>> -> memref<1x!tpu.dma_semaphore, #tpu.memory_space<semaphore_mem>>
    %dma_wait3A_164 = tpu.memref_squeeze %dma_wait3A_163 : memref<1x!tpu.dma_semaphore, #tpu.memory_space<semaphore_mem>> -> memref<!tpu.dma_semaphore, #tpu.memory_space<semaphore_mem>>
    tpu.wait_indirect_dma semaphore(%dma_wait3A_164 : memref<!tpu.dma_semaphore, #tpu.memory_space<semaphore_mem>>) src(%dma_wait3A_156 : memref<128x16xf32, #tpu.memory_space<vmem>>) dst(%dma_wait3A_162 : memref<10240x16xf32, #tpu.memory_space<vmem_shared>>)
    %dma_wait3A_165 = arith.constant 76 : i32
    %dma_wait3A_166 = arith.constant 4 : i32
    %dma_wait3A_167 = arith.constant 512 : i32
    %dma_wait3A_168 = arith.constant 0 : i32
    %dma_wait3A_169 = tpu.memref_slice %arg8[%dma_wait3A_167, %dma_wait3A_168] : memref<1024x16xf32, #tpu.memory_space<vmem>> -> memref<128x16xf32, #tpu.memory_space<vmem>>
    %dma_wait3A_170 = arith.constant 0 : i32
    %dma_wait3A_171 = tpu.memref_slice %arg7[%dma_wait3A_165, %dma_wait3A_170] : memref<80x128xi32, #tpu.memory_space<vmem>> -> memref<1x128xi32, #tpu.memory_space<vmem>>
    %dma_wait3A_172 = tpu.memref_squeeze %dma_wait3A_171 : memref<1x128xi32, #tpu.memory_space<vmem>> -> memref<128xi32, #tpu.memory_space<vmem>>
    %dma_wait3A_173 = arith.constant 0 : i32
    %dma_wait3A_174 = arith.constant 0 : i32
    %dma_wait3A_175 = tpu.memref_slice %arg10[%dma_wait3A_173, %dma_wait3A_174] : memref<10240x16xf32, #tpu.memory_space<vmem_shared>> -> memref<10240x16xf32, #tpu.memory_space<vmem_shared>>
    %dma_wait3A_176 = tpu.memref_slice %arg12[%dma_wait3A_166] : memref<8x!tpu.dma_semaphore, #tpu.memory_space<semaphore_mem>> -> memref<1x!tpu.dma_semaphore, #tpu.memory_space<semaphore_mem>>
    %dma_wait3A_177 = tpu.memref_squeeze %dma_wait3A_176 : memref<1x!tpu.dma_semaphore, #tpu.memory_space<semaphore_mem>> -> memref<!tpu.dma_semaphore, #tpu.memory_space<semaphore_mem>>
    tpu.wait_indirect_dma semaphore(%dma_wait3A_177 : memref<!tpu.dma_semaphore, #tpu.memory_space<semaphore_mem>>) src(%dma_wait3A_169 : memref<128x16xf32, #tpu.memory_space<vmem>>) dst(%dma_wait3A_175 : memref<10240x16xf32, #tpu.memory_space<vmem_shared>>)
    %dma_wait3A_178 = arith.constant 77 : i32
    %dma_wait3A_179 = arith.constant 5 : i32
    %dma_wait3A_180 = arith.constant 640 : i32
    %dma_wait3A_181 = arith.constant 0 : i32
    %dma_wait3A_182 = tpu.memref_slice %arg8[%dma_wait3A_180, %dma_wait3A_181] : memref<1024x16xf32, #tpu.memory_space<vmem>> -> memref<128x16xf32, #tpu.memory_space<vmem>>
    %dma_wait3A_183 = arith.constant 0 : i32
    %dma_wait3A_184 = tpu.memref_slice %arg7[%dma_wait3A_178, %dma_wait3A_183] : memref<80x128xi32, #tpu.memory_space<vmem>> -> memref<1x128xi32, #tpu.memory_space<vmem>>
    %dma_wait3A_185 = tpu.memref_squeeze %dma_wait3A_184 : memref<1x128xi32, #tpu.memory_space<vmem>> -> memref<128xi32, #tpu.memory_space<vmem>>
    %dma_wait3A_186 = arith.constant 0 : i32
    %dma_wait3A_187 = arith.constant 0 : i32
    %dma_wait3A_188 = tpu.memref_slice %arg10[%dma_wait3A_186, %dma_wait3A_187] : memref<10240x16xf32, #tpu.memory_space<vmem_shared>> -> memref<10240x16xf32, #tpu.memory_space<vmem_shared>>
    %dma_wait3A_189 = tpu.memref_slice %arg12[%dma_wait3A_179] : memref<8x!tpu.dma_semaphore, #tpu.memory_space<semaphore_mem>> -> memref<1x!tpu.dma_semaphore, #tpu.memory_space<semaphore_mem>>
    %dma_wait3A_190 = tpu.memref_squeeze %dma_wait3A_189 : memref<1x!tpu.dma_semaphore, #tpu.memory_space<semaphore_mem>> -> memref<!tpu.dma_semaphore, #tpu.memory_space<semaphore_mem>>
    tpu.wait_indirect_dma semaphore(%dma_wait3A_190 : memref<!tpu.dma_semaphore, #tpu.memory_space<semaphore_mem>>) src(%dma_wait3A_182 : memref<128x16xf32, #tpu.memory_space<vmem>>) dst(%dma_wait3A_188 : memref<10240x16xf32, #tpu.memory_space<vmem_shared>>)
    %dma_wait3A_191 = arith.constant 78 : i32
    %dma_wait3A_192 = arith.constant 6 : i32
    %dma_wait3A_193 = arith.constant 768 : i32
    %dma_wait3A_194 = arith.constant 0 : i32
    %dma_wait3A_195 = tpu.memref_slice %arg8[%dma_wait3A_193, %dma_wait3A_194] : memref<1024x16xf32, #tpu.memory_space<vmem>> -> memref<128x16xf32, #tpu.memory_space<vmem>>
    %dma_wait3A_196 = arith.constant 0 : i32
    %dma_wait3A_197 = tpu.memref_slice %arg7[%dma_wait3A_191, %dma_wait3A_196] : memref<80x128xi32, #tpu.memory_space<vmem>> -> memref<1x128xi32, #tpu.memory_space<vmem>>
    %dma_wait3A_198 = tpu.memref_squeeze %dma_wait3A_197 : memref<1x128xi32, #tpu.memory_space<vmem>> -> memref<128xi32, #tpu.memory_space<vmem>>
    %dma_wait3A_199 = arith.constant 0 : i32
    %dma_wait3A_200 = arith.constant 0 : i32
    %dma_wait3A_201 = tpu.memref_slice %arg10[%dma_wait3A_199, %dma_wait3A_200] : memref<10240x16xf32, #tpu.memory_space<vmem_shared>> -> memref<10240x16xf32, #tpu.memory_space<vmem_shared>>
    %dma_wait3A_202 = tpu.memref_slice %arg12[%dma_wait3A_192] : memref<8x!tpu.dma_semaphore, #tpu.memory_space<semaphore_mem>> -> memref<1x!tpu.dma_semaphore, #tpu.memory_space<semaphore_mem>>
    %dma_wait3A_203 = tpu.memref_squeeze %dma_wait3A_202 : memref<1x!tpu.dma_semaphore, #tpu.memory_space<semaphore_mem>> -> memref<!tpu.dma_semaphore, #tpu.memory_space<semaphore_mem>>
    tpu.wait_indirect_dma semaphore(%dma_wait3A_203 : memref<!tpu.dma_semaphore, #tpu.memory_space<semaphore_mem>>) src(%dma_wait3A_195 : memref<128x16xf32, #tpu.memory_space<vmem>>) dst(%dma_wait3A_201 : memref<10240x16xf32, #tpu.memory_space<vmem_shared>>)
    %dma_wait3A_204 = arith.constant 79 : i32
    %dma_wait3A_205 = arith.constant 7 : i32
    %dma_wait3A_206 = arith.constant 896 : i32
    %dma_wait3A_207 = arith.constant 0 : i32
    %dma_wait3A_208 = tpu.memref_slice %arg8[%dma_wait3A_206, %dma_wait3A_207] : memref<1024x16xf32, #tpu.memory_space<vmem>> -> memref<128x16xf32, #tpu.memory_space<vmem>>
    %dma_wait3A_209 = arith.constant 0 : i32
    %dma_wait3A_210 = tpu.memref_slice %arg7[%dma_wait3A_204, %dma_wait3A_209] : memref<80x128xi32, #tpu.memory_space<vmem>> -> memref<1x128xi32, #tpu.memory_space<vmem>>
    %dma_wait3A_211 = tpu.memref_squeeze %dma_wait3A_210 : memref<1x128xi32, #tpu.memory_space<vmem>> -> memref<128xi32, #tpu.memory_space<vmem>>
    %dma_wait3A_212 = arith.constant 0 : i32
    %dma_wait3A_213 = arith.constant 0 : i32
    %dma_wait3A_214 = tpu.memref_slice %arg10[%dma_wait3A_212, %dma_wait3A_213] : memref<10240x16xf32, #tpu.memory_space<vmem_shared>> -> memref<10240x16xf32, #tpu.memory_space<vmem_shared>>
    %dma_wait3A_215 = tpu.memref_slice %arg12[%dma_wait3A_205] : memref<8x!tpu.dma_semaphore, #tpu.memory_space<semaphore_mem>> -> memref<1x!tpu.dma_semaphore, #tpu.memory_space<semaphore_mem>>
    %dma_wait3A_216 = tpu.memref_squeeze %dma_wait3A_215 : memref<1x!tpu.dma_semaphore, #tpu.memory_space<semaphore_mem>> -> memref<!tpu.dma_semaphore, #tpu.memory_space<semaphore_mem>>
    tpu.wait_indirect_dma semaphore(%dma_wait3A_216 : memref<!tpu.dma_semaphore, #tpu.memory_space<semaphore_mem>>) src(%dma_wait3A_208 : memref<128x16xf32, #tpu.memory_space<vmem>>) dst(%dma_wait3A_214 : memref<10240x16xf32, #tpu.memory_space<vmem_shared>>)
    %barrier3A_217 = arith.constant 0 : index
    tpu.barrier barrier_id(%barrier3A_217)
    "tpu.region"() ({
      %run_scoped3A_218 = tpu.sem_alloc : memref<!tpu.dma_semaphore, #tpu.memory_space<semaphore_mem>>
      %dma_start3A_219 = arith.constant 0 : i32
      %dma_start3A_220 = tpu.memref_slice %arg10[%mul3A_2, %dma_start3A_219] : memref<10240x16xf32, #tpu.memory_space<vmem_shared>> -> memref<640x16xf32, #tpu.memory_space<vmem_shared>>
      %dma_start3A_221 = arith.constant 0 : i32
      %dma_start3A_222 = tpu.memref_slice %arg10[%mul3A_2, %dma_start3A_221] : memref<10240x16xf32, #tpu.memory_space<vmem_shared>> -> memref<640x16xf32, #tpu.memory_space<vmem_shared>>
      tpu.enqueue_dma source(%dma_start3A_222 : memref<640x16xf32, #tpu.memory_space<vmem_shared>>) target(%arg9 : memref<640x16xf32, #tpu.memory_space<vmem>>) target_semaphore(%run_scoped3A_218 : memref<!tpu.dma_semaphore, #tpu.memory_space<semaphore_mem>>)
      %dma_wait3A_223 = arith.constant 0 : i32
      %dma_wait3A_224 = tpu.memref_slice %arg10[%mul3A_2, %dma_wait3A_223] : memref<10240x16xf32, #tpu.memory_space<vmem_shared>> -> memref<640x16xf32, #tpu.memory_space<vmem_shared>>
      %dma_wait3A_225 = arith.constant 0 : i32
      %dma_wait3A_226 = tpu.memref_slice %arg10[%mul3A_2, %dma_wait3A_225] : memref<10240x16xf32, #tpu.memory_space<vmem_shared>> -> memref<640x16xf32, #tpu.memory_space<vmem_shared>>
      tpu.wait_dma2 semaphore(%run_scoped3A_218 : memref<!tpu.dma_semaphore, #tpu.memory_space<semaphore_mem>>) src(%dma_wait3A_226 : memref<640x16xf32, #tpu.memory_space<vmem_shared>>) dst(%arg9 : memref<640x16xf32, #tpu.memory_space<vmem>>)
      tpu.yield
    }) : () -> ()
    "tpu.region"() ({
      %run_scoped3A_218 = tpu.sem_alloc : memref<!tpu.dma_semaphore, #tpu.memory_space<semaphore_mem>>
      %dma_start3A_219 = arith.constant 0 : i32
      %dma_start3A_220 = arith.constant 0 : i32
      %dma_start3A_221 = tpu.memref_slice %arg5[%arg0, %dma_start3A_219, %dma_start3A_220] : memref<2x10240x16xf32, #tpu.memory_space<hbm>> -> memref<1x10240x16xf32, #tpu.memory_space<hbm>>
      %dma_start3A_222 = tpu.memref_squeeze %dma_start3A_221 : memref<1x10240x16xf32, #tpu.memory_space<hbm>> -> memref<10240x16xf32, #tpu.memory_space<hbm>>
      %dma_start3A_223 = arith.constant 0 : i32
      %dma_start3A_224 = tpu.memref_slice %dma_start3A_222[%mul3A_2, %dma_start3A_223] : memref<10240x16xf32, #tpu.memory_space<hbm>> -> memref<640x16xf32, #tpu.memory_space<hbm>>
      %dma_start3A_225 = arith.constant 0 : i32
      %dma_start3A_226 = arith.constant 0 : i32
      %dma_start3A_227 = tpu.memref_slice %arg5[%arg0, %dma_start3A_225, %dma_start3A_226] : memref<2x10240x16xf32, #tpu.memory_space<hbm>> -> memref<1x10240x16xf32, #tpu.memory_space<hbm>>
      %dma_start3A_228 = tpu.memref_squeeze %dma_start3A_227 : memref<1x10240x16xf32, #tpu.memory_space<hbm>> -> memref<10240x16xf32, #tpu.memory_space<hbm>>
      %dma_start3A_229 = arith.constant 0 : i32
      %dma_start3A_230 = tpu.memref_slice %dma_start3A_228[%mul3A_2, %dma_start3A_229] : memref<10240x16xf32, #tpu.memory_space<hbm>> -> memref<640x16xf32, #tpu.memory_space<hbm>>
      tpu.enqueue_dma source(%arg9 : memref<640x16xf32, #tpu.memory_space<vmem>>) target(%dma_start3A_230 : memref<640x16xf32, #tpu.memory_space<hbm>>) target_semaphore(%run_scoped3A_218 : memref<!tpu.dma_semaphore, #tpu.memory_space<semaphore_mem>>)
      %dma_wait3A_231 = arith.constant 0 : i32
      %dma_wait3A_232 = arith.constant 0 : i32
      %dma_wait3A_233 = tpu.memref_slice %arg5[%arg0, %dma_wait3A_231, %dma_wait3A_232] : memref<2x10240x16xf32, #tpu.memory_space<hbm>> -> memref<1x10240x16xf32, #tpu.memory_space<hbm>>
      %dma_wait3A_234 = tpu.memref_squeeze %dma_wait3A_233 : memref<1x10240x16xf32, #tpu.memory_space<hbm>> -> memref<10240x16xf32, #tpu.memory_space<hbm>>
      %dma_wait3A_235 = arith.constant 0 : i32
      %dma_wait3A_236 = tpu.memref_slice %dma_wait3A_234[%mul3A_2, %dma_wait3A_235] : memref<10240x16xf32, #tpu.memory_space<hbm>> -> memref<640x16xf32, #tpu.memory_space<hbm>>
      %dma_wait3A_237 = arith.constant 0 : i32
      %dma_wait3A_238 = arith.constant 0 : i32
      %dma_wait3A_239 = tpu.memref_slice %arg5[%arg0, %dma_wait3A_237, %dma_wait3A_238] : memref<2x10240x16xf32, #tpu.memory_space<hbm>> -> memref<1x10240x16xf32, #tpu.memory_space<hbm>>
      %dma_wait3A_240 = tpu.memref_squeeze %dma_wait3A_239 : memref<1x10240x16xf32, #tpu.memory_space<hbm>> -> memref<10240x16xf32, #tpu.memory_space<hbm>>
      %dma_wait3A_241 = arith.constant 0 : i32
      %dma_wait3A_242 = tpu.memref_slice %dma_wait3A_240[%mul3A_2, %dma_wait3A_241] : memref<10240x16xf32, #tpu.memory_space<hbm>> -> memref<640x16xf32, #tpu.memory_space<hbm>>
      tpu.wait_dma2 semaphore(%run_scoped3A_218 : memref<!tpu.dma_semaphore, #tpu.memory_space<semaphore_mem>>) src(%arg9 : memref<640x16xf32, #tpu.memory_space<vmem>>) dst(%dma_wait3A_242 : memref<640x16xf32, #tpu.memory_space<hbm>>)
      tpu.yield
    }) : () -> ()
    return
  }
}

#map = affine_map<(d0, d1) -> (0, 0)>
#map1 = affine_map<(d0, d1) -> (0, 0, 0)>
module attributes {stable_mosaic.version = 14 : i64} {
  func.func @_round_body(%arg0: i32, %arg1: i32, %arg2: memref<10240x16xf32, #tpu.memory_space<hbm>>, %arg3: memref<2x2560x128xi32, #tpu.memory_space<hbm>>, %arg4: memref<640x16xf32, #tpu.memory_space<hbm>>, %arg5: memref<2x10240x16xf32, #tpu.memory_space<hbm>>, %arg6: memref<80x128xi32, #tpu.memory_space<vmem>>, %arg7: memref<80x128xi32, #tpu.memory_space<vmem>>, %arg8: memref<1024x16xf32, #tpu.memory_space<vmem>>, %arg9: memref<640x16xf32, #tpu.memory_space<vmem>>, %arg10: memref<10240x16xf32, #tpu.memory_space<vmem_shared>>, %arg11: memref<8x!tpu.dma_semaphore, #tpu.memory_space<semaphore_mem>>, %arg12: memref<8x!tpu.dma_semaphore, #tpu.memory_space<semaphore_mem>>) attributes {dimension_semantics = [#tpu.dimension_semantics<core_parallel>, #tpu.dimension_semantics<subcore_parallel>], iteration_bounds = array<i64: 2, 16>, scalar_prefetch = 0 : i64, scratch_operands = 7 : i64, tpu.core_type = #tpu.core_type<sc_vector_subcore>, window_params = [{transform_indices = #map}, {transform_indices = #map1}, {transform_indices = #map}, {transform_indices = #map1}]} {
    %mul3A = arith.constant 2 : i32
    %mul3A_0 = arith.muli %arg1, %mul3A : i32
    %add3A = arith.addi %mul3A_0, %arg0 : i32
    %mul3A_1 = arith.constant 640 : i32
    %mul3A_2 = arith.muli %arg1, %mul3A_1 : i32
    "tpu.region"() ({
      %run_scoped3A_218 = tpu.sem_alloc : memref<!tpu.dma_semaphore, #tpu.memory_space<semaphore_mem>>
      tpu.enqueue_dma source(%arg4 : memref<640x16xf32, #tpu.memory_space<hbm>>) target(%arg9 : memref<640x16xf32, #tpu.memory_space<vmem>>) target_semaphore(%run_scoped3A_218 : memref<!tpu.dma_semaphore, #tpu.memory_space<semaphore_mem>>)
      tpu.wait_dma2 semaphore(%run_scoped3A_218 : memref<!tpu.dma_semaphore, #tpu.memory_space<semaphore_mem>>) src(%arg4 : memref<640x16xf32, #tpu.memory_space<hbm>>) dst(%arg9 : memref<640x16xf32, #tpu.memory_space<vmem>>)
      tpu.yield
    }) : () -> ()
    "tpu.region"() ({
      %run_scoped3A_218 = tpu.sem_alloc : memref<!tpu.dma_semaphore, #tpu.memory_space<semaphore_mem>>
      %dma_start3A_219 = arith.constant 0 : i32
      %dma_start3A_220 = tpu.memref_slice %arg10[%mul3A_2, %dma_start3A_219] : memref<10240x16xf32, #tpu.memory_space<vmem_shared>> -> memref<640x16xf32, #tpu.memory_space<vmem_shared>>
      %dma_start3A_221 = arith.constant 0 : i32
      %dma_start3A_222 = tpu.memref_slice %arg10[%mul3A_2, %dma_start3A_221] : memref<10240x16xf32, #tpu.memory_space<vmem_shared>> -> memref<640x16xf32, #tpu.memory_space<vmem_shared>>
      tpu.enqueue_dma source(%arg9 : memref<640x16xf32, #tpu.memory_space<vmem>>) target(%dma_start3A_222 : memref<640x16xf32, #tpu.memory_space<vmem_shared>>) target_semaphore(%run_scoped3A_218 : memref<!tpu.dma_semaphore, #tpu.memory_space<semaphore_mem>>)
      %dma_wait3A_223 = arith.constant 0 : i32
      %dma_wait3A_224 = tpu.memref_slice %arg10[%mul3A_2, %dma_wait3A_223] : memref<10240x16xf32, #tpu.memory_space<vmem_shared>> -> memref<640x16xf32, #tpu.memory_space<vmem_shared>>
      %dma_wait3A_225 = arith.constant 0 : i32
      %dma_wait3A_226 = tpu.memref_slice %arg10[%mul3A_2, %dma_wait3A_225] : memref<10240x16xf32, #tpu.memory_space<vmem_shared>> -> memref<640x16xf32, #tpu.memory_space<vmem_shared>>
      tpu.wait_dma2 semaphore(%run_scoped3A_218 : memref<!tpu.dma_semaphore, #tpu.memory_space<semaphore_mem>>) src(%arg9 : memref<640x16xf32, #tpu.memory_space<vmem>>) dst(%dma_wait3A_226 : memref<640x16xf32, #tpu.memory_space<vmem_shared>>)
      tpu.yield
    }) : () -> ()
    %mul3A_3 = arith.constant 80 : i32
    %mul3A_4 = arith.muli %add3A, %mul3A_3 : i32
    %run_scoped3A = arith.constant 0 : i32
    "tpu.region"() ({
      %run_scoped3A_218 = tpu.sem_alloc : memref<!tpu.dma_semaphore, #tpu.memory_space<semaphore_mem>>
      %dma_start3A_219 = arith.constant 0 : i32
      %dma_start3A_220 = arith.constant 0 : i32
      %dma_start3A_221 = tpu.memref_slice %arg3[%run_scoped3A, %dma_start3A_219, %dma_start3A_220] : memref<2x2560x128xi32, #tpu.memory_space<hbm>> -> memref<1x2560x128xi32, #tpu.memory_space<hbm>>
      %dma_start3A_222 = tpu.memref_squeeze %dma_start3A_221 : memref<1x2560x128xi32, #tpu.memory_space<hbm>> -> memref<2560x128xi32, #tpu.memory_space<hbm>>
      %dma_start3A_223 = arith.constant 0 : i32
      %dma_start3A_224 = tpu.memref_slice %dma_start3A_222[%mul3A_4, %dma_start3A_223] : memref<2560x128xi32, #tpu.memory_space<hbm>> -> memref<80x128xi32, #tpu.memory_space<hbm>>
      %dma_start3A_225 = arith.constant 0 : i32
      %dma_start3A_226 = arith.constant 0 : i32
      %dma_start3A_227 = tpu.memref_slice %arg3[%run_scoped3A, %dma_start3A_225, %dma_start3A_226] : memref<2x2560x128xi32, #tpu.memory_space<hbm>> -> memref<1x2560x128xi32, #tpu.memory_space<hbm>>
      %dma_start3A_228 = tpu.memref_squeeze %dma_start3A_227 : memref<1x2560x128xi32, #tpu.memory_space<hbm>> -> memref<2560x128xi32, #tpu.memory_space<hbm>>
      %dma_start3A_229 = arith.constant 0 : i32
      %dma_start3A_230 = tpu.memref_slice %dma_start3A_228[%mul3A_4, %dma_start3A_229] : memref<2560x128xi32, #tpu.memory_space<hbm>> -> memref<80x128xi32, #tpu.memory_space<hbm>>
      tpu.enqueue_dma source(%dma_start3A_230 : memref<80x128xi32, #tpu.memory_space<hbm>>) target(%arg6 : memref<80x128xi32, #tpu.memory_space<vmem>>) target_semaphore(%run_scoped3A_218 : memref<!tpu.dma_semaphore, #tpu.memory_space<semaphore_mem>>)
      %dma_wait3A_231 = arith.constant 0 : i32
      %dma_wait3A_232 = arith.constant 0 : i32
      %dma_wait3A_233 = tpu.memref_slice %arg3[%run_scoped3A, %dma_wait3A_231, %dma_wait3A_232] : memref<2x2560x128xi32, #tpu.memory_space<hbm>> -> memref<1x2560x128xi32, #tpu.memory_space<hbm>>
      %dma_wait3A_234 = tpu.memref_squeeze %dma_wait3A_233 : memref<1x2560x128xi32, #tpu.memory_space<hbm>> -> memref<2560x128xi32, #tpu.memory_space<hbm>>
      %dma_wait3A_235 = arith.constant 0 : i32
      %dma_wait3A_236 = tpu.memref_slice %dma_wait3A_234[%mul3A_4, %dma_wait3A_235] : memref<2560x128xi32, #tpu.memory_space<hbm>> -> memref<80x128xi32, #tpu.memory_space<hbm>>
      %dma_wait3A_237 = arith.constant 0 : i32
      %dma_wait3A_238 = arith.constant 0 : i32
      %dma_wait3A_239 = tpu.memref_slice %arg3[%run_scoped3A, %dma_wait3A_237, %dma_wait3A_238] : memref<2x2560x128xi32, #tpu.memory_space<hbm>> -> memref<1x2560x128xi32, #tpu.memory_space<hbm>>
      %dma_wait3A_240 = tpu.memref_squeeze %dma_wait3A_239 : memref<1x2560x128xi32, #tpu.memory_space<hbm>> -> memref<2560x128xi32, #tpu.memory_space<hbm>>
      %dma_wait3A_241 = arith.constant 0 : i32
      %dma_wait3A_242 = tpu.memref_slice %dma_wait3A_240[%mul3A_4, %dma_wait3A_241] : memref<2560x128xi32, #tpu.memory_space<hbm>> -> memref<80x128xi32, #tpu.memory_space<hbm>>
      tpu.wait_dma2 semaphore(%run_scoped3A_218 : memref<!tpu.dma_semaphore, #tpu.memory_space<semaphore_mem>>) src(%dma_wait3A_242 : memref<80x128xi32, #tpu.memory_space<hbm>>) dst(%arg6 : memref<80x128xi32, #tpu.memory_space<vmem>>)
      tpu.yield
    }) : () -> ()
    %run_scoped3A_5 = arith.constant 1 : i32
    "tpu.region"() ({
      %run_scoped3A_218 = tpu.sem_alloc : memref<!tpu.dma_semaphore, #tpu.memory_space<semaphore_mem>>
      %dma_start3A_219 = arith.constant 0 : i32
      %dma_start3A_220 = arith.constant 0 : i32
      %dma_start3A_221 = tpu.memref_slice %arg3[%run_scoped3A_5, %dma_start3A_219, %dma_start3A_220] : memref<2x2560x128xi32, #tpu.memory_space<hbm>> -> memref<1x2560x128xi32, #tpu.memory_space<hbm>>
      %dma_start3A_222 = tpu.memref_squeeze %dma_start3A_221 : memref<1x2560x128xi32, #tpu.memory_space<hbm>> -> memref<2560x128xi32, #tpu.memory_space<hbm>>
      %dma_start3A_223 = arith.constant 0 : i32
      %dma_start3A_224 = tpu.memref_slice %dma_start3A_222[%mul3A_4, %dma_start3A_223] : memref<2560x128xi32, #tpu.memory_space<hbm>> -> memref<80x128xi32, #tpu.memory_space<hbm>>
      %dma_start3A_225 = arith.constant 0 : i32
      %dma_start3A_226 = arith.constant 0 : i32
      %dma_start3A_227 = tpu.memref_slice %arg3[%run_scoped3A_5, %dma_start3A_225, %dma_start3A_226] : memref<2x2560x128xi32, #tpu.memory_space<hbm>> -> memref<1x2560x128xi32, #tpu.memory_space<hbm>>
      %dma_start3A_228 = tpu.memref_squeeze %dma_start3A_227 : memref<1x2560x128xi32, #tpu.memory_space<hbm>> -> memref<2560x128xi32, #tpu.memory_space<hbm>>
      %dma_start3A_229 = arith.constant 0 : i32
      %dma_start3A_230 = tpu.memref_slice %dma_start3A_228[%mul3A_4, %dma_start3A_229] : memref<2560x128xi32, #tpu.memory_space<hbm>> -> memref<80x128xi32, #tpu.memory_space<hbm>>
      tpu.enqueue_dma source(%dma_start3A_230 : memref<80x128xi32, #tpu.memory_space<hbm>>) target(%arg7 : memref<80x128xi32, #tpu.memory_space<vmem>>) target_semaphore(%run_scoped3A_218 : memref<!tpu.dma_semaphore, #tpu.memory_space<semaphore_mem>>)
      %dma_wait3A_231 = arith.constant 0 : i32
      %dma_wait3A_232 = arith.constant 0 : i32
      %dma_wait3A_233 = tpu.memref_slice %arg3[%run_scoped3A_5, %dma_wait3A_231, %dma_wait3A_232] : memref<2x2560x128xi32, #tpu.memory_space<hbm>> -> memref<1x2560x128xi32, #tpu.memory_space<hbm>>
      %dma_wait3A_234 = tpu.memref_squeeze %dma_wait3A_233 : memref<1x2560x128xi32, #tpu.memory_space<hbm>> -> memref<2560x128xi32, #tpu.memory_space<hbm>>
      %dma_wait3A_235 = arith.constant 0 : i32
      %dma_wait3A_236 = tpu.memref_slice %dma_wait3A_234[%mul3A_4, %dma_wait3A_235] : memref<2560x128xi32, #tpu.memory_space<hbm>> -> memref<80x128xi32, #tpu.memory_space<hbm>>
      %dma_wait3A_237 = arith.constant 0 : i32
      %dma_wait3A_238 = arith.constant 0 : i32
      %dma_wait3A_239 = tpu.memref_slice %arg3[%run_scoped3A_5, %dma_wait3A_237, %dma_wait3A_238] : memref<2x2560x128xi32, #tpu.memory_space<hbm>> -> memref<1x2560x128xi32, #tpu.memory_space<hbm>>
      %dma_wait3A_240 = tpu.memref_squeeze %dma_wait3A_239 : memref<1x2560x128xi32, #tpu.memory_space<hbm>> -> memref<2560x128xi32, #tpu.memory_space<hbm>>
      %dma_wait3A_241 = arith.constant 0 : i32
      %dma_wait3A_242 = tpu.memref_slice %dma_wait3A_240[%mul3A_4, %dma_wait3A_241] : memref<2560x128xi32, #tpu.memory_space<hbm>> -> memref<80x128xi32, #tpu.memory_space<hbm>>
      tpu.wait_dma2 semaphore(%run_scoped3A_218 : memref<!tpu.dma_semaphore, #tpu.memory_space<semaphore_mem>>) src(%dma_wait3A_242 : memref<80x128xi32, #tpu.memory_space<hbm>>) dst(%arg7 : memref<80x128xi32, #tpu.memory_space<vmem>>)
      tpu.yield
    }) : () -> ()
    %barrier3A = arith.constant 0 : index
    tpu.barrier barrier_id(%barrier3A)
    %dma_start3A = arith.constant 0 : i32
    %dma_start3A_6 = arith.constant 0 : i32
    %dma_start3A_7 = arith.constant 0 : i32
    %dma_start3A_8 = arith.constant 0 : i32
    %dma_start3A_9 = tpu.memref_slice %arg8[%dma_start3A_7, %dma_start3A_8] : memref<1024x16xf32, #tpu.memory_space<vmem>> -> memref<128x16xf32, #tpu.memory_space<vmem>>
    %dma_start3A_10 = arith.constant 0 : i32
    %dma_start3A_11 = tpu.memref_slice %arg6[%dma_start3A, %dma_start3A_10] : memref<80x128xi32, #tpu.memory_space<vmem>> -> memref<1x128xi32, #tpu.memory_space<vmem>>
    %dma_start3A_12 = tpu.memref_squeeze %dma_start3A_11 : memref<1x128xi32, #tpu.memory_space<vmem>> -> memref<128xi32, #tpu.memory_space<vmem>>
    %dma_start3A_13 = arith.constant 0 : i32
    %dma_start3A_14 = arith.constant 0 : i32
    %dma_start3A_15 = tpu.memref_slice %arg2[%dma_start3A_13, %dma_start3A_14] : memref<10240x16xf32, #tpu.memory_space<hbm>> -> memref<10240x16xf32, #tpu.memory_space<hbm>>
    %dma_start3A_16 = tpu.memref_slice %arg11[%dma_start3A_6] : memref<8x!tpu.dma_semaphore, #tpu.memory_space<semaphore_mem>> -> memref<1x!tpu.dma_semaphore, #tpu.memory_space<semaphore_mem>>
    %dma_start3A_17 = tpu.memref_squeeze %dma_start3A_16 : memref<1x!tpu.dma_semaphore, #tpu.memory_space<semaphore_mem>> -> memref<!tpu.dma_semaphore, #tpu.memory_space<semaphore_mem>>
    tpu.enqueue_indirect_dma source(%dma_start3A_15 : memref<10240x16xf32, #tpu.memory_space<hbm>>) target(%dma_start3A_9 : memref<128x16xf32, #tpu.memory_space<vmem>>) offsets(%dma_start3A_12 : memref<128xi32, #tpu.memory_space<vmem>>) semaphore(%dma_start3A_17 : memref<!tpu.dma_semaphore, #tpu.memory_space<semaphore_mem>>)
    %dma_start3A_18 = arith.constant 1 : i32
    %dma_start3A_19 = arith.constant 1 : i32
    %dma_start3A_20 = arith.constant 128 : i32
    %dma_start3A_21 = arith.constant 0 : i32
    %dma_start3A_22 = tpu.memref_slice %arg8[%dma_start3A_20, %dma_start3A_21] : memref<1024x16xf32, #tpu.memory_space<vmem>> -> memref<128x16xf32, #tpu.memory_space<vmem>>
    %dma_start3A_23 = arith.constant 0 : i32
    %dma_start3A_24 = tpu.memref_slice %arg6[%dma_start3A_18, %dma_start3A_23] : memref<80x128xi32, #tpu.memory_space<vmem>> -> memref<1x128xi32, #tpu.memory_space<vmem>>
    %dma_start3A_25 = tpu.memref_squeeze %dma_start3A_24 : memref<1x128xi32, #tpu.memory_space<vmem>> -> memref<128xi32, #tpu.memory_space<vmem>>
    %dma_start3A_26 = arith.constant 0 : i32
    %dma_start3A_27 = arith.constant 0 : i32
    %dma_start3A_28 = tpu.memref_slice %arg2[%dma_start3A_26, %dma_start3A_27] : memref<10240x16xf32, #tpu.memory_space<hbm>> -> memref<10240x16xf32, #tpu.memory_space<hbm>>
    %dma_start3A_29 = tpu.memref_slice %arg11[%dma_start3A_19] : memref<8x!tpu.dma_semaphore, #tpu.memory_space<semaphore_mem>> -> memref<1x!tpu.dma_semaphore, #tpu.memory_space<semaphore_mem>>
    %dma_start3A_30 = tpu.memref_squeeze %dma_start3A_29 : memref<1x!tpu.dma_semaphore, #tpu.memory_space<semaphore_mem>> -> memref<!tpu.dma_semaphore, #tpu.memory_space<semaphore_mem>>
    tpu.enqueue_indirect_dma source(%dma_start3A_28 : memref<10240x16xf32, #tpu.memory_space<hbm>>) target(%dma_start3A_22 : memref<128x16xf32, #tpu.memory_space<vmem>>) offsets(%dma_start3A_25 : memref<128xi32, #tpu.memory_space<vmem>>) semaphore(%dma_start3A_30 : memref<!tpu.dma_semaphore, #tpu.memory_space<semaphore_mem>>)
    %dma_start3A_31 = arith.constant 2 : i32
    %dma_start3A_32 = arith.constant 2 : i32
    %dma_start3A_33 = arith.constant 256 : i32
    %dma_start3A_34 = arith.constant 0 : i32
    %dma_start3A_35 = tpu.memref_slice %arg8[%dma_start3A_33, %dma_start3A_34] : memref<1024x16xf32, #tpu.memory_space<vmem>> -> memref<128x16xf32, #tpu.memory_space<vmem>>
    %dma_start3A_36 = arith.constant 0 : i32
    %dma_start3A_37 = tpu.memref_slice %arg6[%dma_start3A_31, %dma_start3A_36] : memref<80x128xi32, #tpu.memory_space<vmem>> -> memref<1x128xi32, #tpu.memory_space<vmem>>
    %dma_start3A_38 = tpu.memref_squeeze %dma_start3A_37 : memref<1x128xi32, #tpu.memory_space<vmem>> -> memref<128xi32, #tpu.memory_space<vmem>>
    %dma_start3A_39 = arith.constant 0 : i32
    %dma_start3A_40 = arith.constant 0 : i32
    %dma_start3A_41 = tpu.memref_slice %arg2[%dma_start3A_39, %dma_start3A_40] : memref<10240x16xf32, #tpu.memory_space<hbm>> -> memref<10240x16xf32, #tpu.memory_space<hbm>>
    %dma_start3A_42 = tpu.memref_slice %arg11[%dma_start3A_32] : memref<8x!tpu.dma_semaphore, #tpu.memory_space<semaphore_mem>> -> memref<1x!tpu.dma_semaphore, #tpu.memory_space<semaphore_mem>>
    %dma_start3A_43 = tpu.memref_squeeze %dma_start3A_42 : memref<1x!tpu.dma_semaphore, #tpu.memory_space<semaphore_mem>> -> memref<!tpu.dma_semaphore, #tpu.memory_space<semaphore_mem>>
    tpu.enqueue_indirect_dma source(%dma_start3A_41 : memref<10240x16xf32, #tpu.memory_space<hbm>>) target(%dma_start3A_35 : memref<128x16xf32, #tpu.memory_space<vmem>>) offsets(%dma_start3A_38 : memref<128xi32, #tpu.memory_space<vmem>>) semaphore(%dma_start3A_43 : memref<!tpu.dma_semaphore, #tpu.memory_space<semaphore_mem>>)
    %dma_start3A_44 = arith.constant 3 : i32
    %dma_start3A_45 = arith.constant 3 : i32
    %dma_start3A_46 = arith.constant 384 : i32
    %dma_start3A_47 = arith.constant 0 : i32
    %dma_start3A_48 = tpu.memref_slice %arg8[%dma_start3A_46, %dma_start3A_47] : memref<1024x16xf32, #tpu.memory_space<vmem>> -> memref<128x16xf32, #tpu.memory_space<vmem>>
    %dma_start3A_49 = arith.constant 0 : i32
    %dma_start3A_50 = tpu.memref_slice %arg6[%dma_start3A_44, %dma_start3A_49] : memref<80x128xi32, #tpu.memory_space<vmem>> -> memref<1x128xi32, #tpu.memory_space<vmem>>
    %dma_start3A_51 = tpu.memref_squeeze %dma_start3A_50 : memref<1x128xi32, #tpu.memory_space<vmem>> -> memref<128xi32, #tpu.memory_space<vmem>>
    %dma_start3A_52 = arith.constant 0 : i32
    %dma_start3A_53 = arith.constant 0 : i32
    %dma_start3A_54 = tpu.memref_slice %arg2[%dma_start3A_52, %dma_start3A_53] : memref<10240x16xf32, #tpu.memory_space<hbm>> -> memref<10240x16xf32, #tpu.memory_space<hbm>>
    %dma_start3A_55 = tpu.memref_slice %arg11[%dma_start3A_45] : memref<8x!tpu.dma_semaphore, #tpu.memory_space<semaphore_mem>> -> memref<1x!tpu.dma_semaphore, #tpu.memory_space<semaphore_mem>>
    %dma_start3A_56 = tpu.memref_squeeze %dma_start3A_55 : memref<1x!tpu.dma_semaphore, #tpu.memory_space<semaphore_mem>> -> memref<!tpu.dma_semaphore, #tpu.memory_space<semaphore_mem>>
    tpu.enqueue_indirect_dma source(%dma_start3A_54 : memref<10240x16xf32, #tpu.memory_space<hbm>>) target(%dma_start3A_48 : memref<128x16xf32, #tpu.memory_space<vmem>>) offsets(%dma_start3A_51 : memref<128xi32, #tpu.memory_space<vmem>>) semaphore(%dma_start3A_56 : memref<!tpu.dma_semaphore, #tpu.memory_space<semaphore_mem>>)
    %dma_start3A_57 = arith.constant 4 : i32
    %dma_start3A_58 = arith.constant 4 : i32
    %dma_start3A_59 = arith.constant 512 : i32
    %dma_start3A_60 = arith.constant 0 : i32
    %dma_start3A_61 = tpu.memref_slice %arg8[%dma_start3A_59, %dma_start3A_60] : memref<1024x16xf32, #tpu.memory_space<vmem>> -> memref<128x16xf32, #tpu.memory_space<vmem>>
    %dma_start3A_62 = arith.constant 0 : i32
    %dma_start3A_63 = tpu.memref_slice %arg6[%dma_start3A_57, %dma_start3A_62] : memref<80x128xi32, #tpu.memory_space<vmem>> -> memref<1x128xi32, #tpu.memory_space<vmem>>
    %dma_start3A_64 = tpu.memref_squeeze %dma_start3A_63 : memref<1x128xi32, #tpu.memory_space<vmem>> -> memref<128xi32, #tpu.memory_space<vmem>>
    %dma_start3A_65 = arith.constant 0 : i32
    %dma_start3A_66 = arith.constant 0 : i32
    %dma_start3A_67 = tpu.memref_slice %arg2[%dma_start3A_65, %dma_start3A_66] : memref<10240x16xf32, #tpu.memory_space<hbm>> -> memref<10240x16xf32, #tpu.memory_space<hbm>>
    %dma_start3A_68 = tpu.memref_slice %arg11[%dma_start3A_58] : memref<8x!tpu.dma_semaphore, #tpu.memory_space<semaphore_mem>> -> memref<1x!tpu.dma_semaphore, #tpu.memory_space<semaphore_mem>>
    %dma_start3A_69 = tpu.memref_squeeze %dma_start3A_68 : memref<1x!tpu.dma_semaphore, #tpu.memory_space<semaphore_mem>> -> memref<!tpu.dma_semaphore, #tpu.memory_space<semaphore_mem>>
    tpu.enqueue_indirect_dma source(%dma_start3A_67 : memref<10240x16xf32, #tpu.memory_space<hbm>>) target(%dma_start3A_61 : memref<128x16xf32, #tpu.memory_space<vmem>>) offsets(%dma_start3A_64 : memref<128xi32, #tpu.memory_space<vmem>>) semaphore(%dma_start3A_69 : memref<!tpu.dma_semaphore, #tpu.memory_space<semaphore_mem>>)
    %dma_start3A_70 = arith.constant 5 : i32
    %dma_start3A_71 = arith.constant 5 : i32
    %dma_start3A_72 = arith.constant 640 : i32
    %dma_start3A_73 = arith.constant 0 : i32
    %dma_start3A_74 = tpu.memref_slice %arg8[%dma_start3A_72, %dma_start3A_73] : memref<1024x16xf32, #tpu.memory_space<vmem>> -> memref<128x16xf32, #tpu.memory_space<vmem>>
    %dma_start3A_75 = arith.constant 0 : i32
    %dma_start3A_76 = tpu.memref_slice %arg6[%dma_start3A_70, %dma_start3A_75] : memref<80x128xi32, #tpu.memory_space<vmem>> -> memref<1x128xi32, #tpu.memory_space<vmem>>
    %dma_start3A_77 = tpu.memref_squeeze %dma_start3A_76 : memref<1x128xi32, #tpu.memory_space<vmem>> -> memref<128xi32, #tpu.memory_space<vmem>>
    %dma_start3A_78 = arith.constant 0 : i32
    %dma_start3A_79 = arith.constant 0 : i32
    %dma_start3A_80 = tpu.memref_slice %arg2[%dma_start3A_78, %dma_start3A_79] : memref<10240x16xf32, #tpu.memory_space<hbm>> -> memref<10240x16xf32, #tpu.memory_space<hbm>>
    %dma_start3A_81 = tpu.memref_slice %arg11[%dma_start3A_71] : memref<8x!tpu.dma_semaphore, #tpu.memory_space<semaphore_mem>> -> memref<1x!tpu.dma_semaphore, #tpu.memory_space<semaphore_mem>>
    %dma_start3A_82 = tpu.memref_squeeze %dma_start3A_81 : memref<1x!tpu.dma_semaphore, #tpu.memory_space<semaphore_mem>> -> memref<!tpu.dma_semaphore, #tpu.memory_space<semaphore_mem>>
    tpu.enqueue_indirect_dma source(%dma_start3A_80 : memref<10240x16xf32, #tpu.memory_space<hbm>>) target(%dma_start3A_74 : memref<128x16xf32, #tpu.memory_space<vmem>>) offsets(%dma_start3A_77 : memref<128xi32, #tpu.memory_space<vmem>>) semaphore(%dma_start3A_82 : memref<!tpu.dma_semaphore, #tpu.memory_space<semaphore_mem>>)
    %dma_start3A_83 = arith.constant 6 : i32
    %dma_start3A_84 = arith.constant 6 : i32
    %dma_start3A_85 = arith.constant 768 : i32
    %dma_start3A_86 = arith.constant 0 : i32
    %dma_start3A_87 = tpu.memref_slice %arg8[%dma_start3A_85, %dma_start3A_86] : memref<1024x16xf32, #tpu.memory_space<vmem>> -> memref<128x16xf32, #tpu.memory_space<vmem>>
    %dma_start3A_88 = arith.constant 0 : i32
    %dma_start3A_89 = tpu.memref_slice %arg6[%dma_start3A_83, %dma_start3A_88] : memref<80x128xi32, #tpu.memory_space<vmem>> -> memref<1x128xi32, #tpu.memory_space<vmem>>
    %dma_start3A_90 = tpu.memref_squeeze %dma_start3A_89 : memref<1x128xi32, #tpu.memory_space<vmem>> -> memref<128xi32, #tpu.memory_space<vmem>>
    %dma_start3A_91 = arith.constant 0 : i32
    %dma_start3A_92 = arith.constant 0 : i32
    %dma_start3A_93 = tpu.memref_slice %arg2[%dma_start3A_91, %dma_start3A_92] : memref<10240x16xf32, #tpu.memory_space<hbm>> -> memref<10240x16xf32, #tpu.memory_space<hbm>>
    %dma_start3A_94 = tpu.memref_slice %arg11[%dma_start3A_84] : memref<8x!tpu.dma_semaphore, #tpu.memory_space<semaphore_mem>> -> memref<1x!tpu.dma_semaphore, #tpu.memory_space<semaphore_mem>>
    %dma_start3A_95 = tpu.memref_squeeze %dma_start3A_94 : memref<1x!tpu.dma_semaphore, #tpu.memory_space<semaphore_mem>> -> memref<!tpu.dma_semaphore, #tpu.memory_space<semaphore_mem>>
    tpu.enqueue_indirect_dma source(%dma_start3A_93 : memref<10240x16xf32, #tpu.memory_space<hbm>>) target(%dma_start3A_87 : memref<128x16xf32, #tpu.memory_space<vmem>>) offsets(%dma_start3A_90 : memref<128xi32, #tpu.memory_space<vmem>>) semaphore(%dma_start3A_95 : memref<!tpu.dma_semaphore, #tpu.memory_space<semaphore_mem>>)
    %dma_start3A_96 = arith.constant 7 : i32
    %dma_start3A_97 = arith.constant 7 : i32
    %dma_start3A_98 = arith.constant 896 : i32
    %dma_start3A_99 = arith.constant 0 : i32
    %dma_start3A_100 = tpu.memref_slice %arg8[%dma_start3A_98, %dma_start3A_99] : memref<1024x16xf32, #tpu.memory_space<vmem>> -> memref<128x16xf32, #tpu.memory_space<vmem>>
    %dma_start3A_101 = arith.constant 0 : i32
    %dma_start3A_102 = tpu.memref_slice %arg6[%dma_start3A_96, %dma_start3A_101] : memref<80x128xi32, #tpu.memory_space<vmem>> -> memref<1x128xi32, #tpu.memory_space<vmem>>
    %dma_start3A_103 = tpu.memref_squeeze %dma_start3A_102 : memref<1x128xi32, #tpu.memory_space<vmem>> -> memref<128xi32, #tpu.memory_space<vmem>>
    %dma_start3A_104 = arith.constant 0 : i32
    %dma_start3A_105 = arith.constant 0 : i32
    %dma_start3A_106 = tpu.memref_slice %arg2[%dma_start3A_104, %dma_start3A_105] : memref<10240x16xf32, #tpu.memory_space<hbm>> -> memref<10240x16xf32, #tpu.memory_space<hbm>>
    %dma_start3A_107 = tpu.memref_slice %arg11[%dma_start3A_97] : memref<8x!tpu.dma_semaphore, #tpu.memory_space<semaphore_mem>> -> memref<1x!tpu.dma_semaphore, #tpu.memory_space<semaphore_mem>>
    %dma_start3A_108 = tpu.memref_squeeze %dma_start3A_107 : memref<1x!tpu.dma_semaphore, #tpu.memory_space<semaphore_mem>> -> memref<!tpu.dma_semaphore, #tpu.memory_space<semaphore_mem>>
    tpu.enqueue_indirect_dma source(%dma_start3A_106 : memref<10240x16xf32, #tpu.memory_space<hbm>>) target(%dma_start3A_100 : memref<128x16xf32, #tpu.memory_space<vmem>>) offsets(%dma_start3A_103 : memref<128xi32, #tpu.memory_space<vmem>>) semaphore(%dma_start3A_108 : memref<!tpu.dma_semaphore, #tpu.memory_space<semaphore_mem>>)
    %scan3A = arith.constant 0 : i32
    %scan3A_109 = arith.constant 0 : i32
    %scan3A_110 = arith.constant 10 : i32
    %scan3A_111 = arith.addi %scan3A_109, %scan3A_110 : i32
    %scan3A_112 = arith.constant 1 : i32
    scf.for %scan3A_218 = %scan3A_109 to %scan3A_111 step %scan3A_112  : i32 {
      %mul3A_219 = arith.constant 8 : i32
      %mul3A_220 = arith.muli %scan3A_218, %mul3A_219 : i32
      %add3A_221 = arith.constant 0 : i32
      %add3A_222 = arith.addi %mul3A_220, %add3A_221 : i32
      %dma_wait3A_223 = arith.constant 0 : i32
      %dma_wait3A_224 = arith.constant 0 : i32
      %dma_wait3A_225 = arith.constant 0 : i32
      %dma_wait3A_226 = tpu.memref_slice %arg8[%dma_wait3A_224, %dma_wait3A_225] : memref<1024x16xf32, #tpu.memory_space<vmem>> -> memref<128x16xf32, #tpu.memory_space<vmem>>
      %dma_wait3A_227 = arith.constant 0 : i32
      %dma_wait3A_228 = tpu.memref_slice %arg6[%add3A_222, %dma_wait3A_227] : memref<80x128xi32, #tpu.memory_space<vmem>> -> memref<1x128xi32, #tpu.memory_space<vmem>>
      %dma_wait3A_229 = tpu.memref_squeeze %dma_wait3A_228 : memref<1x128xi32, #tpu.memory_space<vmem>> -> memref<128xi32, #tpu.memory_space<vmem>>
      %dma_wait3A_230 = arith.constant 0 : i32
      %dma_wait3A_231 = arith.constant 0 : i32
      %dma_wait3A_232 = tpu.memref_slice %arg2[%dma_wait3A_230, %dma_wait3A_231] : memref<10240x16xf32, #tpu.memory_space<hbm>> -> memref<10240x16xf32, #tpu.memory_space<hbm>>
      %dma_wait3A_233 = tpu.memref_slice %arg11[%dma_wait3A_223] : memref<8x!tpu.dma_semaphore, #tpu.memory_space<semaphore_mem>> -> memref<1x!tpu.dma_semaphore, #tpu.memory_space<semaphore_mem>>
      %dma_wait3A_234 = tpu.memref_squeeze %dma_wait3A_233 : memref<1x!tpu.dma_semaphore, #tpu.memory_space<semaphore_mem>> -> memref<!tpu.dma_semaphore, #tpu.memory_space<semaphore_mem>>
      tpu.wait_indirect_dma semaphore(%dma_wait3A_234 : memref<!tpu.dma_semaphore, #tpu.memory_space<semaphore_mem>>) src(%dma_wait3A_232 : memref<10240x16xf32, #tpu.memory_space<hbm>>) dst(%dma_wait3A_226 : memref<128x16xf32, #tpu.memory_space<vmem>>)
      %dma_start3A_235 = arith.constant 0 : i32
      %dma_start3A_236 = arith.constant 0 : i32
      %dma_start3A_237 = arith.constant 0 : i32
      %dma_start3A_238 = tpu.memref_slice %arg8[%dma_start3A_236, %dma_start3A_237] : memref<1024x16xf32, #tpu.memory_space<vmem>> -> memref<128x16xf32, #tpu.memory_space<vmem>>
      %dma_start3A_239 = arith.constant 0 : i32
      %dma_start3A_240 = tpu.memref_slice %arg7[%add3A_222, %dma_start3A_239] : memref<80x128xi32, #tpu.memory_space<vmem>> -> memref<1x128xi32, #tpu.memory_space<vmem>>
      %dma_start3A_241 = tpu.memref_squeeze %dma_start3A_240 : memref<1x128xi32, #tpu.memory_space<vmem>> -> memref<128xi32, #tpu.memory_space<vmem>>
      %dma_start3A_242 = arith.constant 0 : i32
      %dma_start3A_243 = arith.constant 0 : i32
      %dma_start3A_244 = tpu.memref_slice %arg10[%dma_start3A_242, %dma_start3A_243] : memref<10240x16xf32, #tpu.memory_space<vmem_shared>> -> memref<10240x16xf32, #tpu.memory_space<vmem_shared>>
      %dma_start3A_245 = tpu.memref_slice %arg12[%dma_start3A_235] : memref<8x!tpu.dma_semaphore, #tpu.memory_space<semaphore_mem>> -> memref<1x!tpu.dma_semaphore, #tpu.memory_space<semaphore_mem>>
      %dma_start3A_246 = tpu.memref_squeeze %dma_start3A_245 : memref<1x!tpu.dma_semaphore, #tpu.memory_space<semaphore_mem>> -> memref<!tpu.dma_semaphore, #tpu.memory_space<semaphore_mem>>
      tpu.enqueue_indirect_dma source(%dma_start3A_238 : memref<128x16xf32, #tpu.memory_space<vmem>>) target(%dma_start3A_244 : memref<10240x16xf32, #tpu.memory_space<vmem_shared>>) offsets(%dma_start3A_241 : memref<128xi32, #tpu.memory_space<vmem>>) semaphore(%dma_start3A_246 : memref<!tpu.dma_semaphore, #tpu.memory_space<semaphore_mem>>) {add = true}
      %sub3A = arith.constant 2 : i32
      %sub3A_247 = arith.subi %add3A_222, %sub3A : i32
      %ge3A = arith.constant 0 : i32
      %ge3A_248 = arith.cmpi sge, %sub3A_247, %ge3A : i32
      %add3A_249 = arith.constant 8 : i32
      %add3A_250 = arith.addi %sub3A_247, %add3A_249 : i32
      %lt3A = arith.constant 80 : i32
      %lt3A_251 = arith.cmpi slt, %add3A_250, %lt3A : i32
      %and3A = arith.andi %ge3A_248, %lt3A_251 : i1
      %convert_element_type3A = arith.extui %and3A : i1 to i32
      %cond3A = arith.constant 0 : i32
      %cond3A_252 = arith.cmpi ne, %convert_element_type3A, %cond3A : i32
      scf.if %cond3A_252 {
        %dma_wait3A_533 = arith.constant 6 : i32
        %dma_wait3A_534 = arith.constant 768 : i32
        %dma_wait3A_535 = arith.constant 0 : i32
        %dma_wait3A_536 = tpu.memref_slice %arg8[%dma_wait3A_534, %dma_wait3A_535] : memref<1024x16xf32, #tpu.memory_space<vmem>> -> memref<128x16xf32, #tpu.memory_space<vmem>>
        %dma_wait3A_537 = arith.constant 0 : i32
        %dma_wait3A_538 = tpu.memref_slice %arg7[%sub3A_247, %dma_wait3A_537] : memref<80x128xi32, #tpu.memory_space<vmem>> -> memref<1x128xi32, #tpu.memory_space<vmem>>
        %dma_wait3A_539 = tpu.memref_squeeze %dma_wait3A_538 : memref<1x128xi32, #tpu.memory_space<vmem>> -> memref<128xi32, #tpu.memory_space<vmem>>
        %dma_wait3A_540 = arith.constant 0 : i32
        %dma_wait3A_541 = arith.constant 0 : i32
        %dma_wait3A_542 = tpu.memref_slice %arg10[%dma_wait3A_540, %dma_wait3A_541] : memref<10240x16xf32, #tpu.memory_space<vmem_shared>> -> memref<10240x16xf32, #tpu.memory_space<vmem_shared>>
        %dma_wait3A_543 = tpu.memref_slice %arg12[%dma_wait3A_533] : memref<8x!tpu.dma_semaphore, #tpu.memory_space<semaphore_mem>> -> memref<1x!tpu.dma_semaphore, #tpu.memory_space<semaphore_mem>>
        %dma_wait3A_544 = tpu.memref_squeeze %dma_wait3A_543 : memref<1x!tpu.dma_semaphore, #tpu.memory_space<semaphore_mem>> -> memref<!tpu.dma_semaphore, #tpu.memory_space<semaphore_mem>>
        tpu.wait_indirect_dma semaphore(%dma_wait3A_544 : memref<!tpu.dma_semaphore, #tpu.memory_space<semaphore_mem>>) src(%dma_wait3A_536 : memref<128x16xf32, #tpu.memory_space<vmem>>) dst(%dma_wait3A_542 : memref<10240x16xf32, #tpu.memory_space<vmem_shared>>)
        %add3A_545 = arith.constant 8 : i32
        %add3A_546 = arith.addi %sub3A_247, %add3A_545 : i32
        %dma_start3A_547 = arith.constant 6 : i32
        %dma_start3A_548 = arith.constant 768 : i32
        %dma_start3A_549 = arith.constant 0 : i32
        %dma_start3A_550 = tpu.memref_slice %arg8[%dma_start3A_548, %dma_start3A_549] : memref<1024x16xf32, #tpu.memory_space<vmem>> -> memref<128x16xf32, #tpu.memory_space<vmem>>
        %dma_start3A_551 = arith.constant 0 : i32
        %dma_start3A_552 = tpu.memref_slice %arg6[%add3A_546, %dma_start3A_551] : memref<80x128xi32, #tpu.memory_space<vmem>> -> memref<1x128xi32, #tpu.memory_space<vmem>>
        %dma_start3A_553 = tpu.memref_squeeze %dma_start3A_552 : memref<1x128xi32, #tpu.memory_space<vmem>> -> memref<128xi32, #tpu.memory_space<vmem>>
        %dma_start3A_554 = arith.constant 0 : i32
        %dma_start3A_555 = arith.constant 0 : i32
        %dma_start3A_556 = tpu.memref_slice %arg2[%dma_start3A_554, %dma_start3A_555] : memref<10240x16xf32, #tpu.memory_space<hbm>> -> memref<10240x16xf32, #tpu.memory_space<hbm>>
        %dma_start3A_557 = tpu.memref_slice %arg11[%dma_start3A_547] : memref<8x!tpu.dma_semaphore, #tpu.memory_space<semaphore_mem>> -> memref<1x!tpu.dma_semaphore, #tpu.memory_space<semaphore_mem>>
        %dma_start3A_558 = tpu.memref_squeeze %dma_start3A_557 : memref<1x!tpu.dma_semaphore, #tpu.memory_space<semaphore_mem>> -> memref<!tpu.dma_semaphore, #tpu.memory_space<semaphore_mem>>
        tpu.enqueue_indirect_dma source(%dma_start3A_556 : memref<10240x16xf32, #tpu.memory_space<hbm>>) target(%dma_start3A_550 : memref<128x16xf32, #tpu.memory_space<vmem>>) offsets(%dma_start3A_553 : memref<128xi32, #tpu.memory_space<vmem>>) semaphore(%dma_start3A_558 : memref<!tpu.dma_semaphore, #tpu.memory_space<semaphore_mem>>)
      } else {
      }
      %mul3A_253 = arith.constant 8 : i32
      %mul3A_254 = arith.muli %scan3A_218, %mul3A_253 : i32
      %add3A_255 = arith.constant 1 : i32
      %add3A_256 = arith.addi %mul3A_254, %add3A_255 : i32
      %dma_wait3A_257 = arith.constant 1 : i32
      %dma_wait3A_258 = arith.constant 128 : i32
      %dma_wait3A_259 = arith.constant 0 : i32
      %dma_wait3A_260 = tpu.memref_slice %arg8[%dma_wait3A_258, %dma_wait3A_259] : memref<1024x16xf32, #tpu.memory_space<vmem>> -> memref<128x16xf32, #tpu.memory_space<vmem>>
      %dma_wait3A_261 = arith.constant 0 : i32
      %dma_wait3A_262 = tpu.memref_slice %arg6[%add3A_256, %dma_wait3A_261] : memref<80x128xi32, #tpu.memory_space<vmem>> -> memref<1x128xi32, #tpu.memory_space<vmem>>
      %dma_wait3A_263 = tpu.memref_squeeze %dma_wait3A_262 : memref<1x128xi32, #tpu.memory_space<vmem>> -> memref<128xi32, #tpu.memory_space<vmem>>
      %dma_wait3A_264 = arith.constant 0 : i32
      %dma_wait3A_265 = arith.constant 0 : i32
      %dma_wait3A_266 = tpu.memref_slice %arg2[%dma_wait3A_264, %dma_wait3A_265] : memref<10240x16xf32, #tpu.memory_space<hbm>> -> memref<10240x16xf32, #tpu.memory_space<hbm>>
      %dma_wait3A_267 = tpu.memref_slice %arg11[%dma_wait3A_257] : memref<8x!tpu.dma_semaphore, #tpu.memory_space<semaphore_mem>> -> memref<1x!tpu.dma_semaphore, #tpu.memory_space<semaphore_mem>>
      %dma_wait3A_268 = tpu.memref_squeeze %dma_wait3A_267 : memref<1x!tpu.dma_semaphore, #tpu.memory_space<semaphore_mem>> -> memref<!tpu.dma_semaphore, #tpu.memory_space<semaphore_mem>>
      tpu.wait_indirect_dma semaphore(%dma_wait3A_268 : memref<!tpu.dma_semaphore, #tpu.memory_space<semaphore_mem>>) src(%dma_wait3A_266 : memref<10240x16xf32, #tpu.memory_space<hbm>>) dst(%dma_wait3A_260 : memref<128x16xf32, #tpu.memory_space<vmem>>)
      %dma_start3A_269 = arith.constant 1 : i32
      %dma_start3A_270 = arith.constant 128 : i32
      %dma_start3A_271 = arith.constant 0 : i32
      %dma_start3A_272 = tpu.memref_slice %arg8[%dma_start3A_270, %dma_start3A_271] : memref<1024x16xf32, #tpu.memory_space<vmem>> -> memref<128x16xf32, #tpu.memory_space<vmem>>
      %dma_start3A_273 = arith.constant 0 : i32
      %dma_start3A_274 = tpu.memref_slice %arg7[%add3A_256, %dma_start3A_273] : memref<80x128xi32, #tpu.memory_space<vmem>> -> memref<1x128xi32, #tpu.memory_space<vmem>>
      %dma_start3A_275 = tpu.memref_squeeze %dma_start3A_274 : memref<1x128xi32, #tpu.memory_space<vmem>> -> memref<128xi32, #tpu.memory_space<vmem>>
      %dma_start3A_276 = arith.constant 0 : i32
      %dma_start3A_277 = arith.constant 0 : i32
      %dma_start3A_278 = tpu.memref_slice %arg10[%dma_start3A_276, %dma_start3A_277] : memref<10240x16xf32, #tpu.memory_space<vmem_shared>> -> memref<10240x16xf32, #tpu.memory_space<vmem_shared>>
      %dma_start3A_279 = tpu.memref_slice %arg12[%dma_start3A_269] : memref<8x!tpu.dma_semaphore, #tpu.memory_space<semaphore_mem>> -> memref<1x!tpu.dma_semaphore, #tpu.memory_space<semaphore_mem>>
      %dma_start3A_280 = tpu.memref_squeeze %dma_start3A_279 : memref<1x!tpu.dma_semaphore, #tpu.memory_space<semaphore_mem>> -> memref<!tpu.dma_semaphore, #tpu.memory_space<semaphore_mem>>
      tpu.enqueue_indirect_dma source(%dma_start3A_272 : memref<128x16xf32, #tpu.memory_space<vmem>>) target(%dma_start3A_278 : memref<10240x16xf32, #tpu.memory_space<vmem_shared>>) offsets(%dma_start3A_275 : memref<128xi32, #tpu.memory_space<vmem>>) semaphore(%dma_start3A_280 : memref<!tpu.dma_semaphore, #tpu.memory_space<semaphore_mem>>) {add = true}
      %sub3A_281 = arith.constant 2 : i32
      %sub3A_282 = arith.subi %add3A_256, %sub3A_281 : i32
      %ge3A_283 = arith.constant 0 : i32
      %ge3A_284 = arith.cmpi sge, %sub3A_282, %ge3A_283 : i32
      %add3A_285 = arith.constant 8 : i32
      %add3A_286 = arith.addi %sub3A_282, %add3A_285 : i32
      %lt3A_287 = arith.constant 80 : i32
      %lt3A_288 = arith.cmpi slt, %add3A_286, %lt3A_287 : i32
      %and3A_289 = arith.andi %ge3A_284, %lt3A_288 : i1
      %convert_element_type3A_290 = arith.extui %and3A_289 : i1 to i32
      %cond3A_291 = arith.constant 0 : i32
      %cond3A_292 = arith.cmpi ne, %convert_element_type3A_290, %cond3A_291 : i32
      scf.if %cond3A_292 {
        %dma_wait3A_533 = arith.constant 7 : i32
        %dma_wait3A_534 = arith.constant 896 : i32
        %dma_wait3A_535 = arith.constant 0 : i32
        %dma_wait3A_536 = tpu.memref_slice %arg8[%dma_wait3A_534, %dma_wait3A_535] : memref<1024x16xf32, #tpu.memory_space<vmem>> -> memref<128x16xf32, #tpu.memory_space<vmem>>
        %dma_wait3A_537 = arith.constant 0 : i32
        %dma_wait3A_538 = tpu.memref_slice %arg7[%sub3A_282, %dma_wait3A_537] : memref<80x128xi32, #tpu.memory_space<vmem>> -> memref<1x128xi32, #tpu.memory_space<vmem>>
        %dma_wait3A_539 = tpu.memref_squeeze %dma_wait3A_538 : memref<1x128xi32, #tpu.memory_space<vmem>> -> memref<128xi32, #tpu.memory_space<vmem>>
        %dma_wait3A_540 = arith.constant 0 : i32
        %dma_wait3A_541 = arith.constant 0 : i32
        %dma_wait3A_542 = tpu.memref_slice %arg10[%dma_wait3A_540, %dma_wait3A_541] : memref<10240x16xf32, #tpu.memory_space<vmem_shared>> -> memref<10240x16xf32, #tpu.memory_space<vmem_shared>>
        %dma_wait3A_543 = tpu.memref_slice %arg12[%dma_wait3A_533] : memref<8x!tpu.dma_semaphore, #tpu.memory_space<semaphore_mem>> -> memref<1x!tpu.dma_semaphore, #tpu.memory_space<semaphore_mem>>
        %dma_wait3A_544 = tpu.memref_squeeze %dma_wait3A_543 : memref<1x!tpu.dma_semaphore, #tpu.memory_space<semaphore_mem>> -> memref<!tpu.dma_semaphore, #tpu.memory_space<semaphore_mem>>
        tpu.wait_indirect_dma semaphore(%dma_wait3A_544 : memref<!tpu.dma_semaphore, #tpu.memory_space<semaphore_mem>>) src(%dma_wait3A_536 : memref<128x16xf32, #tpu.memory_space<vmem>>) dst(%dma_wait3A_542 : memref<10240x16xf32, #tpu.memory_space<vmem_shared>>)
        %add3A_545 = arith.constant 8 : i32
        %add3A_546 = arith.addi %sub3A_282, %add3A_545 : i32
        %dma_start3A_547 = arith.constant 7 : i32
        %dma_start3A_548 = arith.constant 896 : i32
        %dma_start3A_549 = arith.constant 0 : i32
        %dma_start3A_550 = tpu.memref_slice %arg8[%dma_start3A_548, %dma_start3A_549] : memref<1024x16xf32, #tpu.memory_space<vmem>> -> memref<128x16xf32, #tpu.memory_space<vmem>>
        %dma_start3A_551 = arith.constant 0 : i32
        %dma_start3A_552 = tpu.memref_slice %arg6[%add3A_546, %dma_start3A_551] : memref<80x128xi32, #tpu.memory_space<vmem>> -> memref<1x128xi32, #tpu.memory_space<vmem>>
        %dma_start3A_553 = tpu.memref_squeeze %dma_start3A_552 : memref<1x128xi32, #tpu.memory_space<vmem>> -> memref<128xi32, #tpu.memory_space<vmem>>
        %dma_start3A_554 = arith.constant 0 : i32
        %dma_start3A_555 = arith.constant 0 : i32
        %dma_start3A_556 = tpu.memref_slice %arg2[%dma_start3A_554, %dma_start3A_555] : memref<10240x16xf32, #tpu.memory_space<hbm>> -> memref<10240x16xf32, #tpu.memory_space<hbm>>
        %dma_start3A_557 = tpu.memref_slice %arg11[%dma_start3A_547] : memref<8x!tpu.dma_semaphore, #tpu.memory_space<semaphore_mem>> -> memref<1x!tpu.dma_semaphore, #tpu.memory_space<semaphore_mem>>
        %dma_start3A_558 = tpu.memref_squeeze %dma_start3A_557 : memref<1x!tpu.dma_semaphore, #tpu.memory_space<semaphore_mem>> -> memref<!tpu.dma_semaphore, #tpu.memory_space<semaphore_mem>>
        tpu.enqueue_indirect_dma source(%dma_start3A_556 : memref<10240x16xf32, #tpu.memory_space<hbm>>) target(%dma_start3A_550 : memref<128x16xf32, #tpu.memory_space<vmem>>) offsets(%dma_start3A_553 : memref<128xi32, #tpu.memory_space<vmem>>) semaphore(%dma_start3A_558 : memref<!tpu.dma_semaphore, #tpu.memory_space<semaphore_mem>>)
      } else {
      }
      %mul3A_293 = arith.constant 8 : i32
      %mul3A_294 = arith.muli %scan3A_218, %mul3A_293 : i32
      %add3A_295 = arith.constant 2 : i32
      %add3A_296 = arith.addi %mul3A_294, %add3A_295 : i32
      %dma_wait3A_297 = arith.constant 2 : i32
      %dma_wait3A_298 = arith.constant 256 : i32
      %dma_wait3A_299 = arith.constant 0 : i32
      %dma_wait3A_300 = tpu.memref_slice %arg8[%dma_wait3A_298, %dma_wait3A_299] : memref<1024x16xf32, #tpu.memory_space<vmem>> -> memref<128x16xf32, #tpu.memory_space<vmem>>
      %dma_wait3A_301 = arith.constant 0 : i32
      %dma_wait3A_302 = tpu.memref_slice %arg6[%add3A_296, %dma_wait3A_301] : memref<80x128xi32, #tpu.memory_space<vmem>> -> memref<1x128xi32, #tpu.memory_space<vmem>>
      %dma_wait3A_303 = tpu.memref_squeeze %dma_wait3A_302 : memref<1x128xi32, #tpu.memory_space<vmem>> -> memref<128xi32, #tpu.memory_space<vmem>>
      %dma_wait3A_304 = arith.constant 0 : i32
      %dma_wait3A_305 = arith.constant 0 : i32
      %dma_wait3A_306 = tpu.memref_slice %arg2[%dma_wait3A_304, %dma_wait3A_305] : memref<10240x16xf32, #tpu.memory_space<hbm>> -> memref<10240x16xf32, #tpu.memory_space<hbm>>
      %dma_wait3A_307 = tpu.memref_slice %arg11[%dma_wait3A_297] : memref<8x!tpu.dma_semaphore, #tpu.memory_space<semaphore_mem>> -> memref<1x!tpu.dma_semaphore, #tpu.memory_space<semaphore_mem>>
      %dma_wait3A_308 = tpu.memref_squeeze %dma_wait3A_307 : memref<1x!tpu.dma_semaphore, #tpu.memory_space<semaphore_mem>> -> memref<!tpu.dma_semaphore, #tpu.memory_space<semaphore_mem>>
      tpu.wait_indirect_dma semaphore(%dma_wait3A_308 : memref<!tpu.dma_semaphore, #tpu.memory_space<semaphore_mem>>) src(%dma_wait3A_306 : memref<10240x16xf32, #tpu.memory_space<hbm>>) dst(%dma_wait3A_300 : memref<128x16xf32, #tpu.memory_space<vmem>>)
      %dma_start3A_309 = arith.constant 2 : i32
      %dma_start3A_310 = arith.constant 256 : i32
      %dma_start3A_311 = arith.constant 0 : i32
      %dma_start3A_312 = tpu.memref_slice %arg8[%dma_start3A_310, %dma_start3A_311] : memref<1024x16xf32, #tpu.memory_space<vmem>> -> memref<128x16xf32, #tpu.memory_space<vmem>>
      %dma_start3A_313 = arith.constant 0 : i32
      %dma_start3A_314 = tpu.memref_slice %arg7[%add3A_296, %dma_start3A_313] : memref<80x128xi32, #tpu.memory_space<vmem>> -> memref<1x128xi32, #tpu.memory_space<vmem>>
      %dma_start3A_315 = tpu.memref_squeeze %dma_start3A_314 : memref<1x128xi32, #tpu.memory_space<vmem>> -> memref<128xi32, #tpu.memory_space<vmem>>
      %dma_start3A_316 = arith.constant 0 : i32
      %dma_start3A_317 = arith.constant 0 : i32
      %dma_start3A_318 = tpu.memref_slice %arg10[%dma_start3A_316, %dma_start3A_317] : memref<10240x16xf32, #tpu.memory_space<vmem_shared>> -> memref<10240x16xf32, #tpu.memory_space<vmem_shared>>
      %dma_start3A_319 = tpu.memref_slice %arg12[%dma_start3A_309] : memref<8x!tpu.dma_semaphore, #tpu.memory_space<semaphore_mem>> -> memref<1x!tpu.dma_semaphore, #tpu.memory_space<semaphore_mem>>
      %dma_start3A_320 = tpu.memref_squeeze %dma_start3A_319 : memref<1x!tpu.dma_semaphore, #tpu.memory_space<semaphore_mem>> -> memref<!tpu.dma_semaphore, #tpu.memory_space<semaphore_mem>>
      tpu.enqueue_indirect_dma source(%dma_start3A_312 : memref<128x16xf32, #tpu.memory_space<vmem>>) target(%dma_start3A_318 : memref<10240x16xf32, #tpu.memory_space<vmem_shared>>) offsets(%dma_start3A_315 : memref<128xi32, #tpu.memory_space<vmem>>) semaphore(%dma_start3A_320 : memref<!tpu.dma_semaphore, #tpu.memory_space<semaphore_mem>>) {add = true}
      %sub3A_321 = arith.constant 2 : i32
      %sub3A_322 = arith.subi %add3A_296, %sub3A_321 : i32
      %ge3A_323 = arith.constant 0 : i32
      %ge3A_324 = arith.cmpi sge, %sub3A_322, %ge3A_323 : i32
      %add3A_325 = arith.constant 8 : i32
      %add3A_326 = arith.addi %sub3A_322, %add3A_325 : i32
      %lt3A_327 = arith.constant 80 : i32
      %lt3A_328 = arith.cmpi slt, %add3A_326, %lt3A_327 : i32
      %and3A_329 = arith.andi %ge3A_324, %lt3A_328 : i1
      %convert_element_type3A_330 = arith.extui %and3A_329 : i1 to i32
      %cond3A_331 = arith.constant 0 : i32
      %cond3A_332 = arith.cmpi ne, %convert_element_type3A_330, %cond3A_331 : i32
      scf.if %cond3A_332 {
        %dma_wait3A_533 = arith.constant 0 : i32
        %dma_wait3A_534 = arith.constant 0 : i32
        %dma_wait3A_535 = arith.constant 0 : i32
        %dma_wait3A_536 = tpu.memref_slice %arg8[%dma_wait3A_534, %dma_wait3A_535] : memref<1024x16xf32, #tpu.memory_space<vmem>> -> memref<128x16xf32, #tpu.memory_space<vmem>>
        %dma_wait3A_537 = arith.constant 0 : i32
        %dma_wait3A_538 = tpu.memref_slice %arg7[%sub3A_322, %dma_wait3A_537] : memref<80x128xi32, #tpu.memory_space<vmem>> -> memref<1x128xi32, #tpu.memory_space<vmem>>
        %dma_wait3A_539 = tpu.memref_squeeze %dma_wait3A_538 : memref<1x128xi32, #tpu.memory_space<vmem>> -> memref<128xi32, #tpu.memory_space<vmem>>
        %dma_wait3A_540 = arith.constant 0 : i32
        %dma_wait3A_541 = arith.constant 0 : i32
        %dma_wait3A_542 = tpu.memref_slice %arg10[%dma_wait3A_540, %dma_wait3A_541] : memref<10240x16xf32, #tpu.memory_space<vmem_shared>> -> memref<10240x16xf32, #tpu.memory_space<vmem_shared>>
        %dma_wait3A_543 = tpu.memref_slice %arg12[%dma_wait3A_533] : memref<8x!tpu.dma_semaphore, #tpu.memory_space<semaphore_mem>> -> memref<1x!tpu.dma_semaphore, #tpu.memory_space<semaphore_mem>>
        %dma_wait3A_544 = tpu.memref_squeeze %dma_wait3A_543 : memref<1x!tpu.dma_semaphore, #tpu.memory_space<semaphore_mem>> -> memref<!tpu.dma_semaphore, #tpu.memory_space<semaphore_mem>>
        tpu.wait_indirect_dma semaphore(%dma_wait3A_544 : memref<!tpu.dma_semaphore, #tpu.memory_space<semaphore_mem>>) src(%dma_wait3A_536 : memref<128x16xf32, #tpu.memory_space<vmem>>) dst(%dma_wait3A_542 : memref<10240x16xf32, #tpu.memory_space<vmem_shared>>)
        %add3A_545 = arith.constant 8 : i32
        %add3A_546 = arith.addi %sub3A_322, %add3A_545 : i32
        %dma_start3A_547 = arith.constant 0 : i32
        %dma_start3A_548 = arith.constant 0 : i32
        %dma_start3A_549 = arith.constant 0 : i32
        %dma_start3A_550 = tpu.memref_slice %arg8[%dma_start3A_548, %dma_start3A_549] : memref<1024x16xf32, #tpu.memory_space<vmem>> -> memref<128x16xf32, #tpu.memory_space<vmem>>
        %dma_start3A_551 = arith.constant 0 : i32
        %dma_start3A_552 = tpu.memref_slice %arg6[%add3A_546, %dma_start3A_551] : memref<80x128xi32, #tpu.memory_space<vmem>> -> memref<1x128xi32, #tpu.memory_space<vmem>>
        %dma_start3A_553 = tpu.memref_squeeze %dma_start3A_552 : memref<1x128xi32, #tpu.memory_space<vmem>> -> memref<128xi32, #tpu.memory_space<vmem>>
        %dma_start3A_554 = arith.constant 0 : i32
        %dma_start3A_555 = arith.constant 0 : i32
        %dma_start3A_556 = tpu.memref_slice %arg2[%dma_start3A_554, %dma_start3A_555] : memref<10240x16xf32, #tpu.memory_space<hbm>> -> memref<10240x16xf32, #tpu.memory_space<hbm>>
        %dma_start3A_557 = tpu.memref_slice %arg11[%dma_start3A_547] : memref<8x!tpu.dma_semaphore, #tpu.memory_space<semaphore_mem>> -> memref<1x!tpu.dma_semaphore, #tpu.memory_space<semaphore_mem>>
        %dma_start3A_558 = tpu.memref_squeeze %dma_start3A_557 : memref<1x!tpu.dma_semaphore, #tpu.memory_space<semaphore_mem>> -> memref<!tpu.dma_semaphore, #tpu.memory_space<semaphore_mem>>
        tpu.enqueue_indirect_dma source(%dma_start3A_556 : memref<10240x16xf32, #tpu.memory_space<hbm>>) target(%dma_start3A_550 : memref<128x16xf32, #tpu.memory_space<vmem>>) offsets(%dma_start3A_553 : memref<128xi32, #tpu.memory_space<vmem>>) semaphore(%dma_start3A_558 : memref<!tpu.dma_semaphore, #tpu.memory_space<semaphore_mem>>)
      } else {
      }
      %mul3A_333 = arith.constant 8 : i32
      %mul3A_334 = arith.muli %scan3A_218, %mul3A_333 : i32
      %add3A_335 = arith.constant 3 : i32
      %add3A_336 = arith.addi %mul3A_334, %add3A_335 : i32
      %dma_wait3A_337 = arith.constant 3 : i32
      %dma_wait3A_338 = arith.constant 384 : i32
      %dma_wait3A_339 = arith.constant 0 : i32
      %dma_wait3A_340 = tpu.memref_slice %arg8[%dma_wait3A_338, %dma_wait3A_339] : memref<1024x16xf32, #tpu.memory_space<vmem>> -> memref<128x16xf32, #tpu.memory_space<vmem>>
      %dma_wait3A_341 = arith.constant 0 : i32
      %dma_wait3A_342 = tpu.memref_slice %arg6[%add3A_336, %dma_wait3A_341] : memref<80x128xi32, #tpu.memory_space<vmem>> -> memref<1x128xi32, #tpu.memory_space<vmem>>
      %dma_wait3A_343 = tpu.memref_squeeze %dma_wait3A_342 : memref<1x128xi32, #tpu.memory_space<vmem>> -> memref<128xi32, #tpu.memory_space<vmem>>
      %dma_wait3A_344 = arith.constant 0 : i32
      %dma_wait3A_345 = arith.constant 0 : i32
      %dma_wait3A_346 = tpu.memref_slice %arg2[%dma_wait3A_344, %dma_wait3A_345] : memref<10240x16xf32, #tpu.memory_space<hbm>> -> memref<10240x16xf32, #tpu.memory_space<hbm>>
      %dma_wait3A_347 = tpu.memref_slice %arg11[%dma_wait3A_337] : memref<8x!tpu.dma_semaphore, #tpu.memory_space<semaphore_mem>> -> memref<1x!tpu.dma_semaphore, #tpu.memory_space<semaphore_mem>>
      %dma_wait3A_348 = tpu.memref_squeeze %dma_wait3A_347 : memref<1x!tpu.dma_semaphore, #tpu.memory_space<semaphore_mem>> -> memref<!tpu.dma_semaphore, #tpu.memory_space<semaphore_mem>>
      tpu.wait_indirect_dma semaphore(%dma_wait3A_348 : memref<!tpu.dma_semaphore, #tpu.memory_space<semaphore_mem>>) src(%dma_wait3A_346 : memref<10240x16xf32, #tpu.memory_space<hbm>>) dst(%dma_wait3A_340 : memref<128x16xf32, #tpu.memory_space<vmem>>)
      %dma_start3A_349 = arith.constant 3 : i32
      %dma_start3A_350 = arith.constant 384 : i32
      %dma_start3A_351 = arith.constant 0 : i32
      %dma_start3A_352 = tpu.memref_slice %arg8[%dma_start3A_350, %dma_start3A_351] : memref<1024x16xf32, #tpu.memory_space<vmem>> -> memref<128x16xf32, #tpu.memory_space<vmem>>
      %dma_start3A_353 = arith.constant 0 : i32
      %dma_start3A_354 = tpu.memref_slice %arg7[%add3A_336, %dma_start3A_353] : memref<80x128xi32, #tpu.memory_space<vmem>> -> memref<1x128xi32, #tpu.memory_space<vmem>>
      %dma_start3A_355 = tpu.memref_squeeze %dma_start3A_354 : memref<1x128xi32, #tpu.memory_space<vmem>> -> memref<128xi32, #tpu.memory_space<vmem>>
      %dma_start3A_356 = arith.constant 0 : i32
      %dma_start3A_357 = arith.constant 0 : i32
      %dma_start3A_358 = tpu.memref_slice %arg10[%dma_start3A_356, %dma_start3A_357] : memref<10240x16xf32, #tpu.memory_space<vmem_shared>> -> memref<10240x16xf32, #tpu.memory_space<vmem_shared>>
      %dma_start3A_359 = tpu.memref_slice %arg12[%dma_start3A_349] : memref<8x!tpu.dma_semaphore, #tpu.memory_space<semaphore_mem>> -> memref<1x!tpu.dma_semaphore, #tpu.memory_space<semaphore_mem>>
      %dma_start3A_360 = tpu.memref_squeeze %dma_start3A_359 : memref<1x!tpu.dma_semaphore, #tpu.memory_space<semaphore_mem>> -> memref<!tpu.dma_semaphore, #tpu.memory_space<semaphore_mem>>
      tpu.enqueue_indirect_dma source(%dma_start3A_352 : memref<128x16xf32, #tpu.memory_space<vmem>>) target(%dma_start3A_358 : memref<10240x16xf32, #tpu.memory_space<vmem_shared>>) offsets(%dma_start3A_355 : memref<128xi32, #tpu.memory_space<vmem>>) semaphore(%dma_start3A_360 : memref<!tpu.dma_semaphore, #tpu.memory_space<semaphore_mem>>) {add = true}
      %sub3A_361 = arith.constant 2 : i32
      %sub3A_362 = arith.subi %add3A_336, %sub3A_361 : i32
      %ge3A_363 = arith.constant 0 : i32
      %ge3A_364 = arith.cmpi sge, %sub3A_362, %ge3A_363 : i32
      %add3A_365 = arith.constant 8 : i32
      %add3A_366 = arith.addi %sub3A_362, %add3A_365 : i32
      %lt3A_367 = arith.constant 80 : i32
      %lt3A_368 = arith.cmpi slt, %add3A_366, %lt3A_367 : i32
      %and3A_369 = arith.andi %ge3A_364, %lt3A_368 : i1
      %convert_element_type3A_370 = arith.extui %and3A_369 : i1 to i32
      %cond3A_371 = arith.constant 0 : i32
      %cond3A_372 = arith.cmpi ne, %convert_element_type3A_370, %cond3A_371 : i32
      scf.if %cond3A_372 {
        %dma_wait3A_533 = arith.constant 1 : i32
        %dma_wait3A_534 = arith.constant 128 : i32
        %dma_wait3A_535 = arith.constant 0 : i32
        %dma_wait3A_536 = tpu.memref_slice %arg8[%dma_wait3A_534, %dma_wait3A_535] : memref<1024x16xf32, #tpu.memory_space<vmem>> -> memref<128x16xf32, #tpu.memory_space<vmem>>
        %dma_wait3A_537 = arith.constant 0 : i32
        %dma_wait3A_538 = tpu.memref_slice %arg7[%sub3A_362, %dma_wait3A_537] : memref<80x128xi32, #tpu.memory_space<vmem>> -> memref<1x128xi32, #tpu.memory_space<vmem>>
        %dma_wait3A_539 = tpu.memref_squeeze %dma_wait3A_538 : memref<1x128xi32, #tpu.memory_space<vmem>> -> memref<128xi32, #tpu.memory_space<vmem>>
        %dma_wait3A_540 = arith.constant 0 : i32
        %dma_wait3A_541 = arith.constant 0 : i32
        %dma_wait3A_542 = tpu.memref_slice %arg10[%dma_wait3A_540, %dma_wait3A_541] : memref<10240x16xf32, #tpu.memory_space<vmem_shared>> -> memref<10240x16xf32, #tpu.memory_space<vmem_shared>>
        %dma_wait3A_543 = tpu.memref_slice %arg12[%dma_wait3A_533] : memref<8x!tpu.dma_semaphore, #tpu.memory_space<semaphore_mem>> -> memref<1x!tpu.dma_semaphore, #tpu.memory_space<semaphore_mem>>
        %dma_wait3A_544 = tpu.memref_squeeze %dma_wait3A_543 : memref<1x!tpu.dma_semaphore, #tpu.memory_space<semaphore_mem>> -> memref<!tpu.dma_semaphore, #tpu.memory_space<semaphore_mem>>
        tpu.wait_indirect_dma semaphore(%dma_wait3A_544 : memref<!tpu.dma_semaphore, #tpu.memory_space<semaphore_mem>>) src(%dma_wait3A_536 : memref<128x16xf32, #tpu.memory_space<vmem>>) dst(%dma_wait3A_542 : memref<10240x16xf32, #tpu.memory_space<vmem_shared>>)
        %add3A_545 = arith.constant 8 : i32
        %add3A_546 = arith.addi %sub3A_362, %add3A_545 : i32
        %dma_start3A_547 = arith.constant 1 : i32
        %dma_start3A_548 = arith.constant 128 : i32
        %dma_start3A_549 = arith.constant 0 : i32
        %dma_start3A_550 = tpu.memref_slice %arg8[%dma_start3A_548, %dma_start3A_549] : memref<1024x16xf32, #tpu.memory_space<vmem>> -> memref<128x16xf32, #tpu.memory_space<vmem>>
        %dma_start3A_551 = arith.constant 0 : i32
        %dma_start3A_552 = tpu.memref_slice %arg6[%add3A_546, %dma_start3A_551] : memref<80x128xi32, #tpu.memory_space<vmem>> -> memref<1x128xi32, #tpu.memory_space<vmem>>
        %dma_start3A_553 = tpu.memref_squeeze %dma_start3A_552 : memref<1x128xi32, #tpu.memory_space<vmem>> -> memref<128xi32, #tpu.memory_space<vmem>>
        %dma_start3A_554 = arith.constant 0 : i32
        %dma_start3A_555 = arith.constant 0 : i32
        %dma_start3A_556 = tpu.memref_slice %arg2[%dma_start3A_554, %dma_start3A_555] : memref<10240x16xf32, #tpu.memory_space<hbm>> -> memref<10240x16xf32, #tpu.memory_space<hbm>>
        %dma_start3A_557 = tpu.memref_slice %arg11[%dma_start3A_547] : memref<8x!tpu.dma_semaphore, #tpu.memory_space<semaphore_mem>> -> memref<1x!tpu.dma_semaphore, #tpu.memory_space<semaphore_mem>>
        %dma_start3A_558 = tpu.memref_squeeze %dma_start3A_557 : memref<1x!tpu.dma_semaphore, #tpu.memory_space<semaphore_mem>> -> memref<!tpu.dma_semaphore, #tpu.memory_space<semaphore_mem>>
        tpu.enqueue_indirect_dma source(%dma_start3A_556 : memref<10240x16xf32, #tpu.memory_space<hbm>>) target(%dma_start3A_550 : memref<128x16xf32, #tpu.memory_space<vmem>>) offsets(%dma_start3A_553 : memref<128xi32, #tpu.memory_space<vmem>>) semaphore(%dma_start3A_558 : memref<!tpu.dma_semaphore, #tpu.memory_space<semaphore_mem>>)
      } else {
      }
      %mul3A_373 = arith.constant 8 : i32
      %mul3A_374 = arith.muli %scan3A_218, %mul3A_373 : i32
      %add3A_375 = arith.constant 4 : i32
      %add3A_376 = arith.addi %mul3A_374, %add3A_375 : i32
      %dma_wait3A_377 = arith.constant 4 : i32
      %dma_wait3A_378 = arith.constant 512 : i32
      %dma_wait3A_379 = arith.constant 0 : i32
      %dma_wait3A_380 = tpu.memref_slice %arg8[%dma_wait3A_378, %dma_wait3A_379] : memref<1024x16xf32, #tpu.memory_space<vmem>> -> memref<128x16xf32, #tpu.memory_space<vmem>>
      %dma_wait3A_381 = arith.constant 0 : i32
      %dma_wait3A_382 = tpu.memref_slice %arg6[%add3A_376, %dma_wait3A_381] : memref<80x128xi32, #tpu.memory_space<vmem>> -> memref<1x128xi32, #tpu.memory_space<vmem>>
      %dma_wait3A_383 = tpu.memref_squeeze %dma_wait3A_382 : memref<1x128xi32, #tpu.memory_space<vmem>> -> memref<128xi32, #tpu.memory_space<vmem>>
      %dma_wait3A_384 = arith.constant 0 : i32
      %dma_wait3A_385 = arith.constant 0 : i32
      %dma_wait3A_386 = tpu.memref_slice %arg2[%dma_wait3A_384, %dma_wait3A_385] : memref<10240x16xf32, #tpu.memory_space<hbm>> -> memref<10240x16xf32, #tpu.memory_space<hbm>>
      %dma_wait3A_387 = tpu.memref_slice %arg11[%dma_wait3A_377] : memref<8x!tpu.dma_semaphore, #tpu.memory_space<semaphore_mem>> -> memref<1x!tpu.dma_semaphore, #tpu.memory_space<semaphore_mem>>
      %dma_wait3A_388 = tpu.memref_squeeze %dma_wait3A_387 : memref<1x!tpu.dma_semaphore, #tpu.memory_space<semaphore_mem>> -> memref<!tpu.dma_semaphore, #tpu.memory_space<semaphore_mem>>
      tpu.wait_indirect_dma semaphore(%dma_wait3A_388 : memref<!tpu.dma_semaphore, #tpu.memory_space<semaphore_mem>>) src(%dma_wait3A_386 : memref<10240x16xf32, #tpu.memory_space<hbm>>) dst(%dma_wait3A_380 : memref<128x16xf32, #tpu.memory_space<vmem>>)
      %dma_start3A_389 = arith.constant 4 : i32
      %dma_start3A_390 = arith.constant 512 : i32
      %dma_start3A_391 = arith.constant 0 : i32
      %dma_start3A_392 = tpu.memref_slice %arg8[%dma_start3A_390, %dma_start3A_391] : memref<1024x16xf32, #tpu.memory_space<vmem>> -> memref<128x16xf32, #tpu.memory_space<vmem>>
      %dma_start3A_393 = arith.constant 0 : i32
      %dma_start3A_394 = tpu.memref_slice %arg7[%add3A_376, %dma_start3A_393] : memref<80x128xi32, #tpu.memory_space<vmem>> -> memref<1x128xi32, #tpu.memory_space<vmem>>
      %dma_start3A_395 = tpu.memref_squeeze %dma_start3A_394 : memref<1x128xi32, #tpu.memory_space<vmem>> -> memref<128xi32, #tpu.memory_space<vmem>>
      %dma_start3A_396 = arith.constant 0 : i32
      %dma_start3A_397 = arith.constant 0 : i32
      %dma_start3A_398 = tpu.memref_slice %arg10[%dma_start3A_396, %dma_start3A_397] : memref<10240x16xf32, #tpu.memory_space<vmem_shared>> -> memref<10240x16xf32, #tpu.memory_space<vmem_shared>>
      %dma_start3A_399 = tpu.memref_slice %arg12[%dma_start3A_389] : memref<8x!tpu.dma_semaphore, #tpu.memory_space<semaphore_mem>> -> memref<1x!tpu.dma_semaphore, #tpu.memory_space<semaphore_mem>>
      %dma_start3A_400 = tpu.memref_squeeze %dma_start3A_399 : memref<1x!tpu.dma_semaphore, #tpu.memory_space<semaphore_mem>> -> memref<!tpu.dma_semaphore, #tpu.memory_space<semaphore_mem>>
      tpu.enqueue_indirect_dma source(%dma_start3A_392 : memref<128x16xf32, #tpu.memory_space<vmem>>) target(%dma_start3A_398 : memref<10240x16xf32, #tpu.memory_space<vmem_shared>>) offsets(%dma_start3A_395 : memref<128xi32, #tpu.memory_space<vmem>>) semaphore(%dma_start3A_400 : memref<!tpu.dma_semaphore, #tpu.memory_space<semaphore_mem>>) {add = true}
      %sub3A_401 = arith.constant 2 : i32
      %sub3A_402 = arith.subi %add3A_376, %sub3A_401 : i32
      %ge3A_403 = arith.constant 0 : i32
      %ge3A_404 = arith.cmpi sge, %sub3A_402, %ge3A_403 : i32
      %add3A_405 = arith.constant 8 : i32
      %add3A_406 = arith.addi %sub3A_402, %add3A_405 : i32
      %lt3A_407 = arith.constant 80 : i32
      %lt3A_408 = arith.cmpi slt, %add3A_406, %lt3A_407 : i32
      %and3A_409 = arith.andi %ge3A_404, %lt3A_408 : i1
      %convert_element_type3A_410 = arith.extui %and3A_409 : i1 to i32
      %cond3A_411 = arith.constant 0 : i32
      %cond3A_412 = arith.cmpi ne, %convert_element_type3A_410, %cond3A_411 : i32
      scf.if %cond3A_412 {
        %dma_wait3A_533 = arith.constant 2 : i32
        %dma_wait3A_534 = arith.constant 256 : i32
        %dma_wait3A_535 = arith.constant 0 : i32
        %dma_wait3A_536 = tpu.memref_slice %arg8[%dma_wait3A_534, %dma_wait3A_535] : memref<1024x16xf32, #tpu.memory_space<vmem>> -> memref<128x16xf32, #tpu.memory_space<vmem>>
        %dma_wait3A_537 = arith.constant 0 : i32
        %dma_wait3A_538 = tpu.memref_slice %arg7[%sub3A_402, %dma_wait3A_537] : memref<80x128xi32, #tpu.memory_space<vmem>> -> memref<1x128xi32, #tpu.memory_space<vmem>>
        %dma_wait3A_539 = tpu.memref_squeeze %dma_wait3A_538 : memref<1x128xi32, #tpu.memory_space<vmem>> -> memref<128xi32, #tpu.memory_space<vmem>>
        %dma_wait3A_540 = arith.constant 0 : i32
        %dma_wait3A_541 = arith.constant 0 : i32
        %dma_wait3A_542 = tpu.memref_slice %arg10[%dma_wait3A_540, %dma_wait3A_541] : memref<10240x16xf32, #tpu.memory_space<vmem_shared>> -> memref<10240x16xf32, #tpu.memory_space<vmem_shared>>
        %dma_wait3A_543 = tpu.memref_slice %arg12[%dma_wait3A_533] : memref<8x!tpu.dma_semaphore, #tpu.memory_space<semaphore_mem>> -> memref<1x!tpu.dma_semaphore, #tpu.memory_space<semaphore_mem>>
        %dma_wait3A_544 = tpu.memref_squeeze %dma_wait3A_543 : memref<1x!tpu.dma_semaphore, #tpu.memory_space<semaphore_mem>> -> memref<!tpu.dma_semaphore, #tpu.memory_space<semaphore_mem>>
        tpu.wait_indirect_dma semaphore(%dma_wait3A_544 : memref<!tpu.dma_semaphore, #tpu.memory_space<semaphore_mem>>) src(%dma_wait3A_536 : memref<128x16xf32, #tpu.memory_space<vmem>>) dst(%dma_wait3A_542 : memref<10240x16xf32, #tpu.memory_space<vmem_shared>>)
        %add3A_545 = arith.constant 8 : i32
        %add3A_546 = arith.addi %sub3A_402, %add3A_545 : i32
        %dma_start3A_547 = arith.constant 2 : i32
        %dma_start3A_548 = arith.constant 256 : i32
        %dma_start3A_549 = arith.constant 0 : i32
        %dma_start3A_550 = tpu.memref_slice %arg8[%dma_start3A_548, %dma_start3A_549] : memref<1024x16xf32, #tpu.memory_space<vmem>> -> memref<128x16xf32, #tpu.memory_space<vmem>>
        %dma_start3A_551 = arith.constant 0 : i32
        %dma_start3A_552 = tpu.memref_slice %arg6[%add3A_546, %dma_start3A_551] : memref<80x128xi32, #tpu.memory_space<vmem>> -> memref<1x128xi32, #tpu.memory_space<vmem>>
        %dma_start3A_553 = tpu.memref_squeeze %dma_start3A_552 : memref<1x128xi32, #tpu.memory_space<vmem>> -> memref<128xi32, #tpu.memory_space<vmem>>
        %dma_start3A_554 = arith.constant 0 : i32
        %dma_start3A_555 = arith.constant 0 : i32
        %dma_start3A_556 = tpu.memref_slice %arg2[%dma_start3A_554, %dma_start3A_555] : memref<10240x16xf32, #tpu.memory_space<hbm>> -> memref<10240x16xf32, #tpu.memory_space<hbm>>
        %dma_start3A_557 = tpu.memref_slice %arg11[%dma_start3A_547] : memref<8x!tpu.dma_semaphore, #tpu.memory_space<semaphore_mem>> -> memref<1x!tpu.dma_semaphore, #tpu.memory_space<semaphore_mem>>
        %dma_start3A_558 = tpu.memref_squeeze %dma_start3A_557 : memref<1x!tpu.dma_semaphore, #tpu.memory_space<semaphore_mem>> -> memref<!tpu.dma_semaphore, #tpu.memory_space<semaphore_mem>>
        tpu.enqueue_indirect_dma source(%dma_start3A_556 : memref<10240x16xf32, #tpu.memory_space<hbm>>) target(%dma_start3A_550 : memref<128x16xf32, #tpu.memory_space<vmem>>) offsets(%dma_start3A_553 : memref<128xi32, #tpu.memory_space<vmem>>) semaphore(%dma_start3A_558 : memref<!tpu.dma_semaphore, #tpu.memory_space<semaphore_mem>>)
      } else {
      }
      %mul3A_413 = arith.constant 8 : i32
      %mul3A_414 = arith.muli %scan3A_218, %mul3A_413 : i32
      %add3A_415 = arith.constant 5 : i32
      %add3A_416 = arith.addi %mul3A_414, %add3A_415 : i32
      %dma_wait3A_417 = arith.constant 5 : i32
      %dma_wait3A_418 = arith.constant 640 : i32
      %dma_wait3A_419 = arith.constant 0 : i32
      %dma_wait3A_420 = tpu.memref_slice %arg8[%dma_wait3A_418, %dma_wait3A_419] : memref<1024x16xf32, #tpu.memory_space<vmem>> -> memref<128x16xf32, #tpu.memory_space<vmem>>
      %dma_wait3A_421 = arith.constant 0 : i32
      %dma_wait3A_422 = tpu.memref_slice %arg6[%add3A_416, %dma_wait3A_421] : memref<80x128xi32, #tpu.memory_space<vmem>> -> memref<1x128xi32, #tpu.memory_space<vmem>>
      %dma_wait3A_423 = tpu.memref_squeeze %dma_wait3A_422 : memref<1x128xi32, #tpu.memory_space<vmem>> -> memref<128xi32, #tpu.memory_space<vmem>>
      %dma_wait3A_424 = arith.constant 0 : i32
      %dma_wait3A_425 = arith.constant 0 : i32
      %dma_wait3A_426 = tpu.memref_slice %arg2[%dma_wait3A_424, %dma_wait3A_425] : memref<10240x16xf32, #tpu.memory_space<hbm>> -> memref<10240x16xf32, #tpu.memory_space<hbm>>
      %dma_wait3A_427 = tpu.memref_slice %arg11[%dma_wait3A_417] : memref<8x!tpu.dma_semaphore, #tpu.memory_space<semaphore_mem>> -> memref<1x!tpu.dma_semaphore, #tpu.memory_space<semaphore_mem>>
      %dma_wait3A_428 = tpu.memref_squeeze %dma_wait3A_427 : memref<1x!tpu.dma_semaphore, #tpu.memory_space<semaphore_mem>> -> memref<!tpu.dma_semaphore, #tpu.memory_space<semaphore_mem>>
      tpu.wait_indirect_dma semaphore(%dma_wait3A_428 : memref<!tpu.dma_semaphore, #tpu.memory_space<semaphore_mem>>) src(%dma_wait3A_426 : memref<10240x16xf32, #tpu.memory_space<hbm>>) dst(%dma_wait3A_420 : memref<128x16xf32, #tpu.memory_space<vmem>>)
      %dma_start3A_429 = arith.constant 5 : i32
      %dma_start3A_430 = arith.constant 640 : i32
      %dma_start3A_431 = arith.constant 0 : i32
      %dma_start3A_432 = tpu.memref_slice %arg8[%dma_start3A_430, %dma_start3A_431] : memref<1024x16xf32, #tpu.memory_space<vmem>> -> memref<128x16xf32, #tpu.memory_space<vmem>>
      %dma_start3A_433 = arith.constant 0 : i32
      %dma_start3A_434 = tpu.memref_slice %arg7[%add3A_416, %dma_start3A_433] : memref<80x128xi32, #tpu.memory_space<vmem>> -> memref<1x128xi32, #tpu.memory_space<vmem>>
      %dma_start3A_435 = tpu.memref_squeeze %dma_start3A_434 : memref<1x128xi32, #tpu.memory_space<vmem>> -> memref<128xi32, #tpu.memory_space<vmem>>
      %dma_start3A_436 = arith.constant 0 : i32
      %dma_start3A_437 = arith.constant 0 : i32
      %dma_start3A_438 = tpu.memref_slice %arg10[%dma_start3A_436, %dma_start3A_437] : memref<10240x16xf32, #tpu.memory_space<vmem_shared>> -> memref<10240x16xf32, #tpu.memory_space<vmem_shared>>
      %dma_start3A_439 = tpu.memref_slice %arg12[%dma_start3A_429] : memref<8x!tpu.dma_semaphore, #tpu.memory_space<semaphore_mem>> -> memref<1x!tpu.dma_semaphore, #tpu.memory_space<semaphore_mem>>
      %dma_start3A_440 = tpu.memref_squeeze %dma_start3A_439 : memref<1x!tpu.dma_semaphore, #tpu.memory_space<semaphore_mem>> -> memref<!tpu.dma_semaphore, #tpu.memory_space<semaphore_mem>>
      tpu.enqueue_indirect_dma source(%dma_start3A_432 : memref<128x16xf32, #tpu.memory_space<vmem>>) target(%dma_start3A_438 : memref<10240x16xf32, #tpu.memory_space<vmem_shared>>) offsets(%dma_start3A_435 : memref<128xi32, #tpu.memory_space<vmem>>) semaphore(%dma_start3A_440 : memref<!tpu.dma_semaphore, #tpu.memory_space<semaphore_mem>>) {add = true}
      %sub3A_441 = arith.constant 2 : i32
      %sub3A_442 = arith.subi %add3A_416, %sub3A_441 : i32
      %ge3A_443 = arith.constant 0 : i32
      %ge3A_444 = arith.cmpi sge, %sub3A_442, %ge3A_443 : i32
      %add3A_445 = arith.constant 8 : i32
      %add3A_446 = arith.addi %sub3A_442, %add3A_445 : i32
      %lt3A_447 = arith.constant 80 : i32
      %lt3A_448 = arith.cmpi slt, %add3A_446, %lt3A_447 : i32
      %and3A_449 = arith.andi %ge3A_444, %lt3A_448 : i1
      %convert_element_type3A_450 = arith.extui %and3A_449 : i1 to i32
      %cond3A_451 = arith.constant 0 : i32
      %cond3A_452 = arith.cmpi ne, %convert_element_type3A_450, %cond3A_451 : i32
      scf.if %cond3A_452 {
        %dma_wait3A_533 = arith.constant 3 : i32
        %dma_wait3A_534 = arith.constant 384 : i32
        %dma_wait3A_535 = arith.constant 0 : i32
        %dma_wait3A_536 = tpu.memref_slice %arg8[%dma_wait3A_534, %dma_wait3A_535] : memref<1024x16xf32, #tpu.memory_space<vmem>> -> memref<128x16xf32, #tpu.memory_space<vmem>>
        %dma_wait3A_537 = arith.constant 0 : i32
        %dma_wait3A_538 = tpu.memref_slice %arg7[%sub3A_442, %dma_wait3A_537] : memref<80x128xi32, #tpu.memory_space<vmem>> -> memref<1x128xi32, #tpu.memory_space<vmem>>
        %dma_wait3A_539 = tpu.memref_squeeze %dma_wait3A_538 : memref<1x128xi32, #tpu.memory_space<vmem>> -> memref<128xi32, #tpu.memory_space<vmem>>
        %dma_wait3A_540 = arith.constant 0 : i32
        %dma_wait3A_541 = arith.constant 0 : i32
        %dma_wait3A_542 = tpu.memref_slice %arg10[%dma_wait3A_540, %dma_wait3A_541] : memref<10240x16xf32, #tpu.memory_space<vmem_shared>> -> memref<10240x16xf32, #tpu.memory_space<vmem_shared>>
        %dma_wait3A_543 = tpu.memref_slice %arg12[%dma_wait3A_533] : memref<8x!tpu.dma_semaphore, #tpu.memory_space<semaphore_mem>> -> memref<1x!tpu.dma_semaphore, #tpu.memory_space<semaphore_mem>>
        %dma_wait3A_544 = tpu.memref_squeeze %dma_wait3A_543 : memref<1x!tpu.dma_semaphore, #tpu.memory_space<semaphore_mem>> -> memref<!tpu.dma_semaphore, #tpu.memory_space<semaphore_mem>>
        tpu.wait_indirect_dma semaphore(%dma_wait3A_544 : memref<!tpu.dma_semaphore, #tpu.memory_space<semaphore_mem>>) src(%dma_wait3A_536 : memref<128x16xf32, #tpu.memory_space<vmem>>) dst(%dma_wait3A_542 : memref<10240x16xf32, #tpu.memory_space<vmem_shared>>)
        %add3A_545 = arith.constant 8 : i32
        %add3A_546 = arith.addi %sub3A_442, %add3A_545 : i32
        %dma_start3A_547 = arith.constant 3 : i32
        %dma_start3A_548 = arith.constant 384 : i32
        %dma_start3A_549 = arith.constant 0 : i32
        %dma_start3A_550 = tpu.memref_slice %arg8[%dma_start3A_548, %dma_start3A_549] : memref<1024x16xf32, #tpu.memory_space<vmem>> -> memref<128x16xf32, #tpu.memory_space<vmem>>
        %dma_start3A_551 = arith.constant 0 : i32
        %dma_start3A_552 = tpu.memref_slice %arg6[%add3A_546, %dma_start3A_551] : memref<80x128xi32, #tpu.memory_space<vmem>> -> memref<1x128xi32, #tpu.memory_space<vmem>>
        %dma_start3A_553 = tpu.memref_squeeze %dma_start3A_552 : memref<1x128xi32, #tpu.memory_space<vmem>> -> memref<128xi32, #tpu.memory_space<vmem>>
        %dma_start3A_554 = arith.constant 0 : i32
        %dma_start3A_555 = arith.constant 0 : i32
        %dma_start3A_556 = tpu.memref_slice %arg2[%dma_start3A_554, %dma_start3A_555] : memref<10240x16xf32, #tpu.memory_space<hbm>> -> memref<10240x16xf32, #tpu.memory_space<hbm>>
        %dma_start3A_557 = tpu.memref_slice %arg11[%dma_start3A_547] : memref<8x!tpu.dma_semaphore, #tpu.memory_space<semaphore_mem>> -> memref<1x!tpu.dma_semaphore, #tpu.memory_space<semaphore_mem>>
        %dma_start3A_558 = tpu.memref_squeeze %dma_start3A_557 : memref<1x!tpu.dma_semaphore, #tpu.memory_space<semaphore_mem>> -> memref<!tpu.dma_semaphore, #tpu.memory_space<semaphore_mem>>
        tpu.enqueue_indirect_dma source(%dma_start3A_556 : memref<10240x16xf32, #tpu.memory_space<hbm>>) target(%dma_start3A_550 : memref<128x16xf32, #tpu.memory_space<vmem>>) offsets(%dma_start3A_553 : memref<128xi32, #tpu.memory_space<vmem>>) semaphore(%dma_start3A_558 : memref<!tpu.dma_semaphore, #tpu.memory_space<semaphore_mem>>)
      } else {
      }
      %mul3A_453 = arith.constant 8 : i32
      %mul3A_454 = arith.muli %scan3A_218, %mul3A_453 : i32
      %add3A_455 = arith.constant 6 : i32
      %add3A_456 = arith.addi %mul3A_454, %add3A_455 : i32
      %dma_wait3A_457 = arith.constant 6 : i32
      %dma_wait3A_458 = arith.constant 768 : i32
      %dma_wait3A_459 = arith.constant 0 : i32
      %dma_wait3A_460 = tpu.memref_slice %arg8[%dma_wait3A_458, %dma_wait3A_459] : memref<1024x16xf32, #tpu.memory_space<vmem>> -> memref<128x16xf32, #tpu.memory_space<vmem>>
      %dma_wait3A_461 = arith.constant 0 : i32
      %dma_wait3A_462 = tpu.memref_slice %arg6[%add3A_456, %dma_wait3A_461] : memref<80x128xi32, #tpu.memory_space<vmem>> -> memref<1x128xi32, #tpu.memory_space<vmem>>
      %dma_wait3A_463 = tpu.memref_squeeze %dma_wait3A_462 : memref<1x128xi32, #tpu.memory_space<vmem>> -> memref<128xi32, #tpu.memory_space<vmem>>
      %dma_wait3A_464 = arith.constant 0 : i32
      %dma_wait3A_465 = arith.constant 0 : i32
      %dma_wait3A_466 = tpu.memref_slice %arg2[%dma_wait3A_464, %dma_wait3A_465] : memref<10240x16xf32, #tpu.memory_space<hbm>> -> memref<10240x16xf32, #tpu.memory_space<hbm>>
      %dma_wait3A_467 = tpu.memref_slice %arg11[%dma_wait3A_457] : memref<8x!tpu.dma_semaphore, #tpu.memory_space<semaphore_mem>> -> memref<1x!tpu.dma_semaphore, #tpu.memory_space<semaphore_mem>>
      %dma_wait3A_468 = tpu.memref_squeeze %dma_wait3A_467 : memref<1x!tpu.dma_semaphore, #tpu.memory_space<semaphore_mem>> -> memref<!tpu.dma_semaphore, #tpu.memory_space<semaphore_mem>>
      tpu.wait_indirect_dma semaphore(%dma_wait3A_468 : memref<!tpu.dma_semaphore, #tpu.memory_space<semaphore_mem>>) src(%dma_wait3A_466 : memref<10240x16xf32, #tpu.memory_space<hbm>>) dst(%dma_wait3A_460 : memref<128x16xf32, #tpu.memory_space<vmem>>)
      %dma_start3A_469 = arith.constant 6 : i32
      %dma_start3A_470 = arith.constant 768 : i32
      %dma_start3A_471 = arith.constant 0 : i32
      %dma_start3A_472 = tpu.memref_slice %arg8[%dma_start3A_470, %dma_start3A_471] : memref<1024x16xf32, #tpu.memory_space<vmem>> -> memref<128x16xf32, #tpu.memory_space<vmem>>
      %dma_start3A_473 = arith.constant 0 : i32
      %dma_start3A_474 = tpu.memref_slice %arg7[%add3A_456, %dma_start3A_473] : memref<80x128xi32, #tpu.memory_space<vmem>> -> memref<1x128xi32, #tpu.memory_space<vmem>>
      %dma_start3A_475 = tpu.memref_squeeze %dma_start3A_474 : memref<1x128xi32, #tpu.memory_space<vmem>> -> memref<128xi32, #tpu.memory_space<vmem>>
      %dma_start3A_476 = arith.constant 0 : i32
      %dma_start3A_477 = arith.constant 0 : i32
      %dma_start3A_478 = tpu.memref_slice %arg10[%dma_start3A_476, %dma_start3A_477] : memref<10240x16xf32, #tpu.memory_space<vmem_shared>> -> memref<10240x16xf32, #tpu.memory_space<vmem_shared>>
      %dma_start3A_479 = tpu.memref_slice %arg12[%dma_start3A_469] : memref<8x!tpu.dma_semaphore, #tpu.memory_space<semaphore_mem>> -> memref<1x!tpu.dma_semaphore, #tpu.memory_space<semaphore_mem>>
      %dma_start3A_480 = tpu.memref_squeeze %dma_start3A_479 : memref<1x!tpu.dma_semaphore, #tpu.memory_space<semaphore_mem>> -> memref<!tpu.dma_semaphore, #tpu.memory_space<semaphore_mem>>
      tpu.enqueue_indirect_dma source(%dma_start3A_472 : memref<128x16xf32, #tpu.memory_space<vmem>>) target(%dma_start3A_478 : memref<10240x16xf32, #tpu.memory_space<vmem_shared>>) offsets(%dma_start3A_475 : memref<128xi32, #tpu.memory_space<vmem>>) semaphore(%dma_start3A_480 : memref<!tpu.dma_semaphore, #tpu.memory_space<semaphore_mem>>) {add = true}
      %sub3A_481 = arith.constant 2 : i32
      %sub3A_482 = arith.subi %add3A_456, %sub3A_481 : i32
      %ge3A_483 = arith.constant 0 : i32
      %ge3A_484 = arith.cmpi sge, %sub3A_482, %ge3A_483 : i32
      %add3A_485 = arith.constant 8 : i32
      %add3A_486 = arith.addi %sub3A_482, %add3A_485 : i32
      %lt3A_487 = arith.constant 80 : i32
      %lt3A_488 = arith.cmpi slt, %add3A_486, %lt3A_487 : i32
      %and3A_489 = arith.andi %ge3A_484, %lt3A_488 : i1
      %convert_element_type3A_490 = arith.extui %and3A_489 : i1 to i32
      %cond3A_491 = arith.constant 0 : i32
      %cond3A_492 = arith.cmpi ne, %convert_element_type3A_490, %cond3A_491 : i32
      scf.if %cond3A_492 {
        %dma_wait3A_533 = arith.constant 4 : i32
        %dma_wait3A_534 = arith.constant 512 : i32
        %dma_wait3A_535 = arith.constant 0 : i32
        %dma_wait3A_536 = tpu.memref_slice %arg8[%dma_wait3A_534, %dma_wait3A_535] : memref<1024x16xf32, #tpu.memory_space<vmem>> -> memref<128x16xf32, #tpu.memory_space<vmem>>
        %dma_wait3A_537 = arith.constant 0 : i32
        %dma_wait3A_538 = tpu.memref_slice %arg7[%sub3A_482, %dma_wait3A_537] : memref<80x128xi32, #tpu.memory_space<vmem>> -> memref<1x128xi32, #tpu.memory_space<vmem>>
        %dma_wait3A_539 = tpu.memref_squeeze %dma_wait3A_538 : memref<1x128xi32, #tpu.memory_space<vmem>> -> memref<128xi32, #tpu.memory_space<vmem>>
        %dma_wait3A_540 = arith.constant 0 : i32
        %dma_wait3A_541 = arith.constant 0 : i32
        %dma_wait3A_542 = tpu.memref_slice %arg10[%dma_wait3A_540, %dma_wait3A_541] : memref<10240x16xf32, #tpu.memory_space<vmem_shared>> -> memref<10240x16xf32, #tpu.memory_space<vmem_shared>>
        %dma_wait3A_543 = tpu.memref_slice %arg12[%dma_wait3A_533] : memref<8x!tpu.dma_semaphore, #tpu.memory_space<semaphore_mem>> -> memref<1x!tpu.dma_semaphore, #tpu.memory_space<semaphore_mem>>
        %dma_wait3A_544 = tpu.memref_squeeze %dma_wait3A_543 : memref<1x!tpu.dma_semaphore, #tpu.memory_space<semaphore_mem>> -> memref<!tpu.dma_semaphore, #tpu.memory_space<semaphore_mem>>
        tpu.wait_indirect_dma semaphore(%dma_wait3A_544 : memref<!tpu.dma_semaphore, #tpu.memory_space<semaphore_mem>>) src(%dma_wait3A_536 : memref<128x16xf32, #tpu.memory_space<vmem>>) dst(%dma_wait3A_542 : memref<10240x16xf32, #tpu.memory_space<vmem_shared>>)
        %add3A_545 = arith.constant 8 : i32
        %add3A_546 = arith.addi %sub3A_482, %add3A_545 : i32
        %dma_start3A_547 = arith.constant 4 : i32
        %dma_start3A_548 = arith.constant 512 : i32
        %dma_start3A_549 = arith.constant 0 : i32
        %dma_start3A_550 = tpu.memref_slice %arg8[%dma_start3A_548, %dma_start3A_549] : memref<1024x16xf32, #tpu.memory_space<vmem>> -> memref<128x16xf32, #tpu.memory_space<vmem>>
        %dma_start3A_551 = arith.constant 0 : i32
        %dma_start3A_552 = tpu.memref_slice %arg6[%add3A_546, %dma_start3A_551] : memref<80x128xi32, #tpu.memory_space<vmem>> -> memref<1x128xi32, #tpu.memory_space<vmem>>
        %dma_start3A_553 = tpu.memref_squeeze %dma_start3A_552 : memref<1x128xi32, #tpu.memory_space<vmem>> -> memref<128xi32, #tpu.memory_space<vmem>>
        %dma_start3A_554 = arith.constant 0 : i32
        %dma_start3A_555 = arith.constant 0 : i32
        %dma_start3A_556 = tpu.memref_slice %arg2[%dma_start3A_554, %dma_start3A_555] : memref<10240x16xf32, #tpu.memory_space<hbm>> -> memref<10240x16xf32, #tpu.memory_space<hbm>>
        %dma_start3A_557 = tpu.memref_slice %arg11[%dma_start3A_547] : memref<8x!tpu.dma_semaphore, #tpu.memory_space<semaphore_mem>> -> memref<1x!tpu.dma_semaphore, #tpu.memory_space<semaphore_mem>>
        %dma_start3A_558 = tpu.memref_squeeze %dma_start3A_557 : memref<1x!tpu.dma_semaphore, #tpu.memory_space<semaphore_mem>> -> memref<!tpu.dma_semaphore, #tpu.memory_space<semaphore_mem>>
        tpu.enqueue_indirect_dma source(%dma_start3A_556 : memref<10240x16xf32, #tpu.memory_space<hbm>>) target(%dma_start3A_550 : memref<128x16xf32, #tpu.memory_space<vmem>>) offsets(%dma_start3A_553 : memref<128xi32, #tpu.memory_space<vmem>>) semaphore(%dma_start3A_558 : memref<!tpu.dma_semaphore, #tpu.memory_space<semaphore_mem>>)
      } else {
      }
      %mul3A_493 = arith.constant 8 : i32
      %mul3A_494 = arith.muli %scan3A_218, %mul3A_493 : i32
      %add3A_495 = arith.constant 7 : i32
      %add3A_496 = arith.addi %mul3A_494, %add3A_495 : i32
      %dma_wait3A_497 = arith.constant 7 : i32
      %dma_wait3A_498 = arith.constant 896 : i32
      %dma_wait3A_499 = arith.constant 0 : i32
      %dma_wait3A_500 = tpu.memref_slice %arg8[%dma_wait3A_498, %dma_wait3A_499] : memref<1024x16xf32, #tpu.memory_space<vmem>> -> memref<128x16xf32, #tpu.memory_space<vmem>>
      %dma_wait3A_501 = arith.constant 0 : i32
      %dma_wait3A_502 = tpu.memref_slice %arg6[%add3A_496, %dma_wait3A_501] : memref<80x128xi32, #tpu.memory_space<vmem>> -> memref<1x128xi32, #tpu.memory_space<vmem>>
      %dma_wait3A_503 = tpu.memref_squeeze %dma_wait3A_502 : memref<1x128xi32, #tpu.memory_space<vmem>> -> memref<128xi32, #tpu.memory_space<vmem>>
      %dma_wait3A_504 = arith.constant 0 : i32
      %dma_wait3A_505 = arith.constant 0 : i32
      %dma_wait3A_506 = tpu.memref_slice %arg2[%dma_wait3A_504, %dma_wait3A_505] : memref<10240x16xf32, #tpu.memory_space<hbm>> -> memref<10240x16xf32, #tpu.memory_space<hbm>>
      %dma_wait3A_507 = tpu.memref_slice %arg11[%dma_wait3A_497] : memref<8x!tpu.dma_semaphore, #tpu.memory_space<semaphore_mem>> -> memref<1x!tpu.dma_semaphore, #tpu.memory_space<semaphore_mem>>
      %dma_wait3A_508 = tpu.memref_squeeze %dma_wait3A_507 : memref<1x!tpu.dma_semaphore, #tpu.memory_space<semaphore_mem>> -> memref<!tpu.dma_semaphore, #tpu.memory_space<semaphore_mem>>
      tpu.wait_indirect_dma semaphore(%dma_wait3A_508 : memref<!tpu.dma_semaphore, #tpu.memory_space<semaphore_mem>>) src(%dma_wait3A_506 : memref<10240x16xf32, #tpu.memory_space<hbm>>) dst(%dma_wait3A_500 : memref<128x16xf32, #tpu.memory_space<vmem>>)
      %dma_start3A_509 = arith.constant 7 : i32
      %dma_start3A_510 = arith.constant 896 : i32
      %dma_start3A_511 = arith.constant 0 : i32
      %dma_start3A_512 = tpu.memref_slice %arg8[%dma_start3A_510, %dma_start3A_511] : memref<1024x16xf32, #tpu.memory_space<vmem>> -> memref<128x16xf32, #tpu.memory_space<vmem>>
      %dma_start3A_513 = arith.constant 0 : i32
      %dma_start3A_514 = tpu.memref_slice %arg7[%add3A_496, %dma_start3A_513] : memref<80x128xi32, #tpu.memory_space<vmem>> -> memref<1x128xi32, #tpu.memory_space<vmem>>
      %dma_start3A_515 = tpu.memref_squeeze %dma_start3A_514 : memref<1x128xi32, #tpu.memory_space<vmem>> -> memref<128xi32, #tpu.memory_space<vmem>>
      %dma_start3A_516 = arith.constant 0 : i32
      %dma_start3A_517 = arith.constant 0 : i32
      %dma_start3A_518 = tpu.memref_slice %arg10[%dma_start3A_516, %dma_start3A_517] : memref<10240x16xf32, #tpu.memory_space<vmem_shared>> -> memref<10240x16xf32, #tpu.memory_space<vmem_shared>>
      %dma_start3A_519 = tpu.memref_slice %arg12[%dma_start3A_509] : memref<8x!tpu.dma_semaphore, #tpu.memory_space<semaphore_mem>> -> memref<1x!tpu.dma_semaphore, #tpu.memory_space<semaphore_mem>>
      %dma_start3A_520 = tpu.memref_squeeze %dma_start3A_519 : memref<1x!tpu.dma_semaphore, #tpu.memory_space<semaphore_mem>> -> memref<!tpu.dma_semaphore, #tpu.memory_space<semaphore_mem>>
      tpu.enqueue_indirect_dma source(%dma_start3A_512 : memref<128x16xf32, #tpu.memory_space<vmem>>) target(%dma_start3A_518 : memref<10240x16xf32, #tpu.memory_space<vmem_shared>>) offsets(%dma_start3A_515 : memref<128xi32, #tpu.memory_space<vmem>>) semaphore(%dma_start3A_520 : memref<!tpu.dma_semaphore, #tpu.memory_space<semaphore_mem>>) {add = true}
      %sub3A_521 = arith.constant 2 : i32
      %sub3A_522 = arith.subi %add3A_496, %sub3A_521 : i32
      %ge3A_523 = arith.constant 0 : i32
      %ge3A_524 = arith.cmpi sge, %sub3A_522, %ge3A_523 : i32
      %add3A_525 = arith.constant 8 : i32
      %add3A_526 = arith.addi %sub3A_522, %add3A_525 : i32
      %lt3A_527 = arith.constant 80 : i32
      %lt3A_528 = arith.cmpi slt, %add3A_526, %lt3A_527 : i32
      %and3A_529 = arith.andi %ge3A_524, %lt3A_528 : i1
      %convert_element_type3A_530 = arith.extui %and3A_529 : i1 to i32
      %cond3A_531 = arith.constant 0 : i32
      %cond3A_532 = arith.cmpi ne, %convert_element_type3A_530, %cond3A_531 : i32
      scf.if %cond3A_532 {
        %dma_wait3A_533 = arith.constant 5 : i32
        %dma_wait3A_534 = arith.constant 640 : i32
        %dma_wait3A_535 = arith.constant 0 : i32
        %dma_wait3A_536 = tpu.memref_slice %arg8[%dma_wait3A_534, %dma_wait3A_535] : memref<1024x16xf32, #tpu.memory_space<vmem>> -> memref<128x16xf32, #tpu.memory_space<vmem>>
        %dma_wait3A_537 = arith.constant 0 : i32
        %dma_wait3A_538 = tpu.memref_slice %arg7[%sub3A_522, %dma_wait3A_537] : memref<80x128xi32, #tpu.memory_space<vmem>> -> memref<1x128xi32, #tpu.memory_space<vmem>>
        %dma_wait3A_539 = tpu.memref_squeeze %dma_wait3A_538 : memref<1x128xi32, #tpu.memory_space<vmem>> -> memref<128xi32, #tpu.memory_space<vmem>>
        %dma_wait3A_540 = arith.constant 0 : i32
        %dma_wait3A_541 = arith.constant 0 : i32
        %dma_wait3A_542 = tpu.memref_slice %arg10[%dma_wait3A_540, %dma_wait3A_541] : memref<10240x16xf32, #tpu.memory_space<vmem_shared>> -> memref<10240x16xf32, #tpu.memory_space<vmem_shared>>
        %dma_wait3A_543 = tpu.memref_slice %arg12[%dma_wait3A_533] : memref<8x!tpu.dma_semaphore, #tpu.memory_space<semaphore_mem>> -> memref<1x!tpu.dma_semaphore, #tpu.memory_space<semaphore_mem>>
        %dma_wait3A_544 = tpu.memref_squeeze %dma_wait3A_543 : memref<1x!tpu.dma_semaphore, #tpu.memory_space<semaphore_mem>> -> memref<!tpu.dma_semaphore, #tpu.memory_space<semaphore_mem>>
        tpu.wait_indirect_dma semaphore(%dma_wait3A_544 : memref<!tpu.dma_semaphore, #tpu.memory_space<semaphore_mem>>) src(%dma_wait3A_536 : memref<128x16xf32, #tpu.memory_space<vmem>>) dst(%dma_wait3A_542 : memref<10240x16xf32, #tpu.memory_space<vmem_shared>>)
        %add3A_545 = arith.constant 8 : i32
        %add3A_546 = arith.addi %sub3A_522, %add3A_545 : i32
        %dma_start3A_547 = arith.constant 5 : i32
        %dma_start3A_548 = arith.constant 640 : i32
        %dma_start3A_549 = arith.constant 0 : i32
        %dma_start3A_550 = tpu.memref_slice %arg8[%dma_start3A_548, %dma_start3A_549] : memref<1024x16xf32, #tpu.memory_space<vmem>> -> memref<128x16xf32, #tpu.memory_space<vmem>>
        %dma_start3A_551 = arith.constant 0 : i32
        %dma_start3A_552 = tpu.memref_slice %arg6[%add3A_546, %dma_start3A_551] : memref<80x128xi32, #tpu.memory_space<vmem>> -> memref<1x128xi32, #tpu.memory_space<vmem>>
        %dma_start3A_553 = tpu.memref_squeeze %dma_start3A_552 : memref<1x128xi32, #tpu.memory_space<vmem>> -> memref<128xi32, #tpu.memory_space<vmem>>
        %dma_start3A_554 = arith.constant 0 : i32
        %dma_start3A_555 = arith.constant 0 : i32
        %dma_start3A_556 = tpu.memref_slice %arg2[%dma_start3A_554, %dma_start3A_555] : memref<10240x16xf32, #tpu.memory_space<hbm>> -> memref<10240x16xf32, #tpu.memory_space<hbm>>
        %dma_start3A_557 = tpu.memref_slice %arg11[%dma_start3A_547] : memref<8x!tpu.dma_semaphore, #tpu.memory_space<semaphore_mem>> -> memref<1x!tpu.dma_semaphore, #tpu.memory_space<semaphore_mem>>
        %dma_start3A_558 = tpu.memref_squeeze %dma_start3A_557 : memref<1x!tpu.dma_semaphore, #tpu.memory_space<semaphore_mem>> -> memref<!tpu.dma_semaphore, #tpu.memory_space<semaphore_mem>>
        tpu.enqueue_indirect_dma source(%dma_start3A_556 : memref<10240x16xf32, #tpu.memory_space<hbm>>) target(%dma_start3A_550 : memref<128x16xf32, #tpu.memory_space<vmem>>) offsets(%dma_start3A_553 : memref<128xi32, #tpu.memory_space<vmem>>) semaphore(%dma_start3A_558 : memref<!tpu.dma_semaphore, #tpu.memory_space<semaphore_mem>>)
      } else {
      }
    }
    %scan3A_113 = arith.constant 10 : i32
    %dma_wait3A = arith.constant 72 : i32
    %dma_wait3A_114 = arith.constant 0 : i32
    %dma_wait3A_115 = arith.constant 0 : i32
    %dma_wait3A_116 = arith.constant 0 : i32
    %dma_wait3A_117 = tpu.memref_slice %arg8[%dma_wait3A_115, %dma_wait3A_116] : memref<1024x16xf32, #tpu.memory_space<vmem>> -> memref<128x16xf32, #tpu.memory_space<vmem>>
    %dma_wait3A_118 = arith.constant 0 : i32
    %dma_wait3A_119 = tpu.memref_slice %arg7[%dma_wait3A, %dma_wait3A_118] : memref<80x128xi32, #tpu.memory_space<vmem>> -> memref<1x128xi32, #tpu.memory_space<vmem>>
    %dma_wait3A_120 = tpu.memref_squeeze %dma_wait3A_119 : memref<1x128xi32, #tpu.memory_space<vmem>> -> memref<128xi32, #tpu.memory_space<vmem>>
    %dma_wait3A_121 = arith.constant 0 : i32
    %dma_wait3A_122 = arith.constant 0 : i32
    %dma_wait3A_123 = tpu.memref_slice %arg10[%dma_wait3A_121, %dma_wait3A_122] : memref<10240x16xf32, #tpu.memory_space<vmem_shared>> -> memref<10240x16xf32, #tpu.memory_space<vmem_shared>>
    %dma_wait3A_124 = tpu.memref_slice %arg12[%dma_wait3A_114] : memref<8x!tpu.dma_semaphore, #tpu.memory_space<semaphore_mem>> -> memref<1x!tpu.dma_semaphore, #tpu.memory_space<semaphore_mem>>
    %dma_wait3A_125 = tpu.memref_squeeze %dma_wait3A_124 : memref<1x!tpu.dma_semaphore, #tpu.memory_space<semaphore_mem>> -> memref<!tpu.dma_semaphore, #tpu.memory_space<semaphore_mem>>
    tpu.wait_indirect_dma semaphore(%dma_wait3A_125 : memref<!tpu.dma_semaphore, #tpu.memory_space<semaphore_mem>>) src(%dma_wait3A_117 : memref<128x16xf32, #tpu.memory_space<vmem>>) dst(%dma_wait3A_123 : memref<10240x16xf32, #tpu.memory_space<vmem_shared>>)
    %dma_wait3A_126 = arith.constant 73 : i32
    %dma_wait3A_127 = arith.constant 1 : i32
    %dma_wait3A_128 = arith.constant 128 : i32
    %dma_wait3A_129 = arith.constant 0 : i32
    %dma_wait3A_130 = tpu.memref_slice %arg8[%dma_wait3A_128, %dma_wait3A_129] : memref<1024x16xf32, #tpu.memory_space<vmem>> -> memref<128x16xf32, #tpu.memory_space<vmem>>
    %dma_wait3A_131 = arith.constant 0 : i32
    %dma_wait3A_132 = tpu.memref_slice %arg7[%dma_wait3A_126, %dma_wait3A_131] : memref<80x128xi32, #tpu.memory_space<vmem>> -> memref<1x128xi32, #tpu.memory_space<vmem>>
    %dma_wait3A_133 = tpu.memref_squeeze %dma_wait3A_132 : memref<1x128xi32, #tpu.memory_space<vmem>> -> memref<128xi32, #tpu.memory_space<vmem>>
    %dma_wait3A_134 = arith.constant 0 : i32
    %dma_wait3A_135 = arith.constant 0 : i32
    %dma_wait3A_136 = tpu.memref_slice %arg10[%dma_wait3A_134, %dma_wait3A_135] : memref<10240x16xf32, #tpu.memory_space<vmem_shared>> -> memref<10240x16xf32, #tpu.memory_space<vmem_shared>>
    %dma_wait3A_137 = tpu.memref_slice %arg12[%dma_wait3A_127] : memref<8x!tpu.dma_semaphore, #tpu.memory_space<semaphore_mem>> -> memref<1x!tpu.dma_semaphore, #tpu.memory_space<semaphore_mem>>
    %dma_wait3A_138 = tpu.memref_squeeze %dma_wait3A_137 : memref<1x!tpu.dma_semaphore, #tpu.memory_space<semaphore_mem>> -> memref<!tpu.dma_semaphore, #tpu.memory_space<semaphore_mem>>
    tpu.wait_indirect_dma semaphore(%dma_wait3A_138 : memref<!tpu.dma_semaphore, #tpu.memory_space<semaphore_mem>>) src(%dma_wait3A_130 : memref<128x16xf32, #tpu.memory_space<vmem>>) dst(%dma_wait3A_136 : memref<10240x16xf32, #tpu.memory_space<vmem_shared>>)
    %dma_wait3A_139 = arith.constant 74 : i32
    %dma_wait3A_140 = arith.constant 2 : i32
    %dma_wait3A_141 = arith.constant 256 : i32
    %dma_wait3A_142 = arith.constant 0 : i32
    %dma_wait3A_143 = tpu.memref_slice %arg8[%dma_wait3A_141, %dma_wait3A_142] : memref<1024x16xf32, #tpu.memory_space<vmem>> -> memref<128x16xf32, #tpu.memory_space<vmem>>
    %dma_wait3A_144 = arith.constant 0 : i32
    %dma_wait3A_145 = tpu.memref_slice %arg7[%dma_wait3A_139, %dma_wait3A_144] : memref<80x128xi32, #tpu.memory_space<vmem>> -> memref<1x128xi32, #tpu.memory_space<vmem>>
    %dma_wait3A_146 = tpu.memref_squeeze %dma_wait3A_145 : memref<1x128xi32, #tpu.memory_space<vmem>> -> memref<128xi32, #tpu.memory_space<vmem>>
    %dma_wait3A_147 = arith.constant 0 : i32
    %dma_wait3A_148 = arith.constant 0 : i32
    %dma_wait3A_149 = tpu.memref_slice %arg10[%dma_wait3A_147, %dma_wait3A_148] : memref<10240x16xf32, #tpu.memory_space<vmem_shared>> -> memref<10240x16xf32, #tpu.memory_space<vmem_shared>>
    %dma_wait3A_150 = tpu.memref_slice %arg12[%dma_wait3A_140] : memref<8x!tpu.dma_semaphore, #tpu.memory_space<semaphore_mem>> -> memref<1x!tpu.dma_semaphore, #tpu.memory_space<semaphore_mem>>
    %dma_wait3A_151 = tpu.memref_squeeze %dma_wait3A_150 : memref<1x!tpu.dma_semaphore, #tpu.memory_space<semaphore_mem>> -> memref<!tpu.dma_semaphore, #tpu.memory_space<semaphore_mem>>
    tpu.wait_indirect_dma semaphore(%dma_wait3A_151 : memref<!tpu.dma_semaphore, #tpu.memory_space<semaphore_mem>>) src(%dma_wait3A_143 : memref<128x16xf32, #tpu.memory_space<vmem>>) dst(%dma_wait3A_149 : memref<10240x16xf32, #tpu.memory_space<vmem_shared>>)
    %dma_wait3A_152 = arith.constant 75 : i32
    %dma_wait3A_153 = arith.constant 3 : i32
    %dma_wait3A_154 = arith.constant 384 : i32
    %dma_wait3A_155 = arith.constant 0 : i32
    %dma_wait3A_156 = tpu.memref_slice %arg8[%dma_wait3A_154, %dma_wait3A_155] : memref<1024x16xf32, #tpu.memory_space<vmem>> -> memref<128x16xf32, #tpu.memory_space<vmem>>
    %dma_wait3A_157 = arith.constant 0 : i32
    %dma_wait3A_158 = tpu.memref_slice %arg7[%dma_wait3A_152, %dma_wait3A_157] : memref<80x128xi32, #tpu.memory_space<vmem>> -> memref<1x128xi32, #tpu.memory_space<vmem>>
    %dma_wait3A_159 = tpu.memref_squeeze %dma_wait3A_158 : memref<1x128xi32, #tpu.memory_space<vmem>> -> memref<128xi32, #tpu.memory_space<vmem>>
    %dma_wait3A_160 = arith.constant 0 : i32
    %dma_wait3A_161 = arith.constant 0 : i32
    %dma_wait3A_162 = tpu.memref_slice %arg10[%dma_wait3A_160, %dma_wait3A_161] : memref<10240x16xf32, #tpu.memory_space<vmem_shared>> -> memref<10240x16xf32, #tpu.memory_space<vmem_shared>>
    %dma_wait3A_163 = tpu.memref_slice %arg12[%dma_wait3A_153] : memref<8x!tpu.dma_semaphore, #tpu.memory_space<semaphore_mem>> -> memref<1x!tpu.dma_semaphore, #tpu.memory_space<semaphore_mem>>
    %dma_wait3A_164 = tpu.memref_squeeze %dma_wait3A_163 : memref<1x!tpu.dma_semaphore, #tpu.memory_space<semaphore_mem>> -> memref<!tpu.dma_semaphore, #tpu.memory_space<semaphore_mem>>
    tpu.wait_indirect_dma semaphore(%dma_wait3A_164 : memref<!tpu.dma_semaphore, #tpu.memory_space<semaphore_mem>>) src(%dma_wait3A_156 : memref<128x16xf32, #tpu.memory_space<vmem>>) dst(%dma_wait3A_162 : memref<10240x16xf32, #tpu.memory_space<vmem_shared>>)
    %dma_wait3A_165 = arith.constant 76 : i32
    %dma_wait3A_166 = arith.constant 4 : i32
    %dma_wait3A_167 = arith.constant 512 : i32
    %dma_wait3A_168 = arith.constant 0 : i32
    %dma_wait3A_169 = tpu.memref_slice %arg8[%dma_wait3A_167, %dma_wait3A_168] : memref<1024x16xf32, #tpu.memory_space<vmem>> -> memref<128x16xf32, #tpu.memory_space<vmem>>
    %dma_wait3A_170 = arith.constant 0 : i32
    %dma_wait3A_171 = tpu.memref_slice %arg7[%dma_wait3A_165, %dma_wait3A_170] : memref<80x128xi32, #tpu.memory_space<vmem>> -> memref<1x128xi32, #tpu.memory_space<vmem>>
    %dma_wait3A_172 = tpu.memref_squeeze %dma_wait3A_171 : memref<1x128xi32, #tpu.memory_space<vmem>> -> memref<128xi32, #tpu.memory_space<vmem>>
    %dma_wait3A_173 = arith.constant 0 : i32
    %dma_wait3A_174 = arith.constant 0 : i32
    %dma_wait3A_175 = tpu.memref_slice %arg10[%dma_wait3A_173, %dma_wait3A_174] : memref<10240x16xf32, #tpu.memory_space<vmem_shared>> -> memref<10240x16xf32, #tpu.memory_space<vmem_shared>>
    %dma_wait3A_176 = tpu.memref_slice %arg12[%dma_wait3A_166] : memref<8x!tpu.dma_semaphore, #tpu.memory_space<semaphore_mem>> -> memref<1x!tpu.dma_semaphore, #tpu.memory_space<semaphore_mem>>
    %dma_wait3A_177 = tpu.memref_squeeze %dma_wait3A_176 : memref<1x!tpu.dma_semaphore, #tpu.memory_space<semaphore_mem>> -> memref<!tpu.dma_semaphore, #tpu.memory_space<semaphore_mem>>
    tpu.wait_indirect_dma semaphore(%dma_wait3A_177 : memref<!tpu.dma_semaphore, #tpu.memory_space<semaphore_mem>>) src(%dma_wait3A_169 : memref<128x16xf32, #tpu.memory_space<vmem>>) dst(%dma_wait3A_175 : memref<10240x16xf32, #tpu.memory_space<vmem_shared>>)
    %dma_wait3A_178 = arith.constant 77 : i32
    %dma_wait3A_179 = arith.constant 5 : i32
    %dma_wait3A_180 = arith.constant 640 : i32
    %dma_wait3A_181 = arith.constant 0 : i32
    %dma_wait3A_182 = tpu.memref_slice %arg8[%dma_wait3A_180, %dma_wait3A_181] : memref<1024x16xf32, #tpu.memory_space<vmem>> -> memref<128x16xf32, #tpu.memory_space<vmem>>
    %dma_wait3A_183 = arith.constant 0 : i32
    %dma_wait3A_184 = tpu.memref_slice %arg7[%dma_wait3A_178, %dma_wait3A_183] : memref<80x128xi32, #tpu.memory_space<vmem>> -> memref<1x128xi32, #tpu.memory_space<vmem>>
    %dma_wait3A_185 = tpu.memref_squeeze %dma_wait3A_184 : memref<1x128xi32, #tpu.memory_space<vmem>> -> memref<128xi32, #tpu.memory_space<vmem>>
    %dma_wait3A_186 = arith.constant 0 : i32
    %dma_wait3A_187 = arith.constant 0 : i32
    %dma_wait3A_188 = tpu.memref_slice %arg10[%dma_wait3A_186, %dma_wait3A_187] : memref<10240x16xf32, #tpu.memory_space<vmem_shared>> -> memref<10240x16xf32, #tpu.memory_space<vmem_shared>>
    %dma_wait3A_189 = tpu.memref_slice %arg12[%dma_wait3A_179] : memref<8x!tpu.dma_semaphore, #tpu.memory_space<semaphore_mem>> -> memref<1x!tpu.dma_semaphore, #tpu.memory_space<semaphore_mem>>
    %dma_wait3A_190 = tpu.memref_squeeze %dma_wait3A_189 : memref<1x!tpu.dma_semaphore, #tpu.memory_space<semaphore_mem>> -> memref<!tpu.dma_semaphore, #tpu.memory_space<semaphore_mem>>
    tpu.wait_indirect_dma semaphore(%dma_wait3A_190 : memref<!tpu.dma_semaphore, #tpu.memory_space<semaphore_mem>>) src(%dma_wait3A_182 : memref<128x16xf32, #tpu.memory_space<vmem>>) dst(%dma_wait3A_188 : memref<10240x16xf32, #tpu.memory_space<vmem_shared>>)
    %dma_wait3A_191 = arith.constant 78 : i32
    %dma_wait3A_192 = arith.constant 6 : i32
    %dma_wait3A_193 = arith.constant 768 : i32
    %dma_wait3A_194 = arith.constant 0 : i32
    %dma_wait3A_195 = tpu.memref_slice %arg8[%dma_wait3A_193, %dma_wait3A_194] : memref<1024x16xf32, #tpu.memory_space<vmem>> -> memref<128x16xf32, #tpu.memory_space<vmem>>
    %dma_wait3A_196 = arith.constant 0 : i32
    %dma_wait3A_197 = tpu.memref_slice %arg7[%dma_wait3A_191, %dma_wait3A_196] : memref<80x128xi32, #tpu.memory_space<vmem>> -> memref<1x128xi32, #tpu.memory_space<vmem>>
    %dma_wait3A_198 = tpu.memref_squeeze %dma_wait3A_197 : memref<1x128xi32, #tpu.memory_space<vmem>> -> memref<128xi32, #tpu.memory_space<vmem>>
    %dma_wait3A_199 = arith.constant 0 : i32
    %dma_wait3A_200 = arith.constant 0 : i32
    %dma_wait3A_201 = tpu.memref_slice %arg10[%dma_wait3A_199, %dma_wait3A_200] : memref<10240x16xf32, #tpu.memory_space<vmem_shared>> -> memref<10240x16xf32, #tpu.memory_space<vmem_shared>>
    %dma_wait3A_202 = tpu.memref_slice %arg12[%dma_wait3A_192] : memref<8x!tpu.dma_semaphore, #tpu.memory_space<semaphore_mem>> -> memref<1x!tpu.dma_semaphore, #tpu.memory_space<semaphore_mem>>
    %dma_wait3A_203 = tpu.memref_squeeze %dma_wait3A_202 : memref<1x!tpu.dma_semaphore, #tpu.memory_space<semaphore_mem>> -> memref<!tpu.dma_semaphore, #tpu.memory_space<semaphore_mem>>
    tpu.wait_indirect_dma semaphore(%dma_wait3A_203 : memref<!tpu.dma_semaphore, #tpu.memory_space<semaphore_mem>>) src(%dma_wait3A_195 : memref<128x16xf32, #tpu.memory_space<vmem>>) dst(%dma_wait3A_201 : memref<10240x16xf32, #tpu.memory_space<vmem_shared>>)
    %dma_wait3A_204 = arith.constant 79 : i32
    %dma_wait3A_205 = arith.constant 7 : i32
    %dma_wait3A_206 = arith.constant 896 : i32
    %dma_wait3A_207 = arith.constant 0 : i32
    %dma_wait3A_208 = tpu.memref_slice %arg8[%dma_wait3A_206, %dma_wait3A_207] : memref<1024x16xf32, #tpu.memory_space<vmem>> -> memref<128x16xf32, #tpu.memory_space<vmem>>
    %dma_wait3A_209 = arith.constant 0 : i32
    %dma_wait3A_210 = tpu.memref_slice %arg7[%dma_wait3A_204, %dma_wait3A_209] : memref<80x128xi32, #tpu.memory_space<vmem>> -> memref<1x128xi32, #tpu.memory_space<vmem>>
    %dma_wait3A_211 = tpu.memref_squeeze %dma_wait3A_210 : memref<1x128xi32, #tpu.memory_space<vmem>> -> memref<128xi32, #tpu.memory_space<vmem>>
    %dma_wait3A_212 = arith.constant 0 : i32
    %dma_wait3A_213 = arith.constant 0 : i32
    %dma_wait3A_214 = tpu.memref_slice %arg10[%dma_wait3A_212, %dma_wait3A_213] : memref<10240x16xf32, #tpu.memory_space<vmem_shared>> -> memref<10240x16xf32, #tpu.memory_space<vmem_shared>>
    %dma_wait3A_215 = tpu.memref_slice %arg12[%dma_wait3A_205] : memref<8x!tpu.dma_semaphore, #tpu.memory_space<semaphore_mem>> -> memref<1x!tpu.dma_semaphore, #tpu.memory_space<semaphore_mem>>
    %dma_wait3A_216 = tpu.memref_squeeze %dma_wait3A_215 : memref<1x!tpu.dma_semaphore, #tpu.memory_space<semaphore_mem>> -> memref<!tpu.dma_semaphore, #tpu.memory_space<semaphore_mem>>
    tpu.wait_indirect_dma semaphore(%dma_wait3A_216 : memref<!tpu.dma_semaphore, #tpu.memory_space<semaphore_mem>>) src(%dma_wait3A_208 : memref<128x16xf32, #tpu.memory_space<vmem>>) dst(%dma_wait3A_214 : memref<10240x16xf32, #tpu.memory_space<vmem_shared>>)
    %barrier3A_217 = arith.constant 0 : index
    tpu.barrier barrier_id(%barrier3A_217)
    "tpu.region"() ({
      %run_scoped3A_218 = tpu.sem_alloc : memref<!tpu.dma_semaphore, #tpu.memory_space<semaphore_mem>>
      %dma_start3A_219 = arith.constant 0 : i32
      %dma_start3A_220 = tpu.memref_slice %arg10[%mul3A_2, %dma_start3A_219] : memref<10240x16xf32, #tpu.memory_space<vmem_shared>> -> memref<640x16xf32, #tpu.memory_space<vmem_shared>>
      %dma_start3A_221 = arith.constant 0 : i32
      %dma_start3A_222 = tpu.memref_slice %arg10[%mul3A_2, %dma_start3A_221] : memref<10240x16xf32, #tpu.memory_space<vmem_shared>> -> memref<640x16xf32, #tpu.memory_space<vmem_shared>>
      tpu.enqueue_dma source(%dma_start3A_222 : memref<640x16xf32, #tpu.memory_space<vmem_shared>>) target(%arg9 : memref<640x16xf32, #tpu.memory_space<vmem>>) target_semaphore(%run_scoped3A_218 : memref<!tpu.dma_semaphore, #tpu.memory_space<semaphore_mem>>)
      %dma_wait3A_223 = arith.constant 0 : i32
      %dma_wait3A_224 = tpu.memref_slice %arg10[%mul3A_2, %dma_wait3A_223] : memref<10240x16xf32, #tpu.memory_space<vmem_shared>> -> memref<640x16xf32, #tpu.memory_space<vmem_shared>>
      %dma_wait3A_225 = arith.constant 0 : i32
      %dma_wait3A_226 = tpu.memref_slice %arg10[%mul3A_2, %dma_wait3A_225] : memref<10240x16xf32, #tpu.memory_space<vmem_shared>> -> memref<640x16xf32, #tpu.memory_space<vmem_shared>>
      tpu.wait_dma2 semaphore(%run_scoped3A_218 : memref<!tpu.dma_semaphore, #tpu.memory_space<semaphore_mem>>) src(%dma_wait3A_226 : memref<640x16xf32, #tpu.memory_space<vmem_shared>>) dst(%arg9 : memref<640x16xf32, #tpu.memory_space<vmem>>)
      tpu.yield
    }) : () -> ()
    "tpu.region"() ({
      %run_scoped3A_218 = tpu.sem_alloc : memref<!tpu.dma_semaphore, #tpu.memory_space<semaphore_mem>>
      %dma_start3A_219 = arith.constant 0 : i32
      %dma_start3A_220 = arith.constant 0 : i32
      %dma_start3A_221 = tpu.memref_slice %arg5[%arg0, %dma_start3A_219, %dma_start3A_220] : memref<2x10240x16xf32, #tpu.memory_space<hbm>> -> memref<1x10240x16xf32, #tpu.memory_space<hbm>>
      %dma_start3A_222 = tpu.memref_squeeze %dma_start3A_221 : memref<1x10240x16xf32, #tpu.memory_space<hbm>> -> memref<10240x16xf32, #tpu.memory_space<hbm>>
      %dma_start3A_223 = arith.constant 0 : i32
      %dma_start3A_224 = tpu.memref_slice %dma_start3A_222[%mul3A_2, %dma_start3A_223] : memref<10240x16xf32, #tpu.memory_space<hbm>> -> memref<640x16xf32, #tpu.memory_space<hbm>>
      %dma_start3A_225 = arith.constant 0 : i32
      %dma_start3A_226 = arith.constant 0 : i32
      %dma_start3A_227 = tpu.memref_slice %arg5[%arg0, %dma_start3A_225, %dma_start3A_226] : memref<2x10240x16xf32, #tpu.memory_space<hbm>> -> memref<1x10240x16xf32, #tpu.memory_space<hbm>>
      %dma_start3A_228 = tpu.memref_squeeze %dma_start3A_227 : memref<1x10240x16xf32, #tpu.memory_space<hbm>> -> memref<10240x16xf32, #tpu.memory_space<hbm>>
      %dma_start3A_229 = arith.constant 0 : i32
      %dma_start3A_230 = tpu.memref_slice %dma_start3A_228[%mul3A_2, %dma_start3A_229] : memref<10240x16xf32, #tpu.memory_space<hbm>> -> memref<640x16xf32, #tpu.memory_space<hbm>>
      tpu.enqueue_dma source(%arg9 : memref<640x16xf32, #tpu.memory_space<vmem>>) target(%dma_start3A_230 : memref<640x16xf32, #tpu.memory_space<hbm>>) target_semaphore(%run_scoped3A_218 : memref<!tpu.dma_semaphore, #tpu.memory_space<semaphore_mem>>)
      %dma_wait3A_231 = arith.constant 0 : i32
      %dma_wait3A_232 = arith.constant 0 : i32
      %dma_wait3A_233 = tpu.memref_slice %arg5[%arg0, %dma_wait3A_231, %dma_wait3A_232] : memref<2x10240x16xf32, #tpu.memory_space<hbm>> -> memref<1x10240x16xf32, #tpu.memory_space<hbm>>
      %dma_wait3A_234 = tpu.memref_squeeze %dma_wait3A_233 : memref<1x10240x16xf32, #tpu.memory_space<hbm>> -> memref<10240x16xf32, #tpu.memory_space<hbm>>
      %dma_wait3A_235 = arith.constant 0 : i32
      %dma_wait3A_236 = tpu.memref_slice %dma_wait3A_234[%mul3A_2, %dma_wait3A_235] : memref<10240x16xf32, #tpu.memory_space<hbm>> -> memref<640x16xf32, #tpu.memory_space<hbm>>
      %dma_wait3A_237 = arith.constant 0 : i32
      %dma_wait3A_238 = arith.constant 0 : i32
      %dma_wait3A_239 = tpu.memref_slice %arg5[%arg0, %dma_wait3A_237, %dma_wait3A_238] : memref<2x10240x16xf32, #tpu.memory_space<hbm>> -> memref<1x10240x16xf32, #tpu.memory_space<hbm>>
      %dma_wait3A_240 = tpu.memref_squeeze %dma_wait3A_239 : memref<1x10240x16xf32, #tpu.memory_space<hbm>> -> memref<10240x16xf32, #tpu.memory_space<hbm>>
      %dma_wait3A_241 = arith.constant 0 : i32
      %dma_wait3A_242 = tpu.memref_slice %dma_wait3A_240[%mul3A_2, %dma_wait3A_241] : memref<10240x16xf32, #tpu.memory_space<hbm>> -> memref<640x16xf32, #tpu.memory_space<hbm>>
      tpu.wait_dma2 semaphore(%run_scoped3A_218 : memref<!tpu.dma_semaphore, #tpu.memory_space<semaphore_mem>>) src(%arg9 : memref<640x16xf32, #tpu.memory_space<vmem>>) dst(%dma_wait3A_242 : memref<640x16xf32, #tpu.memory_space<hbm>>)
      tpu.yield
    }) : () -> ()
    return
  }
}

module attributes {stable_mosaic.version = 14 : i64} {
  func.func @_mm_body(%arg0: i32, %arg1: memref<1280x128xf32, #tpu.memory_space<vmem>>, %arg2: memref<128x16xf32, #tpu.memory_space<vmem>>, %arg3: memref<1280x16xf32, #tpu.memory_space<vmem>>) attributes {dimension_semantics = [#tpu.dimension_semantics<arbitrary>], iteration_bounds = array<i64: 8>, scalar_prefetch = 0 : i64, scratch_operands = 0 : i64, tpu.core_type = #tpu.core_type<tc>, window_params = [{transform_indices = @transform_0, window_bounds = array<i64: 1280, 128>}, {pipeline_mode = #tpu.pipeline_mode<synchronous>, transform_indices = @transform_1, window_bounds = array<i64: 128, 16>}, {transform_indices = @transform_2, window_bounds = array<i64: 1280, 16>}]} {
    %get3A = arith.constant 0 : index
    %get3A_0 = arith.constant 0 : index
    %get3A_1 = vector.load %arg1[%get3A, %get3A_0] : memref<1280x128xf32, #tpu.memory_space<vmem>>, vector<1280x128xf32>
    %get3A_2 = arith.constant 0 : index
    %get3A_3 = arith.constant 0 : index
    %get3A_4 = vector.load %arg2[%get3A_2, %get3A_3] : memref<128x16xf32, #tpu.memory_space<vmem>>, vector<128x16xf32>
    %dot_general3A = arith.constant dense<0.000000e+00> : vector<1280x16xf32>
    %dot_general3A_5 = tpu.matmul %get3A_1, %get3A_4, %dot_general3A {dimension_numbers = #tpu.dot_dimension_numbers<[1], [0], [0], [1], [0, 0, 1, 1], [], []>, transpose_lhs_hint = false} : vector<1280x128xf32>, vector<128x16xf32>, vector<1280x16xf32> -> vector<1280x16xf32>
    %swap3A = arith.constant 0 : index
    %swap3A_6 = arith.constant 0 : index
    %swap3A_7 = vector.load %arg3[%swap3A, %swap3A_6] : memref<1280x16xf32, #tpu.memory_space<vmem>>, vector<1280x16xf32>
    tpu.vector_store %arg3[%swap3A, %swap3A_6], %dot_general3A_5 {strides = array<i32>} : memref<1280x16xf32, #tpu.memory_space<vmem>>, vector<1280x16xf32>,
    return
  }
  func.func @transform_0(%arg0: i32) -> (i32, i32) {
    %c0_i32 = arith.constant 0 : i32
    %c0_i32_0 = arith.constant 0 : i32
    return %arg0, %c0_i32 : i32, i32
  }
  func.func @transform_1(%arg0: i32) -> (i32, i32) {
    %c0_i32 = arith.constant 0 : i32
    %c0_i32_0 = arith.constant 0 : i32
    %c0_i32_1 = arith.constant 0 : i32
    return %c0_i32, %c0_i32_0 : i32, i32
  }
  func.func @transform_2(%arg0: i32) -> (i32, i32) {
    %c0_i32 = arith.constant 0 : i32
    %c0_i32_0 = arith.constant 0 : i32
    return %arg0, %c0_i32 : i32, i32
  }
}

module attributes {stable_mosaic.version = 14 : i64} {
  func.func @_tc_combine_norm_body(%arg0: memref<2x1280x128xf32, #tpu.memory_space<vmem>>, %arg1: memref<2x1280x128xf32, #tpu.memory_space<vmem>>, %arg2: memref<2x1280x128xf32, #tpu.memory_space<vmem>>, %arg3: memref<1280x128xf32, #tpu.memory_space<vmem>>, %arg4: memref<1280x128xf32, #tpu.memory_space<vmem>>, %arg5: memref<1280x128xf32, #tpu.memory_space<vmem>>) attributes {dimension_semantics = [], scalar_prefetch = 0 : i64, scratch_operands = 0 : i64, tpu.core_type = #tpu.core_type<tc>} {
    %get3A = arith.constant 0 : index
    %get3A_0 = arith.constant 0 : index
    %get3A_1 = arith.constant 0 : index
    %get3A_2 = vector.load %arg0[%get3A, %get3A_0, %get3A_1] : memref<2x1280x128xf32, #tpu.memory_space<vmem>>, vector<1x1280x128xf32>
    %get3A_3 = vector.shape_cast %get3A_2 : vector<1x1280x128xf32> to vector<1280x128xf32>
    %get3A_4 = arith.constant 1 : index
    %get3A_5 = arith.constant 0 : index
    %get3A_6 = arith.constant 0 : index
    %get3A_7 = vector.load %arg0[%get3A_4, %get3A_5, %get3A_6] : memref<2x1280x128xf32, #tpu.memory_space<vmem>>, vector<1x1280x128xf32>
    %get3A_8 = vector.shape_cast %get3A_7 : vector<1x1280x128xf32> to vector<1280x128xf32>
    %add3A = arith.addf %get3A_3, %get3A_8 : vector<1280x128xf32>
    %swap3A = arith.constant 0 : index
    %swap3A_9 = arith.constant 0 : index
    %swap3A_10 = vector.load %arg3[%swap3A, %swap3A_9] : memref<1280x128xf32, #tpu.memory_space<vmem>>, vector<1280x128xf32>
    tpu.vector_store %arg3[%swap3A, %swap3A_9], %add3A {strides = array<i32>} : memref<1280x128xf32, #tpu.memory_space<vmem>>, vector<1280x128xf32>,
    %get3A_11 = arith.constant 0 : index
    %get3A_12 = arith.constant 0 : index
    %get3A_13 = arith.constant 0 : index
    %get3A_14 = vector.load %arg1[%get3A_11, %get3A_12, %get3A_13] : memref<2x1280x128xf32, #tpu.memory_space<vmem>>, vector<1x1280x128xf32>
    %get3A_15 = vector.shape_cast %get3A_14 : vector<1x1280x128xf32> to vector<1280x128xf32>
    %get3A_16 = arith.constant 1 : index
    %get3A_17 = arith.constant 0 : index
    %get3A_18 = arith.constant 0 : index
    %get3A_19 = vector.load %arg1[%get3A_16, %get3A_17, %get3A_18] : memref<2x1280x128xf32, #tpu.memory_space<vmem>>, vector<1x1280x128xf32>
    %get3A_20 = vector.shape_cast %get3A_19 : vector<1x1280x128xf32> to vector<1280x128xf32>
    %add3A_21 = arith.addf %get3A_15, %get3A_20 : vector<1280x128xf32>
    %max3A = arith.constant 1.000000e+00 : f32
    %max3A_22 = vector.broadcast %max3A : f32 to vector<1280x128xf32>
    %max3A_23 = arith.maximumf %add3A_21, %max3A_22 : vector<1280x128xf32>
    %rsqrt3A = math.rsqrt %max3A_23 : vector<1280x128xf32>
    %swap3A_24 = arith.constant 0 : index
    %swap3A_25 = arith.constant 0 : index
    %swap3A_26 = vector.load %arg4[%swap3A_24, %swap3A_25] : memref<1280x128xf32, #tpu.memory_space<vmem>>, vector<1280x128xf32>
    tpu.vector_store %arg4[%swap3A_24, %swap3A_25], %rsqrt3A {strides = array<i32>} : memref<1280x128xf32, #tpu.memory_space<vmem>>, vector<1280x128xf32>,
    %get3A_27 = arith.constant 0 : index
    %get3A_28 = arith.constant 0 : index
    %get3A_29 = arith.constant 0 : index
    %get3A_30 = vector.load %arg2[%get3A_27, %get3A_28, %get3A_29] : memref<2x1280x128xf32, #tpu.memory_space<vmem>>, vector<1x1280x128xf32>
    %get3A_31 = vector.shape_cast %get3A_30 : vector<1x1280x128xf32> to vector<1280x128xf32>
    %get3A_32 = arith.constant 1 : index
    %get3A_33 = arith.constant 0 : index
    %get3A_34 = arith.constant 0 : index
    %get3A_35 = vector.load %arg2[%get3A_32, %get3A_33, %get3A_34] : memref<2x1280x128xf32, #tpu.memory_space<vmem>>, vector<1x1280x128xf32>
    %get3A_36 = vector.shape_cast %get3A_35 : vector<1x1280x128xf32> to vector<1280x128xf32>
    %add3A_37 = arith.addf %get3A_31, %get3A_36 : vector<1280x128xf32>
    %max3A_38 = arith.constant 1.000000e+00 : f32
    %max3A_39 = vector.broadcast %max3A_38 : f32 to vector<1280x128xf32>
    %max3A_40 = arith.maximumf %add3A_37, %max3A_39 : vector<1280x128xf32>
    %rsqrt3A_41 = math.rsqrt %max3A_40 : vector<1280x128xf32>
    %swap3A_42 = arith.constant 0 : index
    %swap3A_43 = arith.constant 0 : index
    %swap3A_44 = vector.load %arg5[%swap3A_42, %swap3A_43] : memref<1280x128xf32, #tpu.memory_space<vmem>>, vector<1280x128xf32>
    tpu.vector_store %arg5[%swap3A_42, %swap3A_43], %rsqrt3A_41 {strides = array<i32>} : memref<1280x128xf32, #tpu.memory_space<vmem>>, vector<1280x128xf32>,
    return
  }
}

module attributes {stable_mosaic.version = 14 : i64} {
  func.func @_tc_combine_scale_body(%arg0: memref<2x1280x128xf32, #tpu.memory_space<vmem>>, %arg1: memref<1280x128xf32, #tpu.memory_space<vmem>>, %arg2: memref<1280x128xf32, #tpu.memory_space<vmem>>) attributes {dimension_semantics = [], scalar_prefetch = 0 : i64, scratch_operands = 0 : i64, tpu.core_type = #tpu.core_type<tc>} {
    %get3A = arith.constant 0 : index
    %get3A_0 = arith.constant 0 : index
    %get3A_1 = arith.constant 0 : index
    %get3A_2 = vector.load %arg0[%get3A, %get3A_0, %get3A_1] : memref<2x1280x128xf32, #tpu.memory_space<vmem>>, vector<1x1280x128xf32>
    %get3A_3 = vector.shape_cast %get3A_2 : vector<1x1280x128xf32> to vector<1280x128xf32>
    %get3A_4 = arith.constant 1 : index
    %get3A_5 = arith.constant 0 : index
    %get3A_6 = arith.constant 0 : index
    %get3A_7 = vector.load %arg0[%get3A_4, %get3A_5, %get3A_6] : memref<2x1280x128xf32, #tpu.memory_space<vmem>>, vector<1x1280x128xf32>
    %get3A_8 = vector.shape_cast %get3A_7 : vector<1x1280x128xf32> to vector<1280x128xf32>
    %add3A = arith.addf %get3A_3, %get3A_8 : vector<1280x128xf32>
    %get3A_9 = arith.constant 0 : index
    %get3A_10 = arith.constant 0 : index
    %get3A_11 = vector.load %arg1[%get3A_9, %get3A_10] : memref<1280x128xf32, #tpu.memory_space<vmem>>, vector<1280x128xf32>
    %mul3A = arith.mulf %add3A, %get3A_11 : vector<1280x128xf32>
    %swap3A = arith.constant 0 : index
    %swap3A_12 = arith.constant 0 : index
    %swap3A_13 = vector.load %arg2[%swap3A, %swap3A_12] : memref<1280x128xf32, #tpu.memory_space<vmem>>, vector<1280x128xf32>
    tpu.vector_store %arg2[%swap3A, %swap3A_12], %mul3A {strides = array<i32>} : memref<1280x128xf32, #tpu.memory_space<vmem>>, vector<1280x128xf32>,
    return
  }
}

module attributes {stable_mosaic.version = 14 : i64} {
  func.func @_tc_combine_scale_bias_body(%arg0: memref<2x1280x128xf32, #tpu.memory_space<vmem>>, %arg1: memref<1280x128xf32, #tpu.memory_space<vmem>>, %arg2: memref<128xf32, #tpu.memory_space<vmem>>, %arg3: memref<1280x128xf32, #tpu.memory_space<vmem>>) attributes {dimension_semantics = [], scalar_prefetch = 0 : i64, scratch_operands = 0 : i64, tpu.core_type = #tpu.core_type<tc>} {
    %get3A = arith.constant 0 : index
    %get3A_0 = arith.constant 0 : index
    %get3A_1 = arith.constant 0 : index
    %get3A_2 = vector.load %arg0[%get3A, %get3A_0, %get3A_1] : memref<2x1280x128xf32, #tpu.memory_space<vmem>>, vector<1x1280x128xf32>
    %get3A_3 = vector.shape_cast %get3A_2 : vector<1x1280x128xf32> to vector<1280x128xf32>
    %get3A_4 = arith.constant 1 : index
    %get3A_5 = arith.constant 0 : index
    %get3A_6 = arith.constant 0 : index
    %get3A_7 = vector.load %arg0[%get3A_4, %get3A_5, %get3A_6] : memref<2x1280x128xf32, #tpu.memory_space<vmem>>, vector<1x1280x128xf32>
    %get3A_8 = vector.shape_cast %get3A_7 : vector<1x1280x128xf32> to vector<1280x128xf32>
    %add3A = arith.addf %get3A_3, %get3A_8 : vector<1280x128xf32>
    %get3A_9 = arith.constant 0 : index
    %get3A_10 = arith.constant 0 : index
    %get3A_11 = vector.load %arg1[%get3A_9, %get3A_10] : memref<1280x128xf32, #tpu.memory_space<vmem>>, vector<1280x128xf32>
    %mul3A = arith.mulf %add3A, %get3A_11 : vector<1280x128xf32>
    %get3A_12 = arith.constant 0 : index
    %get3A_13 = vector.load %arg2[%get3A_12] : memref<128xf32, #tpu.memory_space<vmem>>, vector<128xf32>
    %broadcast_in_dim3A = vector.shape_cast %get3A_13 : vector<128xf32> to vector<1x128xf32>
    %add3A_14 = vector.broadcast %broadcast_in_dim3A : vector<1x128xf32> to vector<1280x128xf32>
    %add3A_15 = arith.addf %mul3A, %add3A_14 : vector<1280x128xf32>
    %swap3A = arith.constant 0 : index
    %swap3A_16 = arith.constant 0 : index
    %swap3A_17 = vector.load %arg3[%swap3A, %swap3A_16] : memref<1280x128xf32, #tpu.memory_space<vmem>>, vector<1280x128xf32>
    tpu.vector_store %arg3[%swap3A, %swap3A_16], %add3A_15 {strides = array<i32>} : memref<1280x128xf32, #tpu.memory_space<vmem>>, vector<1280x128xf32>,
    return
  }
}

</mosaic_0001>

<sc_bundles>
// kernel: kernel.12.cloned.1.call-start
scs
__scs_entry_jumppad:
0x0: {  	(pc) =	sbr.rel $0x88, $3  }
0x1: {  	(tag) =	ssettag $0x0;
	lr =	simm.s32 $0x1  }
0x2: {  	[smem:$0x3F9D] =	sst lr;
	_ =	strace $0xD0000000  }
0x3: {  	_ = 	snop  }
0x4: {  	_ = 	snop  }
0x5: {  	_ = 	snop  }
0x6: {  	_ = 	snop  }
0x7: {  	_ = 	snop  }
__scs_overlays_trampoline_lowered:
0x8: {  	[smem:$0x3FAC] =	sst s0  }
0x9: {  	[smem:$0x3FAD] =	sst s1  }
0xa: {  	[smem:$0x3FAE] =	sst s2  }
0xb: {  	[smem:$0x3FAF] =	sst s3  }
0xc: {  	[smem:$0x3FB0] =	sst s4  }
0xd: {  	[smem:$0x3FB1] =	sst s5  }
0xe: {  	[smem:$0x3FB2] =	sst s6  }
0xf: {  	[smem:$0x3FB3] =	sst s7  }
0x10: {  	[smem:$0x3FB4] =	sst s8  }
0x11: {  	[smem:$0x3FB5] =	sst s9;
	s0 =	simm.s32 @!p0 $0x0  }
0x12: {  	s1 =	sld [smem:$0x3F9B];
	s0 =	simm.s32 @p0 $0x1  }
0x13: {  	[smem:$0x3FB6] =	sst s0;
	s0 =	simm.s32 @!p1 $0x0  }
0x14: {  	s2 =	sld [smem:$0x3F9A];
	s0 =	simm.s32 @p1 $0x1  }
0x15: {  	[smem:$0x3FB7] =	sst s0;
	s0 =	simm.s32 @!p2 $0x0  }
0x16: {  	s3 =	sld [smem:$0x3FDB];
	s0 =	simm.s32 @p2 $0x1  }
0x17: {  	s4 =	simm.s32 $0x1BF5;
	[smem:$0x3FB9] =	sst s0  }
0x18: {  	s0 =	sld [smem:$0x3F9C];
	_ =	swait.ge [sflag:s4], $0x0  }
0x19: {  	s7 =	sld [smem:$0x3F9D]  }
0x1a: {  	s8 =	sadd.s32 $0xFFFFE003, lr  }
0x1b: {  	s9 =	sadd.s32 $0xFFFFFEF7, lr;
	s5 =	simm.s32 $0xFFFFFFFF;
	p2 =	slt.u32 s8, $0xFFFFF086  }
0x1c: {  	p1 =	slt.u32 s9, $0xF7A;
	s5 =	simm.s32 @!p2 $0x0  }
0x1d: {  	s5 =	simm.s32 @p1 $0x1;
	p0 =	seq.s32 s7, s2  }
0x1e: {  	s7 =	smul.u32 @!p0 $0xF7A, s2;
	p2 =	seq.s32 @!p0 s5, $0x0  }
0x1f: {  	s9 =	smul.u32 $0xF7A, s1;
	s8 =	simm.s32 @!p0 $0x1BF5;
	p2 =	por !p2, p0  }
0x20: {  	[sflag:s8] =	ssyncset.s32 @!p0 $0xFFFFF086;
	s6 =	sadd.s32 @!p0 s3, s7;
	s7 =	simm.s32 @!p0 $0x108  }
0x21: {  	s3 =	sadd.s32 s3, s9;
	s6 =	sadd.s32 @!p0 $0x88, s6;
	s7 =	simm.s32 @p2 $0x1082  }
0x22: {  	[simem:s7], [sflag:s8] =	dma.local @!p0 [hbm:s6], $0xF7A  }
0x23: {  	s9 =	sor.u32 $0xD0000000, s2;
	s6 =	simm.s32 $0x108;
	_ =	swait.ge @!p0 [sflag:s8], $0x0  }
0x24: {  	s3 =	sadd.s32 $0x88, s3;
	s6 =	simm.s32 @!p1 $0x1082;
	[sflag:s4] =	ssyncset.s32 $0xFFFFF086  }
0x25: {  	[simem:s6], [sflag:s4] =	dma.local [hbm:s3], $0xF7A  }
0x26: {  	[smem:$0x3F9D] =	sst s1;
	(tag) =	ssettag s2;
	_ =	strace s9  }
0x27: {  	s1 =	sld [smem:$0x3FAD]  }
0x28: {  	s2 =	sld [smem:$0x3FAE]  }
0x29: {  	s4 =	sld [smem:$0x3FB0]  }
0x2a: {  	p0 =	seq.s32 s5, $0x0;
	s5 =	sld [smem:$0x3FB1]  }
0x2b: {  	s6 =	sld [smem:$0x3FB2]  }
0x2c: {  	s7 =	sld [smem:$0x3FB3]  }
0x2d: {  	s3 =	simm.s32 $0x108;
	s8 =	sld [smem:$0x3FB4]  }
0x2e: {  	s3 =	simm.s32 @!p0 $0x1082;
	s9 =	sld [smem:$0x3FB5]  }
0x2f: {  	lr =	sadd.s32 s0, s3;
	s0 =	sld [smem:$0x3FAC]  }
0x30: {  	s3 =	sld [smem:$0x3FAF]  }
0x31: {  	[smem:$0x3FB8] =	sst s10  }
0x32: {  	s10 =	sld [smem:$0x3FB6];
	_ =	sdelay $0x3  }
0x33: {  	p0 =	seq.s32 s10, $0x1;
	s10 =	sld [smem:$0x3FB8];
	_ =	sdelay $0x3  }
0x34: {  	[smem:$0x3FB8] =	sst s10  }
0x35: {  	s10 =	sld [smem:$0x3FB7];
	_ =	sdelay $0x3  }
0x36: {  	p1 =	seq.s32 s10, $0x1;
	s10 =	sld [smem:$0x3FB8];
	_ =	sdelay $0x3  }
0x37: {  	[smem:$0x3FB8] =	sst s10  }
0x38: {  	s10 =	sld [smem:$0x3FB9]  }
0x39: {  	_ = 	snop;
	(pc) =	sbr.ind lr, $3  }
0x3a: {  	_ = 	snop  }
0x3b: {  	_ = 	snop  }
0x3c: {  	p2 =	seq.s32 s10, $0x1;
	s10 =	sld [smem:$0x3FB8]  }
0x3d: {  	_ =	shalt  }
0x3e: {  	_ =	shalt  }
0x3f: {  	_ =	shalt  }
0x40: {  	_ =	shalt  }
0x41: {  	_ =	shalt  }
0x42: {  	_ =	shalt  }
0x43: {  	_ =	shalt  }
0x44: {  	_ =	shalt  }
0x45: {  	_ =	shalt  }
0x46: {  	_ =	shalt  }
0x47: {  	_ =	shalt  }
0x48: {  	_ =	shalt  }
0x49: {  	_ =	shalt  }
0x4a: {  	_ =	shalt  }
0x4b: {  	_ =	shalt  }
0x4c: {  	_ =	shalt  }
0x4d: {  	_ =	shalt  }
0x4e: {  	_ =	shalt  }
0x4f: {  	_ =	shalt  }
0x50: {  	_ =	shalt  }
0x51: {  	_ =	shalt  }
0x52: {  	_ =	shalt  }
0x53: {  	_ =	shalt  }
0x54: {  	_ =	shalt  }
0x55: {  	_ =	shalt  }
0x56: {  	_ =	shalt  }
0x57: {  	_ =	shalt  }
0x58: {  	_ =	shalt  }
0x59: {  	_ =	shalt  }
0x5a: {  	_ =	shalt  }
0x5b: {  	_ =	shalt  }
0x5c: {  	_ =	shalt  }
0x5d: {  	_ =	shalt  }
0x5e: {  	_ =	shalt  }
0x5f: {  	_ =	shalt  }
0x60: {  	_ =	shalt  }
0x61: {  	_ =	shalt  }
0x62: {  	_ =	shalt  }
0x63: {  	_ =	shalt  }
0x64: {  	_ =	shalt  }
0x65: {  	_ =	shalt  }
0x66: {  	_ =	shalt  }
0x67: {  	_ =	shalt  }
0x68: {  	_ =	shalt  }
0x69: {  	_ =	shalt  }
0x6a: {  	_ =	shalt  }
0x6b: {  	_ =	shalt  }
0x6c: {  	_ =	shalt  }
0x6d: {  	_ =	shalt  }
0x6e: {  	_ =	shalt  }
0x6f: {  	_ =	shalt  }
0x70: {  	_ =	shalt  }
0x71: {  	_ =	shalt  }
0x72: {  	_ =	shalt  }
0x73: {  	_ =	shalt  }
0x74: {  	_ =	shalt  }
0x75: {  	_ =	shalt  }
0x76: {  	_ =	shalt  }
0x77: {  	_ =	shalt  }
0x78: {  	_ =	shalt  }
0x79: {  	_ =	shalt  }
0x7a: {  	_ =	shalt  }
0x7b: {  	_ =	shalt  }
0x7c: {  	_ =	shalt  }
0x7d: {  	_ =	shalt  }
0x7e: {  	_ =	shalt  }
0x7f: {  	_ =	shalt  }
0x80: {  	_ =	shalt  }
0x81: {  	_ =	shalt  }
0x82: {  	_ =	shalt  }
0x83: {  	_ =	shalt  }
0x84: {  	_ =	shalt  }
0x85: {  	_ =	shalt  }
0x86: {  	_ =	shalt  }
0x87: {  	_ =	shalt  }
.Lfunc_end0:
.L_simem_size_0:
called_computation.1_lowered:
.L_overlay_start_0:
0x88: {  	s2 =	sld [smem:$0x3FD9]  }
0x89: {  	s3 =	sld [smem:$0x3FFE];
	_ =	sdelay $0x1  }
0x8a: {  	s1 =	srdreg.scid  }
0x8b: {  	s0 =	sand.u32 $0x1, s1  }
0x8c: {  	s17 =	sshll.u32 s0, $0xA;
	s2 =	sadd.s32 s3, s2  }
0x8d: {  	s2 =	sadd.s32 s2, s17  }
0x8e: {  	[smem:$0x3FC4] =	sst s2  }
0x8f: {  	_ = 	snop  }
0x90: {  	s2 =	sld [smem:$0x3FD0];
	(tm) =	ssettm $0x1  }
0x91: {  	s18 =	sld [smem:$0x3FFB];
	_ =	sdelay $0x3  }
0x92: {  	_ =	strace s18  }
0x93: {  	s3 =	sld [smem:$0x3FFC];
	_ =	sdelay $0x3  }
0x94: {  	_ =	strace s3  }
0x95: {  	s3 =	sld [smem:$0x3FFD];
	_ =	sdelay $0x3  }
0x96: {  	_ =	strace s3  }
0x97: {  	_ =	strace $0x8FFFFFFF  }
0x98: {  	s19 =	sld [smem:$0x3FDB];
	_ =	sdelay $0x1  }
0x99: {  	s4 =	simm.s32 $_scs_section_size  }
0x9a: {  	s5 =	simm.s32 $_size__tile_overlayer_lowered;
	s6 =	simm.s32 $_tile_overlayer_lowered  }
0x9b: {  	s22 =	simm.s32 $0x1BFF;
	s21 =	sshll.u32 s6, $0x1;
	s3 =	sadd.s32 s4, s19  }
0x9c: {  	s7 =	simm.s32 $0x0;
	s20 =	sshll.u32 s5, $0x1;
	s5 =	sadd.s32 s21, s3  }
0x9d: {  	[timem:s7], [sflag:s22] =	dma.local [hbm:s5], s20  }
0x9e: {  	_ =	swait.ge [sflag:s22], s20  }
0x9f: {  	s4 =	ssub.s32 $0x0, s20;
	[sflag:s22] =	ssyncset.done $0x0  }
0xa0: {  	[sflag:s22] =	ssyncadd.s32 s4;
	_ =	sdelay $0x1  }
0xa1: {  	s23 =	simm.s32 $0x1B8B  }
0xa2: {  	_ =	swait.ge [sflag:s23], $0x1  }
0xa3: {  	[sflag:s23] =	ssyncset.done $0x0  }
0xa4: {  	s25 =	simm.s32 $0x1B8E;
	s24 =	sld [smem:$0x3FFE];
	[sflag:s23] =	ssyncadd.s32 $0xFFFFFFFF  }
0xa5: {  	s26 =	simm.s32 $execute0_lowered;
	[smem:$0x3FD2] =	sst s25  }
0xa6: {  	s5 =	sshll.u32 s26, $0x1;
	_ =	strace $0x80000049;
	[dreg:$0x1] =	wrdreg $0xFFFFFFFF  }
0xa7: {  	s28 =	simm.s32 $_size_execute0_lowered;
	s3 =	sadd.s32 s3, s5;
	[dreg:$0x0] =	wrdreg $0x0  }
0xa8: {  	s5 =	sshll.u32 s28, $0x1;
	[dreg:$0x2] =	wrdreg s3  }
0xa9: {  	[dreg:$0x3] =	wrdreg s5  }
0xaa: {  	[dreg:$0x4] =	wrdreg $0xC0  }
0xab: {  	_ =	task [dreg:s7], $0x5FFFF  }
0xac: {  	[dreg:$0x1] =	wrdreg $0xFFFFFFFF  }
0xad: {  	[dreg:$0x0] =	wrdreg $0x60  }
0xae: {  	[dreg:$0x2] =	wrdreg s24  }
0xaf: {  	[dreg:$0x3] =	wrdreg s2  }
0xb0: {  	[dreg:$0x4] =	wrdreg $0xB8000  }
0xb1: {  	[dreg:$0x5] =	wrdreg $0x9  }
0xb2: {  	_ =	task.clear_ibuf [dreg:s7], $0x6FFFF;
	_ =	strace $0x90000049  }
0xb3: {  	s29 =	simm.s32 $0x9;
	_ =	strace $0x8000004B  }
0xb4: {  	_ =	swait.ge [sflag:s29], $0x1  }
0xb5: {  	[sflag:s29] =	ssyncadd.s32 $0xFFFFFFFF  }
0xb6: {  	_ =	strace $0x9000004B  }
0xb7: {  	_ =	sfence  }
0xb8: {  	s30 =	sld [smem:$0x0];
	_ =	sdelay $0x2  }
0xb9: {  	s31 =	sshll.u32 s1, $0xD;
	s1 =	sshrl.u32 s1, $0x2  }
0xba: {  	s3 =	sand.u32 $0x4000, s31;
	s1 =	sadd.s32 s1, s30  }
0xbb: {  	s0 =	sor.u32 s3, s0;
	s1 =	sshll.u32 s1, $0x11  }
0xbc: {  	s0 =	sor.u32 s1, s0  }
0xbd: {  	s0 =	sadd.s32 $0x8F2B, s0  }
0xbe: {  	[sflag:s0] =	ssyncadd.remote.s32 $0x1  }
0xbf: {  	_ =	sfence.sel $0xFFFF  }
0xc0: {  	[dreg:$0x0] =	wrdreg $0xFFFFFFFF;
	(pc) =	sbr.abs _section_cstart, $3  }
0xc1: {  	[dreg:$0x1] =	wrdreg $0xFFFFFFFF  }
0xc2: {  	_ =	task.clear_ibuf [dreg:s7], $0x2FFFF;
	_ =	strace $0x9FFFFFFF  }
0xc3: {  	(tm) =	ssettm $0x7FFFFFFF  }
tec
execute0_lowered:
.L_overlay_start_1:
0x0: {  	(tag) =	ssettag $0x1  }
0x1: {  	s0 =	rddreg [dreg:$0x0];
	s1 =	srdreg.scid  }
0x2: {  	s5 =	stileid.u32;
	s3 =	rddreg [dreg:$0x2];
	s4 =	simm.s32 $0x0  }
0x3: {  	s13 =	simm.s32 $0x80;
	s14 =	simm.s32 $0x5000;
	s15 =	simm.s32 $0x5800  }
0x4: {  	s17 =	simm.s32 $0x6000;
	s21 =	simm.s32 $0x7000;
	s23 =	simm.s32 $0x7800  }
0x5: {  	s29 =	simm.s32 $0x8800;
	s30 =	simm.s32 $0x1;
	s31 =	simm.s32 $0x2  }
0x6: {  	s22 =	simm.s32 $0xE;
	s28 =	simm.s32 $0x0;
	s1 =	sand.u32 $0x1, s1  }
0x7: {  	s2 =	sshll.u32 s5, $0x1;
	[smem:$0x7FF] =	sst s4;
	s7 =	smul.u32 $0x2800, s5  }
0x8: {  	s2 =	sor.u32 s1, s2;
	s6 =	smul.u32 $0x5000, s1;
	s1 =	ssub.s32 $0x2, s1  }
0x9: {  	s5 =	sadd.s32 $0x16C00, s0;
	_ =	strace $0x8000004A;
	s9 =	sshrl.u32 s1, $0x1  }
0xa: {  	s2 =	smul.u32 $0x500, s2;
	s10 =	sadd.s32 s6, s0;
	s1 =	ssub.s32 s1, s9  }
0xb: {  	s6 =	sadd.s32 s7, s3;
	s7 =	sshrl.u32 s7, $0x3;
	s9 =	simm.s32 $0x9000  }
0xc: {  	s8 =	sadd.s32 s2, s0;
	s0 =	sadd.s32 $0xCC00, s0;
	s25 =	sadd.s32 $0x1BC00, s10  }
.Ltmp0:
0xd: {  	s1 =	smax.u32 s1, $0x1;
	s10 =	simm.s32 $0x11;
	(pc) =	sbr.rel .LBB2_1-.Ltmp0, $4  }
0xe: {  	s8 =	sadd.s32 $0x2C00, s8;
	[dreg:$0x5] =	wrdreg s1;
	s0 =	sadd.s32 s2, s0  }
0xf: {  	s26 =	sadd.s32 s7, s25;
	s1 =	simm.s32 $0x3;
	[dreg:$0x4] =	wrdreg s8  }
0x10: {  	s2 =	simm.s32 $0x8;
	s25 =	simm.s32 $0xF;
	[dreg:$0x6] =	wrdreg s0  }
0x11: {  	[dreg:$0x7] =	wrdreg s26;
	s0 =	simm.s32 $0x5;
	s26 =	simm.s32 $0x10  }
.LBB2_4:
0x12: {  	s7 =	simm.s32 $0x9  }
0x13: {  	_ =	swait.ge [sflag:s7], $0x800  }
0x14: {  	[sflag:s7] =	ssyncset.done $0x0  }
0x15: {  	s12 =	simm.s32 $0xA;
	[sflag:s7] =	ssyncadd.s32 $0xFFFFF800  }
0x16: {  	_ =	swait.ge [sflag:s12], $0x800  }
0x17: {  	[sflag:s12] =	ssyncset.done $0x0  }
0x18: {  	s16 =	simm.s32 $0xB;
	[sflag:s12] =	ssyncadd.s32 $0xFFFFF800  }
0x19: {  	_ =	swait.ge [sflag:s16], $0x800  }
0x1a: {  	[sflag:s16] =	ssyncset.done $0x0  }
0x1b: {  	s18 =	simm.s32 $0xC;
	[sflag:s16] =	ssyncadd.s32 $0xFFFFF800  }
0x1c: {  	_ =	swait.ge [sflag:s18], $0x800  }
0x1d: {  	[sflag:s18] =	ssyncset.done $0x0  }
0x1e: {  	s19 =	simm.s32 $0xD;
	[sflag:s18] =	ssyncadd.s32 $0xFFFFF800  }
0x1f: {  	_ =	swait.ge [sflag:s19], $0x800  }
0x20: {  	[sflag:s19] =	ssyncset.done $0x0  }
0x21: {  	[sflag:s19] =	ssyncadd.s32 $0xFFFFF800  }
0x22: {  	_ =	swait.ge [sflag:s22], $0x800  }
0x23: {  	[sflag:s22] =	ssyncset.done $0x0  }
0x24: {  	[sflag:s22] =	ssyncadd.s32 $0xFFFFF800  }
0x25: {  	_ =	swait.ge [sflag:s25], $0x800  }
0x26: {  	[sflag:s25] =	ssyncset.done $0x0  }
0x27: {  	[sflag:s25] =	ssyncadd.s32 $0xFFFFF800  }
0x28: {  	_ =	swait.ge [sflag:s26], $0x800  }
0x29: {  	[sflag:s26] =	ssyncset.done $0x0  }
0x2a: {  	[sflag:s26] =	ssyncadd.s32 $0xFFFFF800  }
0x2b: {  	[bflag:$0x0] =	sbarrier.arrive $0xFFFF  }
0x2c: {  	[tilespmem:s9], [sflag:$0x11] =	stream.linear.gather [spmem:s6], $0x2800, $0x38;
	[tilespmem:$0xE000] =	vst v63  }
0x2d: {  	_ =	swait.ge [sflag:s10], $0x2800  }
0x2e: {  	[sflag:s10] =	ssyncset.done $0x0  }
0x2f: {  	s20 =	rddreg [dreg:$0x7];
	[sflag:s10] =	ssyncadd.s32 $0xFFFFD800  }
0x30: {  	[hbm4b:s20+s4] =	stream.linear.scatter [tilespmem:s9], [sflag:$0x11], $0x2800, $0x38;
	[tilespmem:$0xE000] =	vst v63  }
0x31: {  	_ =	swait.ge [sflag:s10], $0x2800  }
0x32: {  	s28 =	sadd.s32 $0x1, s28;
	s24 =	rddreg [dreg:$0x5]  }
0x33: {  	p0 =	sne.s32 s28, s24  }
.Ltmp1:
0x34: {  	_ = 	snop;
	(pc) =	sbr.rel @!p0 .LBB2_5-.Ltmp1, $3  }
0x35: {  	_ =	sdelay $0x1  }
0x36: {  	[sflag:s10] =	ssyncset.done $0x0  }
0x37: {  	[sflag:s10] =	ssyncadd.s32 $0xFFFFD800  }
.LBB2_1:
0x38: {  	s7 =	rddreg [dreg:$0x1]  }
0x39: {  	[tilespmem:s9], [sflag:$0x11] =	stream.linear.gather [hbm4b:s7+s4], $0x2800, $0x38;
	[tilespmem:$0xE000] =	vst v63  }
0x3a: {  	_ =	swait.ge [sflag:s10], $0x2800  }
0x3b: {  	[sflag:s10] =	ssyncset.done $0x0  }
0x3c: {  	[sflag:s10] =	ssyncadd.s32 $0xFFFFD800  }
0x3d: {  	[spmem:s6] =	stream.linear.scatter [tilespmem:s9], [sflag:$0x11], $0x2800, $0x38;
	[tilespmem:$0xE000] =	vst v63  }
0x3e: {  	_ =	swait.ge [sflag:s10], $0x2800  }
0x3f: {  	[sflag:s10] =	ssyncset.done $0x0  }
0x40: {  	s20 =	rddreg [dreg:$0x4];
	[sflag:s10] =	ssyncadd.s32 $0xFFFFD800  }
0x41: {  	[tilespmem:s4], [sflag:$0x11] =	stream.linear.gather [hbm4b:s20+s4], $0x2800, $0x38;
	[tilespmem:$0xE000] =	vst v63  }
0x42: {  	_ =	swait.ge [sflag:s10], $0x2800  }
0x43: {  	[sflag:s10] =	ssyncset.done $0x0  }
0x44: {  	s8 =	simm.s32 $0x2800;
	s24 =	rddreg [dreg:$0x6];
	[sflag:s10] =	ssyncadd.s32 $0xFFFFD800  }
0x45: {  	[tilespmem:s8], [sflag:$0x11] =	stream.linear.gather [hbm4b:s24+s4], $0x2800, $0x38;
	[tilespmem:$0xE000] =	vst v63  }
0x46: {  	_ =	swait.ge [sflag:s10], $0x2800  }
0x47: {  	[sflag:s10] =	ssyncset.done $0x0  }
0x48: {  	[sflag:s10] =	ssyncadd.s32 $0xFFFFD800  }
0x49: {  	[bflag:$0x0] =	sbarrier.arrive $0xFFFF  }
0x4a: {  	[tilespmem:s14], [sflag:$0x1] =	stream.indirect.gather [hbm4b:s5+s13], $0x10, s4, s13, $0xb8;
	[tilespmem:$0xE000] =	vst v63  }
0x4b: {  	_ = 	snop  }
0x4c: {  	[tilespmem:s15], [sflag:$0x2] =	stream.indirect.gather [hbm4b:s5+s13], $0x10, s13, s13, $0xb8;
	[tilespmem:$0xE000] =	vst v63  }
0x4d: {  	s8 =	simm.s32 $0x100  }
0x4e: {  	[tilespmem:s17], [sflag:$0x3] =	stream.indirect.gather [hbm4b:s5+s13], $0x10, s8, s13, $0xb8;
	[tilespmem:$0xE000] =	vst v63  }
0x4f: {  	s11 =	simm.s32 $0x180;
	s12 =	simm.s32 $0x6800  }
0x50: {  	[tilespmem:s12], [sflag:$0x4] =	stream.indirect.gather [hbm4b:s5+s13], $0x10, s11, s13, $0xb8;
	[tilespmem:$0xE000] =	vst v63  }
0x51: {  	s16 =	simm.s32 $0x200  }
0x52: {  	[tilespmem:s21], [sflag:$0x5] =	stream.indirect.gather [hbm4b:s5+s13], $0x10, s16, s13, $0xb8;
	[tilespmem:$0xE000] =	vst v63  }
0x53: {  	s18 =	simm.s32 $0x280  }
0x54: {  	[tilespmem:s23], [sflag:$0x6] =	stream.indirect.gather [hbm4b:s5+s13], $0x10, s18, s13, $0xb8;
	[tilespmem:$0xE000] =	vst v63  }
0x55: {  	s19 =	simm.s32 $0x300;
	s20 =	simm.s32 $0x8000  }
0x56: {  	[tilespmem:s20], [sflag:$0x7] =	stream.indirect.gather [hbm4b:s5+s13], $0x10, s19, s13, $0xb8;
	[tilespmem:$0xE000] =	vst v63  }
0x57: {  	s7 =	simm.s32 $0x0;
	s24 =	simm.s32 $0x380  }
0x58: {  	[tilespmem:s29], [sflag:$0x8] =	stream.indirect.gather [hbm4b:s5+s13], $0x10, s24, s13, $0xb8;
	[tilespmem:$0xE000] =	vst v63  }
.LBB2_2:
0x59: {  	_ =	swait.ge [sflag:s30], $0x800  }
0x5a: {  	s8 =	sshra.s32 s7, $0x2;
	[sflag:s30] =	ssyncset.done $0x0  }
0x5b: {  	p0 =	seq.s32 s7, $0x0;
	s11 =	sadd.s32 $0x2800, s8;
	[sflag:s30] =	ssyncadd.s32 $0xFFFFF800  }
0x5c: {  	[spmem:s3] =	stream.indirect.scatter.add.f32 [tilespmem:s14], [sflag:$0x9], $0x10, s11, s13, $0xb8;
	[tilespmem:$0xE000] =	vst v63  }
0x5d: {  	s11 =	simm.s32 @!p0 $0xF  }
0x5e: {  	_ =	swait.ge @!p0 [sflag:s11], $0x800  }
0x5f: {  	[sflag:s11] =	ssyncset.done @!p0 $0x0  }
0x60: {  	[sflag:s11] =	ssyncadd.s32 @!p0 $0xFFFFF800;
	s11 =	sshra.s32 @!p0 s7, $0x2  }
0x61: {  	s12 =	simm.s32 @!p0 $0x80;
	s16 =	simm.s32 @!p0 $0x8000;
	s24 =	sadd.s32 @!p0 $0x300, s11  }
0x62: {  	[tilespmem:s16], [sflag:$0x7] =	stream.indirect.gather @!p0 [hbm4b:s5+s12], $0x10, s24, s12, $0xb8;
	[tilespmem:$0xE000] =	vst v63  }
0x63: {  	_ =	swait.ge [sflag:s31], $0x800  }
0x64: {  	[sflag:s31] =	ssyncset.done $0x0  }
0x65: {  	s18 =	sadd.s32 $0x2880, s8;
	s16 =	simm.s32 @!p0 $0x10;
	[sflag:s31] =	ssyncadd.s32 $0xFFFFF800  }
0x66: {  	[spmem:s3] =	stream.indirect.scatter.add.f32 [tilespmem:s15], [sflag:$0xA], $0x10, s18, s13, $0xb8;
	[tilespmem:$0xE000] =	vst v63  }
0x67: {  	_ =	swait.ge @!p0 [sflag:s16], $0x800  }
0x68: {  	[sflag:s16] =	ssyncset.done @!p0 $0x0  }
0x69: {  	s11 =	sadd.s32 @!p0 $0x380, s11;
	[sflag:s16] =	ssyncadd.s32 @!p0 $0xFFFFF800;
	s16 =	simm.s32 @!p0 $0x8800  }
0x6a: {  	[tilespmem:s16], [sflag:$0x8] =	stream.indirect.gather @!p0 [hbm4b:s5+s12], $0x10, s11, s12, $0xb8;
	[tilespmem:$0xE000] =	vst v63  }
0x6b: {  	_ =	swait.ge [sflag:s1], $0x800  }
0x6c: {  	p0 =	seq.s32 s7, $0x9000;
	[sflag:s1] =	ssyncset.done $0x0  }
0x6d: {  	s19 =	sadd.s32 $0x2900, s8;
	s11 =	simm.s32 @p0 $0x4;
	[sflag:s1] =	ssyncadd.s32 $0xFFFFF800  }
0x6e: {  	[spmem:s3] =	stream.indirect.scatter.add.f32 [tilespmem:s17], [sflag:$0xB], $0x10, s19, s13, $0xb8;
	[tilespmem:$0xE000] =	vst v63  }
0x6f: {  	_ =	swait.ge @p0 [sflag:s11], $0x800  }
0x70: {  	s12 =	sshra.s32 @p0 s7, $0x2;
	s16 =	simm.s32 @p0 $0x80;
	[sflag:s11] =	ssyncset.done @p0 $0x0  }
0x71: {  	s24 =	simm.s32 @p0 $0x6800;
	[sflag:s11] =	ssyncadd.s32 @p0 $0xFFFFF800;
	s11 =	sadd.s32 @p0 $0x2980, s12  }
0x72: {  	[spmem:s3] =	stream.indirect.scatter.add.f32 @p0 [tilespmem:s24], [sflag:$0xC], $0x10, s11, s16, $0xb8;
	[tilespmem:$0xE000] =	vst v63  }
0x73: {  	s11 =	simm.s32 @!p0 $0x9  }
0x74: {  	_ =	swait.ge @!p0 [sflag:s11], $0x800  }
0x75: {  	[sflag:s11] =	ssyncset.done @!p0 $0x0  }
0x76: {  	[sflag:s11] =	ssyncadd.s32 @!p0 $0xFFFFF800;
	s11 =	sshra.s32 @!p0 s7, $0x2  }
0x77: {  	s19 =	simm.s32 @!p0 $0x5000;
	s24 =	simm.s32 @!p0 $0x80;
	s18 =	sadd.s32 @!p0 $0x400, s11  }
0x78: {  	[tilespmem:s19], [sflag:$0x1] =	stream.indirect.gather @!p0 [hbm4b:s5+s24], $0x10, s18, s24, $0xb8;
	[tilespmem:$0xE000] =	vst v63  }
0x79: {  	s18 =	simm.s32 @!p0 $0x4  }
0x7a: {  	_ =	swait.ge @!p0 [sflag:s18], $0x800  }
0x7b: {  	[sflag:s18] =	ssyncset.done @!p0 $0x0  }
0x7c: {  	s19 =	simm.s32 @!p0 $0x6800;
	[sflag:s18] =	ssyncadd.s32 @!p0 $0xFFFFF800;
	s18 =	sadd.s32 @!p0 $0x2980, s11  }
0x7d: {  	[spmem:s3] =	stream.indirect.scatter.add.f32 @!p0 [tilespmem:s19], [sflag:$0xC], $0x10, s18, s24, $0xb8;
	[tilespmem:$0xE000] =	vst v63  }
0x7e: {  	s18 =	simm.s32 @!p0 $0xA  }
0x7f: {  	_ =	swait.ge @!p0 [sflag:s18], $0x800  }
0x80: {  	[sflag:s18] =	ssyncset.done @!p0 $0x0  }
0x81: {  	s20 =	simm.s32 @!p0 $0x5800;
	[sflag:s18] =	ssyncadd.s32 @!p0 $0xFFFFF800;
	s18 =	sadd.s32 @!p0 $0x480, s11  }
0x82: {  	[tilespmem:s20], [sflag:$0x2] =	stream.indirect.gather @!p0 [hbm4b:s5+s24], $0x10, s18, s24, $0xb8;
	[tilespmem:$0xE000] =	vst v63  }
0x83: {  	_ =	swait.ge [sflag:s0], $0x800  }
0x84: {  	[sflag:s0] =	ssyncset.done $0x0  }
0x85: {  	s20 =	sadd.s32 $0x2A00, s8;
	s18 =	simm.s32 @p0 $0x6;
	[sflag:s0] =	ssyncadd.s32 $0xFFFFF800  }
0x86: {  	[spmem:s3] =	stream.indirect.scatter.add.f32 [tilespmem:s21], [sflag:$0xD], $0x10, s20, s13, $0xb8;
	[tilespmem:$0xE000] =	vst v63  }
0x87: {  	_ =	swait.ge @p0 [sflag:s18], $0x800  }
0x88: {  	[sflag:s18] =	ssyncset.done @p0 $0x0  }
0x89: {  	s12 =	sadd.s32 @p0 $0x2A80, s12;
	[sflag:s18] =	ssyncadd.s32 @p0 $0xFFFFF800;
	s18 =	simm.s32 @p0 $0x7800  }
0x8a: {  	[spmem:s3] =	stream.indirect.scatter.add.f32 @p0 [tilespmem:s18], [sflag:$0xE], $0x10, s12, s16, $0xb8;
	[tilespmem:$0xE000] =	vst v63  }
0x8b: {  	s12 =	simm.s32 @p0 $0x7  }
0x8c: {  	_ =	swait.ge @p0 [sflag:s12], $0x800  }
0x8d: {  	[sflag:s12] =	ssyncset.done @p0 $0x0  }
0x8e: {  	s18 =	simm.s32 @p0 $0x8000;
	[sflag:s12] =	ssyncadd.s32 @p0 $0xFFFFF800;
	s12 =	simm.s32 @p0 $0x4F00  }
0x8f: {  	[spmem:s3] =	stream.indirect.scatter.add.f32 @p0 [tilespmem:s18], [sflag:$0xF], $0x10, s12, s16, $0xb8;
	[tilespmem:$0xE000] =	vst v63  }
0x90: {  	s12 =	simm.s32 @!p0 $0xB  }
0x91: {  	_ =	swait.ge @!p0 [sflag:s12], $0x800  }
0x92: {  	[sflag:s12] =	ssyncset.done @!p0 $0x0  }
0x93: {  	s16 =	simm.s32 @!p0 $0x6000;
	[sflag:s12] =	ssyncadd.s32 @!p0 $0xFFFFF800;
	s12 =	sadd.s32 @!p0 $0x500, s11  }
0x94: {  	[tilespmem:s16], [sflag:$0x3] =	stream.indirect.gather @!p0 [hbm4b:s5+s24], $0x10, s12, s24, $0xb8;
	[tilespmem:$0xE000] =	vst v63  }
0x95: {  	s12 =	simm.s32 @!p0 $0x6  }
0x96: {  	_ =	swait.ge @!p0 [sflag:s12], $0x800  }
0x97: {  	[sflag:s12] =	ssyncset.done @!p0 $0x0  }
0x98: {  	s16 =	simm.s32 @!p0 $0x7800;
	[sflag:s12] =	ssyncadd.s32 @!p0 $0xFFFFF800;
	s12 =	sadd.s32 @!p0 $0x2A80, s11  }
0x99: {  	[spmem:s3] =	stream.indirect.scatter.add.f32 @!p0 [tilespmem:s16], [sflag:$0xE], $0x10, s12, s24, $0xb8;
	[tilespmem:$0xE000] =	vst v63  }
0x9a: {  	s12 =	simm.s32 @!p0 $0xC  }
0x9b: {  	_ =	swait.ge @!p0 [sflag:s12], $0x800  }
0x9c: {  	[sflag:s12] =	ssyncset.done @!p0 $0x0  }
0x9d: {  	[sflag:s12] =	ssyncadd.s32 @!p0 $0xFFFFF800;
	s12 =	sadd.s32 @!p0 $0x580, s11  }
0x9e: {  	[tilespmem:s19], [sflag:$0x4] =	stream.indirect.gather @!p0 [hbm4b:s5+s24], $0x10, s12, s24, $0xb8;
	[tilespmem:$0xE000] =	vst v63  }
0x9f: {  	s12 =	simm.s32 @!p0 $0x7  }
0xa0: {  	_ =	swait.ge @!p0 [sflag:s12], $0x800  }
0xa1: {  	[sflag:s12] =	ssyncset.done @!p0 $0x0  }
0xa2: {  	s16 =	simm.s32 @!p0 $0x8000;
	[sflag:s12] =	ssyncadd.s32 @!p0 $0xFFFFF800;
	s12 =	sadd.s32 @!p0 $0x2B00, s11  }
0xa3: {  	[spmem:s3] =	stream.indirect.scatter.add.f32 @!p0 [tilespmem:s16], [sflag:$0xF], $0x10, s12, s24, $0xb8;
	[tilespmem:$0xE000] =	vst v63  }
0xa4: {  	s12 =	simm.s32 @!p0 $0xD  }
0xa5: {  	_ =	swait.ge @!p0 [sflag:s12], $0x800  }
0xa6: {  	[sflag:s12] =	ssyncset.done @!p0 $0x0  }
0xa7: {  	s11 =	sadd.s32 @!p0 $0x600, s11;
	[sflag:s12] =	ssyncadd.s32 @!p0 $0xFFFFF800;
	s12 =	simm.s32 @!p0 $0x7000  }
0xa8: {  	[tilespmem:s12], [sflag:$0x5] =	stream.indirect.gather @!p0 [hbm4b:s5+s24], $0x10, s11, s24, $0xb8;
	[tilespmem:$0xE000] =	vst v63  }
.Ltmp2:
0xa9: {  	_ = 	snop;
	(pc) =	sbr.rel @p0 .LBB2_4-.Ltmp2, $4  }
0xaa: {  	_ =	swait.ge [sflag:s2], $0x800  }
0xab: {  	[sflag:s2] =	ssyncset.done $0x0  }
0xac: {  	s24 =	sadd.s32 $0x2B80, s8;
	[sflag:s2] =	ssyncadd.s32 $0xFFFFF800  }
0xad: {  	[spmem:s3] =	stream.indirect.scatter.add.f32 [tilespmem:s29], [sflag:$0x10], $0x10, s24, s13, $0xb8;
	[tilespmem:$0xE000] =	vst v63  }
.Ltmp3:
0xae: {  	(pc) =	sbr.rel .LBB2_2-.Ltmp3, $4  }
0xaf: {  	_ =	swait.ge [sflag:s22], $0x800  }
0xb0: {  	[sflag:s22] =	ssyncset.done $0x0  }
0xb1: {  	s8 =	sadd.s32 $0x680, s8;
	s7 =	sadd.s32 $0x1000, s7;
	[sflag:s22] =	ssyncadd.s32 $0xFFFFF800  }
0xb2: {  	[tilespmem:s23], [sflag:$0x6] =	stream.indirect.gather [hbm4b:s5+s13], $0x10, s8, s13, $0xb8;
	[tilespmem:$0xE000] =	vst v63  }
.LBB2_5:
0xb3: {  	_ =	sfence.sel $0x180000  }
0xb4: {  	[bflag:$0x0] =	sbarrier.arrive $0xFFFF  }
0xb5: {  	_ =	strace $0x9000004A  }
0xb6: {  	s0 =	stileid.u32;
	[bflag:$0x2] =	sbarrier.arrive $0xFFFF  }
0xb7: {  	p0 =	sne.s32 s0, $0x0;
	s0 =	rddreg [dreg:$0x3]  }
0xb8: {  	s0 =	sadd.s32 @!p0 $0x100000, s0  }
0xb9: {  	[sflag:s0] =	ssyncadd.tile.s32 @!p0 $0x1;
	_ =	shalt  }
.Lfunc_end2:
_tile_overlayer_lowered:
.L_overlay_start_2:
0xba: {  	(tag) =	ssettag $0x2  }
0xbb: {  	s0 =	rddreg [dreg:$0x0];
	s2 =	stileid.u32  }
0xbc: {  	s1 =	rddreg [dreg:$0x1];
	p0 =	sne.s32 s2, $0x0  }
0xbd: {  	s3 =	rddreg [dreg:$0x2];
	[bflag:$0x3] =	sbarrier.arrive $0xFFFF;
	s2 =	simm.s32 @!p0 $0x1C11  }
0xbe: {  	[timem:s3], [sflag:s2] =	dma.local @!p0 [hbm:s0], s1  }
0xbf: {  	s0 =	simm.s32 @!p0 $0x11  }
0xc0: {  	_ =	swait.ge @!p0 [sflag:s0], s1  }
0xc1: {  	s1 =	ssub.s32 @!p0 $0x0, s1;
	[sflag:s0] =	ssyncset.done @!p0 $0x0  }
0xc2: {  	[sflag:s0] =	ssyncadd.s32 @!p0 s1  }
0xc3: {  	[bflag:$0x3] =	sbarrier.arrive $0xFFFF  }
0xc4: {  	_ =	shalt  }

// kernel: kernel.15.cloned.1.call-start
scs
__scs_entry_jumppad:
0x0: {  	(pc) =	sbr.rel $0x88, $3  }
0x1: {  	(tag) =	ssettag $0x0;
	lr =	simm.s32 $0x1  }
0x2: {  	[smem:$0x3F9D] =	sst lr;
	_ =	strace $0xD0000000  }
0x3: {  	_ = 	snop  }
0x4: {  	_ = 	snop  }
0x5: {  	_ = 	snop  }
0x6: {  	_ = 	snop  }
0x7: {  	_ = 	snop  }
__scs_overlays_trampoline_lowered:
0x8: {  	[smem:$0x3FAC] =	sst s0  }
0x9: {  	[smem:$0x3FAD] =	sst s1  }
0xa: {  	[smem:$0x3FAE] =	sst s2  }
0xb: {  	[smem:$0x3FAF] =	sst s3  }
0xc: {  	[smem:$0x3FB0] =	sst s4  }
0xd: {  	[smem:$0x3FB1] =	sst s5  }
0xe: {  	[smem:$0x3FB2] =	sst s6  }
0xf: {  	[smem:$0x3FB3] =	sst s7  }
0x10: {  	[smem:$0x3FB4] =	sst s8  }
0x11: {  	[smem:$0x3FB5] =	sst s9;
	s0 =	simm.s32 @!p0 $0x0  }
0x12: {  	s1 =	sld [smem:$0x3F9B];
	s0 =	simm.s32 @p0 $0x1  }
0x13: {  	[smem:$0x3FB6] =	sst s0;
	s0 =	simm.s32 @!p1 $0x0  }
0x14: {  	s2 =	sld [smem:$0x3F9A];
	s0 =	simm.s32 @p1 $0x1  }
0x15: {  	[smem:$0x3FB7] =	sst s0;
	s0 =	simm.s32 @!p2 $0x0  }
0x16: {  	s3 =	sld [smem:$0x3FDB];
	s0 =	simm.s32 @p2 $0x1  }
0x17: {  	s4 =	simm.s32 $0x1BF5;
	[smem:$0x3FB9] =	sst s0  }
0x18: {  	s0 =	sld [smem:$0x3F9C];
	_ =	swait.ge [sflag:s4], $0x0  }
0x19: {  	s7 =	sld [smem:$0x3F9D]  }
0x1a: {  	s8 =	sadd.s32 $0xFFFFE003, lr  }
0x1b: {  	s9 =	sadd.s32 $0xFFFFFEF7, lr;
	s5 =	simm.s32 $0xFFFFFFFF;
	p2 =	slt.u32 s8, $0xFFFFF086  }
0x1c: {  	p1 =	slt.u32 s9, $0xF7A;
	s5 =	simm.s32 @!p2 $0x0  }
0x1d: {  	s5 =	simm.s32 @p1 $0x1;
	p0 =	seq.s32 s7, s2  }
0x1e: {  	s7 =	smul.u32 @!p0 $0xF7A, s2;
	p2 =	seq.s32 @!p0 s5, $0x0  }
0x1f: {  	s9 =	smul.u32 $0xF7A, s1;
	s8 =	simm.s32 @!p0 $0x1BF5;
	p2 =	por !p2, p0  }
0x20: {  	[sflag:s8] =	ssyncset.s32 @!p0 $0xFFFFF086;
	s6 =	sadd.s32 @!p0 s3, s7;
	s7 =	simm.s32 @!p0 $0x108  }
0x21: {  	s3 =	sadd.s32 s3, s9;
	s6 =	sadd.s32 @!p0 $0x88, s6;
	s7 =	simm.s32 @p2 $0x1082  }
0x22: {  	[simem:s7], [sflag:s8] =	dma.local @!p0 [hbm:s6], $0xF7A  }
0x23: {  	s9 =	sor.u32 $0xD0000000, s2;
	s6 =	simm.s32 $0x108;
	_ =	swait.ge @!p0 [sflag:s8], $0x0  }
0x24: {  	s3 =	sadd.s32 $0x88, s3;
	s6 =	simm.s32 @!p1 $0x1082;
	[sflag:s4] =	ssyncset.s32 $0xFFFFF086  }
0x25: {  	[simem:s6], [sflag:s4] =	dma.local [hbm:s3], $0xF7A  }
0x26: {  	[smem:$0x3F9D] =	sst s1;
	(tag) =	ssettag s2;
	_ =	strace s9  }
0x27: {  	s1 =	sld [smem:$0x3FAD]  }
0x28: {  	s2 =	sld [smem:$0x3FAE]  }
0x29: {  	s4 =	sld [smem:$0x3FB0]  }
0x2a: {  	p0 =	seq.s32 s5, $0x0;
	s5 =	sld [smem:$0x3FB1]  }
0x2b: {  	s6 =	sld [smem:$0x3FB2]  }
0x2c: {  	s7 =	sld [smem:$0x3FB3]  }
0x2d: {  	s3 =	simm.s32 $0x108;
	s8 =	sld [smem:$0x3FB4]  }
0x2e: {  	s3 =	simm.s32 @!p0 $0x1082;
	s9 =	sld [smem:$0x3FB5]  }
0x2f: {  	lr =	sadd.s32 s0, s3;
	s0 =	sld [smem:$0x3FAC]  }
0x30: {  	s3 =	sld [smem:$0x3FAF]  }
0x31: {  	[smem:$0x3FB8] =	sst s10  }
0x32: {  	s10 =	sld [smem:$0x3FB6];
	_ =	sdelay $0x3  }
0x33: {  	p0 =	seq.s32 s10, $0x1;
	s10 =	sld [smem:$0x3FB8];
	_ =	sdelay $0x3  }
0x34: {  	[smem:$0x3FB8] =	sst s10  }
0x35: {  	s10 =	sld [smem:$0x3FB7];
	_ =	sdelay $0x3  }
0x36: {  	p1 =	seq.s32 s10, $0x1;
	s10 =	sld [smem:$0x3FB8];
	_ =	sdelay $0x3  }
0x37: {  	[smem:$0x3FB8] =	sst s10  }
0x38: {  	s10 =	sld [smem:$0x3FB9]  }
0x39: {  	_ = 	snop;
	(pc) =	sbr.ind lr, $3  }
0x3a: {  	_ = 	snop  }
0x3b: {  	_ = 	snop  }
0x3c: {  	p2 =	seq.s32 s10, $0x1;
	s10 =	sld [smem:$0x3FB8]  }
0x3d: {  	_ =	shalt  }
0x3e: {  	_ =	shalt  }
0x3f: {  	_ =	shalt  }
0x40: {  	_ =	shalt  }
0x41: {  	_ =	shalt  }
0x42: {  	_ =	shalt  }
0x43: {  	_ =	shalt  }
0x44: {  	_ =	shalt  }
0x45: {  	_ =	shalt  }
0x46: {  	_ =	shalt  }
0x47: {  	_ =	shalt  }
0x48: {  	_ =	shalt  }
0x49: {  	_ =	shalt  }
0x4a: {  	_ =	shalt  }
0x4b: {  	_ =	shalt  }
0x4c: {  	_ =	shalt  }
0x4d: {  	_ =	shalt  }
0x4e: {  	_ =	shalt  }
0x4f: {  	_ =	shalt  }
0x50: {  	_ =	shalt  }
0x51: {  	_ =	shalt  }
0x52: {  	_ =	shalt  }
0x53: {  	_ =	shalt  }
0x54: {  	_ =	shalt  }
0x55: {  	_ =	shalt  }
0x56: {  	_ =	shalt  }
0x57: {  	_ =	shalt  }
0x58: {  	_ =	shalt  }
0x59: {  	_ =	shalt  }
0x5a: {  	_ =	shalt  }
0x5b: {  	_ =	shalt  }
0x5c: {  	_ =	shalt  }
0x5d: {  	_ =	shalt  }
0x5e: {  	_ =	shalt  }
0x5f: {  	_ =	shalt  }
0x60: {  	_ =	shalt  }
0x61: {  	_ =	shalt  }
0x62: {  	_ =	shalt  }
0x63: {  	_ =	shalt  }
0x64: {  	_ =	shalt  }
0x65: {  	_ =	shalt  }
0x66: {  	_ =	shalt  }
0x67: {  	_ =	shalt  }
0x68: {  	_ =	shalt  }
0x69: {  	_ =	shalt  }
0x6a: {  	_ =	shalt  }
0x6b: {  	_ =	shalt  }
0x6c: {  	_ =	shalt  }
0x6d: {  	_ =	shalt  }
0x6e: {  	_ =	shalt  }
0x6f: {  	_ =	shalt  }
0x70: {  	_ =	shalt  }
0x71: {  	_ =	shalt  }
0x72: {  	_ =	shalt  }
0x73: {  	_ =	shalt  }
0x74: {  	_ =	shalt  }
0x75: {  	_ =	shalt  }
0x76: {  	_ =	shalt  }
0x77: {  	_ =	shalt  }
0x78: {  	_ =	shalt  }
0x79: {  	_ =	shalt  }
0x7a: {  	_ =	shalt  }
0x7b: {  	_ =	shalt  }
0x7c: {  	_ =	shalt  }
0x7d: {  	_ =	shalt  }
0x7e: {  	_ =	shalt  }
0x7f: {  	_ =	shalt  }
0x80: {  	_ =	shalt  }
0x81: {  	_ =	shalt  }
0x82: {  	_ =	shalt  }
0x83: {  	_ =	shalt  }
0x84: {  	_ =	shalt  }
0x85: {  	_ =	shalt  }
0x86: {  	_ =	shalt  }
0x87: {  	_ =	shalt  }
.Lfunc_end0:
.L_simem_size_0:
called_computation.2_lowered:
.L_overlay_start_0:
0x88: {  	s2 =	sld [smem:$0x3FD9]  }
0x89: {  	s3 =	sld [smem:$0x3FFE];
	_ =	sdelay $0x1  }
0x8a: {  	s1 =	srdreg.scid  }
0x8b: {  	s0 =	sand.u32 $0x1, s1  }
0x8c: {  	s17 =	sshll.u32 s0, $0xA;
	s2 =	sadd.s32 s3, s2  }
0x8d: {  	s2 =	sadd.s32 s2, s17  }
0x8e: {  	[smem:$0x3FC4] =	sst s2  }
0x8f: {  	_ = 	snop  }
0x90: {  	s2 =	sld [smem:$0x3FD0];
	(tm) =	ssettm $0x1  }
0x91: {  	s18 =	sld [smem:$0x3FFB];
	_ =	sdelay $0x3  }
0x92: {  	_ =	strace s18  }
0x93: {  	s3 =	sld [smem:$0x3FFC];
	_ =	sdelay $0x3  }
0x94: {  	_ =	strace s3  }
0x95: {  	s3 =	sld [smem:$0x3FFD];
	_ =	sdelay $0x3  }
0x96: {  	_ =	strace s3  }
0x97: {  	_ =	strace $0x8FFFFFFF  }
0x98: {  	s19 =	sld [smem:$0x3FDB];
	_ =	sdelay $0x1  }
0x99: {  	s4 =	simm.s32 $_scs_section_size  }
0x9a: {  	s5 =	simm.s32 $_size__tile_overlayer_lowered;
	s6 =	simm.s32 $_tile_overlayer_lowered  }
0x9b: {  	s22 =	simm.s32 $0x1BFF;
	s21 =	sshll.u32 s6, $0x1;
	s3 =	sadd.s32 s4, s19  }
0x9c: {  	s7 =	simm.s32 $0x0;
	s20 =	sshll.u32 s5, $0x1;
	s5 =	sadd.s32 s21, s3  }
0x9d: {  	[timem:s7], [sflag:s22] =	dma.local [hbm:s5], s20  }
0x9e: {  	_ =	swait.ge [sflag:s22], s20  }
0x9f: {  	s4 =	ssub.s32 $0x0, s20;
	[sflag:s22] =	ssyncset.done $0x0  }
0xa0: {  	[sflag:s22] =	ssyncadd.s32 s4;
	_ =	sdelay $0x1  }
0xa1: {  	s23 =	simm.s32 $0x1B8B  }
0xa2: {  	_ =	swait.ge [sflag:s23], $0x1  }
0xa3: {  	[sflag:s23] =	ssyncset.done $0x0  }
0xa4: {  	s25 =	simm.s32 $0x1B8E;
	s24 =	sld [smem:$0x3FFE];
	[sflag:s23] =	ssyncadd.s32 $0xFFFFFFFF  }
0xa5: {  	s26 =	simm.s32 $execute0_lowered;
	[smem:$0x3FD2] =	sst s25  }
0xa6: {  	s5 =	sshll.u32 s26, $0x1;
	_ =	strace $0x8000004C;
	[dreg:$0x1] =	wrdreg $0xFFFFFFFF  }
0xa7: {  	s28 =	simm.s32 $_size_execute0_lowered;
	s3 =	sadd.s32 s3, s5;
	[dreg:$0x0] =	wrdreg $0x0  }
0xa8: {  	s5 =	sshll.u32 s28, $0x1;
	[dreg:$0x2] =	wrdreg s3  }
0xa9: {  	[dreg:$0x3] =	wrdreg s5  }
0xaa: {  	[dreg:$0x4] =	wrdreg $0xC0  }
0xab: {  	_ =	task [dreg:s7], $0x5FFFF  }
0xac: {  	[dreg:$0x1] =	wrdreg $0xFFFFFFFF  }
0xad: {  	[dreg:$0x0] =	wrdreg $0x60  }
0xae: {  	[dreg:$0x2] =	wrdreg s24  }
0xaf: {  	[dreg:$0x3] =	wrdreg s2  }
0xb0: {  	[dreg:$0x4] =	wrdreg $0xB8000  }
0xb1: {  	[dreg:$0x5] =	wrdreg $0x9  }
0xb2: {  	_ =	task.clear_ibuf [dreg:s7], $0x6FFFF;
	_ =	strace $0x9000004C  }
0xb3: {  	s29 =	simm.s32 $0x9;
	_ =	strace $0x8000004E  }
0xb4: {  	_ =	swait.ge [sflag:s29], $0x1  }
0xb5: {  	[sflag:s29] =	ssyncadd.s32 $0xFFFFFFFF  }
0xb6: {  	_ =	strace $0x9000004E  }
0xb7: {  	_ =	sfence  }
0xb8: {  	s30 =	sld [smem:$0x0];
	_ =	sdelay $0x2  }
0xb9: {  	s31 =	sshll.u32 s1, $0xD;
	s1 =	sshrl.u32 s1, $0x2  }
0xba: {  	s3 =	sand.u32 $0x4000, s31;
	s1 =	sadd.s32 s1, s30  }
0xbb: {  	s0 =	sor.u32 s3, s0;
	s1 =	sshll.u32 s1, $0x11  }
0xbc: {  	s0 =	sor.u32 s1, s0  }
0xbd: {  	s0 =	sadd.s32 $0x8F2B, s0  }
0xbe: {  	[sflag:s0] =	ssyncadd.remote.s32 $0x1  }
0xbf: {  	_ =	sfence.sel $0xFFFF  }
0xc0: {  	[dreg:$0x0] =	wrdreg $0xFFFFFFFF;
	(pc) =	sbr.abs _section_cstart, $3  }
0xc1: {  	[dreg:$0x1] =	wrdreg $0xFFFFFFFF  }
0xc2: {  	_ =	task.clear_ibuf [dreg:s7], $0x2FFFF;
	_ =	strace $0x9FFFFFFF  }
0xc3: {  	(tm) =	ssettm $0x7FFFFFFF  }
tec
execute0_lowered:
.L_overlay_start_1:
0x0: {  	(tag) =	ssettag $0x1  }
0x1: {  	s0 =	rddreg [dreg:$0x0];
	s1 =	srdreg.scid  }
0x2: {  	s5 =	stileid.u32;
	s3 =	rddreg [dreg:$0x2];
	s4 =	simm.s32 $0x0  }
0x3: {  	s13 =	simm.s32 $0x80;
	s14 =	simm.s32 $0x5000;
	s15 =	simm.s32 $0x5800  }
0x4: {  	s17 =	simm.s32 $0x6000;
	s21 =	simm.s32 $0x7000;
	s23 =	simm.s32 $0x7800  }
0x5: {  	s29 =	simm.s32 $0x8800;
	s30 =	simm.s32 $0x1;
	s31 =	simm.s32 $0x2  }
0x6: {  	s22 =	simm.s32 $0xE;
	s28 =	simm.s32 $0x0;
	s1 =	sand.u32 $0x1, s1  }
0x7: {  	s2 =	sshll.u32 s5, $0x1;
	[smem:$0x7FF] =	sst s4;
	s7 =	smul.u32 $0x2800, s5  }
0x8: {  	s2 =	sor.u32 s1, s2;
	s6 =	smul.u32 $0x5000, s1;
	s1 =	ssub.s32 $0x2, s1  }
0x9: {  	s5 =	sadd.s32 $0x16C00, s0;
	_ =	strace $0x8000004D;
	s9 =	sshrl.u32 s1, $0x1  }
0xa: {  	s2 =	smul.u32 $0x500, s2;
	s10 =	sadd.s32 s6, s0;
	s1 =	ssub.s32 s1, s9  }
0xb: {  	s6 =	sadd.s32 s7, s3;
	s7 =	sshrl.u32 s7, $0x3;
	s9 =	simm.s32 $0x9000  }
0xc: {  	s8 =	sadd.s32 s2, s0;
	s0 =	sadd.s32 $0xCC00, s0;
	s25 =	sadd.s32 $0x1BC00, s10  }
.Ltmp0:
0xd: {  	s1 =	smax.u32 s1, $0x1;
	s10 =	simm.s32 $0x11;
	(pc) =	sbr.rel .LBB2_1-.Ltmp0, $4  }
0xe: {  	s8 =	sadd.s32 $0x2C00, s8;
	[dreg:$0x5] =	wrdreg s1;
	s0 =	sadd.s32 s2, s0  }
0xf: {  	s26 =	sadd.s32 s7, s25;
	s1 =	simm.s32 $0x3;
	[dreg:$0x4] =	wrdreg s8  }
0x10: {  	s2 =	simm.s32 $0x8;
	s25 =	simm.s32 $0xF;
	[dreg:$0x6] =	wrdreg s0  }
0x11: {  	[dreg:$0x7] =	wrdreg s26;
	s0 =	simm.s32 $0x5;
	s26 =	simm.s32 $0x10  }
.LBB2_4:
0x12: {  	s7 =	simm.s32 $0x9  }
0x13: {  	_ =	swait.ge [sflag:s7], $0x800  }
0x14: {  	[sflag:s7] =	ssyncset.done $0x0  }
0x15: {  	s12 =	simm.s32 $0xA;
	[sflag:s7] =	ssyncadd.s32 $0xFFFFF800  }
0x16: {  	_ =	swait.ge [sflag:s12], $0x800  }
0x17: {  	[sflag:s12] =	ssyncset.done $0x0  }
0x18: {  	s16 =	simm.s32 $0xB;
	[sflag:s12] =	ssyncadd.s32 $0xFFFFF800  }
0x19: {  	_ =	swait.ge [sflag:s16], $0x800  }
0x1a: {  	[sflag:s16] =	ssyncset.done $0x0  }
0x1b: {  	s18 =	simm.s32 $0xC;
	[sflag:s16] =	ssyncadd.s32 $0xFFFFF800  }
0x1c: {  	_ =	swait.ge [sflag:s18], $0x800  }
0x1d: {  	[sflag:s18] =	ssyncset.done $0x0  }
0x1e: {  	s19 =	simm.s32 $0xD;
	[sflag:s18] =	ssyncadd.s32 $0xFFFFF800  }
0x1f: {  	_ =	swait.ge [sflag:s19], $0x800  }
0x20: {  	[sflag:s19] =	ssyncset.done $0x0  }
0x21: {  	[sflag:s19] =	ssyncadd.s32 $0xFFFFF800  }
0x22: {  	_ =	swait.ge [sflag:s22], $0x800  }
0x23: {  	[sflag:s22] =	ssyncset.done $0x0  }
0x24: {  	[sflag:s22] =	ssyncadd.s32 $0xFFFFF800  }
0x25: {  	_ =	swait.ge [sflag:s25], $0x800  }
0x26: {  	[sflag:s25] =	ssyncset.done $0x0  }
0x27: {  	[sflag:s25] =	ssyncadd.s32 $0xFFFFF800  }
0x28: {  	_ =	swait.ge [sflag:s26], $0x800  }
0x29: {  	[sflag:s26] =	ssyncset.done $0x0  }
0x2a: {  	[sflag:s26] =	ssyncadd.s32 $0xFFFFF800  }
0x2b: {  	[bflag:$0x0] =	sbarrier.arrive $0xFFFF  }
0x2c: {  	[tilespmem:s9], [sflag:$0x11] =	stream.linear.gather [spmem:s6], $0x2800, $0x38;
	[tilespmem:$0xE000] =	vst v63  }
0x2d: {  	_ =	swait.ge [sflag:s10], $0x2800  }
0x2e: {  	[sflag:s10] =	ssyncset.done $0x0  }
0x2f: {  	s20 =	rddreg [dreg:$0x7];
	[sflag:s10] =	ssyncadd.s32 $0xFFFFD800  }
0x30: {  	[hbm4b:s20+s4] =	stream.linear.scatter [tilespmem:s9], [sflag:$0x11], $0x2800, $0x38;
	[tilespmem:$0xE000] =	vst v63  }
0x31: {  	_ =	swait.ge [sflag:s10], $0x2800  }
0x32: {  	s28 =	sadd.s32 $0x1, s28;
	s24 =	rddreg [dreg:$0x5]  }
0x33: {  	p0 =	sne.s32 s28, s24  }
.Ltmp1:
0x34: {  	_ = 	snop;
	(pc) =	sbr.rel @!p0 .LBB2_5-.Ltmp1, $3  }
0x35: {  	_ =	sdelay $0x1  }
0x36: {  	[sflag:s10] =	ssyncset.done $0x0  }
0x37: {  	[sflag:s10] =	ssyncadd.s32 $0xFFFFD800  }
.LBB2_1:
0x38: {  	s7 =	rddreg [dreg:$0x1]  }
0x39: {  	[tilespmem:s9], [sflag:$0x11] =	stream.linear.gather [hbm4b:s7+s4], $0x2800, $0x38;
	[tilespmem:$0xE000] =	vst v63  }
0x3a: {  	_ =	swait.ge [sflag:s10], $0x2800  }
0x3b: {  	[sflag:s10] =	ssyncset.done $0x0  }
0x3c: {  	[sflag:s10] =	ssyncadd.s32 $0xFFFFD800  }
0x3d: {  	[spmem:s6] =	stream.linear.scatter [tilespmem:s9], [sflag:$0x11], $0x2800, $0x38;
	[tilespmem:$0xE000] =	vst v63  }
0x3e: {  	_ =	swait.ge [sflag:s10], $0x2800  }
0x3f: {  	[sflag:s10] =	ssyncset.done $0x0  }
0x40: {  	s20 =	rddreg [dreg:$0x4];
	[sflag:s10] =	ssyncadd.s32 $0xFFFFD800  }
0x41: {  	[tilespmem:s4], [sflag:$0x11] =	stream.linear.gather [hbm4b:s20+s4], $0x2800, $0x38;
	[tilespmem:$0xE000] =	vst v63  }
0x42: {  	_ =	swait.ge [sflag:s10], $0x2800  }
0x43: {  	[sflag:s10] =	ssyncset.done $0x0  }
0x44: {  	s8 =	simm.s32 $0x2800;
	s24 =	rddreg [dreg:$0x6];
	[sflag:s10] =	ssyncadd.s32 $0xFFFFD800  }
0x45: {  	[tilespmem:s8], [sflag:$0x11] =	stream.linear.gather [hbm4b:s24+s4], $0x2800, $0x38;
	[tilespmem:$0xE000] =	vst v63  }
0x46: {  	_ =	swait.ge [sflag:s10], $0x2800  }
0x47: {  	[sflag:s10] =	ssyncset.done $0x0  }
0x48: {  	[sflag:s10] =	ssyncadd.s32 $0xFFFFD800  }
0x49: {  	[bflag:$0x0] =	sbarrier.arrive $0xFFFF  }
0x4a: {  	[tilespmem:s14], [sflag:$0x1] =	stream.indirect.gather [hbm4b:s5+s13], $0x10, s4, s13, $0xb8;
	[tilespmem:$0xE000] =	vst v63  }
0x4b: {  	_ = 	snop  }
0x4c: {  	[tilespmem:s15], [sflag:$0x2] =	stream.indirect.gather [hbm4b:s5+s13], $0x10, s13, s13, $0xb8;
	[tilespmem:$0xE000] =	vst v63  }
0x4d: {  	s8 =	simm.s32 $0x100  }
0x4e: {  	[tilespmem:s17], [sflag:$0x3] =	stream.indirect.gather [hbm4b:s5+s13], $0x10, s8, s13, $0xb8;
	[tilespmem:$0xE000] =	vst v63  }
0x4f: {  	s11 =	simm.s32 $0x180;
	s12 =	simm.s32 $0x6800  }
0x50: {  	[tilespmem:s12], [sflag:$0x4] =	stream.indirect.gather [hbm4b:s5+s13], $0x10, s11, s13, $0xb8;
	[tilespmem:$0xE000] =	vst v63  }
0x51: {  	s16 =	simm.s32 $0x200  }
0x52: {  	[tilespmem:s21], [sflag:$0x5] =	stream.indirect.gather [hbm4b:s5+s13], $0x10, s16, s13, $0xb8;
	[tilespmem:$0xE000] =	vst v63  }
0x53: {  	s18 =	simm.s32 $0x280  }
0x54: {  	[tilespmem:s23], [sflag:$0x6] =	stream.indirect.gather [hbm4b:s5+s13], $0x10, s18, s13, $0xb8;
	[tilespmem:$0xE000] =	vst v63  }
0x55: {  	s19 =	simm.s32 $0x300;
	s20 =	simm.s32 $0x8000  }
0x56: {  	[tilespmem:s20], [sflag:$0x7] =	stream.indirect.gather [hbm4b:s5+s13], $0x10, s19, s13, $0xb8;
	[tilespmem:$0xE000] =	vst v63  }
0x57: {  	s7 =	simm.s32 $0x0;
	s24 =	simm.s32 $0x380  }
0x58: {  	[tilespmem:s29], [sflag:$0x8] =	stream.indirect.gather [hbm4b:s5+s13], $0x10, s24, s13, $0xb8;
	[tilespmem:$0xE000] =	vst v63  }
.LBB2_2:
0x59: {  	_ =	swait.ge [sflag:s30], $0x800  }
0x5a: {  	s8 =	sshra.s32 s7, $0x2;
	[sflag:s30] =	ssyncset.done $0x0  }
0x5b: {  	p0 =	seq.s32 s7, $0x0;
	s11 =	sadd.s32 $0x2800, s8;
	[sflag:s30] =	ssyncadd.s32 $0xFFFFF800  }
0x5c: {  	[spmem:s3] =	stream.indirect.scatter.add.f32 [tilespmem:s14], [sflag:$0x9], $0x10, s11, s13, $0xb8;
	[tilespmem:$0xE000] =	vst v63  }
0x5d: {  	s11 =	simm.s32 @!p0 $0xF  }
0x5e: {  	_ =	swait.ge @!p0 [sflag:s11], $0x800  }
0x5f: {  	[sflag:s11] =	ssyncset.done @!p0 $0x0  }
0x60: {  	[sflag:s11] =	ssyncadd.s32 @!p0 $0xFFFFF800;
	s11 =	sshra.s32 @!p0 s7, $0x2  }
0x61: {  	s12 =	simm.s32 @!p0 $0x80;
	s16 =	simm.s32 @!p0 $0x8000;
	s24 =	sadd.s32 @!p0 $0x300, s11  }
0x62: {  	[tilespmem:s16], [sflag:$0x7] =	stream.indirect.gather @!p0 [hbm4b:s5+s12], $0x10, s24, s12, $0xb8;
	[tilespmem:$0xE000] =	vst v63  }
0x63: {  	_ =	swait.ge [sflag:s31], $0x800  }
0x64: {  	[sflag:s31] =	ssyncset.done $0x0  }
0x65: {  	s18 =	sadd.s32 $0x2880, s8;
	s16 =	simm.s32 @!p0 $0x10;
	[sflag:s31] =	ssyncadd.s32 $0xFFFFF800  }
0x66: {  	[spmem:s3] =	stream.indirect.scatter.add.f32 [tilespmem:s15], [sflag:$0xA], $0x10, s18, s13, $0xb8;
	[tilespmem:$0xE000] =	vst v63  }
0x67: {  	_ =	swait.ge @!p0 [sflag:s16], $0x800  }
0x68: {  	[sflag:s16] =	ssyncset.done @!p0 $0x0  }
0x69: {  	s11 =	sadd.s32 @!p0 $0x380, s11;
	[sflag:s16] =	ssyncadd.s32 @!p0 $0xFFFFF800;
	s16 =	simm.s32 @!p0 $0x8800  }
0x6a: {  	[tilespmem:s16], [sflag:$0x8] =	stream.indirect.gather @!p0 [hbm4b:s5+s12], $0x10, s11, s12, $0xb8;
	[tilespmem:$0xE000] =	vst v63  }
0x6b: {  	_ =	swait.ge [sflag:s1], $0x800  }
0x6c: {  	p0 =	seq.s32 s7, $0x9000;
	[sflag:s1] =	ssyncset.done $0x0  }
0x6d: {  	s19 =	sadd.s32 $0x2900, s8;
	s11 =	simm.s32 @p0 $0x4;
	[sflag:s1] =	ssyncadd.s32 $0xFFFFF800  }
0x6e: {  	[spmem:s3] =	stream.indirect.scatter.add.f32 [tilespmem:s17], [sflag:$0xB], $0x10, s19, s13, $0xb8;
	[tilespmem:$0xE000] =	vst v63  }
0x6f: {  	_ =	swait.ge @p0 [sflag:s11], $0x800  }
0x70: {  	s12 =	sshra.s32 @p0 s7, $0x2;
	s16 =	simm.s32 @p0 $0x80;
	[sflag:s11] =	ssyncset.done @p0 $0x0  }
0x71: {  	s24 =	simm.s32 @p0 $0x6800;
	[sflag:s11] =	ssyncadd.s32 @p0 $0xFFFFF800;
	s11 =	sadd.s32 @p0 $0x2980, s12  }
0x72: {  	[spmem:s3] =	stream.indirect.scatter.add.f32 @p0 [tilespmem:s24], [sflag:$0xC], $0x10, s11, s16, $0xb8;
	[tilespmem:$0xE000] =	vst v63  }
0x73: {  	s11 =	simm.s32 @!p0 $0x9  }
0x74: {  	_ =	swait.ge @!p0 [sflag:s11], $0x800  }
0x75: {  	[sflag:s11] =	ssyncset.done @!p0 $0x0  }
0x76: {  	[sflag:s11] =	ssyncadd.s32 @!p0 $0xFFFFF800;
	s11 =	sshra.s32 @!p0 s7, $0x2  }
0x77: {  	s19 =	simm.s32 @!p0 $0x5000;
	s24 =	simm.s32 @!p0 $0x80;
	s18 =	sadd.s32 @!p0 $0x400, s11  }
0x78: {  	[tilespmem:s19], [sflag:$0x1] =	stream.indirect.gather @!p0 [hbm4b:s5+s24], $0x10, s18, s24, $0xb8;
	[tilespmem:$0xE000] =	vst v63  }
0x79: {  	s18 =	simm.s32 @!p0 $0x4  }
0x7a: {  	_ =	swait.ge @!p0 [sflag:s18], $0x800  }
0x7b: {  	[sflag:s18] =	ssyncset.done @!p0 $0x0  }
0x7c: {  	s19 =	simm.s32 @!p0 $0x6800;
	[sflag:s18] =	ssyncadd.s32 @!p0 $0xFFFFF800;
	s18 =	sadd.s32 @!p0 $0x2980, s11  }
0x7d: {  	[spmem:s3] =	stream.indirect.scatter.add.f32 @!p0 [tilespmem:s19], [sflag:$0xC], $0x10, s18, s24, $0xb8;
	[tilespmem:$0xE000] =	vst v63  }
0x7e: {  	s18 =	simm.s32 @!p0 $0xA  }
0x7f: {  	_ =	swait.ge @!p0 [sflag:s18], $0x800  }
0x80: {  	[sflag:s18] =	ssyncset.done @!p0 $0x0  }
0x81: {  	s20 =	simm.s32 @!p0 $0x5800;
	[sflag:s18] =	ssyncadd.s32 @!p0 $0xFFFFF800;
	s18 =	sadd.s32 @!p0 $0x480, s11  }
0x82: {  	[tilespmem:s20], [sflag:$0x2] =	stream.indirect.gather @!p0 [hbm4b:s5+s24], $0x10, s18, s24, $0xb8;
	[tilespmem:$0xE000] =	vst v63  }
0x83: {  	_ =	swait.ge [sflag:s0], $0x800  }
0x84: {  	[sflag:s0] =	ssyncset.done $0x0  }
0x85: {  	s20 =	sadd.s32 $0x2A00, s8;
	s18 =	simm.s32 @p0 $0x6;
	[sflag:s0] =	ssyncadd.s32 $0xFFFFF800  }
0x86: {  	[spmem:s3] =	stream.indirect.scatter.add.f32 [tilespmem:s21], [sflag:$0xD], $0x10, s20, s13, $0xb8;
	[tilespmem:$0xE000] =	vst v63  }
0x87: {  	_ =	swait.ge @p0 [sflag:s18], $0x800  }
0x88: {  	[sflag:s18] =	ssyncset.done @p0 $0x0  }
0x89: {  	s12 =	sadd.s32 @p0 $0x2A80, s12;
	[sflag:s18] =	ssyncadd.s32 @p0 $0xFFFFF800;
	s18 =	simm.s32 @p0 $0x7800  }
0x8a: {  	[spmem:s3] =	stream.indirect.scatter.add.f32 @p0 [tilespmem:s18], [sflag:$0xE], $0x10, s12, s16, $0xb8;
	[tilespmem:$0xE000] =	vst v63  }
0x8b: {  	s12 =	simm.s32 @p0 $0x7  }
0x8c: {  	_ =	swait.ge @p0 [sflag:s12], $0x800  }
0x8d: {  	[sflag:s12] =	ssyncset.done @p0 $0x0  }
0x8e: {  	s18 =	simm.s32 @p0 $0x8000;
	[sflag:s12] =	ssyncadd.s32 @p0 $0xFFFFF800;
	s12 =	simm.s32 @p0 $0x4F00  }
0x8f: {  	[spmem:s3] =	stream.indirect.scatter.add.f32 @p0 [tilespmem:s18], [sflag:$0xF], $0x10, s12, s16, $0xb8;
	[tilespmem:$0xE000] =	vst v63  }
0x90: {  	s12 =	simm.s32 @!p0 $0xB  }
0x91: {  	_ =	swait.ge @!p0 [sflag:s12], $0x800  }
0x92: {  	[sflag:s12] =	ssyncset.done @!p0 $0x0  }
0x93: {  	s16 =	simm.s32 @!p0 $0x6000;
	[sflag:s12] =	ssyncadd.s32 @!p0 $0xFFFFF800;
	s12 =	sadd.s32 @!p0 $0x500, s11  }
0x94: {  	[tilespmem:s16], [sflag:$0x3] =	stream.indirect.gather @!p0 [hbm4b:s5+s24], $0x10, s12, s24, $0xb8;
	[tilespmem:$0xE000] =	vst v63  }
0x95: {  	s12 =	simm.s32 @!p0 $0x6  }
0x96: {  	_ =	swait.ge @!p0 [sflag:s12], $0x800  }
0x97: {  	[sflag:s12] =	ssyncset.done @!p0 $0x0  }
0x98: {  	s16 =	simm.s32 @!p0 $0x7800;
	[sflag:s12] =	ssyncadd.s32 @!p0 $0xFFFFF800;
	s12 =	sadd.s32 @!p0 $0x2A80, s11  }
0x99: {  	[spmem:s3] =	stream.indirect.scatter.add.f32 @!p0 [tilespmem:s16], [sflag:$0xE], $0x10, s12, s24, $0xb8;
	[tilespmem:$0xE000] =	vst v63  }
0x9a: {  	s12 =	simm.s32 @!p0 $0xC  }
0x9b: {  	_ =	swait.ge @!p0 [sflag:s12], $0x800  }
0x9c: {  	[sflag:s12] =	ssyncset.done @!p0 $0x0  }
0x9d: {  	[sflag:s12] =	ssyncadd.s32 @!p0 $0xFFFFF800;
	s12 =	sadd.s32 @!p0 $0x580, s11  }
0x9e: {  	[tilespmem:s19], [sflag:$0x4] =	stream.indirect.gather @!p0 [hbm4b:s5+s24], $0x10, s12, s24, $0xb8;
	[tilespmem:$0xE000] =	vst v63  }
0x9f: {  	s12 =	simm.s32 @!p0 $0x7  }
0xa0: {  	_ =	swait.ge @!p0 [sflag:s12], $0x800  }
0xa1: {  	[sflag:s12] =	ssyncset.done @!p0 $0x0  }
0xa2: {  	s16 =	simm.s32 @!p0 $0x8000;
	[sflag:s12] =	ssyncadd.s32 @!p0 $0xFFFFF800;
	s12 =	sadd.s32 @!p0 $0x2B00, s11  }
0xa3: {  	[spmem:s3] =	stream.indirect.scatter.add.f32 @!p0 [tilespmem:s16], [sflag:$0xF], $0x10, s12, s24, $0xb8;
	[tilespmem:$0xE000] =	vst v63  }
0xa4: {  	s12 =	simm.s32 @!p0 $0xD  }
0xa5: {  	_ =	swait.ge @!p0 [sflag:s12], $0x800  }
0xa6: {  	[sflag:s12] =	ssyncset.done @!p0 $0x0  }
0xa7: {  	s11 =	sadd.s32 @!p0 $0x600, s11;
	[sflag:s12] =	ssyncadd.s32 @!p0 $0xFFFFF800;
	s12 =	simm.s32 @!p0 $0x7000  }
0xa8: {  	[tilespmem:s12], [sflag:$0x5] =	stream.indirect.gather @!p0 [hbm4b:s5+s24], $0x10, s11, s24, $0xb8;
	[tilespmem:$0xE000] =	vst v63  }
.Ltmp2:
0xa9: {  	_ = 	snop;
	(pc) =	sbr.rel @p0 .LBB2_4-.Ltmp2, $4  }
0xaa: {  	_ =	swait.ge [sflag:s2], $0x800  }
0xab: {  	[sflag:s2] =	ssyncset.done $0x0  }
0xac: {  	s24 =	sadd.s32 $0x2B80, s8;
	[sflag:s2] =	ssyncadd.s32 $0xFFFFF800  }
0xad: {  	[spmem:s3] =	stream.indirect.scatter.add.f32 [tilespmem:s29], [sflag:$0x10], $0x10, s24, s13, $0xb8;
	[tilespmem:$0xE000] =	vst v63  }
.Ltmp3:
0xae: {  	(pc) =	sbr.rel .LBB2_2-.Ltmp3, $4  }
0xaf: {  	_ =	swait.ge [sflag:s22], $0x800  }
0xb0: {  	[sflag:s22] =	ssyncset.done $0x0  }
0xb1: {  	s8 =	sadd.s32 $0x680, s8;
	s7 =	sadd.s32 $0x1000, s7;
	[sflag:s22] =	ssyncadd.s32 $0xFFFFF800  }
0xb2: {  	[tilespmem:s23], [sflag:$0x6] =	stream.indirect.gather [hbm4b:s5+s13], $0x10, s8, s13, $0xb8;
	[tilespmem:$0xE000] =	vst v63  }
.LBB2_5:
0xb3: {  	_ =	sfence.sel $0x180000  }
0xb4: {  	[bflag:$0x0] =	sbarrier.arrive $0xFFFF  }
0xb5: {  	_ =	strace $0x9000004D  }
0xb6: {  	s0 =	stileid.u32;
	[bflag:$0x2] =	sbarrier.arrive $0xFFFF  }
0xb7: {  	p0 =	sne.s32 s0, $0x0;
	s0 =	rddreg [dreg:$0x3]  }
0xb8: {  	s0 =	sadd.s32 @!p0 $0x100000, s0  }
0xb9: {  	[sflag:s0] =	ssyncadd.tile.s32 @!p0 $0x1;
	_ =	shalt  }
.Lfunc_end2:
_tile_overlayer_lowered:
.L_overlay_start_2:
0xba: {  	(tag) =	ssettag $0x2  }
0xbb: {  	s0 =	rddreg [dreg:$0x0];
	s2 =	stileid.u32  }
0xbc: {  	s1 =	rddreg [dreg:$0x1];
	p0 =	sne.s32 s2, $0x0  }
0xbd: {  	s3 =	rddreg [dreg:$0x2];
	[bflag:$0x3] =	sbarrier.arrive $0xFFFF;
	s2 =	simm.s32 @!p0 $0x1C11  }
0xbe: {  	[timem:s3], [sflag:s2] =	dma.local @!p0 [hbm:s0], s1  }
0xbf: {  	s0 =	simm.s32 @!p0 $0x11  }
0xc0: {  	_ =	swait.ge @!p0 [sflag:s0], s1  }
0xc1: {  	s1 =	ssub.s32 @!p0 $0x0, s1;
	[sflag:s0] =	ssyncset.done @!p0 $0x0  }
0xc2: {  	[sflag:s0] =	ssyncadd.s32 @!p0 s1  }
0xc3: {  	[bflag:$0x3] =	sbarrier.arrive $0xFFFF  }
0xc4: {  	_ =	shalt  }

// kernel: kernel.9.cloned.1.call-start
scs
__scs_entry_jumppad:
0x0: {  	(pc) =	sbr.rel $0x88, $3  }
0x1: {  	(tag) =	ssettag $0x0;
	lr =	simm.s32 $0x1  }
0x2: {  	[smem:$0x3F9D] =	sst lr;
	_ =	strace $0xD0000000  }
0x3: {  	_ = 	snop  }
0x4: {  	_ = 	snop  }
0x5: {  	_ = 	snop  }
0x6: {  	_ = 	snop  }
0x7: {  	_ = 	snop  }
__scs_overlays_trampoline_lowered:
0x8: {  	[smem:$0x3FAC] =	sst s0  }
0x9: {  	[smem:$0x3FAD] =	sst s1  }
0xa: {  	[smem:$0x3FAE] =	sst s2  }
0xb: {  	[smem:$0x3FAF] =	sst s3  }
0xc: {  	[smem:$0x3FB0] =	sst s4  }
0xd: {  	[smem:$0x3FB1] =	sst s5  }
0xe: {  	[smem:$0x3FB2] =	sst s6  }
0xf: {  	[smem:$0x3FB3] =	sst s7  }
0x10: {  	[smem:$0x3FB4] =	sst s8  }
0x11: {  	[smem:$0x3FB5] =	sst s9;
	s0 =	simm.s32 @!p0 $0x0  }
0x12: {  	s1 =	sld [smem:$0x3F9B];
	s0 =	simm.s32 @p0 $0x1  }
0x13: {  	[smem:$0x3FB6] =	sst s0;
	s0 =	simm.s32 @!p1 $0x0  }
0x14: {  	s2 =	sld [smem:$0x3F9A];
	s0 =	simm.s32 @p1 $0x1  }
0x15: {  	[smem:$0x3FB7] =	sst s0;
	s0 =	simm.s32 @!p2 $0x0  }
0x16: {  	s3 =	sld [smem:$0x3FDB];
	s0 =	simm.s32 @p2 $0x1  }
0x17: {  	s4 =	simm.s32 $0x1BF5;
	[smem:$0x3FB9] =	sst s0  }
0x18: {  	s0 =	sld [smem:$0x3F9C];
	_ =	swait.ge [sflag:s4], $0x0  }
0x19: {  	s7 =	sld [smem:$0x3F9D]  }
0x1a: {  	s8 =	sadd.s32 $0xFFFFE003, lr  }
0x1b: {  	s9 =	sadd.s32 $0xFFFFFEF7, lr;
	s5 =	simm.s32 $0xFFFFFFFF;
	p2 =	slt.u32 s8, $0xFFFFF086  }
0x1c: {  	p1 =	slt.u32 s9, $0xF7A;
	s5 =	simm.s32 @!p2 $0x0  }
0x1d: {  	s5 =	simm.s32 @p1 $0x1;
	p0 =	seq.s32 s7, s2  }
0x1e: {  	s7 =	smul.u32 @!p0 $0xF7A, s2;
	p2 =	seq.s32 @!p0 s5, $0x0  }
0x1f: {  	s9 =	smul.u32 $0xF7A, s1;
	s8 =	simm.s32 @!p0 $0x1BF5;
	p2 =	por !p2, p0  }
0x20: {  	[sflag:s8] =	ssyncset.s32 @!p0 $0xFFFFF086;
	s6 =	sadd.s32 @!p0 s3, s7;
	s7 =	simm.s32 @!p0 $0x108  }
0x21: {  	s3 =	sadd.s32 s3, s9;
	s6 =	sadd.s32 @!p0 $0x88, s6;
	s7 =	simm.s32 @p2 $0x1082  }
0x22: {  	[simem:s7], [sflag:s8] =	dma.local @!p0 [hbm:s6], $0xF7A  }
0x23: {  	s9 =	sor.u32 $0xD0000000, s2;
	s6 =	simm.s32 $0x108;
	_ =	swait.ge @!p0 [sflag:s8], $0x0  }
0x24: {  	s3 =	sadd.s32 $0x88, s3;
	s6 =	simm.s32 @!p1 $0x1082;
	[sflag:s4] =	ssyncset.s32 $0xFFFFF086  }
0x25: {  	[simem:s6], [sflag:s4] =	dma.local [hbm:s3], $0xF7A  }
0x26: {  	[smem:$0x3F9D] =	sst s1;
	(tag) =	ssettag s2;
	_ =	strace s9  }
0x27: {  	s1 =	sld [smem:$0x3FAD]  }
0x28: {  	s2 =	sld [smem:$0x3FAE]  }
0x29: {  	s4 =	sld [smem:$0x3FB0]  }
0x2a: {  	p0 =	seq.s32 s5, $0x0;
	s5 =	sld [smem:$0x3FB1]  }
0x2b: {  	s6 =	sld [smem:$0x3FB2]  }
0x2c: {  	s7 =	sld [smem:$0x3FB3]  }
0x2d: {  	s3 =	simm.s32 $0x108;
	s8 =	sld [smem:$0x3FB4]  }
0x2e: {  	s3 =	simm.s32 @!p0 $0x1082;
	s9 =	sld [smem:$0x3FB5]  }
0x2f: {  	lr =	sadd.s32 s0, s3;
	s0 =	sld [smem:$0x3FAC]  }
0x30: {  	s3 =	sld [smem:$0x3FAF]  }
0x31: {  	[smem:$0x3FB8] =	sst s10  }
0x32: {  	s10 =	sld [smem:$0x3FB6];
	_ =	sdelay $0x3  }
0x33: {  	p0 =	seq.s32 s10, $0x1;
	s10 =	sld [smem:$0x3FB8];
	_ =	sdelay $0x3  }
0x34: {  	[smem:$0x3FB8] =	sst s10  }
0x35: {  	s10 =	sld [smem:$0x3FB7];
	_ =	sdelay $0x3  }
0x36: {  	p1 =	seq.s32 s10, $0x1;
	s10 =	sld [smem:$0x3FB8];
	_ =	sdelay $0x3  }
0x37: {  	[smem:$0x3FB8] =	sst s10  }
0x38: {  	s10 =	sld [smem:$0x3FB9]  }
0x39: {  	_ = 	snop;
	(pc) =	sbr.ind lr, $3  }
0x3a: {  	_ = 	snop  }
0x3b: {  	_ = 	snop  }
0x3c: {  	p2 =	seq.s32 s10, $0x1;
	s10 =	sld [smem:$0x3FB8]  }
0x3d: {  	_ =	shalt  }
0x3e: {  	_ =	shalt  }
0x3f: {  	_ =	shalt  }
0x40: {  	_ =	shalt  }
0x41: {  	_ =	shalt  }
0x42: {  	_ =	shalt  }
0x43: {  	_ =	shalt  }
0x44: {  	_ =	shalt  }
0x45: {  	_ =	shalt  }
0x46: {  	_ =	shalt  }
0x47: {  	_ =	shalt  }
0x48: {  	_ =	shalt  }
0x49: {  	_ =	shalt  }
0x4a: {  	_ =	shalt  }
0x4b: {  	_ =	shalt  }
0x4c: {  	_ =	shalt  }
0x4d: {  	_ =	shalt  }
0x4e: {  	_ =	shalt  }
0x4f: {  	_ =	shalt  }
0x50: {  	_ =	shalt  }
0x51: {  	_ =	shalt  }
0x52: {  	_ =	shalt  }
0x53: {  	_ =	shalt  }
0x54: {  	_ =	shalt  }
0x55: {  	_ =	shalt  }
0x56: {  	_ =	shalt  }
0x57: {  	_ =	shalt  }
0x58: {  	_ =	shalt  }
0x59: {  	_ =	shalt  }
0x5a: {  	_ =	shalt  }
0x5b: {  	_ =	shalt  }
0x5c: {  	_ =	shalt  }
0x5d: {  	_ =	shalt  }
0x5e: {  	_ =	shalt  }
0x5f: {  	_ =	shalt  }
0x60: {  	_ =	shalt  }
0x61: {  	_ =	shalt  }
0x62: {  	_ =	shalt  }
0x63: {  	_ =	shalt  }
0x64: {  	_ =	shalt  }
0x65: {  	_ =	shalt  }
0x66: {  	_ =	shalt  }
0x67: {  	_ =	shalt  }
0x68: {  	_ =	shalt  }
0x69: {  	_ =	shalt  }
0x6a: {  	_ =	shalt  }
0x6b: {  	_ =	shalt  }
0x6c: {  	_ =	shalt  }
0x6d: {  	_ =	shalt  }
0x6e: {  	_ =	shalt  }
0x6f: {  	_ =	shalt  }
0x70: {  	_ =	shalt  }
0x71: {  	_ =	shalt  }
0x72: {  	_ =	shalt  }
0x73: {  	_ =	shalt  }
0x74: {  	_ =	shalt  }
0x75: {  	_ =	shalt  }
0x76: {  	_ =	shalt  }
0x77: {  	_ =	shalt  }
0x78: {  	_ =	shalt  }
0x79: {  	_ =	shalt  }
0x7a: {  	_ =	shalt  }
0x7b: {  	_ =	shalt  }
0x7c: {  	_ =	shalt  }
0x7d: {  	_ =	shalt  }
0x7e: {  	_ =	shalt  }
0x7f: {  	_ =	shalt  }
0x80: {  	_ =	shalt  }
0x81: {  	_ =	shalt  }
0x82: {  	_ =	shalt  }
0x83: {  	_ =	shalt  }
0x84: {  	_ =	shalt  }
0x85: {  	_ =	shalt  }
0x86: {  	_ =	shalt  }
0x87: {  	_ =	shalt  }
.Lfunc_end0:
.L_simem_size_0:
called_computation_lowered:
.L_overlay_start_0:
0x88: {  	s2 =	sld [smem:$0x3FD9]  }
0x89: {  	s3 =	sld [smem:$0x3FFE];
	_ =	sdelay $0x1  }
0x8a: {  	s1 =	srdreg.scid  }
0x8b: {  	s0 =	sand.u32 $0x1, s1  }
0x8c: {  	s17 =	sshll.u32 s0, $0xA;
	s2 =	sadd.s32 s3, s2  }
0x8d: {  	s2 =	sadd.s32 s2, s17  }
0x8e: {  	[smem:$0x3FC4] =	sst s2  }
0x8f: {  	_ = 	snop  }
0x90: {  	s2 =	sld [smem:$0x3FD0];
	(tm) =	ssettm $0x1  }
0x91: {  	s18 =	sld [smem:$0x3FFB];
	_ =	sdelay $0x3  }
0x92: {  	_ =	strace s18  }
0x93: {  	s3 =	sld [smem:$0x3FFC];
	_ =	sdelay $0x3  }
0x94: {  	_ =	strace s3  }
0x95: {  	s3 =	sld [smem:$0x3FFD];
	_ =	sdelay $0x3  }
0x96: {  	_ =	strace s3  }
0x97: {  	_ =	strace $0x8FFFFFFF  }
0x98: {  	s19 =	sld [smem:$0x3FDB];
	_ =	sdelay $0x1  }
0x99: {  	s4 =	simm.s32 $_scs_section_size  }
0x9a: {  	s5 =	simm.s32 $_size__tile_overlayer_lowered;
	s6 =	simm.s32 $_tile_overlayer_lowered  }
0x9b: {  	s22 =	simm.s32 $0x1BFF;
	s21 =	sshll.u32 s6, $0x1;
	s3 =	sadd.s32 s4, s19  }
0x9c: {  	s7 =	simm.s32 $0x0;
	s20 =	sshll.u32 s5, $0x1;
	s5 =	sadd.s32 s21, s3  }
0x9d: {  	[timem:s7], [sflag:s22] =	dma.local [hbm:s5], s20  }
0x9e: {  	_ =	swait.ge [sflag:s22], s20  }
0x9f: {  	s4 =	ssub.s32 $0x0, s20;
	[sflag:s22] =	ssyncset.done $0x0  }
0xa0: {  	[sflag:s22] =	ssyncadd.s32 s4;
	_ =	sdelay $0x1  }
0xa1: {  	s23 =	simm.s32 $0x1B8B  }
0xa2: {  	_ =	swait.ge [sflag:s23], $0x1  }
0xa3: {  	[sflag:s23] =	ssyncset.done $0x0  }
0xa4: {  	s25 =	simm.s32 $0x1B8E;
	s24 =	sld [smem:$0x3FFE];
	[sflag:s23] =	ssyncadd.s32 $0xFFFFFFFF  }
0xa5: {  	s26 =	simm.s32 $execute0_lowered;
	[smem:$0x3FD2] =	sst s25  }
0xa6: {  	s5 =	sshll.u32 s26, $0x1;
	_ =	strace $0x80000046;
	[dreg:$0x1] =	wrdreg $0xFFFFFFFF  }
0xa7: {  	s28 =	simm.s32 $_size_execute0_lowered;
	s3 =	sadd.s32 s3, s5;
	[dreg:$0x0] =	wrdreg $0x0  }
0xa8: {  	s5 =	sshll.u32 s28, $0x1;
	[dreg:$0x2] =	wrdreg s3  }
0xa9: {  	[dreg:$0x3] =	wrdreg s5  }
0xaa: {  	[dreg:$0x4] =	wrdreg $0xC0  }
0xab: {  	_ =	task [dreg:s7], $0x5FFFF  }
0xac: {  	[dreg:$0x1] =	wrdreg $0xFFFFFFFF  }
0xad: {  	[dreg:$0x0] =	wrdreg $0x60  }
0xae: {  	[dreg:$0x2] =	wrdreg s24  }
0xaf: {  	[dreg:$0x3] =	wrdreg s2  }
0xb0: {  	[dreg:$0x4] =	wrdreg $0xC0000  }
0xb1: {  	[dreg:$0x5] =	wrdreg $0xE8000  }
0xb2: {  	[dreg:$0x6] =	wrdreg $0x110000  }
0xb3: {  	[dreg:$0x7] =	wrdreg $0x9  }
0xb4: {  	_ =	task.clear_ibuf [dreg:s7], $0x8FFFF;
	_ =	strace $0x90000046  }
0xb5: {  	s29 =	simm.s32 $0x9;
	_ =	strace $0x80000048  }
0xb6: {  	_ =	swait.ge [sflag:s29], $0x1  }
0xb7: {  	[sflag:s29] =	ssyncadd.s32 $0xFFFFFFFF  }
0xb8: {  	_ =	strace $0x90000048  }
0xb9: {  	_ =	sfence  }
0xba: {  	s30 =	sld [smem:$0x0];
	_ =	sdelay $0x2  }
0xbb: {  	s31 =	sshll.u32 s1, $0xD;
	s1 =	sshrl.u32 s1, $0x2  }
0xbc: {  	s3 =	sand.u32 $0x4000, s31;
	s1 =	sadd.s32 s1, s30  }
0xbd: {  	s0 =	sor.u32 s3, s0;
	s1 =	sshll.u32 s1, $0x11  }
0xbe: {  	s0 =	sor.u32 s1, s0  }
0xbf: {  	s0 =	sadd.s32 $0x8F2B, s0  }
0xc0: {  	[sflag:s0] =	ssyncadd.remote.s32 $0x1  }
0xc1: {  	_ =	sfence.sel $0xFFFF  }
0xc2: {  	[dreg:$0x0] =	wrdreg $0xFFFFFFFF;
	(pc) =	sbr.abs _section_cstart, $3  }
0xc3: {  	[dreg:$0x1] =	wrdreg $0xFFFFFFFF  }
0xc4: {  	_ =	task.clear_ibuf [dreg:s7], $0x2FFFF;
	_ =	strace $0x9FFFFFFF  }
0xc5: {  	(tm) =	ssettm $0x7FFFFFFF  }
tec
execute0_lowered:
.L_overlay_start_1:
0x0: {  	(tag) =	ssettag $0x1  }
0x1: {  	s0 =	rddreg [dreg:$0x0]  }
0x2: {  	s2 =	rddreg [dreg:$0x2]  }
0x3: {  	s4 =	rddreg [dreg:$0x3];
	s1 =	srdreg.scid  }
0x4: {  	s9 =	stileid.u32;
	s5 =	rddreg [dreg:$0x4];
	s11 =	simm.s32 $0x0  }
0x5: {  	s14 =	simm.s32 $0x9800;
	s15 =	simm.s32 $0x11;
	s16 =	simm.s32 $0x5000  }
0x6: {  	s19 =	simm.s32 $0x80;
	s20 =	simm.s32 $0x5800;
	s31 =	simm.s32 $0x7800  }
0x7: {  	s28 =	simm.s32 $0x9000;
	s29 =	simm.s32 $0x1;
	s30 =	simm.s32 $0x2  }
0x8: {  	s18 =	simm.s32 $0x8;
	s1 =	sand.u32 $0x1, s1;
	s3 =	sshll.u32 s9, $0x1  }
0x9: {  	[smem:$0x7FF] =	sst s11;
	s7 =	sadd.s32 $0x16C00, s0;
	s9 =	smul.u32 $0x2800, s9  }
0xa: {  	s10 =	sadd.s32 $0x1BC00, s0;
	s3 =	sor.u32 s1, s3;
	_ =	strace $0x80000047  }
0xb: {  	s6 =	smul.u32 $0x5000, s1;
	s1 =	ssub.s32 $0x2, s1;
	[dreg:$0x6] =	wrdreg s10  }
0xc: {  	s3 =	smul.u32 $0x500, s3;
	s21 =	sshrl.u32 s1, $0x1;
	s12 =	sadd.s32 s9, s2  }
0xd: {  	s13 =	sadd.s32 s9, s4;
	s17 =	sadd.s32 s9, s5;
	[dreg:$0x7] =	wrdreg s12  }
0xe: {  	s9 =	sshrl.u32 s9, $0x3;
	s6 =	sadd.s32 s6, s0;
	[dreg:$0x8] =	wrdreg s13  }
0xf: {  	s1 =	ssub.s32 s1, s21;
	s21 =	simm.s32 $0x6000;
	[dreg:$0x9] =	wrdreg s17  }
0x10: {  	s8 =	sadd.s32 s3, s0;
	s0 =	sadd.s32 $0xCC00, s0;
	s22 =	sadd.s32 $0x1BE00, s6  }
0x11: {  	s23 =	sadd.s32 $0x25E00, s6;
	s6 =	sadd.s32 $0x2FE00, s6;
	s1 =	smax.u32 s1, $0x1  }
0x12: {  	s8 =	sadd.s32 $0x2C00, s8;
	[dreg:$0xb] =	wrdreg s1;
	s0 =	sadd.s32 s3, s0  }
.Ltmp0:
0x13: {  	s24 =	sadd.s32 s9, s22;
	[dreg:$0xa] =	wrdreg s8;
	(pc) =	sbr.rel .LBB2_1-.Ltmp0, $4  }
0x14: {  	s25 =	sadd.s32 s9, s23;
	s26 =	sadd.s32 s9, s6;
	[dreg:$0xc] =	wrdreg s0  }
0x15: {  	s3 =	simm.s32 $0x3;
	s1 =	simm.s32 $0x5;
	[dreg:$0xd] =	wrdreg s24  }
0x16: {  	s22 =	simm.s32 $0xE;
	s9 =	simm.s32 $0x0;
	[dreg:$0xe] =	wrdreg s25  }
0x17: {  	[dreg:$0xf] =	wrdreg s26;
	s26 =	simm.s32 $0x6800;
	s0 =	simm.s32 $0x8000  }
.LBB2_4:
0x18: {  	s6 =	simm.s32 $0x9  }
0x19: {  	_ =	swait.ge [sflag:s6], $0x800  }
0x1a: {  	[sflag:s6] =	ssyncset.done $0x0  }
0x1b: {  	[sflag:s6] =	ssyncadd.s32 $0xFFFFF800  }
0x1c: {  	_ =	swait.ge [sflag:s6], $0x800  }
0x1d: {  	[sflag:s6] =	ssyncset.done $0x0  }
0x1e: {  	[sflag:s6] =	ssyncadd.s32 $0xFFFFF800  }
0x1f: {  	_ =	swait.ge [sflag:s6], $0x800  }
0x20: {  	[sflag:s6] =	ssyncset.done $0x0  }
0x21: {  	s25 =	simm.s32 $0xA;
	[sflag:s6] =	ssyncadd.s32 $0xFFFFF800  }
0x22: {  	_ =	swait.ge [sflag:s25], $0x800  }
0x23: {  	[sflag:s25] =	ssyncset.done $0x0  }
0x24: {  	[sflag:s25] =	ssyncadd.s32 $0xFFFFF800  }
0x25: {  	_ =	swait.ge [sflag:s25], $0x800  }
0x26: {  	[sflag:s25] =	ssyncset.done $0x0  }
0x27: {  	[sflag:s25] =	ssyncadd.s32 $0xFFFFF800  }
0x28: {  	_ =	swait.ge [sflag:s25], $0x800  }
0x29: {  	[sflag:s25] =	ssyncset.done $0x0  }
0x2a: {  	s8 =	simm.s32 $0xB;
	[sflag:s25] =	ssyncadd.s32 $0xFFFFF800  }
0x2b: {  	_ =	swait.ge [sflag:s8], $0x800  }
0x2c: {  	[sflag:s8] =	ssyncset.done $0x0  }
0x2d: {  	[sflag:s8] =	ssyncadd.s32 $0xFFFFF800  }
0x2e: {  	_ =	swait.ge [sflag:s8], $0x800  }
0x2f: {  	[sflag:s8] =	ssyncset.done $0x0  }
0x30: {  	[sflag:s8] =	ssyncadd.s32 $0xFFFFF800  }
0x31: {  	_ =	swait.ge [sflag:s8], $0x800  }
0x32: {  	[sflag:s8] =	ssyncset.done $0x0  }
0x33: {  	s10 =	simm.s32 $0xC;
	[sflag:s8] =	ssyncadd.s32 $0xFFFFF800  }
0x34: {  	_ =	swait.ge [sflag:s10], $0x800  }
0x35: {  	[sflag:s10] =	ssyncset.done $0x0  }
0x36: {  	[sflag:s10] =	ssyncadd.s32 $0xFFFFF800  }
0x37: {  	_ =	swait.ge [sflag:s10], $0x800  }
0x38: {  	[sflag:s10] =	ssyncset.done $0x0  }
0x39: {  	[sflag:s10] =	ssyncadd.s32 $0xFFFFF800  }
0x3a: {  	_ =	swait.ge [sflag:s10], $0x800  }
0x3b: {  	[sflag:s10] =	ssyncset.done $0x0  }
0x3c: {  	s11 =	simm.s32 $0xD;
	[sflag:s10] =	ssyncadd.s32 $0xFFFFF800  }
0x3d: {  	_ =	swait.ge [sflag:s11], $0x800  }
0x3e: {  	[sflag:s11] =	ssyncset.done $0x0  }
0x3f: {  	[sflag:s11] =	ssyncadd.s32 $0xFFFFF800  }
0x40: {  	_ =	swait.ge [sflag:s11], $0x800  }
0x41: {  	[sflag:s11] =	ssyncset.done $0x0  }
0x42: {  	[sflag:s11] =	ssyncadd.s32 $0xFFFFF800  }
0x43: {  	_ =	swait.ge [sflag:s11], $0x800  }
0x44: {  	[sflag:s11] =	ssyncset.done $0x0  }
0x45: {  	[sflag:s11] =	ssyncadd.s32 $0xFFFFF800  }
0x46: {  	_ =	swait.ge [sflag:s22], $0x800  }
0x47: {  	[sflag:s22] =	ssyncset.done $0x0  }
0x48: {  	[sflag:s22] =	ssyncadd.s32 $0xFFFFF800  }
0x49: {  	_ =	swait.ge [sflag:s22], $0x800  }
0x4a: {  	[sflag:s22] =	ssyncset.done $0x0  }
0x4b: {  	[sflag:s22] =	ssyncadd.s32 $0xFFFFF800  }
0x4c: {  	_ =	swait.ge [sflag:s22], $0x800  }
0x4d: {  	[sflag:s22] =	ssyncset.done $0x0  }
0x4e: {  	s12 =	simm.s32 $0xF;
	[sflag:s22] =	ssyncadd.s32 $0xFFFFF800  }
0x4f: {  	_ =	swait.ge [sflag:s12], $0x800  }
0x50: {  	[sflag:s12] =	ssyncset.done $0x0  }
0x51: {  	[sflag:s12] =	ssyncadd.s32 $0xFFFFF800  }
0x52: {  	_ =	swait.ge [sflag:s12], $0x800  }
0x53: {  	[sflag:s12] =	ssyncset.done $0x0  }
0x54: {  	[sflag:s12] =	ssyncadd.s32 $0xFFFFF800  }
0x55: {  	_ =	swait.ge [sflag:s12], $0x800  }
0x56: {  	[sflag:s12] =	ssyncset.done $0x0  }
0x57: {  	s13 =	simm.s32 $0x10;
	[sflag:s12] =	ssyncadd.s32 $0xFFFFF800  }
0x58: {  	_ =	swait.ge [sflag:s13], $0x800  }
0x59: {  	[sflag:s13] =	ssyncset.done $0x0  }
0x5a: {  	[sflag:s13] =	ssyncadd.s32 $0xFFFFF800  }
0x5b: {  	_ =	swait.ge [sflag:s13], $0x800  }
0x5c: {  	[sflag:s13] =	ssyncset.done $0x0  }
0x5d: {  	[sflag:s13] =	ssyncadd.s32 $0xFFFFF800  }
0x5e: {  	_ =	swait.ge [sflag:s13], $0x800  }
0x5f: {  	[sflag:s13] =	ssyncset.done $0x0  }
0x60: {  	[sflag:s13] =	ssyncadd.s32 $0xFFFFF800  }
0x61: {  	[bflag:$0x0] =	sbarrier.arrive $0xFFFF  }
0x62: {  	s12 =	rddreg [dreg:$0x7]  }
0x63: {  	[tilespmem:s14], [sflag:$0x11] =	stream.linear.gather [spmem:s12], $0x2800, $0x38;
	[tilespmem:$0x13800] =	vst v63  }
0x64: {  	_ =	swait.ge [sflag:s15], $0x2800  }
0x65: {  	[sflag:s15] =	ssyncset.done $0x0  }
0x66: {  	s11 =	simm.s32 $0x0;
	s17 =	rddreg [dreg:$0xd];
	[sflag:s15] =	ssyncadd.s32 $0xFFFFD800  }
0x67: {  	[hbm4b:s17+s11] =	stream.linear.scatter [tilespmem:s14], [sflag:$0x11], $0x2800, $0x38;
	[tilespmem:$0x13800] =	vst v63  }
0x68: {  	_ =	swait.ge [sflag:s15], $0x2800  }
0x69: {  	[sflag:s15] =	ssyncset.done $0x0  }
0x6a: {  	s13 =	rddreg [dreg:$0x8];
	[sflag:s15] =	ssyncadd.s32 $0xFFFFD800  }
0x6b: {  	[tilespmem:s14], [sflag:$0x11] =	stream.linear.gather [spmem:s13], $0x2800, $0x38;
	[tilespmem:$0x13800] =	vst v63  }
0x6c: {  	_ =	swait.ge [sflag:s15], $0x2800  }
0x6d: {  	[sflag:s15] =	ssyncset.done $0x0  }
0x6e: {  	s23 =	rddreg [dreg:$0xe];
	[sflag:s15] =	ssyncadd.s32 $0xFFFFD800  }
0x6f: {  	[hbm4b:s23+s11] =	stream.linear.scatter [tilespmem:s14], [sflag:$0x11], $0x2800, $0x38;
	[tilespmem:$0x13800] =	vst v63  }
0x70: {  	_ =	swait.ge [sflag:s15], $0x2800  }
0x71: {  	[sflag:s15] =	ssyncset.done $0x0  }
0x72: {  	s17 =	rddreg [dreg:$0x9];
	[sflag:s15] =	ssyncadd.s32 $0xFFFFD800  }
0x73: {  	[tilespmem:s14], [sflag:$0x11] =	stream.linear.gather [spmem:s17], $0x2800, $0x38;
	[tilespmem:$0x13800] =	vst v63  }
0x74: {  	_ =	swait.ge [sflag:s15], $0x2800  }
0x75: {  	[sflag:s15] =	ssyncset.done $0x0  }
0x76: {  	s24 =	rddreg [dreg:$0xf];
	[sflag:s15] =	ssyncadd.s32 $0xFFFFD800  }
0x77: {  	[hbm4b:s24+s11] =	stream.linear.scatter [tilespmem:s14], [sflag:$0x11], $0x2800, $0x38;
	[tilespmem:$0x13800] =	vst v63  }
0x78: {  	_ =	swait.ge [sflag:s15], $0x2800  }
0x79: {  	s9 =	sadd.s32 $0x1, s9;
	s25 =	rddreg [dreg:$0xb]  }
0x7a: {  	p0 =	sne.s32 s9, s25  }
.Ltmp1:
0x7b: {  	_ = 	snop;
	(pc) =	sbr.rel @!p0 .LBB2_5-.Ltmp1, $3  }
0x7c: {  	_ =	sdelay $0x1  }
0x7d: {  	[sflag:s15] =	ssyncset.done $0x0  }
0x7e: {  	[sflag:s15] =	ssyncadd.s32 $0xFFFFD800  }
.LBB2_1:
0x7f: {  	s6 =	rddreg [dreg:$0x1]  }
0x80: {  	[tilespmem:s14], [sflag:$0x11] =	stream.linear.gather [hbm4b:s6+s11], $0x2800, $0x38;
	[tilespmem:$0x13800] =	vst v63  }
0x81: {  	_ =	swait.ge [sflag:s15], $0x2800  }
0x82: {  	[sflag:s15] =	ssyncset.done $0x0  }
0x83: {  	[sflag:s15] =	ssyncadd.s32 $0xFFFFD800  }
0x84: {  	[spmem:s12] =	stream.linear.scatter [tilespmem:s14], [sflag:$0x11], $0x2800, $0x38;
	[tilespmem:$0x13800] =	vst v63  }
0x85: {  	_ =	swait.ge [sflag:s15], $0x2800  }
0x86: {  	[sflag:s15] =	ssyncset.done $0x0  }
0x87: {  	[sflag:s15] =	ssyncadd.s32 $0xFFFFD800  }
0x88: {  	[spmem:s13] =	stream.linear.scatter [tilespmem:s14], [sflag:$0x11], $0x2800, $0x38;
	[tilespmem:$0x13800] =	vst v63  }
0x89: {  	_ =	swait.ge [sflag:s15], $0x2800  }
0x8a: {  	[sflag:s15] =	ssyncset.done $0x0  }
0x8b: {  	[sflag:s15] =	ssyncadd.s32 $0xFFFFD800  }
0x8c: {  	[spmem:s17] =	stream.linear.scatter [tilespmem:s14], [sflag:$0x11], $0x2800, $0x38;
	[tilespmem:$0x13800] =	vst v63  }
0x8d: {  	_ =	swait.ge [sflag:s15], $0x2800  }
0x8e: {  	[sflag:s15] =	ssyncset.done $0x0  }
0x8f: {  	s23 =	rddreg [dreg:$0x6];
	[sflag:s15] =	ssyncadd.s32 $0xFFFFD800  }
0x90: {  	[tilespmem:s16], [sflag:$0x11] =	stream.linear.gather [hbm4b:s23+s11], $0x800, $0x38;
	[tilespmem:$0x13800] =	vst v63  }
0x91: {  	_ =	swait.ge [sflag:s15], $0x800  }
0x92: {  	[sflag:s15] =	ssyncset.done $0x0  }
0x93: {  	s24 =	rddreg [dreg:$0xa];
	[sflag:s15] =	ssyncadd.s32 $0xFFFFF800  }
0x94: {  	[tilespmem:s11], [sflag:$0x11] =	stream.linear.gather [hbm4b:s24+s11], $0x2800, $0x38;
	[tilespmem:$0x13800] =	vst v63  }
0x95: {  	_ =	swait.ge [sflag:s15], $0x2800  }
0x96: {  	[sflag:s15] =	ssyncset.done $0x0  }
0x97: {  	s8 =	simm.s32 $0x2800;
	s25 =	rddreg [dreg:$0xc];
	[sflag:s15] =	ssyncadd.s32 $0xFFFFD800  }
0x98: {  	[tilespmem:s8], [sflag:$0x11] =	stream.linear.gather [hbm4b:s25+s11], $0x2800, $0x38;
	[tilespmem:$0x13800] =	vst v63  }
0x99: {  	_ =	swait.ge [sflag:s15], $0x2800  }
0x9a: {  	[sflag:s15] =	ssyncset.done $0x0  }
0x9b: {  	[sflag:s15] =	ssyncadd.s32 $0xFFFFD800  }
0x9c: {  	[bflag:$0x0] =	sbarrier.arrive $0xFFFF  }
0x9d: {  	[tilespmem:s20], [sflag:$0x1] =	stream.indirect.gather [hbm4b:s7+s19], $0x10, s11, s19, $0xb8;
	[tilespmem:$0x13800] =	vst v63  }
0x9e: {  	_ = 	snop  }
0x9f: {  	[tilespmem:s21], [sflag:$0x2] =	stream.indirect.gather [hbm4b:s7+s19], $0x10, s19, s19, $0xb8;
	[tilespmem:$0x13800] =	vst v63  }
0xa0: {  	s10 =	simm.s32 $0x100  }
0xa1: {  	[tilespmem:s26], [sflag:$0x3] =	stream.indirect.gather [hbm4b:s7+s19], $0x10, s10, s19, $0xb8;
	[tilespmem:$0x13800] =	vst v63  }
0xa2: {  	s12 =	simm.s32 $0x7000;
	s11 =	simm.s32 $0x180  }
0xa3: {  	[tilespmem:s12], [sflag:$0x4] =	stream.indirect.gather [hbm4b:s7+s19], $0x10, s11, s19, $0xb8;
	[tilespmem:$0x13800] =	vst v63  }
0xa4: {  	s13 =	simm.s32 $0x200  }
0xa5: {  	[tilespmem:s31], [sflag:$0x5] =	stream.indirect.gather [hbm4b:s7+s19], $0x10, s13, s19, $0xb8;
	[tilespmem:$0x13800] =	vst v63  }
0xa6: {  	s17 =	simm.s32 $0x280  }
0xa7: {  	[tilespmem:s0], [sflag:$0x6] =	stream.indirect.gather [hbm4b:s7+s19], $0x10, s17, s19, $0xb8;
	[tilespmem:$0x13800] =	vst v63  }
0xa8: {  	s23 =	simm.s32 $0x300;
	s24 =	simm.s32 $0x8800  }
0xa9: {  	[tilespmem:s24], [sflag:$0x7] =	stream.indirect.gather [hbm4b:s7+s19], $0x10, s23, s19, $0xb8;
	[tilespmem:$0x13800] =	vst v63  }
0xaa: {  	s25 =	simm.s32 $0x380;
	s10 =	simm.s32 $0x0  }
0xab: {  	[tilespmem:s28], [sflag:$0x8] =	stream.indirect.gather [hbm4b:s7+s19], $0x10, s25, s19, $0xb8;
	[tilespmem:$0x13800] =	vst v63  }
.LBB2_2:
0xac: {  	_ =	swait.ge [sflag:s29], $0x800  }
0xad: {  	s11 =	sshra.s32 s10, $0x2;
	[sflag:s29] =	ssyncset.done $0x0  }
0xae: {  	s6 =	sadd.s32 $0x2800, s11;
	[sflag:s29] =	ssyncadd.s32 $0xFFFFF800  }
0xaf: {  	[spmem:s2] =	stream.indirect.scatter.add.f32 [tilespmem:s20], [sflag:$0x9], $0x10, s6, s19, $0xb8;
	[tilespmem:$0x13800] =	vst v63  }
0xb0: {  	_ = 	snop  }
0xb1: {  	[spmem:s4] =	stream.indirect.scatter.add.f32 [tilespmem:s16], [sflag:$0x9], $0x10, s11, s19, $0xb8;
	[tilespmem:$0x13800] =	vst v63  }
0xb2: {  	p0 =	seq.s32 s10, $0x0  }
0xb3: {  	[spmem:s5] =	stream.indirect.scatter.add.f32 [tilespmem:s16], [sflag:$0x9], $0x10, s6, s19, $0xb8;
	[tilespmem:$0x13800] =	vst v63  }
0xb4: {  	s6 =	simm.s32 @!p0 $0xF  }
0xb5: {  	_ =	swait.ge @!p0 [sflag:s6], $0x800  }
0xb6: {  	[sflag:s6] =	ssyncset.done @!p0 $0x0  }
0xb7: {  	[sflag:s6] =	ssyncadd.s32 @!p0 $0xFFFFF800  }
0xb8: {  	_ =	swait.ge @!p0 [sflag:s6], $0x800  }
0xb9: {  	[sflag:s6] =	ssyncset.done @!p0 $0x0  }
0xba: {  	[sflag:s6] =	ssyncadd.s32 @!p0 $0xFFFFF800  }
0xbb: {  	_ =	swait.ge @!p0 [sflag:s6], $0x800  }
0xbc: {  	[sflag:s6] =	ssyncset.done @!p0 $0x0  }
0xbd: {  	[sflag:s6] =	ssyncadd.s32 @!p0 $0xFFFFF800;
	s6 =	sshra.s32 @!p0 s10, $0x2  }
0xbe: {  	s12 =	simm.s32 @!p0 $0x80;
	s13 =	simm.s32 @!p0 $0x8800;
	s8 =	sadd.s32 @!p0 $0x300, s6  }
0xbf: {  	[tilespmem:s13], [sflag:$0x7] =	stream.indirect.gather @!p0 [hbm4b:s7+s12], $0x10, s8, s12, $0xb8;
	[tilespmem:$0x13800] =	vst v63  }
0xc0: {  	_ =	swait.ge [sflag:s30], $0x800  }
0xc1: {  	[sflag:s30] =	ssyncset.done $0x0  }
0xc2: {  	s24 =	sadd.s32 $0x2880, s11;
	[sflag:s30] =	ssyncadd.s32 $0xFFFFF800  }
0xc3: {  	[spmem:s2] =	stream.indirect.scatter.add.f32 [tilespmem:s21], [sflag:$0xA], $0x10, s24, s19, $0xb8;
	[tilespmem:$0x13800] =	vst v63  }
0xc4: {  	s25 =	sadd.s32 $0x80, s11  }
0xc5: {  	[spmem:s4] =	stream.indirect.scatter.add.f32 [tilespmem:s16], [sflag:$0xA], $0x10, s25, s19, $0xb8;
	[tilespmem:$0x13800] =	vst v63  }
0xc6: {  	s8 =	simm.s32 @!p0 $0x10  }
0xc7: {  	[spmem:s5] =	stream.indirect.scatter.add.f32 [tilespmem:s16], [sflag:$0xA], $0x10, s24, s19, $0xb8;
	[tilespmem:$0x13800] =	vst v63  }
0xc8: {  	_ =	swait.ge @!p0 [sflag:s8], $0x800  }
0xc9: {  	[sflag:s8] =	ssyncset.done @!p0 $0x0  }
0xca: {  	[sflag:s8] =	ssyncadd.s32 @!p0 $0xFFFFF800  }
0xcb: {  	_ =	swait.ge @!p0 [sflag:s8], $0x800  }
0xcc: {  	[sflag:s8] =	ssyncset.done @!p0 $0x0  }
0xcd: {  	[sflag:s8] =	ssyncadd.s32 @!p0 $0xFFFFF800  }
0xce: {  	_ =	swait.ge @!p0 [sflag:s8], $0x800  }
0xcf: {  	[sflag:s8] =	ssyncset.done @!p0 $0x0  }
0xd0: {  	s6 =	sadd.s32 @!p0 $0x380, s6;
	[sflag:s8] =	ssyncadd.s32 @!p0 $0xFFFFF800;
	s8 =	simm.s32 @!p0 $0x9000  }
0xd1: {  	[tilespmem:s8], [sflag:$0x8] =	stream.indirect.gather @!p0 [hbm4b:s7+s12], $0x10, s6, s12, $0xb8;
	[tilespmem:$0x13800] =	vst v63  }
0xd2: {  	_ =	swait.ge [sflag:s3], $0x800  }
0xd3: {  	[sflag:s3] =	ssyncset.done $0x0  }
0xd4: {  	s17 =	sadd.s32 $0x2900, s11;
	[sflag:s3] =	ssyncadd.s32 $0xFFFFF800  }
0xd5: {  	[spmem:s2] =	stream.indirect.scatter.add.f32 [tilespmem:s26], [sflag:$0xB], $0x10, s17, s19, $0xb8;
	[tilespmem:$0x13800] =	vst v63  }
0xd6: {  	s23 =	sadd.s32 $0x100, s11;
	p0 =	seq.s32 s10, $0x9000  }
0xd7: {  	[spmem:s4] =	stream.indirect.scatter.add.f32 [tilespmem:s16], [sflag:$0xB], $0x10, s23, s19, $0xb8;
	[tilespmem:$0x13800] =	vst v63  }
0xd8: {  	s6 =	simm.s32 @p0 $0x4  }
0xd9: {  	[spmem:s5] =	stream.indirect.scatter.add.f32 [tilespmem:s16], [sflag:$0xB], $0x10, s17, s19, $0xb8;
	[tilespmem:$0x13800] =	vst v63  }
0xda: {  	_ =	swait.ge @p0 [sflag:s6], $0x800  }
0xdb: {  	s13 =	simm.s32 @p0 $0x80;
	[sflag:s6] =	ssyncset.done @p0 $0x0  }
0xdc: {  	s8 =	simm.s32 @p0 $0x7000;
	[sflag:s6] =	ssyncadd.s32 @p0 $0xFFFFF800;
	s6 =	simm.s32 @p0 $0x4D80  }
0xdd: {  	[spmem:s2] =	stream.indirect.scatter.add.f32 @p0 [tilespmem:s8], [sflag:$0xC], $0x10, s6, s13, $0xb8;
	[tilespmem:$0x13800] =	vst v63  }
0xde: {  	s17 =	simm.s32 @p0 $0x5000;
	s8 =	simm.s32 @p0 $0x2580  }
0xdf: {  	[spmem:s4] =	stream.indirect.scatter.add.f32 @p0 [tilespmem:s17], [sflag:$0xC], $0x10, s8, s13, $0xb8;
	[tilespmem:$0x13800] =	vst v63  }
0xe0: {  	_ = 	snop  }
0xe1: {  	[spmem:s5] =	stream.indirect.scatter.add.f32 @p0 [tilespmem:s17], [sflag:$0xC], $0x10, s6, s13, $0xb8;
	[tilespmem:$0x13800] =	vst v63  }
0xe2: {  	s6 =	simm.s32 @!p0 $0x9  }
0xe3: {  	_ =	swait.ge @!p0 [sflag:s6], $0x800  }
0xe4: {  	[sflag:s6] =	ssyncset.done @!p0 $0x0  }
0xe5: {  	[sflag:s6] =	ssyncadd.s32 @!p0 $0xFFFFF800  }
0xe6: {  	_ =	swait.ge @!p0 [sflag:s6], $0x800  }
0xe7: {  	[sflag:s6] =	ssyncset.done @!p0 $0x0  }
0xe8: {  	[sflag:s6] =	ssyncadd.s32 @!p0 $0xFFFFF800  }
0xe9: {  	_ =	swait.ge @!p0 [sflag:s6], $0x800  }
0xea: {  	[sflag:s6] =	ssyncset.done @!p0 $0x0  }
0xeb: {  	[sflag:s6] =	ssyncadd.s32 @!p0 $0xFFFFF800;
	s6 =	sshra.s32 @!p0 s10, $0x2  }
0xec: {  	s25 =	simm.s32 @!p0 $0x80;
	s12 =	simm.s32 @!p0 $0x5800;
	s8 =	sadd.s32 @!p0 $0x400, s6  }
0xed: {  	[tilespmem:s12], [sflag:$0x1] =	stream.indirect.gather @!p0 [hbm4b:s7+s25], $0x10, s8, s25, $0xb8;
	[tilespmem:$0x13800] =	vst v63  }
0xee: {  	s8 =	simm.s32 @!p0 $0x4  }
0xef: {  	_ =	swait.ge @!p0 [sflag:s8], $0x800  }
0xf0: {  	[sflag:s8] =	ssyncset.done @!p0 $0x0  }
0xf1: {  	s23 =	sadd.s32 @!p0 $0x2980, s6;
	s12 =	simm.s32 @!p0 $0x7000;
	[sflag:s8] =	ssyncadd.s32 @!p0 $0xFFFFF800  }
0xf2: {  	[spmem:s2] =	stream.indirect.scatter.add.f32 @!p0 [tilespmem:s12], [sflag:$0xC], $0x10, s23, s25, $0xb8;
	[tilespmem:$0x13800] =	vst v63  }
0xf3: {  	s24 =	sadd.s32 @!p0 $0x180, s6;
	s8 =	simm.s32 @!p0 $0x5000  }
0xf4: {  	[spmem:s4] =	stream.indirect.scatter.add.f32 @!p0 [tilespmem:s8], [sflag:$0xC], $0x10, s24, s25, $0xb8;
	[tilespmem:$0x13800] =	vst v63  }
0xf5: {  	_ = 	snop  }
0xf6: {  	[spmem:s5] =	stream.indirect.scatter.add.f32 @!p0 [tilespmem:s8], [sflag:$0xC], $0x10, s23, s25, $0xb8;
	[tilespmem:$0x13800] =	vst v63  }
0xf7: {  	s23 =	simm.s32 @!p0 $0xA  }
0xf8: {  	_ =	swait.ge @!p0 [sflag:s23], $0x800  }
0xf9: {  	[sflag:s23] =	ssyncset.done @!p0 $0x0  }
0xfa: {  	[sflag:s23] =	ssyncadd.s32 @!p0 $0xFFFFF800  }
0xfb: {  	_ =	swait.ge @!p0 [sflag:s23], $0x800  }
0xfc: {  	[sflag:s23] =	ssyncset.done @!p0 $0x0  }
0xfd: {  	[sflag:s23] =	ssyncadd.s32 @!p0 $0xFFFFF800  }
0xfe: {  	_ =	swait.ge @!p0 [sflag:s23], $0x800  }
0xff: {  	[sflag:s23] =	ssyncset.done @!p0 $0x0  }
0x100: {  	s24 =	simm.s32 @!p0 $0x6000;
	[sflag:s23] =	ssyncadd.s32 @!p0 $0xFFFFF800;
	s23 =	sadd.s32 @!p0 $0x480, s6  }
0x101: {  	[tilespmem:s24], [sflag:$0x2] =	stream.indirect.gather @!p0 [hbm4b:s7+s25], $0x10, s23, s25, $0xb8;
	[tilespmem:$0x13800] =	vst v63  }
0x102: {  	_ =	swait.ge [sflag:s1], $0x800  }
0x103: {  	[sflag:s1] =	ssyncset.done $0x0  }
0x104: {  	s23 =	sadd.s32 $0x2A00, s11;
	[sflag:s1] =	ssyncadd.s32 $0xFFFFF800  }
0x105: {  	[spmem:s2] =	stream.indirect.scatter.add.f32 [tilespmem:s31], [sflag:$0xD], $0x10, s23, s19, $0xb8;
	[tilespmem:$0x13800] =	vst v63  }
0x106: {  	s24 =	sadd.s32 $0x200, s11  }
0x107: {  	[spmem:s4] =	stream.indirect.scatter.add.f32 [tilespmem:s16], [sflag:$0xD], $0x10, s24, s19, $0xb8;
	[tilespmem:$0x13800] =	vst v63  }
0x108: {  	_ = 	snop  }
0x109: {  	[spmem:s5] =	stream.indirect.scatter.add.f32 [tilespmem:s16], [sflag:$0xD], $0x10, s23, s19, $0xb8;
	[tilespmem:$0x13800] =	vst v63  }
0x10a: {  	s23 =	simm.s32 @p0 $0x6  }
0x10b: {  	_ =	swait.ge @p0 [sflag:s23], $0x800  }
0x10c: {  	[sflag:s23] =	ssyncset.done @p0 $0x0  }
0x10d: {  	s24 =	simm.s32 @p0 $0x8000;
	[sflag:s23] =	ssyncadd.s32 @p0 $0xFFFFF800;
	s23 =	simm.s32 @p0 $0x4E80  }
0x10e: {  	[spmem:s2] =	stream.indirect.scatter.add.f32 @p0 [tilespmem:s24], [sflag:$0xE], $0x10, s23, s13, $0xb8;
	[tilespmem:$0x13800] =	vst v63  }
0x10f: {  	s24 =	simm.s32 @p0 $0x2680  }
0x110: {  	[spmem:s4] =	stream.indirect.scatter.add.f32 @p0 [tilespmem:s17], [sflag:$0xE], $0x10, s24, s13, $0xb8;
	[tilespmem:$0x13800] =	vst v63  }
0x111: {  	_ = 	snop  }
0x112: {  	[spmem:s5] =	stream.indirect.scatter.add.f32 @p0 [tilespmem:s17], [sflag:$0xE], $0x10, s23, s13, $0xb8;
	[tilespmem:$0x13800] =	vst v63  }
0x113: {  	s23 =	simm.s32 @p0 $0x7  }
0x114: {  	_ =	swait.ge @p0 [sflag:s23], $0x800  }
0x115: {  	[sflag:s23] =	ssyncset.done @p0 $0x0  }
0x116: {  	s24 =	simm.s32 @p0 $0x8800;
	[sflag:s23] =	ssyncadd.s32 @p0 $0xFFFFF800;
	s23 =	simm.s32 @p0 $0x4F00  }
0x117: {  	[spmem:s2] =	stream.indirect.scatter.add.f32 @p0 [tilespmem:s24], [sflag:$0xF], $0x10, s23, s13, $0xb8;
	[tilespmem:$0x13800] =	vst v63  }
0x118: {  	s24 =	simm.s32 @p0 $0x2700  }
0x119: {  	[spmem:s4] =	stream.indirect.scatter.add.f32 @p0 [tilespmem:s17], [sflag:$0xF], $0x10, s24, s13, $0xb8;
	[tilespmem:$0x13800] =	vst v63  }
0x11a: {  	_ = 	snop  }
0x11b: {  	[spmem:s5] =	stream.indirect.scatter.add.f32 @p0 [tilespmem:s17], [sflag:$0xF], $0x10, s23, s13, $0xb8;
	[tilespmem:$0x13800] =	vst v63  }
0x11c: {  	s13 =	simm.s32 @!p0 $0xB  }
0x11d: {  	_ =	swait.ge @!p0 [sflag:s13], $0x800  }
0x11e: {  	[sflag:s13] =	ssyncset.done @!p0 $0x0  }
0x11f: {  	[sflag:s13] =	ssyncadd.s32 @!p0 $0xFFFFF800  }
0x120: {  	_ =	swait.ge @!p0 [sflag:s13], $0x800  }
0x121: {  	[sflag:s13] =	ssyncset.done @!p0 $0x0  }
0x122: {  	[sflag:s13] =	ssyncadd.s32 @!p0 $0xFFFFF800  }
0x123: {  	_ =	swait.ge @!p0 [sflag:s13], $0x800  }
0x124: {  	[sflag:s13] =	ssyncset.done @!p0 $0x0  }
0x125: {  	s17 =	simm.s32 @!p0 $0x6800;
	[sflag:s13] =	ssyncadd.s32 @!p0 $0xFFFFF800;
	s13 =	sadd.s32 @!p0 $0x500, s6  }
0x126: {  	[tilespmem:s17], [sflag:$0x3] =	stream.indirect.gather @!p0 [hbm4b:s7+s25], $0x10, s13, s25, $0xb8;
	[tilespmem:$0x13800] =	vst v63  }
0x127: {  	s13 =	simm.s32 @!p0 $0x6  }
0x128: {  	_ =	swait.ge @!p0 [sflag:s13], $0x800  }
0x129: {  	[sflag:s13] =	ssyncset.done @!p0 $0x0  }
0x12a: {  	s17 =	simm.s32 @!p0 $0x8000;
	[sflag:s13] =	ssyncadd.s32 @!p0 $0xFFFFF800;
	s13 =	sadd.s32 @!p0 $0x2A80, s6  }
0x12b: {  	[spmem:s2] =	stream.indirect.scatter.add.f32 @!p0 [tilespmem:s17], [sflag:$0xE], $0x10, s13, s25, $0xb8;
	[tilespmem:$0x13800] =	vst v63  }
0x12c: {  	s17 =	sadd.s32 @!p0 $0x280, s6  }
0x12d: {  	[spmem:s4] =	stream.indirect.scatter.add.f32 @!p0 [tilespmem:s8], [sflag:$0xE], $0x10, s17, s25, $0xb8;
	[tilespmem:$0x13800] =	vst v63  }
0x12e: {  	_ = 	snop  }
0x12f: {  	[spmem:s5] =	stream.indirect.scatter.add.f32 @!p0 [tilespmem:s8], [sflag:$0xE], $0x10, s13, s25, $0xb8;
	[tilespmem:$0x13800] =	vst v63  }
0x130: {  	s13 =	simm.s32 @!p0 $0xC  }
0x131: {  	_ =	swait.ge @!p0 [sflag:s13], $0x800  }
0x132: {  	[sflag:s13] =	ssyncset.done @!p0 $0x0  }
0x133: {  	[sflag:s13] =	ssyncadd.s32 @!p0 $0xFFFFF800  }
0x134: {  	_ =	swait.ge @!p0 [sflag:s13], $0x800  }
0x135: {  	[sflag:s13] =	ssyncset.done @!p0 $0x0  }
0x136: {  	[sflag:s13] =	ssyncadd.s32 @!p0 $0xFFFFF800  }
0x137: {  	_ =	swait.ge @!p0 [sflag:s13], $0x800  }
0x138: {  	[sflag:s13] =	ssyncset.done @!p0 $0x0  }
0x139: {  	[sflag:s13] =	ssyncadd.s32 @!p0 $0xFFFFF800;
	s13 =	sadd.s32 @!p0 $0x580, s6  }
0x13a: {  	[tilespmem:s12], [sflag:$0x4] =	stream.indirect.gather @!p0 [hbm4b:s7+s25], $0x10, s13, s25, $0xb8;
	[tilespmem:$0x13800] =	vst v63  }
0x13b: {  	s12 =	simm.s32 @!p0 $0x7  }
0x13c: {  	_ =	swait.ge @!p0 [sflag:s12], $0x800  }
0x13d: {  	[sflag:s12] =	ssyncset.done @!p0 $0x0  }
0x13e: {  	s13 =	simm.s32 @!p0 $0x8800;
	[sflag:s12] =	ssyncadd.s32 @!p0 $0xFFFFF800;
	s12 =	sadd.s32 @!p0 $0x2B00, s6  }
0x13f: {  	[spmem:s2] =	stream.indirect.scatter.add.f32 @!p0 [tilespmem:s13], [sflag:$0xF], $0x10, s12, s25, $0xb8;
	[tilespmem:$0x13800] =	vst v63  }
0x140: {  	s13 =	sadd.s32 @!p0 $0x300, s6  }
0x141: {  	[spmem:s4] =	stream.indirect.scatter.add.f32 @!p0 [tilespmem:s8], [sflag:$0xF], $0x10, s13, s25, $0xb8;
	[tilespmem:$0x13800] =	vst v63  }
0x142: {  	_ = 	snop  }
0x143: {  	[spmem:s5] =	stream.indirect.scatter.add.f32 @!p0 [tilespmem:s8], [sflag:$0xF], $0x10, s12, s25, $0xb8;
	[tilespmem:$0x13800] =	vst v63  }
0x144: {  	s8 =	simm.s32 @!p0 $0xD  }
0x145: {  	_ =	swait.ge @!p0 [sflag:s8], $0x800  }
0x146: {  	[sflag:s8] =	ssyncset.done @!p0 $0x0  }
0x147: {  	[sflag:s8] =	ssyncadd.s32 @!p0 $0xFFFFF800  }
0x148: {  	_ =	swait.ge @!p0 [sflag:s8], $0x800  }
0x149: {  	[sflag:s8] =	ssyncset.done @!p0 $0x0  }
0x14a: {  	[sflag:s8] =	ssyncadd.s32 @!p0 $0xFFFFF800  }
0x14b: {  	_ =	swait.ge @!p0 [sflag:s8], $0x800  }
0x14c: {  	[sflag:s8] =	ssyncset.done @!p0 $0x0  }
0x14d: {  	s6 =	sadd.s32 @!p0 $0x600, s6;
	[sflag:s8] =	ssyncadd.s32 @!p0 $0xFFFFF800;
	s8 =	simm.s32 @!p0 $0x7800  }
0x14e: {  	[tilespmem:s8], [sflag:$0x5] =	stream.indirect.gather @!p0 [hbm4b:s7+s25], $0x10, s6, s25, $0xb8;
	[tilespmem:$0x13800] =	vst v63  }
0x14f: {  	_ =	swait.ge [sflag:s18], $0x800  }
0x150: {  	[sflag:s18] =	ssyncset.done $0x0  }
0x151: {  	s24 =	sadd.s32 $0x2B80, s11;
	[sflag:s18] =	ssyncadd.s32 $0xFFFFF800  }
0x152: {  	[spmem:s2] =	stream.indirect.scatter.add.f32 [tilespmem:s28], [sflag:$0x10], $0x10, s24, s19, $0xb8;
	[tilespmem:$0x13800] =	vst v63  }
.Ltmp2:
0x153: {  	_ = 	snop;
	(pc) =	sbr.rel @p0 .LBB2_4-.Ltmp2, $4  }
0x154: {  	s25 =	sadd.s32 $0x380, s11  }
0x155: {  	[spmem:s4] =	stream.indirect.scatter.add.f32 [tilespmem:s16], [sflag:$0x10], $0x10, s25, s19, $0xb8;
	[tilespmem:$0x13800] =	vst v63  }
0x156: {  	_ = 	snop  }
0x157: {  	[spmem:s5] =	stream.indirect.scatter.add.f32 [tilespmem:s16], [sflag:$0x10], $0x10, s24, s19, $0xb8;
	[tilespmem:$0x13800] =	vst v63  }
0x158: {  	_ =	swait.ge [sflag:s22], $0x800  }
0x159: {  	[sflag:s22] =	ssyncset.done $0x0  }
0x15a: {  	[sflag:s22] =	ssyncadd.s32 $0xFFFFF800  }
0x15b: {  	_ =	swait.ge [sflag:s22], $0x800  }
0x15c: {  	[sflag:s22] =	ssyncset.done $0x0  }
.Ltmp3:
0x15d: {  	[sflag:s22] =	ssyncadd.s32 $0xFFFFF800;
	(pc) =	sbr.rel .LBB2_2-.Ltmp3, $4  }
0x15e: {  	_ =	swait.ge [sflag:s22], $0x800  }
0x15f: {  	[sflag:s22] =	ssyncset.done $0x0  }
0x160: {  	s6 =	sadd.s32 $0x680, s11;
	s10 =	sadd.s32 $0x1000, s10;
	[sflag:s22] =	ssyncadd.s32 $0xFFFFF800  }
0x161: {  	[tilespmem:s0], [sflag:$0x6] =	stream.indirect.gather [hbm4b:s7+s19], $0x10, s6, s19, $0xb8;
	[tilespmem:$0x13800] =	vst v63  }
.LBB2_5:
0x162: {  	_ =	sfence.sel $0x180000  }
0x163: {  	[bflag:$0x0] =	sbarrier.arrive $0xFFFF  }
0x164: {  	_ =	strace $0x90000047  }
0x165: {  	s0 =	stileid.u32;
	[bflag:$0x2] =	sbarrier.arrive $0xFFFF  }
0x166: {  	p0 =	sne.s32 s0, $0x0;
	s0 =	rddreg [dreg:$0x5]  }
0x167: {  	s0 =	sadd.s32 @!p0 $0x100000, s0  }
0x168: {  	[sflag:s0] =	ssyncadd.tile.s32 @!p0 $0x1;
	_ =	shalt  }
.Lfunc_end2:
_tile_overlayer_lowered:
.L_overlay_start_2:
0x169: {  	(tag) =	ssettag $0x2  }
0x16a: {  	s0 =	rddreg [dreg:$0x0];
	s2 =	stileid.u32  }
0x16b: {  	s1 =	rddreg [dreg:$0x1];
	p0 =	sne.s32 s2, $0x0  }
0x16c: {  	s3 =	rddreg [dreg:$0x2];
	[bflag:$0x3] =	sbarrier.arrive $0xFFFF;
	s2 =	simm.s32 @!p0 $0x1C11  }
0x16d: {  	[timem:s3], [sflag:s2] =	dma.local @!p0 [hbm:s0], s1  }
0x16e: {  	s0 =	simm.s32 @!p0 $0x11  }
0x16f: {  	_ =	swait.ge @!p0 [sflag:s0], s1  }
0x170: {  	s1 =	ssub.s32 @!p0 $0x0, s1;
	[sflag:s0] =	ssyncset.done @!p0 $0x0  }
0x171: {  	[sflag:s0] =	ssyncadd.s32 @!p0 s1  }
0x172: {  	[bflag:$0x3] =	sbarrier.arrive $0xFFFF  }
0x173: {  	_ =	shalt  }

</sc_bundles>
